<compile_context>
chip_gen: v7x
topology: tpu7x:2x2x1
jax: 0.10.2.dev20260603
libtpu: 0.0.44.dev20260713+nightly
codegen_flags: <defaults>
</compile_context>

<pallas_src>
import jax
import jax.numpy as jnp
from jax import lax
from jax.experimental import pallas as pl
from jax.experimental.pallas import tpu as pltpu
from jax.experimental.pallas import tpu_sc as plsc

NC = 2
NS = 16
NW = NC * NS

B_ROWS = 1024000
M = 32
K_FRAME = 2000
NSEQ = B_ROWS // K_FRAME
HALF_ROWS = K_FRAME // 2
ROWS_PER_W = B_ROWS // NW
HALVES_PER_W = ROWS_PER_W // HALF_ROWS
LANE_TILE = 128
FETCH_TILES = 9
FETCH_ROWS = FETCH_TILES * LANE_TILE
TJ_MAX = ROWS_PER_W // LANE_TILE - FETCH_TILES
BUF_WORDS = M * FETCH_ROWS
OUT_D = 6 * M
OUT_PER_W = (NSEQ // NW) * OUT_D
SG = 48
N_SG = 20

RECIP = (1.0 / 334.0, 1.0 / 333.0, 1.0 / 333.0)


def _sc_body(x_hbm, o_hbm, buf0, buf1, ob, sem0, sem1):
    wid = lax.axis_index("s") * NC + lax.axis_index("c")
    wrow0 = wid * ROWS_PER_W

    lane = lax.iota(jnp.int32, 16)
    masks = [[(lane + c) % 3 == m for m in range(3)] for c in range(3)]
    first_lane = lane < 1
    zero16 = jnp.zeros((16,), jnp.float32)
    izero16 = jnp.zeros((16,), jnp.int32)

    def tj0_of(h):
        return jnp.minimum((h * HALF_ROWS) // LANE_TILE, TJ_MAX)

    def issue(h, buf, sem):
        g0 = wrow0 + tj0_of(h) * LANE_TILE
        for f in range(M):
            pltpu.async_copy(
                x_hbm.at[f, pl.ds(g0, FETCH_ROWS)],
                buf.at[pl.ds(f * FETCH_ROWS, FETCH_ROWS)],
                sem,
            )

    def wait_all(buf, sem):
        pltpu.make_async_copy(o_hbm.at[pl.ds(0, BUF_WORDS)], buf, sem).wait()

    def compute_half(buf, h):
        s0 = h * HALF_ROWS - tj0_of(h) * LANE_TILE
        obase = h * (3 * M)

        def feat(f, carry):
            base = f * FETCH_ROWS + s0

            def sg_body(g, acc):
                a0, a1, a2 = acc
                o = base + g
                a0 = a0 + buf[pl.ds(o, 16)]
                a1 = a1 + buf[pl.ds(o + 16, 16)]
                a2 = a2 + buf[pl.ds(o + 32, 16)]
                return (a0, a1, a2)

            a0, a1, a2 = plsc.parallel_loop(
                0, N_SG * SG, step=SG, carry=(zero16,) * 3, unroll=4)(sg_body)
            a0 = a0 + buf[pl.ds(base + 960, 16)]
            a1 = a1 + buf[pl.ds(base + 976, 16)]
            a0 = a0 + jnp.where(lane >= 8, buf[pl.ds(base + 984, 16)], 0.0)
            for m in range(3):
                w = (jnp.where(masks[0][m], a0, 0.0)
                     + jnp.where(masks[1][m], a1, 0.0)
                     + jnp.where(masks[2][m], a2, 0.0))
                mean = jnp.sum(w) * RECIP[m]
                idx = obase + m * M + f
                plsc.store_scatter(ob, [izero16 + idx], zero16 + mean,
                                   mask=first_lane)
            return carry

        lax.fori_loop(0, M, feat, 0)

    issue(0, buf0, sem0)
    issue(1, buf1, sem1)

    def iter_body(i, carry):
        h0 = 2 * i
        wait_all(buf0, sem0)
        compute_half(buf0, h0)
        issue(h0 + 2, buf0, sem0)
        wait_all(buf1, sem1)
        compute_half(buf1, h0 + 1)
        issue(h0 + 3, buf1, sem1)
        return carry

    lax.fori_loop(0, HALVES_PER_W // 2 - 1, iter_body, 0)
    wait_all(buf0, sem0)
    compute_half(buf0, HALVES_PER_W - 2)
    wait_all(buf1, sem1)
    compute_half(buf1, HALVES_PER_W - 1)

    pltpu.sync_copy(ob, o_hbm.at[pl.ds(wid * OUT_PER_W, OUT_PER_W)])


_sc_call = pl.kernel(
    _sc_body,
    out_type=jax.ShapeDtypeStruct((NSEQ * OUT_D,), jnp.float32),
    mesh=plsc.VectorSubcoreMesh(core_axis_name="c", subcore_axis_name="s"),
    scratch_types=[
        pltpu.VMEM((BUF_WORDS,), jnp.float32),
        pltpu.VMEM((BUF_WORDS,), jnp.float32),
        pltpu.VMEM((OUT_PER_W,), jnp.float32),
        pltpu.SemaphoreType.DMA,
        pltpu.SemaphoreType.DMA,
    ],
    compiler_params=pltpu.CompilerParams(
        use_tc_tiling_on_sc=True, needs_layout_passes=False),
)


@jax.jit
def _fll(x):
    out = _sc_call(x.T)
    return out.reshape(NSEQ, OUT_D)


def kernel(inputs):
    return _fll(inputs)

# --- scband reference (transcript-rebuilt; emitter-appended) ---
"""Pipeline reference for scband-frame-log-likelihood-28862180229353 (READ-ONLY COPY).

The authoritative reference and input builder live on the scoring server;
editing this copy changes nothing except your own understanding.
"""

import jax, jax.numpy as jnp
import numpy as np

S = 4
K = 2000


def _build_seq_ids(B, k):
    # mirrors FrameLogLikelihood.__init__ for s=4 (tuple_length=1)
    tuple_length = 1
    n = np.int32(1 + (k - tuple_length - 1) / 2)
    left_ids = np.resize([0, 1, 2], n)
    right_ids = np.resize([3, 4, 5], n)
    overlap_ids = np.resize([-1], np.int32(k - 2 * n)) if k > 2 * n else np.array([], dtype=np.int32)
    b = int(round(B / k))
    parts = []
    for i in range(b):
        parts.append(i * 6 + left_ids)
        parts.append(overlap_ids)
        parts.append(i * 6 + right_ids)
    return np.concatenate(parts).astype(np.int32), b


def setup_inputs(seed: int = 0):
    key = jax.random.key(seed)
    inputs = jax.random.normal(key, (1024000, 32), dtype=jnp.float32)
    return {"inputs": inputs}


def reference(inputs):
    B = inputs.shape[0]
    M = inputs.shape[-1]
    seq_ids_np, b = _build_seq_ids(B, K)
    seg = jnp.asarray(seq_ids_np)
    num = 6 * b
    # TF unsorted_segment_mean drops negative segment ids; emulate by routing
    # them to a dummy extra segment and slicing it off.
    valid = seg >= 0
    safe = jnp.where(valid, seg, num)
    data = jnp.where(valid[:, None], inputs, jnp.zeros_like(inputs))
    sums = jax.ops.segment_sum(data, safe, num_segments=num + 1)[:num]
    counts = jax.ops.segment_sum(valid.astype(inputs.dtype), safe, num_segments=num + 1)[:num]
    mean = jnp.where(counts[:, None] > 0, sums / jnp.maximum(counts, 1.0)[:, None], jnp.zeros_like(sums))
    return mean.reshape(b, 6 * M)

if __name__ == "__main__":
    import jax
    _d = setup_inputs()
    print(jax.jit(kernel)(*tuple(_d.values())))

</pallas_src>

<mosaic_0001>
#map = affine_map<(d0, d1) -> (0, 0)>
#map1 = affine_map<(d0, d1) -> (0)>
module attributes {stable_mosaic.version = 14 : i64} {
  func.func @_sc_body(%arg0: i32, %arg1: i32, %arg2: memref<32x1024000xf32, #tpu.memory_space<hbm>>, %arg3: memref<98304xf32, #tpu.memory_space<hbm>>, %arg4: memref<36864xf32, #tpu.memory_space<vmem>>, %arg5: memref<36864xf32, #tpu.memory_space<vmem>>, %arg6: memref<3072xf32, #tpu.memory_space<vmem>>, %arg7: memref<!tpu.dma_semaphore, #tpu.memory_space<semaphore_mem>>, %arg8: memref<!tpu.dma_semaphore, #tpu.memory_space<semaphore_mem>>) attributes {dimension_semantics = [#tpu.dimension_semantics<core_parallel>, #tpu.dimension_semantics<subcore_parallel>], iteration_bounds = array<i64: 2, 16>, scalar_prefetch = 0 : i64, scratch_operands = 5 : i64, tpu.core_type = #tpu.core_type<sc_vector_subcore>, window_params = [{transform_indices = #map}, {transform_indices = #map1}]} {
    %mul3A = arith.constant 2 : i32
    %mul3A_0 = arith.muli %arg1, %mul3A : i32
    %add3A = arith.addi %mul3A_0, %arg0 : i32
    %mul3A_1 = arith.constant 32000 : i32
    %mul3A_2 = arith.muli %add3A, %mul3A_1 : i32
    %iota3A = tpu.iota {dimensions = array<i32: 0>} : vector<16xi32>
    %add3A_3 = arith.constant 0 : i32
    %add3A_4 = vector.broadcast %add3A_3 : i32 to vector<16xi32>
    %add3A_5 = arith.addi %iota3A, %add3A_4 : vector<16xi32>
    %jit3A = arith.constant 3 : i32
    %eq3A = arith.constant 0 : i32
    %eq3A_6 = arith.cmpi eq, %jit3A, %eq3A : i32
    %jit3A_7 = arith.constant 1 : i32
    %select_n3A = arith.select %eq3A_6, %jit3A_7, %jit3A : i32
    %rem3A = vector.broadcast %select_n3A : i32 to vector<16xi32>
    %rem3A_8 = arith.remsi %add3A_5, %rem3A : vector<16xi32>
    %ne3A = arith.constant 0 : i32
    %ne3A_9 = vector.broadcast %ne3A : i32 to vector<16xi32>
    %ne3A_10 = arith.cmpi ne, %rem3A_8, %ne3A_9 : vector<16xi32>
    %lt3A = arith.constant 0 : i32
    %lt3A_11 = vector.broadcast %lt3A : i32 to vector<16xi32>
    %lt3A_12 = arith.cmpi slt, %rem3A_8, %lt3A_11 : vector<16xi32>
    %lt3A_13 = arith.constant 0 : i32
    %lt3A_14 = arith.cmpi slt, %select_n3A, %lt3A_13 : i32
    %ne3A_15 = vector.broadcast %lt3A_14 : i1 to vector<16xi1>
    %ne3A_16 = vector.broadcast %ne3A_15 : vector<16xi1> to vector<16xi1>
    %ne3A_17 = arith.xori %lt3A_12, %ne3A_16 : vector<16xi1>
    %and3A = arith.andi %ne3A_17, %ne3A_10 : vector<16xi1>
    %add3A_18 = vector.broadcast %select_n3A : i32 to vector<16xi32>
    %add3A_19 = arith.addi %rem3A_8, %add3A_18 : vector<16xi32>
    %select_n3A_20 = arith.select %and3A, %add3A_19, %rem3A_8 : vector<16xi1>, vector<16xi32>
    %eq3A_21 = arith.constant 0 : i32
    %eq3A_22 = vector.broadcast %eq3A_21 : i32 to vector<16xi32>
    %eq3A_23 = arith.cmpi eq, %select_n3A_20, %eq3A_22 : vector<16xi32>
    %add3A_24 = arith.constant 0 : i32
    %add3A_25 = vector.broadcast %add3A_24 : i32 to vector<16xi32>
    %add3A_26 = arith.addi %iota3A, %add3A_25 : vector<16xi32>
    %jit3A_27 = arith.constant 3 : i32
    %eq3A_28 = arith.constant 0 : i32
    %eq3A_29 = arith.cmpi eq, %jit3A_27, %eq3A_28 : i32
    %jit3A_30 = arith.constant 1 : i32
    %select_n3A_31 = arith.select %eq3A_29, %jit3A_30, %jit3A_27 : i32
    %rem3A_32 = vector.broadcast %select_n3A_31 : i32 to vector<16xi32>
    %rem3A_33 = arith.remsi %add3A_26, %rem3A_32 : vector<16xi32>
    %ne3A_34 = arith.constant 0 : i32
    %ne3A_35 = vector.broadcast %ne3A_34 : i32 to vector<16xi32>
    %ne3A_36 = arith.cmpi ne, %rem3A_33, %ne3A_35 : vector<16xi32>
    %lt3A_37 = arith.constant 0 : i32
    %lt3A_38 = vector.broadcast %lt3A_37 : i32 to vector<16xi32>
    %lt3A_39 = arith.cmpi slt, %rem3A_33, %lt3A_38 : vector<16xi32>
    %lt3A_40 = arith.constant 0 : i32
    %lt3A_41 = arith.cmpi slt, %select_n3A_31, %lt3A_40 : i32
    %ne3A_42 = vector.broadcast %lt3A_41 : i1 to vector<16xi1>
    %ne3A_43 = vector.broadcast %ne3A_42 : vector<16xi1> to vector<16xi1>
    %ne3A_44 = arith.xori %lt3A_39, %ne3A_43 : vector<16xi1>
    %and3A_45 = arith.andi %ne3A_44, %ne3A_36 : vector<16xi1>
    %add3A_46 = vector.broadcast %select_n3A_31 : i32 to vector<16xi32>
    %add3A_47 = arith.addi %rem3A_33, %add3A_46 : vector<16xi32>
    %select_n3A_48 = arith.select %and3A_45, %add3A_47, %rem3A_33 : vector<16xi1>, vector<16xi32>
    %eq3A_49 = arith.constant 1 : i32
    %eq3A_50 = vector.broadcast %eq3A_49 : i32 to vector<16xi32>
    %eq3A_51 = arith.cmpi eq, %select_n3A_48, %eq3A_50 : vector<16xi32>
    %add3A_52 = arith.constant 0 : i32
    %add3A_53 = vector.broadcast %add3A_52 : i32 to vector<16xi32>
    %add3A_54 = arith.addi %iota3A, %add3A_53 : vector<16xi32>
    %jit3A_55 = arith.constant 3 : i32
    %eq3A_56 = arith.constant 0 : i32
    %eq3A_57 = arith.cmpi eq, %jit3A_55, %eq3A_56 : i32
    %jit3A_58 = arith.constant 1 : i32
    %select_n3A_59 = arith.select %eq3A_57, %jit3A_58, %jit3A_55 : i32
    %rem3A_60 = vector.broadcast %select_n3A_59 : i32 to vector<16xi32>
    %rem3A_61 = arith.remsi %add3A_54, %rem3A_60 : vector<16xi32>
    %ne3A_62 = arith.constant 0 : i32
    %ne3A_63 = vector.broadcast %ne3A_62 : i32 to vector<16xi32>
    %ne3A_64 = arith.cmpi ne, %rem3A_61, %ne3A_63 : vector<16xi32>
    %lt3A_65 = arith.constant 0 : i32
    %lt3A_66 = vector.broadcast %lt3A_65 : i32 to vector<16xi32>
    %lt3A_67 = arith.cmpi slt, %rem3A_61, %lt3A_66 : vector<16xi32>
    %lt3A_68 = arith.constant 0 : i32
    %lt3A_69 = arith.cmpi slt, %select_n3A_59, %lt3A_68 : i32
    %ne3A_70 = vector.broadcast %lt3A_69 : i1 to vector<16xi1>
    %ne3A_71 = vector.broadcast %ne3A_70 : vector<16xi1> to vector<16xi1>
    %ne3A_72 = arith.xori %lt3A_67, %ne3A_71 : vector<16xi1>
    %and3A_73 = arith.andi %ne3A_72, %ne3A_64 : vector<16xi1>
    %add3A_74 = vector.broadcast %select_n3A_59 : i32 to vector<16xi32>
    %add3A_75 = arith.addi %rem3A_61, %add3A_74 : vector<16xi32>
    %select_n3A_76 = arith.select %and3A_73, %add3A_75, %rem3A_61 : vector<16xi1>, vector<16xi32>
    %eq3A_77 = arith.constant 2 : i32
    %eq3A_78 = vector.broadcast %eq3A_77 : i32 to vector<16xi32>
    %eq3A_79 = arith.cmpi eq, %select_n3A_76, %eq3A_78 : vector<16xi32>
    %add3A_80 = arith.constant 1 : i32
    %add3A_81 = vector.broadcast %add3A_80 : i32 to vector<16xi32>
    %add3A_82 = arith.addi %iota3A, %add3A_81 : vector<16xi32>
    %jit3A_83 = arith.constant 3 : i32
    %eq3A_84 = arith.constant 0 : i32
    %eq3A_85 = arith.cmpi eq, %jit3A_83, %eq3A_84 : i32
    %jit3A_86 = arith.constant 1 : i32
    %select_n3A_87 = arith.select %eq3A_85, %jit3A_86, %jit3A_83 : i32
    %rem3A_88 = vector.broadcast %select_n3A_87 : i32 to vector<16xi32>
    %rem3A_89 = arith.remsi %add3A_82, %rem3A_88 : vector<16xi32>
    %ne3A_90 = arith.constant 0 : i32
    %ne3A_91 = vector.broadcast %ne3A_90 : i32 to vector<16xi32>
    %ne3A_92 = arith.cmpi ne, %rem3A_89, %ne3A_91 : vector<16xi32>
    %lt3A_93 = arith.constant 0 : i32
    %lt3A_94 = vector.broadcast %lt3A_93 : i32 to vector<16xi32>
    %lt3A_95 = arith.cmpi slt, %rem3A_89, %lt3A_94 : vector<16xi32>
    %lt3A_96 = arith.constant 0 : i32
    %lt3A_97 = arith.cmpi slt, %select_n3A_87, %lt3A_96 : i32
    %ne3A_98 = vector.broadcast %lt3A_97 : i1 to vector<16xi1>
    %ne3A_99 = vector.broadcast %ne3A_98 : vector<16xi1> to vector<16xi1>
    %ne3A_100 = arith.xori %lt3A_95, %ne3A_99 : vector<16xi1>
    %and3A_101 = arith.andi %ne3A_100, %ne3A_92 : vector<16xi1>
    %add3A_102 = vector.broadcast %select_n3A_87 : i32 to vector<16xi32>
    %add3A_103 = arith.addi %rem3A_89, %add3A_102 : vector<16xi32>
    %select_n3A_104 = arith.select %and3A_101, %add3A_103, %rem3A_89 : vector<16xi1>, vector<16xi32>
    %eq3A_105 = arith.constant 0 : i32
    %eq3A_106 = vector.broadcast %eq3A_105 : i32 to vector<16xi32>
    %eq3A_107 = arith.cmpi eq, %select_n3A_104, %eq3A_106 : vector<16xi32>
    %add3A_108 = arith.constant 1 : i32
    %add3A_109 = vector.broadcast %add3A_108 : i32 to vector<16xi32>
    %add3A_110 = arith.addi %iota3A, %add3A_109 : vector<16xi32>
    %jit3A_111 = arith.constant 3 : i32
    %eq3A_112 = arith.constant 0 : i32
    %eq3A_113 = arith.cmpi eq, %jit3A_111, %eq3A_112 : i32
    %jit3A_114 = arith.constant 1 : i32
    %select_n3A_115 = arith.select %eq3A_113, %jit3A_114, %jit3A_111 : i32
    %rem3A_116 = vector.broadcast %select_n3A_115 : i32 to vector<16xi32>
    %rem3A_117 = arith.remsi %add3A_110, %rem3A_116 : vector<16xi32>
    %ne3A_118 = arith.constant 0 : i32
    %ne3A_119 = vector.broadcast %ne3A_118 : i32 to vector<16xi32>
    %ne3A_120 = arith.cmpi ne, %rem3A_117, %ne3A_119 : vector<16xi32>
    %lt3A_121 = arith.constant 0 : i32
    %lt3A_122 = vector.broadcast %lt3A_121 : i32 to vector<16xi32>
    %lt3A_123 = arith.cmpi slt, %rem3A_117, %lt3A_122 : vector<16xi32>
    %lt3A_124 = arith.constant 0 : i32
    %lt3A_125 = arith.cmpi slt, %select_n3A_115, %lt3A_124 : i32
    %ne3A_126 = vector.broadcast %lt3A_125 : i1 to vector<16xi1>
    %ne3A_127 = vector.broadcast %ne3A_126 : vector<16xi1> to vector<16xi1>
    %ne3A_128 = arith.xori %lt3A_123, %ne3A_127 : vector<16xi1>
    %and3A_129 = arith.andi %ne3A_128, %ne3A_120 : vector<16xi1>
    %add3A_130 = vector.broadcast %select_n3A_115 : i32 to vector<16xi32>
    %add3A_131 = arith.addi %rem3A_117, %add3A_130 : vector<16xi32>
    %select_n3A_132 = arith.select %and3A_129, %add3A_131, %rem3A_117 : vector<16xi1>, vector<16xi32>
    %eq3A_133 = arith.constant 1 : i32
    %eq3A_134 = vector.broadcast %eq3A_133 : i32 to vector<16xi32>
    %eq3A_135 = arith.cmpi eq, %select_n3A_132, %eq3A_134 : vector<16xi32>
    %add3A_136 = arith.constant 1 : i32
    %add3A_137 = vector.broadcast %add3A_136 : i32 to vector<16xi32>
    %add3A_138 = arith.addi %iota3A, %add3A_137 : vector<16xi32>
    %jit3A_139 = arith.constant 3 : i32
    %eq3A_140 = arith.constant 0 : i32
    %eq3A_141 = arith.cmpi eq, %jit3A_139, %eq3A_140 : i32
    %jit3A_142 = arith.constant 1 : i32
    %select_n3A_143 = arith.select %eq3A_141, %jit3A_142, %jit3A_139 : i32
    %rem3A_144 = vector.broadcast %select_n3A_143 : i32 to vector<16xi32>
    %rem3A_145 = arith.remsi %add3A_138, %rem3A_144 : vector<16xi32>
    %ne3A_146 = arith.constant 0 : i32
    %ne3A_147 = vector.broadcast %ne3A_146 : i32 to vector<16xi32>
    %ne3A_148 = arith.cmpi ne, %rem3A_145, %ne3A_147 : vector<16xi32>
    %lt3A_149 = arith.constant 0 : i32
    %lt3A_150 = vector.broadcast %lt3A_149 : i32 to vector<16xi32>
    %lt3A_151 = arith.cmpi slt, %rem3A_145, %lt3A_150 : vector<16xi32>
    %lt3A_152 = arith.constant 0 : i32
    %lt3A_153 = arith.cmpi slt, %select_n3A_143, %lt3A_152 : i32
    %ne3A_154 = vector.broadcast %lt3A_153 : i1 to vector<16xi1>
    %ne3A_155 = vector.broadcast %ne3A_154 : vector<16xi1> to vector<16xi1>
    %ne3A_156 = arith.xori %lt3A_151, %ne3A_155 : vector<16xi1>
    %and3A_157 = arith.andi %ne3A_156, %ne3A_148 : vector<16xi1>
    %add3A_158 = vector.broadcast %select_n3A_143 : i32 to vector<16xi32>
    %add3A_159 = arith.addi %rem3A_145, %add3A_158 : vector<16xi32>
    %select_n3A_160 = arith.select %and3A_157, %add3A_159, %rem3A_145 : vector<16xi1>, vector<16xi32>
    %eq3A_161 = arith.constant 2 : i32
    %eq3A_162 = vector.broadcast %eq3A_161 : i32 to vector<16xi32>
    %eq3A_163 = arith.cmpi eq, %select_n3A_160, %eq3A_162 : vector<16xi32>
    %add3A_164 = arith.constant 2 : i32
    %add3A_165 = vector.broadcast %add3A_164 : i32 to vector<16xi32>
    %add3A_166 = arith.addi %iota3A, %add3A_165 : vector<16xi32>
    %jit3A_167 = arith.constant 3 : i32
    %eq3A_168 = arith.constant 0 : i32
    %eq3A_169 = arith.cmpi eq, %jit3A_167, %eq3A_168 : i32
    %jit3A_170 = arith.constant 1 : i32
    %select_n3A_171 = arith.select %eq3A_169, %jit3A_170, %jit3A_167 : i32
    %rem3A_172 = vector.broadcast %select_n3A_171 : i32 to vector<16xi32>
    %rem3A_173 = arith.remsi %add3A_166, %rem3A_172 : vector<16xi32>
    %ne3A_174 = arith.constant 0 : i32
    %ne3A_175 = vector.broadcast %ne3A_174 : i32 to vector<16xi32>
    %ne3A_176 = arith.cmpi ne, %rem3A_173, %ne3A_175 : vector<16xi32>
    %lt3A_177 = arith.constant 0 : i32
    %lt3A_178 = vector.broadcast %lt3A_177 : i32 to vector<16xi32>
    %lt3A_179 = arith.cmpi slt, %rem3A_173, %lt3A_178 : vector<16xi32>
    %lt3A_180 = arith.constant 0 : i32
    %lt3A_181 = arith.cmpi slt, %select_n3A_171, %lt3A_180 : i32
    %ne3A_182 = vector.broadcast %lt3A_181 : i1 to vector<16xi1>
    %ne3A_183 = vector.broadcast %ne3A_182 : vector<16xi1> to vector<16xi1>
    %ne3A_184 = arith.xori %lt3A_179, %ne3A_183 : vector<16xi1>
    %and3A_185 = arith.andi %ne3A_184, %ne3A_176 : vector<16xi1>
    %add3A_186 = vector.broadcast %select_n3A_171 : i32 to vector<16xi32>
    %add3A_187 = arith.addi %rem3A_173, %add3A_186 : vector<16xi32>
    %select_n3A_188 = arith.select %and3A_185, %add3A_187, %rem3A_173 : vector<16xi1>, vector<16xi32>
    %eq3A_189 = arith.constant 0 : i32
    %eq3A_190 = vector.broadcast %eq3A_189 : i32 to vector<16xi32>
    %eq3A_191 = arith.cmpi eq, %select_n3A_188, %eq3A_190 : vector<16xi32>
    %add3A_192 = arith.constant 2 : i32
    %add3A_193 = vector.broadcast %add3A_192 : i32 to vector<16xi32>
    %add3A_194 = arith.addi %iota3A, %add3A_193 : vector<16xi32>
    %jit3A_195 = arith.constant 3 : i32
    %eq3A_196 = arith.constant 0 : i32
    %eq3A_197 = arith.cmpi eq, %jit3A_195, %eq3A_196 : i32
    %jit3A_198 = arith.constant 1 : i32
    %select_n3A_199 = arith.select %eq3A_197, %jit3A_198, %jit3A_195 : i32
    %rem3A_200 = vector.broadcast %select_n3A_199 : i32 to vector<16xi32>
    %rem3A_201 = arith.remsi %add3A_194, %rem3A_200 : vector<16xi32>
    %ne3A_202 = arith.constant 0 : i32
    %ne3A_203 = vector.broadcast %ne3A_202 : i32 to vector<16xi32>
    %ne3A_204 = arith.cmpi ne, %rem3A_201, %ne3A_203 : vector<16xi32>
    %lt3A_205 = arith.constant 0 : i32
    %lt3A_206 = vector.broadcast %lt3A_205 : i32 to vector<16xi32>
    %lt3A_207 = arith.cmpi slt, %rem3A_201, %lt3A_206 : vector<16xi32>
    %lt3A_208 = arith.constant 0 : i32
    %lt3A_209 = arith.cmpi slt, %select_n3A_199, %lt3A_208 : i32
    %ne3A_210 = vector.broadcast %lt3A_209 : i1 to vector<16xi1>
    %ne3A_211 = vector.broadcast %ne3A_210 : vector<16xi1> to vector<16xi1>
    %ne3A_212 = arith.xori %lt3A_207, %ne3A_211 : vector<16xi1>
    %and3A_213 = arith.andi %ne3A_212, %ne3A_204 : vector<16xi1>
    %add3A_214 = vector.broadcast %select_n3A_199 : i32 to vector<16xi32>
    %add3A_215 = arith.addi %rem3A_201, %add3A_214 : vector<16xi32>
    %select_n3A_216 = arith.select %and3A_213, %add3A_215, %rem3A_201 : vector<16xi1>, vector<16xi32>
    %eq3A_217 = arith.constant 1 : i32
    %eq3A_218 = vector.broadcast %eq3A_217 : i32 to vector<16xi32>
    %eq3A_219 = arith.cmpi eq, %select_n3A_216, %eq3A_218 : vector<16xi32>
    %add3A_220 = arith.constant 2 : i32
    %add3A_221 = vector.broadcast %add3A_220 : i32 to vector<16xi32>
    %add3A_222 = arith.addi %iota3A, %add3A_221 : vector<16xi32>
    %jit3A_223 = arith.constant 3 : i32
    %eq3A_224 = arith.constant 0 : i32
    %eq3A_225 = arith.cmpi eq, %jit3A_223, %eq3A_224 : i32
    %jit3A_226 = arith.constant 1 : i32
    %select_n3A_227 = arith.select %eq3A_225, %jit3A_226, %jit3A_223 : i32
    %rem3A_228 = vector.broadcast %select_n3A_227 : i32 to vector<16xi32>
    %rem3A_229 = arith.remsi %add3A_222, %rem3A_228 : vector<16xi32>
    %ne3A_230 = arith.constant 0 : i32
    %ne3A_231 = vector.broadcast %ne3A_230 : i32 to vector<16xi32>
    %ne3A_232 = arith.cmpi ne, %rem3A_229, %ne3A_231 : vector<16xi32>
    %lt3A_233 = arith.constant 0 : i32
    %lt3A_234 = vector.broadcast %lt3A_233 : i32 to vector<16xi32>
    %lt3A_235 = arith.cmpi slt, %rem3A_229, %lt3A_234 : vector<16xi32>
    %lt3A_236 = arith.constant 0 : i32
    %lt3A_237 = arith.cmpi slt, %select_n3A_227, %lt3A_236 : i32
    %ne3A_238 = vector.broadcast %lt3A_237 : i1 to vector<16xi1>
    %ne3A_239 = vector.broadcast %ne3A_238 : vector<16xi1> to vector<16xi1>
    %ne3A_240 = arith.xori %lt3A_235, %ne3A_239 : vector<16xi1>
    %and3A_241 = arith.andi %ne3A_240, %ne3A_232 : vector<16xi1>
    %add3A_242 = vector.broadcast %select_n3A_227 : i32 to vector<16xi32>
    %add3A_243 = arith.addi %rem3A_229, %add3A_242 : vector<16xi32>
    %select_n3A_244 = arith.select %and3A_241, %add3A_243, %rem3A_229 : vector<16xi1>, vector<16xi32>
    %eq3A_245 = arith.constant 2 : i32
    %eq3A_246 = vector.broadcast %eq3A_245 : i32 to vector<16xi32>
    %eq3A_247 = arith.cmpi eq, %select_n3A_244, %eq3A_246 : vector<16xi32>
    %lt3A_248 = arith.constant 1 : i32
    %lt3A_249 = vector.broadcast %lt3A_248 : i32 to vector<16xi32>
    %lt3A_250 = arith.cmpi slt, %iota3A, %lt3A_249 : vector<16xi32>
    %broadcast_in_dim3A = arith.constant 0.000000e+00 : f32
    %broadcast_in_dim3A_251 = vector.broadcast %broadcast_in_dim3A : f32 to vector<16xf32>
    %broadcast_in_dim3A_252 = arith.constant 0 : i32
    %broadcast_in_dim3A_253 = vector.broadcast %broadcast_in_dim3A_252 : i32 to vector<16xi32>
    %min3A = arith.constant 0 : i32
    %min3A_254 = arith.constant 241 : i32
    %min3A_255 = arith.minsi %min3A, %min3A_254 : i32
    %mul3A_256 = arith.constant 128 : i32
    %mul3A_257 = arith.muli %min3A_255, %mul3A_256 : i32
    %add3A_258 = arith.addi %mul3A_2, %mul3A_257 : i32
    %dma_start3A = arith.constant 0 : i32
    %dma_start3A_259 = arith.constant 0 : i32
    %dma_start3A_260 = tpu.memref_slice %arg4[%dma_start3A_259] : memref<36864xf32, #tpu.memory_space<vmem>> -> memref<1152xf32, #tpu.memory_space<vmem>>
    %dma_start3A_261 = tpu.memref_slice %arg2[%dma_start3A, %add3A_258] : memref<32x1024000xf32, #tpu.memory_space<hbm>> -> memref<1x1152xf32, #tpu.memory_space<hbm>>
    %dma_start3A_262 = tpu.memref_squeeze %dma_start3A_261 : memref<1x1152xf32, #tpu.memory_space<hbm>> -> memref<1152xf32, #tpu.memory_space<hbm>>
    %dma_start3A_263 = arith.constant 0 : i32
    %dma_start3A_264 = tpu.memref_slice %arg4[%dma_start3A_263] : memref<36864xf32, #tpu.memory_space<vmem>> -> memref<1152xf32, #tpu.memory_space<vmem>>
    %dma_start3A_265 = tpu.memref_slice %arg2[%dma_start3A, %add3A_258] : memref<32x1024000xf32, #tpu.memory_space<hbm>> -> memref<1x1152xf32, #tpu.memory_space<hbm>>
    %dma_start3A_266 = tpu.memref_squeeze %dma_start3A_265 : memref<1x1152xf32, #tpu.memory_space<hbm>> -> memref<1152xf32, #tpu.memory_space<hbm>>
    tpu.enqueue_dma source(%dma_start3A_266 : memref<1152xf32, #tpu.memory_space<hbm>>) target(%dma_start3A_264 : memref<1152xf32, #tpu.memory_space<vmem>>) target_semaphore(%arg7 : memref<!tpu.dma_semaphore, #tpu.memory_space<semaphore_mem>>)
    %dma_start3A_267 = arith.constant 1 : i32
    %dma_start3A_268 = arith.constant 1152 : i32
    %dma_start3A_269 = tpu.memref_slice %arg4[%dma_start3A_268] : memref<36864xf32, #tpu.memory_space<vmem>> -> memref<1152xf32, #tpu.memory_space<vmem>>
    %dma_start3A_270 = tpu.memref_slice %arg2[%dma_start3A_267, %add3A_258] : memref<32x1024000xf32, #tpu.memory_space<hbm>> -> memref<1x1152xf32, #tpu.memory_space<hbm>>
    %dma_start3A_271 = tpu.memref_squeeze %dma_start3A_270 : memref<1x1152xf32, #tpu.memory_space<hbm>> -> memref<1152xf32, #tpu.memory_space<hbm>>
    %dma_start3A_272 = arith.constant 1152 : i32
    %dma_start3A_273 = tpu.memref_slice %arg4[%dma_start3A_272] : memref<36864xf32, #tpu.memory_space<vmem>> -> memref<1152xf32, #tpu.memory_space<vmem>>
    %dma_start3A_274 = tpu.memref_slice %arg2[%dma_start3A_267, %add3A_258] : memref<32x1024000xf32, #tpu.memory_space<hbm>> -> memref<1x1152xf32, #tpu.memory_space<hbm>>
    %dma_start3A_275 = tpu.memref_squeeze %dma_start3A_274 : memref<1x1152xf32, #tpu.memory_space<hbm>> -> memref<1152xf32, #tpu.memory_space<hbm>>
    tpu.enqueue_dma source(%dma_start3A_275 : memref<1152xf32, #tpu.memory_space<hbm>>) target(%dma_start3A_273 : memref<1152xf32, #tpu.memory_space<vmem>>) target_semaphore(%arg7 : memref<!tpu.dma_semaphore, #tpu.memory_space<semaphore_mem>>)
    %dma_start3A_276 = arith.constant 2 : i32
    %dma_start3A_277 = arith.constant 2304 : i32
    %dma_start3A_278 = tpu.memref_slice %arg4[%dma_start3A_277] : memref<36864xf32, #tpu.memory_space<vmem>> -> memref<1152xf32, #tpu.memory_space<vmem>>
    %dma_start3A_279 = tpu.memref_slice %arg2[%dma_start3A_276, %add3A_258] : memref<32x1024000xf32, #tpu.memory_space<hbm>> -> memref<1x1152xf32, #tpu.memory_space<hbm>>
    %dma_start3A_280 = tpu.memref_squeeze %dma_start3A_279 : memref<1x1152xf32, #tpu.memory_space<hbm>> -> memref<1152xf32, #tpu.memory_space<hbm>>
    %dma_start3A_281 = arith.constant 2304 : i32
    %dma_start3A_282 = tpu.memref_slice %arg4[%dma_start3A_281] : memref<36864xf32, #tpu.memory_space<vmem>> -> memref<1152xf32, #tpu.memory_space<vmem>>
    %dma_start3A_283 = tpu.memref_slice %arg2[%dma_start3A_276, %add3A_258] : memref<32x1024000xf32, #tpu.memory_space<hbm>> -> memref<1x1152xf32, #tpu.memory_space<hbm>>
    %dma_start3A_284 = tpu.memref_squeeze %dma_start3A_283 : memref<1x1152xf32, #tpu.memory_space<hbm>> -> memref<1152xf32, #tpu.memory_space<hbm>>
    tpu.enqueue_dma source(%dma_start3A_284 : memref<1152xf32, #tpu.memory_space<hbm>>) target(%dma_start3A_282 : memref<1152xf32, #tpu.memory_space<vmem>>) target_semaphore(%arg7 : memref<!tpu.dma_semaphore, #tpu.memory_space<semaphore_mem>>)
    %dma_start3A_285 = arith.constant 3 : i32
    %dma_start3A_286 = arith.constant 3456 : i32
    %dma_start3A_287 = tpu.memref_slice %arg4[%dma_start3A_286] : memref<36864xf32, #tpu.memory_space<vmem>> -> memref<1152xf32, #tpu.memory_space<vmem>>
    %dma_start3A_288 = tpu.memref_slice %arg2[%dma_start3A_285, %add3A_258] : memref<32x1024000xf32, #tpu.memory_space<hbm>> -> memref<1x1152xf32, #tpu.memory_space<hbm>>
    %dma_start3A_289 = tpu.memref_squeeze %dma_start3A_288 : memref<1x1152xf32, #tpu.memory_space<hbm>> -> memref<1152xf32, #tpu.memory_space<hbm>>
    %dma_start3A_290 = arith.constant 3456 : i32
    %dma_start3A_291 = tpu.memref_slice %arg4[%dma_start3A_290] : memref<36864xf32, #tpu.memory_space<vmem>> -> memref<1152xf32, #tpu.memory_space<vmem>>
    %dma_start3A_292 = tpu.memref_slice %arg2[%dma_start3A_285, %add3A_258] : memref<32x1024000xf32, #tpu.memory_space<hbm>> -> memref<1x1152xf32, #tpu.memory_space<hbm>>
    %dma_start3A_293 = tpu.memref_squeeze %dma_start3A_292 : memref<1x1152xf32, #tpu.memory_space<hbm>> -> memref<1152xf32, #tpu.memory_space<hbm>>
    tpu.enqueue_dma source(%dma_start3A_293 : memref<1152xf32, #tpu.memory_space<hbm>>) target(%dma_start3A_291 : memref<1152xf32, #tpu.memory_space<vmem>>) target_semaphore(%arg7 : memref<!tpu.dma_semaphore, #tpu.memory_space<semaphore_mem>>)
    %dma_start3A_294 = arith.constant 4 : i32
    %dma_start3A_295 = arith.constant 4608 : i32
    %dma_start3A_296 = tpu.memref_slice %arg4[%dma_start3A_295] : memref<36864xf32, #tpu.memory_space<vmem>> -> memref<1152xf32, #tpu.memory_space<vmem>>
    %dma_start3A_297 = tpu.memref_slice %arg2[%dma_start3A_294, %add3A_258] : memref<32x1024000xf32, #tpu.memory_space<hbm>> -> memref<1x1152xf32, #tpu.memory_space<hbm>>
    %dma_start3A_298 = tpu.memref_squeeze %dma_start3A_297 : memref<1x1152xf32, #tpu.memory_space<hbm>> -> memref<1152xf32, #tpu.memory_space<hbm>>
    %dma_start3A_299 = arith.constant 4608 : i32
    %dma_start3A_300 = tpu.memref_slice %arg4[%dma_start3A_299] : memref<36864xf32, #tpu.memory_space<vmem>> -> memref<1152xf32, #tpu.memory_space<vmem>>
    %dma_start3A_301 = tpu.memref_slice %arg2[%dma_start3A_294, %add3A_258] : memref<32x1024000xf32, #tpu.memory_space<hbm>> -> memref<1x1152xf32, #tpu.memory_space<hbm>>
    %dma_start3A_302 = tpu.memref_squeeze %dma_start3A_301 : memref<1x1152xf32, #tpu.memory_space<hbm>> -> memref<1152xf32, #tpu.memory_space<hbm>>
    tpu.enqueue_dma source(%dma_start3A_302 : memref<1152xf32, #tpu.memory_space<hbm>>) target(%dma_start3A_300 : memref<1152xf32, #tpu.memory_space<vmem>>) target_semaphore(%arg7 : memref<!tpu.dma_semaphore, #tpu.memory_space<semaphore_mem>>)
    %dma_start3A_303 = arith.constant 5 : i32
    %dma_start3A_304 = arith.constant 5760 : i32
    %dma_start3A_305 = tpu.memref_slice %arg4[%dma_start3A_304] : memref<36864xf32, #tpu.memory_space<vmem>> -> memref<1152xf32, #tpu.memory_space<vmem>>
    %dma_start3A_306 = tpu.memref_slice %arg2[%dma_start3A_303, %add3A_258] : memref<32x1024000xf32, #tpu.memory_space<hbm>> -> memref<1x1152xf32, #tpu.memory_space<hbm>>
    %dma_start3A_307 = tpu.memref_squeeze %dma_start3A_306 : memref<1x1152xf32, #tpu.memory_space<hbm>> -> memref<1152xf32, #tpu.memory_space<hbm>>
    %dma_start3A_308 = arith.constant 5760 : i32
    %dma_start3A_309 = tpu.memref_slice %arg4[%dma_start3A_308] : memref<36864xf32, #tpu.memory_space<vmem>> -> memref<1152xf32, #tpu.memory_space<vmem>>
    %dma_start3A_310 = tpu.memref_slice %arg2[%dma_start3A_303, %add3A_258] : memref<32x1024000xf32, #tpu.memory_space<hbm>> -> memref<1x1152xf32, #tpu.memory_space<hbm>>
    %dma_start3A_311 = tpu.memref_squeeze %dma_start3A_310 : memref<1x1152xf32, #tpu.memory_space<hbm>> -> memref<1152xf32, #tpu.memory_space<hbm>>
    tpu.enqueue_dma source(%dma_start3A_311 : memref<1152xf32, #tpu.memory_space<hbm>>) target(%dma_start3A_309 : memref<1152xf32, #tpu.memory_space<vmem>>) target_semaphore(%arg7 : memref<!tpu.dma_semaphore, #tpu.memory_space<semaphore_mem>>)
    %dma_start3A_312 = arith.constant 6 : i32
    %dma_start3A_313 = arith.constant 6912 : i32
    %dma_start3A_314 = tpu.memref_slice %arg4[%dma_start3A_313] : memref<36864xf32, #tpu.memory_space<vmem>> -> memref<1152xf32, #tpu.memory_space<vmem>>
    %dma_start3A_315 = tpu.memref_slice %arg2[%dma_start3A_312, %add3A_258] : memref<32x1024000xf32, #tpu.memory_space<hbm>> -> memref<1x1152xf32, #tpu.memory_space<hbm>>
    %dma_start3A_316 = tpu.memref_squeeze %dma_start3A_315 : memref<1x1152xf32, #tpu.memory_space<hbm>> -> memref<1152xf32, #tpu.memory_space<hbm>>
    %dma_start3A_317 = arith.constant 6912 : i32
    %dma_start3A_318 = tpu.memref_slice %arg4[%dma_start3A_317] : memref<36864xf32, #tpu.memory_space<vmem>> -> memref<1152xf32, #tpu.memory_space<vmem>>
    %dma_start3A_319 = tpu.memref_slice %arg2[%dma_start3A_312, %add3A_258] : memref<32x1024000xf32, #tpu.memory_space<hbm>> -> memref<1x1152xf32, #tpu.memory_space<hbm>>
    %dma_start3A_320 = tpu.memref_squeeze %dma_start3A_319 : memref<1x1152xf32, #tpu.memory_space<hbm>> -> memref<1152xf32, #tpu.memory_space<hbm>>
    tpu.enqueue_dma source(%dma_start3A_320 : memref<1152xf32, #tpu.memory_space<hbm>>) target(%dma_start3A_318 : memref<1152xf32, #tpu.memory_space<vmem>>) target_semaphore(%arg7 : memref<!tpu.dma_semaphore, #tpu.memory_space<semaphore_mem>>)
    %dma_start3A_321 = arith.constant 7 : i32
    %dma_start3A_322 = arith.constant 8064 : i32
    %dma_start3A_323 = tpu.memref_slice %arg4[%dma_start3A_322] : memref<36864xf32, #tpu.memory_space<vmem>> -> memref<1152xf32, #tpu.memory_space<vmem>>
    %dma_start3A_324 = tpu.memref_slice %arg2[%dma_start3A_321, %add3A_258] : memref<32x1024000xf32, #tpu.memory_space<hbm>> -> memref<1x1152xf32, #tpu.memory_space<hbm>>
    %dma_start3A_325 = tpu.memref_squeeze %dma_start3A_324 : memref<1x1152xf32, #tpu.memory_space<hbm>> -> memref<1152xf32, #tpu.memory_space<hbm>>
    %dma_start3A_326 = arith.constant 8064 : i32
    %dma_start3A_327 = tpu.memref_slice %arg4[%dma_start3A_326] : memref<36864xf32, #tpu.memory_space<vmem>> -> memref<1152xf32, #tpu.memory_space<vmem>>
    %dma_start3A_328 = tpu.memref_slice %arg2[%dma_start3A_321, %add3A_258] : memref<32x1024000xf32, #tpu.memory_space<hbm>> -> memref<1x1152xf32, #tpu.memory_space<hbm>>
    %dma_start3A_329 = tpu.memref_squeeze %dma_start3A_328 : memref<1x1152xf32, #tpu.memory_space<hbm>> -> memref<1152xf32, #tpu.memory_space<hbm>>
    tpu.enqueue_dma source(%dma_start3A_329 : memref<1152xf32, #tpu.memory_space<hbm>>) target(%dma_start3A_327 : memref<1152xf32, #tpu.memory_space<vmem>>) target_semaphore(%arg7 : memref<!tpu.dma_semaphore, #tpu.memory_space<semaphore_mem>>)
    %dma_start3A_330 = arith.constant 8 : i32
    %dma_start3A_331 = arith.constant 9216 : i32
    %dma_start3A_332 = tpu.memref_slice %arg4[%dma_start3A_331] : memref<36864xf32, #tpu.memory_space<vmem>> -> memref<1152xf32, #tpu.memory_space<vmem>>
    %dma_start3A_333 = tpu.memref_slice %arg2[%dma_start3A_330, %add3A_258] : memref<32x1024000xf32, #tpu.memory_space<hbm>> -> memref<1x1152xf32, #tpu.memory_space<hbm>>
    %dma_start3A_334 = tpu.memref_squeeze %dma_start3A_333 : memref<1x1152xf32, #tpu.memory_space<hbm>> -> memref<1152xf32, #tpu.memory_space<hbm>>
    %dma_start3A_335 = arith.constant 9216 : i32
    %dma_start3A_336 = tpu.memref_slice %arg4[%dma_start3A_335] : memref<36864xf32, #tpu.memory_space<vmem>> -> memref<1152xf32, #tpu.memory_space<vmem>>
    %dma_start3A_337 = tpu.memref_slice %arg2[%dma_start3A_330, %add3A_258] : memref<32x1024000xf32, #tpu.memory_space<hbm>> -> memref<1x1152xf32, #tpu.memory_space<hbm>>
    %dma_start3A_338 = tpu.memref_squeeze %dma_start3A_337 : memref<1x1152xf32, #tpu.memory_space<hbm>> -> memref<1152xf32, #tpu.memory_space<hbm>>
    tpu.enqueue_dma source(%dma_start3A_338 : memref<1152xf32, #tpu.memory_space<hbm>>) target(%dma_start3A_336 : memref<1152xf32, #tpu.memory_space<vmem>>) target_semaphore(%arg7 : memref<!tpu.dma_semaphore, #tpu.memory_space<semaphore_mem>>)
    %dma_start3A_339 = arith.constant 9 : i32
    %dma_start3A_340 = arith.constant 10368 : i32
    %dma_start3A_341 = tpu.memref_slice %arg4[%dma_start3A_340] : memref<36864xf32, #tpu.memory_space<vmem>> -> memref<1152xf32, #tpu.memory_space<vmem>>
    %dma_start3A_342 = tpu.memref_slice %arg2[%dma_start3A_339, %add3A_258] : memref<32x1024000xf32, #tpu.memory_space<hbm>> -> memref<1x1152xf32, #tpu.memory_space<hbm>>
    %dma_start3A_343 = tpu.memref_squeeze %dma_start3A_342 : memref<1x1152xf32, #tpu.memory_space<hbm>> -> memref<1152xf32, #tpu.memory_space<hbm>>
    %dma_start3A_344 = arith.constant 10368 : i32
    %dma_start3A_345 = tpu.memref_slice %arg4[%dma_start3A_344] : memref<36864xf32, #tpu.memory_space<vmem>> -> memref<1152xf32, #tpu.memory_space<vmem>>
    %dma_start3A_346 = tpu.memref_slice %arg2[%dma_start3A_339, %add3A_258] : memref<32x1024000xf32, #tpu.memory_space<hbm>> -> memref<1x1152xf32, #tpu.memory_space<hbm>>
    %dma_start3A_347 = tpu.memref_squeeze %dma_start3A_346 : memref<1x1152xf32, #tpu.memory_space<hbm>> -> memref<1152xf32, #tpu.memory_space<hbm>>
    tpu.enqueue_dma source(%dma_start3A_347 : memref<1152xf32, #tpu.memory_space<hbm>>) target(%dma_start3A_345 : memref<1152xf32, #tpu.memory_space<vmem>>) target_semaphore(%arg7 : memref<!tpu.dma_semaphore, #tpu.memory_space<semaphore_mem>>)
    %dma_start3A_348 = arith.constant 10 : i32
    %dma_start3A_349 = arith.constant 11520 : i32
    %dma_start3A_350 = tpu.memref_slice %arg4[%dma_start3A_349] : memref<36864xf32, #tpu.memory_space<vmem>> -> memref<1152xf32, #tpu.memory_space<vmem>>
    %dma_start3A_351 = tpu.memref_slice %arg2[%dma_start3A_348, %add3A_258] : memref<32x1024000xf32, #tpu.memory_space<hbm>> -> memref<1x1152xf32, #tpu.memory_space<hbm>>
    %dma_start3A_352 = tpu.memref_squeeze %dma_start3A_351 : memref<1x1152xf32, #tpu.memory_space<hbm>> -> memref<1152xf32, #tpu.memory_space<hbm>>
    %dma_start3A_353 = arith.constant 11520 : i32
    %dma_start3A_354 = tpu.memref_slice %arg4[%dma_start3A_353] : memref<36864xf32, #tpu.memory_space<vmem>> -> memref<1152xf32, #tpu.memory_space<vmem>>
    %dma_start3A_355 = tpu.memref_slice %arg2[%dma_start3A_348, %add3A_258] : memref<32x1024000xf32, #tpu.memory_space<hbm>> -> memref<1x1152xf32, #tpu.memory_space<hbm>>
    %dma_start3A_356 = tpu.memref_squeeze %dma_start3A_355 : memref<1x1152xf32, #tpu.memory_space<hbm>> -> memref<1152xf32, #tpu.memory_space<hbm>>
    tpu.enqueue_dma source(%dma_start3A_356 : memref<1152xf32, #tpu.memory_space<hbm>>) target(%dma_start3A_354 : memref<1152xf32, #tpu.memory_space<vmem>>) target_semaphore(%arg7 : memref<!tpu.dma_semaphore, #tpu.memory_space<semaphore_mem>>)
    %dma_start3A_357 = arith.constant 11 : i32
    %dma_start3A_358 = arith.constant 12672 : i32
    %dma_start3A_359 = tpu.memref_slice %arg4[%dma_start3A_358] : memref<36864xf32, #tpu.memory_space<vmem>> -> memref<1152xf32, #tpu.memory_space<vmem>>
    %dma_start3A_360 = tpu.memref_slice %arg2[%dma_start3A_357, %add3A_258] : memref<32x1024000xf32, #tpu.memory_space<hbm>> -> memref<1x1152xf32, #tpu.memory_space<hbm>>
    %dma_start3A_361 = tpu.memref_squeeze %dma_start3A_360 : memref<1x1152xf32, #tpu.memory_space<hbm>> -> memref<1152xf32, #tpu.memory_space<hbm>>
    %dma_start3A_362 = arith.constant 12672 : i32
    %dma_start3A_363 = tpu.memref_slice %arg4[%dma_start3A_362] : memref<36864xf32, #tpu.memory_space<vmem>> -> memref<1152xf32, #tpu.memory_space<vmem>>
    %dma_start3A_364 = tpu.memref_slice %arg2[%dma_start3A_357, %add3A_258] : memref<32x1024000xf32, #tpu.memory_space<hbm>> -> memref<1x1152xf32, #tpu.memory_space<hbm>>
    %dma_start3A_365 = tpu.memref_squeeze %dma_start3A_364 : memref<1x1152xf32, #tpu.memory_space<hbm>> -> memref<1152xf32, #tpu.memory_space<hbm>>
    tpu.enqueue_dma source(%dma_start3A_365 : memref<1152xf32, #tpu.memory_space<hbm>>) target(%dma_start3A_363 : memref<1152xf32, #tpu.memory_space<vmem>>) target_semaphore(%arg7 : memref<!tpu.dma_semaphore, #tpu.memory_space<semaphore_mem>>)
    %dma_start3A_366 = arith.constant 12 : i32
    %dma_start3A_367 = arith.constant 13824 : i32
    %dma_start3A_368 = tpu.memref_slice %arg4[%dma_start3A_367] : memref<36864xf32, #tpu.memory_space<vmem>> -> memref<1152xf32, #tpu.memory_space<vmem>>
    %dma_start3A_369 = tpu.memref_slice %arg2[%dma_start3A_366, %add3A_258] : memref<32x1024000xf32, #tpu.memory_space<hbm>> -> memref<1x1152xf32, #tpu.memory_space<hbm>>
    %dma_start3A_370 = tpu.memref_squeeze %dma_start3A_369 : memref<1x1152xf32, #tpu.memory_space<hbm>> -> memref<1152xf32, #tpu.memory_space<hbm>>
    %dma_start3A_371 = arith.constant 13824 : i32
    %dma_start3A_372 = tpu.memref_slice %arg4[%dma_start3A_371] : memref<36864xf32, #tpu.memory_space<vmem>> -> memref<1152xf32, #tpu.memory_space<vmem>>
    %dma_start3A_373 = tpu.memref_slice %arg2[%dma_start3A_366, %add3A_258] : memref<32x1024000xf32, #tpu.memory_space<hbm>> -> memref<1x1152xf32, #tpu.memory_space<hbm>>
    %dma_start3A_374 = tpu.memref_squeeze %dma_start3A_373 : memref<1x1152xf32, #tpu.memory_space<hbm>> -> memref<1152xf32, #tpu.memory_space<hbm>>
    tpu.enqueue_dma source(%dma_start3A_374 : memref<1152xf32, #tpu.memory_space<hbm>>) target(%dma_start3A_372 : memref<1152xf32, #tpu.memory_space<vmem>>) target_semaphore(%arg7 : memref<!tpu.dma_semaphore, #tpu.memory_space<semaphore_mem>>)
    %dma_start3A_375 = arith.constant 13 : i32
    %dma_start3A_376 = arith.constant 14976 : i32
    %dma_start3A_377 = tpu.memref_slice %arg4[%dma_start3A_376] : memref<36864xf32, #tpu.memory_space<vmem>> -> memref<1152xf32, #tpu.memory_space<vmem>>
    %dma_start3A_378 = tpu.memref_slice %arg2[%dma_start3A_375, %add3A_258] : memref<32x1024000xf32, #tpu.memory_space<hbm>> -> memref<1x1152xf32, #tpu.memory_space<hbm>>
    %dma_start3A_379 = tpu.memref_squeeze %dma_start3A_378 : memref<1x1152xf32, #tpu.memory_space<hbm>> -> memref<1152xf32, #tpu.memory_space<hbm>>
    %dma_start3A_380 = arith.constant 14976 : i32
    %dma_start3A_381 = tpu.memref_slice %arg4[%dma_start3A_380] : memref<36864xf32, #tpu.memory_space<vmem>> -> memref<1152xf32, #tpu.memory_space<vmem>>
    %dma_start3A_382 = tpu.memref_slice %arg2[%dma_start3A_375, %add3A_258] : memref<32x1024000xf32, #tpu.memory_space<hbm>> -> memref<1x1152xf32, #tpu.memory_space<hbm>>
    %dma_start3A_383 = tpu.memref_squeeze %dma_start3A_382 : memref<1x1152xf32, #tpu.memory_space<hbm>> -> memref<1152xf32, #tpu.memory_space<hbm>>
    tpu.enqueue_dma source(%dma_start3A_383 : memref<1152xf32, #tpu.memory_space<hbm>>) target(%dma_start3A_381 : memref<1152xf32, #tpu.memory_space<vmem>>) target_semaphore(%arg7 : memref<!tpu.dma_semaphore, #tpu.memory_space<semaphore_mem>>)
    %dma_start3A_384 = arith.constant 14 : i32
    %dma_start3A_385 = arith.constant 16128 : i32
    %dma_start3A_386 = tpu.memref_slice %arg4[%dma_start3A_385] : memref<36864xf32, #tpu.memory_space<vmem>> -> memref<1152xf32, #tpu.memory_space<vmem>>
    %dma_start3A_387 = tpu.memref_slice %arg2[%dma_start3A_384, %add3A_258] : memref<32x1024000xf32, #tpu.memory_space<hbm>> -> memref<1x1152xf32, #tpu.memory_space<hbm>>
    %dma_start3A_388 = tpu.memref_squeeze %dma_start3A_387 : memref<1x1152xf32, #tpu.memory_space<hbm>> -> memref<1152xf32, #tpu.memory_space<hbm>>
    %dma_start3A_389 = arith.constant 16128 : i32
    %dma_start3A_390 = tpu.memref_slice %arg4[%dma_start3A_389] : memref<36864xf32, #tpu.memory_space<vmem>> -> memref<1152xf32, #tpu.memory_space<vmem>>
    %dma_start3A_391 = tpu.memref_slice %arg2[%dma_start3A_384, %add3A_258] : memref<32x1024000xf32, #tpu.memory_space<hbm>> -> memref<1x1152xf32, #tpu.memory_space<hbm>>
    %dma_start3A_392 = tpu.memref_squeeze %dma_start3A_391 : memref<1x1152xf32, #tpu.memory_space<hbm>> -> memref<1152xf32, #tpu.memory_space<hbm>>
    tpu.enqueue_dma source(%dma_start3A_392 : memref<1152xf32, #tpu.memory_space<hbm>>) target(%dma_start3A_390 : memref<1152xf32, #tpu.memory_space<vmem>>) target_semaphore(%arg7 : memref<!tpu.dma_semaphore, #tpu.memory_space<semaphore_mem>>)
    %dma_start3A_393 = arith.constant 15 : i32
    %dma_start3A_394 = arith.constant 17280 : i32
    %dma_start3A_395 = tpu.memref_slice %arg4[%dma_start3A_394] : memref<36864xf32, #tpu.memory_space<vmem>> -> memref<1152xf32, #tpu.memory_space<vmem>>
    %dma_start3A_396 = tpu.memref_slice %arg2[%dma_start3A_393, %add3A_258] : memref<32x1024000xf32, #tpu.memory_space<hbm>> -> memref<1x1152xf32, #tpu.memory_space<hbm>>
    %dma_start3A_397 = tpu.memref_squeeze %dma_start3A_396 : memref<1x1152xf32, #tpu.memory_space<hbm>> -> memref<1152xf32, #tpu.memory_space<hbm>>
    %dma_start3A_398 = arith.constant 17280 : i32
    %dma_start3A_399 = tpu.memref_slice %arg4[%dma_start3A_398] : memref<36864xf32, #tpu.memory_space<vmem>> -> memref<1152xf32, #tpu.memory_space<vmem>>
    %dma_start3A_400 = tpu.memref_slice %arg2[%dma_start3A_393, %add3A_258] : memref<32x1024000xf32, #tpu.memory_space<hbm>> -> memref<1x1152xf32, #tpu.memory_space<hbm>>
    %dma_start3A_401 = tpu.memref_squeeze %dma_start3A_400 : memref<1x1152xf32, #tpu.memory_space<hbm>> -> memref<1152xf32, #tpu.memory_space<hbm>>
    tpu.enqueue_dma source(%dma_start3A_401 : memref<1152xf32, #tpu.memory_space<hbm>>) target(%dma_start3A_399 : memref<1152xf32, #tpu.memory_space<vmem>>) target_semaphore(%arg7 : memref<!tpu.dma_semaphore, #tpu.memory_space<semaphore_mem>>)
    %dma_start3A_402 = arith.constant 16 : i32
    %dma_start3A_403 = arith.constant 18432 : i32
    %dma_start3A_404 = tpu.memref_slice %arg4[%dma_start3A_403] : memref<36864xf32, #tpu.memory_space<vmem>> -> memref<1152xf32, #tpu.memory_space<vmem>>
    %dma_start3A_405 = tpu.memref_slice %arg2[%dma_start3A_402, %add3A_258] : memref<32x1024000xf32, #tpu.memory_space<hbm>> -> memref<1x1152xf32, #tpu.memory_space<hbm>>
    %dma_start3A_406 = tpu.memref_squeeze %dma_start3A_405 : memref<1x1152xf32, #tpu.memory_space<hbm>> -> memref<1152xf32, #tpu.memory_space<hbm>>
    %dma_start3A_407 = arith.constant 18432 : i32
    %dma_start3A_408 = tpu.memref_slice %arg4[%dma_start3A_407] : memref<36864xf32, #tpu.memory_space<vmem>> -> memref<1152xf32, #tpu.memory_space<vmem>>
    %dma_start3A_409 = tpu.memref_slice %arg2[%dma_start3A_402, %add3A_258] : memref<32x1024000xf32, #tpu.memory_space<hbm>> -> memref<1x1152xf32, #tpu.memory_space<hbm>>
    %dma_start3A_410 = tpu.memref_squeeze %dma_start3A_409 : memref<1x1152xf32, #tpu.memory_space<hbm>> -> memref<1152xf32, #tpu.memory_space<hbm>>
    tpu.enqueue_dma source(%dma_start3A_410 : memref<1152xf32, #tpu.memory_space<hbm>>) target(%dma_start3A_408 : memref<1152xf32, #tpu.memory_space<vmem>>) target_semaphore(%arg7 : memref<!tpu.dma_semaphore, #tpu.memory_space<semaphore_mem>>)
    %dma_start3A_411 = arith.constant 17 : i32
    %dma_start3A_412 = arith.constant 19584 : i32
    %dma_start3A_413 = tpu.memref_slice %arg4[%dma_start3A_412] : memref<36864xf32, #tpu.memory_space<vmem>> -> memref<1152xf32, #tpu.memory_space<vmem>>
    %dma_start3A_414 = tpu.memref_slice %arg2[%dma_start3A_411, %add3A_258] : memref<32x1024000xf32, #tpu.memory_space<hbm>> -> memref<1x1152xf32, #tpu.memory_space<hbm>>
    %dma_start3A_415 = tpu.memref_squeeze %dma_start3A_414 : memref<1x1152xf32, #tpu.memory_space<hbm>> -> memref<1152xf32, #tpu.memory_space<hbm>>
    %dma_start3A_416 = arith.constant 19584 : i32
    %dma_start3A_417 = tpu.memref_slice %arg4[%dma_start3A_416] : memref<36864xf32, #tpu.memory_space<vmem>> -> memref<1152xf32, #tpu.memory_space<vmem>>
    %dma_start3A_418 = tpu.memref_slice %arg2[%dma_start3A_411, %add3A_258] : memref<32x1024000xf32, #tpu.memory_space<hbm>> -> memref<1x1152xf32, #tpu.memory_space<hbm>>
    %dma_start3A_419 = tpu.memref_squeeze %dma_start3A_418 : memref<1x1152xf32, #tpu.memory_space<hbm>> -> memref<1152xf32, #tpu.memory_space<hbm>>
    tpu.enqueue_dma source(%dma_start3A_419 : memref<1152xf32, #tpu.memory_space<hbm>>) target(%dma_start3A_417 : memref<1152xf32, #tpu.memory_space<vmem>>) target_semaphore(%arg7 : memref<!tpu.dma_semaphore, #tpu.memory_space<semaphore_mem>>)
    %dma_start3A_420 = arith.constant 18 : i32
    %dma_start3A_421 = arith.constant 20736 : i32
    %dma_start3A_422 = tpu.memref_slice %arg4[%dma_start3A_421] : memref<36864xf32, #tpu.memory_space<vmem>> -> memref<1152xf32, #tpu.memory_space<vmem>>
    %dma_start3A_423 = tpu.memref_slice %arg2[%dma_start3A_420, %add3A_258] : memref<32x1024000xf32, #tpu.memory_space<hbm>> -> memref<1x1152xf32, #tpu.memory_space<hbm>>
    %dma_start3A_424 = tpu.memref_squeeze %dma_start3A_423 : memref<1x1152xf32, #tpu.memory_space<hbm>> -> memref<1152xf32, #tpu.memory_space<hbm>>
    %dma_start3A_425 = arith.constant 20736 : i32
    %dma_start3A_426 = tpu.memref_slice %arg4[%dma_start3A_425] : memref<36864xf32, #tpu.memory_space<vmem>> -> memref<1152xf32, #tpu.memory_space<vmem>>
    %dma_start3A_427 = tpu.memref_slice %arg2[%dma_start3A_420, %add3A_258] : memref<32x1024000xf32, #tpu.memory_space<hbm>> -> memref<1x1152xf32, #tpu.memory_space<hbm>>
    %dma_start3A_428 = tpu.memref_squeeze %dma_start3A_427 : memref<1x1152xf32, #tpu.memory_space<hbm>> -> memref<1152xf32, #tpu.memory_space<hbm>>
    tpu.enqueue_dma source(%dma_start3A_428 : memref<1152xf32, #tpu.memory_space<hbm>>) target(%dma_start3A_426 : memref<1152xf32, #tpu.memory_space<vmem>>) target_semaphore(%arg7 : memref<!tpu.dma_semaphore, #tpu.memory_space<semaphore_mem>>)
    %dma_start3A_429 = arith.constant 19 : i32
    %dma_start3A_430 = arith.constant 21888 : i32
    %dma_start3A_431 = tpu.memref_slice %arg4[%dma_start3A_430] : memref<36864xf32, #tpu.memory_space<vmem>> -> memref<1152xf32, #tpu.memory_space<vmem>>
    %dma_start3A_432 = tpu.memref_slice %arg2[%dma_start3A_429, %add3A_258] : memref<32x1024000xf32, #tpu.memory_space<hbm>> -> memref<1x1152xf32, #tpu.memory_space<hbm>>
    %dma_start3A_433 = tpu.memref_squeeze %dma_start3A_432 : memref<1x1152xf32, #tpu.memory_space<hbm>> -> memref<1152xf32, #tpu.memory_space<hbm>>
    %dma_start3A_434 = arith.constant 21888 : i32
    %dma_start3A_435 = tpu.memref_slice %arg4[%dma_start3A_434] : memref<36864xf32, #tpu.memory_space<vmem>> -> memref<1152xf32, #tpu.memory_space<vmem>>
    %dma_start3A_436 = tpu.memref_slice %arg2[%dma_start3A_429, %add3A_258] : memref<32x1024000xf32, #tpu.memory_space<hbm>> -> memref<1x1152xf32, #tpu.memory_space<hbm>>
    %dma_start3A_437 = tpu.memref_squeeze %dma_start3A_436 : memref<1x1152xf32, #tpu.memory_space<hbm>> -> memref<1152xf32, #tpu.memory_space<hbm>>
    tpu.enqueue_dma source(%dma_start3A_437 : memref<1152xf32, #tpu.memory_space<hbm>>) target(%dma_start3A_435 : memref<1152xf32, #tpu.memory_space<vmem>>) target_semaphore(%arg7 : memref<!tpu.dma_semaphore, #tpu.memory_space<semaphore_mem>>)
    %dma_start3A_438 = arith.constant 20 : i32
    %dma_start3A_439 = arith.constant 23040 : i32
    %dma_start3A_440 = tpu.memref_slice %arg4[%dma_start3A_439] : memref<36864xf32, #tpu.memory_space<vmem>> -> memref<1152xf32, #tpu.memory_space<vmem>>
    %dma_start3A_441 = tpu.memref_slice %arg2[%dma_start3A_438, %add3A_258] : memref<32x1024000xf32, #tpu.memory_space<hbm>> -> memref<1x1152xf32, #tpu.memory_space<hbm>>
    %dma_start3A_442 = tpu.memref_squeeze %dma_start3A_441 : memref<1x1152xf32, #tpu.memory_space<hbm>> -> memref<1152xf32, #tpu.memory_space<hbm>>
    %dma_start3A_443 = arith.constant 23040 : i32
    %dma_start3A_444 = tpu.memref_slice %arg4[%dma_start3A_443] : memref<36864xf32, #tpu.memory_space<vmem>> -> memref<1152xf32, #tpu.memory_space<vmem>>
    %dma_start3A_445 = tpu.memref_slice %arg2[%dma_start3A_438, %add3A_258] : memref<32x1024000xf32, #tpu.memory_space<hbm>> -> memref<1x1152xf32, #tpu.memory_space<hbm>>
    %dma_start3A_446 = tpu.memref_squeeze %dma_start3A_445 : memref<1x1152xf32, #tpu.memory_space<hbm>> -> memref<1152xf32, #tpu.memory_space<hbm>>
    tpu.enqueue_dma source(%dma_start3A_446 : memref<1152xf32, #tpu.memory_space<hbm>>) target(%dma_start3A_444 : memref<1152xf32, #tpu.memory_space<vmem>>) target_semaphore(%arg7 : memref<!tpu.dma_semaphore, #tpu.memory_space<semaphore_mem>>)
    %dma_start3A_447 = arith.constant 21 : i32
    %dma_start3A_448 = arith.constant 24192 : i32
    %dma_start3A_449 = tpu.memref_slice %arg4[%dma_start3A_448] : memref<36864xf32, #tpu.memory_space<vmem>> -> memref<1152xf32, #tpu.memory_space<vmem>>
    %dma_start3A_450 = tpu.memref_slice %arg2[%dma_start3A_447, %add3A_258] : memref<32x1024000xf32, #tpu.memory_space<hbm>> -> memref<1x1152xf32, #tpu.memory_space<hbm>>
    %dma_start3A_451 = tpu.memref_squeeze %dma_start3A_450 : memref<1x1152xf32, #tpu.memory_space<hbm>> -> memref<1152xf32, #tpu.memory_space<hbm>>
    %dma_start3A_452 = arith.constant 24192 : i32
    %dma_start3A_453 = tpu.memref_slice %arg4[%dma_start3A_452] : memref<36864xf32, #tpu.memory_space<vmem>> -> memref<1152xf32, #tpu.memory_space<vmem>>
    %dma_start3A_454 = tpu.memref_slice %arg2[%dma_start3A_447, %add3A_258] : memref<32x1024000xf32, #tpu.memory_space<hbm>> -> memref<1x1152xf32, #tpu.memory_space<hbm>>
    %dma_start3A_455 = tpu.memref_squeeze %dma_start3A_454 : memref<1x1152xf32, #tpu.memory_space<hbm>> -> memref<1152xf32, #tpu.memory_space<hbm>>
    tpu.enqueue_dma source(%dma_start3A_455 : memref<1152xf32, #tpu.memory_space<hbm>>) target(%dma_start3A_453 : memref<1152xf32, #tpu.memory_space<vmem>>) target_semaphore(%arg7 : memref<!tpu.dma_semaphore, #tpu.memory_space<semaphore_mem>>)
    %dma_start3A_456 = arith.constant 22 : i32
    %dma_start3A_457 = arith.constant 25344 : i32
    %dma_start3A_458 = tpu.memref_slice %arg4[%dma_start3A_457] : memref<36864xf32, #tpu.memory_space<vmem>> -> memref<1152xf32, #tpu.memory_space<vmem>>
    %dma_start3A_459 = tpu.memref_slice %arg2[%dma_start3A_456, %add3A_258] : memref<32x1024000xf32, #tpu.memory_space<hbm>> -> memref<1x1152xf32, #tpu.memory_space<hbm>>
    %dma_start3A_460 = tpu.memref_squeeze %dma_start3A_459 : memref<1x1152xf32, #tpu.memory_space<hbm>> -> memref<1152xf32, #tpu.memory_space<hbm>>
    %dma_start3A_461 = arith.constant 25344 : i32
    %dma_start3A_462 = tpu.memref_slice %arg4[%dma_start3A_461] : memref<36864xf32, #tpu.memory_space<vmem>> -> memref<1152xf32, #tpu.memory_space<vmem>>
    %dma_start3A_463 = tpu.memref_slice %arg2[%dma_start3A_456, %add3A_258] : memref<32x1024000xf32, #tpu.memory_space<hbm>> -> memref<1x1152xf32, #tpu.memory_space<hbm>>
    %dma_start3A_464 = tpu.memref_squeeze %dma_start3A_463 : memref<1x1152xf32, #tpu.memory_space<hbm>> -> memref<1152xf32, #tpu.memory_space<hbm>>
    tpu.enqueue_dma source(%dma_start3A_464 : memref<1152xf32, #tpu.memory_space<hbm>>) target(%dma_start3A_462 : memref<1152xf32, #tpu.memory_space<vmem>>) target_semaphore(%arg7 : memref<!tpu.dma_semaphore, #tpu.memory_space<semaphore_mem>>)
    %dma_start3A_465 = arith.constant 23 : i32
    %dma_start3A_466 = arith.constant 26496 : i32
    %dma_start3A_467 = tpu.memref_slice %arg4[%dma_start3A_466] : memref<36864xf32, #tpu.memory_space<vmem>> -> memref<1152xf32, #tpu.memory_space<vmem>>
    %dma_start3A_468 = tpu.memref_slice %arg2[%dma_start3A_465, %add3A_258] : memref<32x1024000xf32, #tpu.memory_space<hbm>> -> memref<1x1152xf32, #tpu.memory_space<hbm>>
    %dma_start3A_469 = tpu.memref_squeeze %dma_start3A_468 : memref<1x1152xf32, #tpu.memory_space<hbm>> -> memref<1152xf32, #tpu.memory_space<hbm>>
    %dma_start3A_470 = arith.constant 26496 : i32
    %dma_start3A_471 = tpu.memref_slice %arg4[%dma_start3A_470] : memref<36864xf32, #tpu.memory_space<vmem>> -> memref<1152xf32, #tpu.memory_space<vmem>>
    %dma_start3A_472 = tpu.memref_slice %arg2[%dma_start3A_465, %add3A_258] : memref<32x1024000xf32, #tpu.memory_space<hbm>> -> memref<1x1152xf32, #tpu.memory_space<hbm>>
    %dma_start3A_473 = tpu.memref_squeeze %dma_start3A_472 : memref<1x1152xf32, #tpu.memory_space<hbm>> -> memref<1152xf32, #tpu.memory_space<hbm>>
    tpu.enqueue_dma source(%dma_start3A_473 : memref<1152xf32, #tpu.memory_space<hbm>>) target(%dma_start3A_471 : memref<1152xf32, #tpu.memory_space<vmem>>) target_semaphore(%arg7 : memref<!tpu.dma_semaphore, #tpu.memory_space<semaphore_mem>>)
    %dma_start3A_474 = arith.constant 24 : i32
    %dma_start3A_475 = arith.constant 27648 : i32
    %dma_start3A_476 = tpu.memref_slice %arg4[%dma_start3A_475] : memref<36864xf32, #tpu.memory_space<vmem>> -> memref<1152xf32, #tpu.memory_space<vmem>>
    %dma_start3A_477 = tpu.memref_slice %arg2[%dma_start3A_474, %add3A_258] : memref<32x1024000xf32, #tpu.memory_space<hbm>> -> memref<1x1152xf32, #tpu.memory_space<hbm>>
    %dma_start3A_478 = tpu.memref_squeeze %dma_start3A_477 : memref<1x1152xf32, #tpu.memory_space<hbm>> -> memref<1152xf32, #tpu.memory_space<hbm>>
    %dma_start3A_479 = arith.constant 27648 : i32
    %dma_start3A_480 = tpu.memref_slice %arg4[%dma_start3A_479] : memref<36864xf32, #tpu.memory_space<vmem>> -> memref<1152xf32, #tpu.memory_space<vmem>>
    %dma_start3A_481 = tpu.memref_slice %arg2[%dma_start3A_474, %add3A_258] : memref<32x1024000xf32, #tpu.memory_space<hbm>> -> memref<1x1152xf32, #tpu.memory_space<hbm>>
    %dma_start3A_482 = tpu.memref_squeeze %dma_start3A_481 : memref<1x1152xf32, #tpu.memory_space<hbm>> -> memref<1152xf32, #tpu.memory_space<hbm>>
    tpu.enqueue_dma source(%dma_start3A_482 : memref<1152xf32, #tpu.memory_space<hbm>>) target(%dma_start3A_480 : memref<1152xf32, #tpu.memory_space<vmem>>) target_semaphore(%arg7 : memref<!tpu.dma_semaphore, #tpu.memory_space<semaphore_mem>>)
    %dma_start3A_483 = arith.constant 25 : i32
    %dma_start3A_484 = arith.constant 28800 : i32
    %dma_start3A_485 = tpu.memref_slice %arg4[%dma_start3A_484] : memref<36864xf32, #tpu.memory_space<vmem>> -> memref<1152xf32, #tpu.memory_space<vmem>>
    %dma_start3A_486 = tpu.memref_slice %arg2[%dma_start3A_483, %add3A_258] : memref<32x1024000xf32, #tpu.memory_space<hbm>> -> memref<1x1152xf32, #tpu.memory_space<hbm>>
    %dma_start3A_487 = tpu.memref_squeeze %dma_start3A_486 : memref<1x1152xf32, #tpu.memory_space<hbm>> -> memref<1152xf32, #tpu.memory_space<hbm>>
    %dma_start3A_488 = arith.constant 28800 : i32
    %dma_start3A_489 = tpu.memref_slice %arg4[%dma_start3A_488] : memref<36864xf32, #tpu.memory_space<vmem>> -> memref<1152xf32, #tpu.memory_space<vmem>>
    %dma_start3A_490 = tpu.memref_slice %arg2[%dma_start3A_483, %add3A_258] : memref<32x1024000xf32, #tpu.memory_space<hbm>> -> memref<1x1152xf32, #tpu.memory_space<hbm>>
    %dma_start3A_491 = tpu.memref_squeeze %dma_start3A_490 : memref<1x1152xf32, #tpu.memory_space<hbm>> -> memref<1152xf32, #tpu.memory_space<hbm>>
    tpu.enqueue_dma source(%dma_start3A_491 : memref<1152xf32, #tpu.memory_space<hbm>>) target(%dma_start3A_489 : memref<1152xf32, #tpu.memory_space<vmem>>) target_semaphore(%arg7 : memref<!tpu.dma_semaphore, #tpu.memory_space<semaphore_mem>>)
    %dma_start3A_492 = arith.constant 26 : i32
    %dma_start3A_493 = arith.constant 29952 : i32
    %dma_start3A_494 = tpu.memref_slice %arg4[%dma_start3A_493] : memref<36864xf32, #tpu.memory_space<vmem>> -> memref<1152xf32, #tpu.memory_space<vmem>>
    %dma_start3A_495 = tpu.memref_slice %arg2[%dma_start3A_492, %add3A_258] : memref<32x1024000xf32, #tpu.memory_space<hbm>> -> memref<1x1152xf32, #tpu.memory_space<hbm>>
    %dma_start3A_496 = tpu.memref_squeeze %dma_start3A_495 : memref<1x1152xf32, #tpu.memory_space<hbm>> -> memref<1152xf32, #tpu.memory_space<hbm>>
    %dma_start3A_497 = arith.constant 29952 : i32
    %dma_start3A_498 = tpu.memref_slice %arg4[%dma_start3A_497] : memref<36864xf32, #tpu.memory_space<vmem>> -> memref<1152xf32, #tpu.memory_space<vmem>>
    %dma_start3A_499 = tpu.memref_slice %arg2[%dma_start3A_492, %add3A_258] : memref<32x1024000xf32, #tpu.memory_space<hbm>> -> memref<1x1152xf32, #tpu.memory_space<hbm>>
    %dma_start3A_500 = tpu.memref_squeeze %dma_start3A_499 : memref<1x1152xf32, #tpu.memory_space<hbm>> -> memref<1152xf32, #tpu.memory_space<hbm>>
    tpu.enqueue_dma source(%dma_start3A_500 : memref<1152xf32, #tpu.memory_space<hbm>>) target(%dma_start3A_498 : memref<1152xf32, #tpu.memory_space<vmem>>) target_semaphore(%arg7 : memref<!tpu.dma_semaphore, #tpu.memory_space<semaphore_mem>>)
    %dma_start3A_501 = arith.constant 27 : i32
    %dma_start3A_502 = arith.constant 31104 : i32
    %dma_start3A_503 = tpu.memref_slice %arg4[%dma_start3A_502] : memref<36864xf32, #tpu.memory_space<vmem>> -> memref<1152xf32, #tpu.memory_space<vmem>>
    %dma_start3A_504 = tpu.memref_slice %arg2[%dma_start3A_501, %add3A_258] : memref<32x1024000xf32, #tpu.memory_space<hbm>> -> memref<1x1152xf32, #tpu.memory_space<hbm>>
    %dma_start3A_505 = tpu.memref_squeeze %dma_start3A_504 : memref<1x1152xf32, #tpu.memory_space<hbm>> -> memref<1152xf32, #tpu.memory_space<hbm>>
    %dma_start3A_506 = arith.constant 31104 : i32
    %dma_start3A_507 = tpu.memref_slice %arg4[%dma_start3A_506] : memref<36864xf32, #tpu.memory_space<vmem>> -> memref<1152xf32, #tpu.memory_space<vmem>>
    %dma_start3A_508 = tpu.memref_slice %arg2[%dma_start3A_501, %add3A_258] : memref<32x1024000xf32, #tpu.memory_space<hbm>> -> memref<1x1152xf32, #tpu.memory_space<hbm>>
    %dma_start3A_509 = tpu.memref_squeeze %dma_start3A_508 : memref<1x1152xf32, #tpu.memory_space<hbm>> -> memref<1152xf32, #tpu.memory_space<hbm>>
    tpu.enqueue_dma source(%dma_start3A_509 : memref<1152xf32, #tpu.memory_space<hbm>>) target(%dma_start3A_507 : memref<1152xf32, #tpu.memory_space<vmem>>) target_semaphore(%arg7 : memref<!tpu.dma_semaphore, #tpu.memory_space<semaphore_mem>>)
    %dma_start3A_510 = arith.constant 28 : i32
    %dma_start3A_511 = arith.constant 32256 : i32
    %dma_start3A_512 = tpu.memref_slice %arg4[%dma_start3A_511] : memref<36864xf32, #tpu.memory_space<vmem>> -> memref<1152xf32, #tpu.memory_space<vmem>>
    %dma_start3A_513 = tpu.memref_slice %arg2[%dma_start3A_510, %add3A_258] : memref<32x1024000xf32, #tpu.memory_space<hbm>> -> memref<1x1152xf32, #tpu.memory_space<hbm>>
    %dma_start3A_514 = tpu.memref_squeeze %dma_start3A_513 : memref<1x1152xf32, #tpu.memory_space<hbm>> -> memref<1152xf32, #tpu.memory_space<hbm>>
    %dma_start3A_515 = arith.constant 32256 : i32
    %dma_start3A_516 = tpu.memref_slice %arg4[%dma_start3A_515] : memref<36864xf32, #tpu.memory_space<vmem>> -> memref<1152xf32, #tpu.memory_space<vmem>>
    %dma_start3A_517 = tpu.memref_slice %arg2[%dma_start3A_510, %add3A_258] : memref<32x1024000xf32, #tpu.memory_space<hbm>> -> memref<1x1152xf32, #tpu.memory_space<hbm>>
    %dma_start3A_518 = tpu.memref_squeeze %dma_start3A_517 : memref<1x1152xf32, #tpu.memory_space<hbm>> -> memref<1152xf32, #tpu.memory_space<hbm>>
    tpu.enqueue_dma source(%dma_start3A_518 : memref<1152xf32, #tpu.memory_space<hbm>>) target(%dma_start3A_516 : memref<1152xf32, #tpu.memory_space<vmem>>) target_semaphore(%arg7 : memref<!tpu.dma_semaphore, #tpu.memory_space<semaphore_mem>>)
    %dma_start3A_519 = arith.constant 29 : i32
    %dma_start3A_520 = arith.constant 33408 : i32
    %dma_start3A_521 = tpu.memref_slice %arg4[%dma_start3A_520] : memref<36864xf32, #tpu.memory_space<vmem>> -> memref<1152xf32, #tpu.memory_space<vmem>>
    %dma_start3A_522 = tpu.memref_slice %arg2[%dma_start3A_519, %add3A_258] : memref<32x1024000xf32, #tpu.memory_space<hbm>> -> memref<1x1152xf32, #tpu.memory_space<hbm>>
    %dma_start3A_523 = tpu.memref_squeeze %dma_start3A_522 : memref<1x1152xf32, #tpu.memory_space<hbm>> -> memref<1152xf32, #tpu.memory_space<hbm>>
    %dma_start3A_524 = arith.constant 33408 : i32
    %dma_start3A_525 = tpu.memref_slice %arg4[%dma_start3A_524] : memref<36864xf32, #tpu.memory_space<vmem>> -> memref<1152xf32, #tpu.memory_space<vmem>>
    %dma_start3A_526 = tpu.memref_slice %arg2[%dma_start3A_519, %add3A_258] : memref<32x1024000xf32, #tpu.memory_space<hbm>> -> memref<1x1152xf32, #tpu.memory_space<hbm>>
    %dma_start3A_527 = tpu.memref_squeeze %dma_start3A_526 : memref<1x1152xf32, #tpu.memory_space<hbm>> -> memref<1152xf32, #tpu.memory_space<hbm>>
    tpu.enqueue_dma source(%dma_start3A_527 : memref<1152xf32, #tpu.memory_space<hbm>>) target(%dma_start3A_525 : memref<1152xf32, #tpu.memory_space<vmem>>) target_semaphore(%arg7 : memref<!tpu.dma_semaphore, #tpu.memory_space<semaphore_mem>>)
    %dma_start3A_528 = arith.constant 30 : i32
    %dma_start3A_529 = arith.constant 34560 : i32
    %dma_start3A_530 = tpu.memref_slice %arg4[%dma_start3A_529] : memref<36864xf32, #tpu.memory_space<vmem>> -> memref<1152xf32, #tpu.memory_space<vmem>>
    %dma_start3A_531 = tpu.memref_slice %arg2[%dma_start3A_528, %add3A_258] : memref<32x1024000xf32, #tpu.memory_space<hbm>> -> memref<1x1152xf32, #tpu.memory_space<hbm>>
    %dma_start3A_532 = tpu.memref_squeeze %dma_start3A_531 : memref<1x1152xf32, #tpu.memory_space<hbm>> -> memref<1152xf32, #tpu.memory_space<hbm>>
    %dma_start3A_533 = arith.constant 34560 : i32
    %dma_start3A_534 = tpu.memref_slice %arg4[%dma_start3A_533] : memref<36864xf32, #tpu.memory_space<vmem>> -> memref<1152xf32, #tpu.memory_space<vmem>>
    %dma_start3A_535 = tpu.memref_slice %arg2[%dma_start3A_528, %add3A_258] : memref<32x1024000xf32, #tpu.memory_space<hbm>> -> memref<1x1152xf32, #tpu.memory_space<hbm>>
    %dma_start3A_536 = tpu.memref_squeeze %dma_start3A_535 : memref<1x1152xf32, #tpu.memory_space<hbm>> -> memref<1152xf32, #tpu.memory_space<hbm>>
    tpu.enqueue_dma source(%dma_start3A_536 : memref<1152xf32, #tpu.memory_space<hbm>>) target(%dma_start3A_534 : memref<1152xf32, #tpu.memory_space<vmem>>) target_semaphore(%arg7 : memref<!tpu.dma_semaphore, #tpu.memory_space<semaphore_mem>>)
    %dma_start3A_537 = arith.constant 31 : i32
    %dma_start3A_538 = arith.constant 35712 : i32
    %dma_start3A_539 = tpu.memref_slice %arg4[%dma_start3A_538] : memref<36864xf32, #tpu.memory_space<vmem>> -> memref<1152xf32, #tpu.memory_space<vmem>>
    %dma_start3A_540 = tpu.memref_slice %arg2[%dma_start3A_537, %add3A_258] : memref<32x1024000xf32, #tpu.memory_space<hbm>> -> memref<1x1152xf32, #tpu.memory_space<hbm>>
    %dma_start3A_541 = tpu.memref_squeeze %dma_start3A_540 : memref<1x1152xf32, #tpu.memory_space<hbm>> -> memref<1152xf32, #tpu.memory_space<hbm>>
    %dma_start3A_542 = arith.constant 35712 : i32
    %dma_start3A_543 = tpu.memref_slice %arg4[%dma_start3A_542] : memref<36864xf32, #tpu.memory_space<vmem>> -> memref<1152xf32, #tpu.memory_space<vmem>>
    %dma_start3A_544 = tpu.memref_slice %arg2[%dma_start3A_537, %add3A_258] : memref<32x1024000xf32, #tpu.memory_space<hbm>> -> memref<1x1152xf32, #tpu.memory_space<hbm>>
    %dma_start3A_545 = tpu.memref_squeeze %dma_start3A_544 : memref<1x1152xf32, #tpu.memory_space<hbm>> -> memref<1152xf32, #tpu.memory_space<hbm>>
    tpu.enqueue_dma source(%dma_start3A_545 : memref<1152xf32, #tpu.memory_space<hbm>>) target(%dma_start3A_543 : memref<1152xf32, #tpu.memory_space<vmem>>) target_semaphore(%arg7 : memref<!tpu.dma_semaphore, #tpu.memory_space<semaphore_mem>>)
    %min3A_546 = arith.constant 7 : i32
    %min3A_547 = arith.constant 241 : i32
    %min3A_548 = arith.minsi %min3A_546, %min3A_547 : i32
    %mul3A_549 = arith.constant 128 : i32
    %mul3A_550 = arith.muli %min3A_548, %mul3A_549 : i32
    %add3A_551 = arith.addi %mul3A_2, %mul3A_550 : i32
    %dma_start3A_552 = arith.constant 0 : i32
    %dma_start3A_553 = arith.constant 0 : i32
    %dma_start3A_554 = tpu.memref_slice %arg5[%dma_start3A_553] : memref<36864xf32, #tpu.memory_space<vmem>> -> memref<1152xf32, #tpu.memory_space<vmem>>
    %dma_start3A_555 = tpu.memref_slice %arg2[%dma_start3A_552, %add3A_551] : memref<32x1024000xf32, #tpu.memory_space<hbm>> -> memref<1x1152xf32, #tpu.memory_space<hbm>>
    %dma_start3A_556 = tpu.memref_squeeze %dma_start3A_555 : memref<1x1152xf32, #tpu.memory_space<hbm>> -> memref<1152xf32, #tpu.memory_space<hbm>>
    %dma_start3A_557 = arith.constant 0 : i32
    %dma_start3A_558 = tpu.memref_slice %arg5[%dma_start3A_557] : memref<36864xf32, #tpu.memory_space<vmem>> -> memref<1152xf32, #tpu.memory_space<vmem>>
    %dma_start3A_559 = tpu.memref_slice %arg2[%dma_start3A_552, %add3A_551] : memref<32x1024000xf32, #tpu.memory_space<hbm>> -> memref<1x1152xf32, #tpu.memory_space<hbm>>
    %dma_start3A_560 = tpu.memref_squeeze %dma_start3A_559 : memref<1x1152xf32, #tpu.memory_space<hbm>> -> memref<1152xf32, #tpu.memory_space<hbm>>
    tpu.enqueue_dma source(%dma_start3A_560 : memref<1152xf32, #tpu.memory_space<hbm>>) target(%dma_start3A_558 : memref<1152xf32, #tpu.memory_space<vmem>>) target_semaphore(%arg8 : memref<!tpu.dma_semaphore, #tpu.memory_space<semaphore_mem>>)
    %dma_start3A_561 = arith.constant 1 : i32
    %dma_start3A_562 = arith.constant 1152 : i32
    %dma_start3A_563 = tpu.memref_slice %arg5[%dma_start3A_562] : memref<36864xf32, #tpu.memory_space<vmem>> -> memref<1152xf32, #tpu.memory_space<vmem>>
    %dma_start3A_564 = tpu.memref_slice %arg2[%dma_start3A_561, %add3A_551] : memref<32x1024000xf32, #tpu.memory_space<hbm>> -> memref<1x1152xf32, #tpu.memory_space<hbm>>
    %dma_start3A_565 = tpu.memref_squeeze %dma_start3A_564 : memref<1x1152xf32, #tpu.memory_space<hbm>> -> memref<1152xf32, #tpu.memory_space<hbm>>
    %dma_start3A_566 = arith.constant 1152 : i32
    %dma_start3A_567 = tpu.memref_slice %arg5[%dma_start3A_566] : memref<36864xf32, #tpu.memory_space<vmem>> -> memref<1152xf32, #tpu.memory_space<vmem>>
    %dma_start3A_568 = tpu.memref_slice %arg2[%dma_start3A_561, %add3A_551] : memref<32x1024000xf32, #tpu.memory_space<hbm>> -> memref<1x1152xf32, #tpu.memory_space<hbm>>
    %dma_start3A_569 = tpu.memref_squeeze %dma_start3A_568 : memref<1x1152xf32, #tpu.memory_space<hbm>> -> memref<1152xf32, #tpu.memory_space<hbm>>
    tpu.enqueue_dma source(%dma_start3A_569 : memref<1152xf32, #tpu.memory_space<hbm>>) target(%dma_start3A_567 : memref<1152xf32, #tpu.memory_space<vmem>>) target_semaphore(%arg8 : memref<!tpu.dma_semaphore, #tpu.memory_space<semaphore_mem>>)
    %dma_start3A_570 = arith.constant 2 : i32
    %dma_start3A_571 = arith.constant 2304 : i32
    %dma_start3A_572 = tpu.memref_slice %arg5[%dma_start3A_571] : memref<36864xf32, #tpu.memory_space<vmem>> -> memref<1152xf32, #tpu.memory_space<vmem>>
    %dma_start3A_573 = tpu.memref_slice %arg2[%dma_start3A_570, %add3A_551] : memref<32x1024000xf32, #tpu.memory_space<hbm>> -> memref<1x1152xf32, #tpu.memory_space<hbm>>
    %dma_start3A_574 = tpu.memref_squeeze %dma_start3A_573 : memref<1x1152xf32, #tpu.memory_space<hbm>> -> memref<1152xf32, #tpu.memory_space<hbm>>
    %dma_start3A_575 = arith.constant 2304 : i32
    %dma_start3A_576 = tpu.memref_slice %arg5[%dma_start3A_575] : memref<36864xf32, #tpu.memory_space<vmem>> -> memref<1152xf32, #tpu.memory_space<vmem>>
    %dma_start3A_577 = tpu.memref_slice %arg2[%dma_start3A_570, %add3A_551] : memref<32x1024000xf32, #tpu.memory_space<hbm>> -> memref<1x1152xf32, #tpu.memory_space<hbm>>
    %dma_start3A_578 = tpu.memref_squeeze %dma_start3A_577 : memref<1x1152xf32, #tpu.memory_space<hbm>> -> memref<1152xf32, #tpu.memory_space<hbm>>
    tpu.enqueue_dma source(%dma_start3A_578 : memref<1152xf32, #tpu.memory_space<hbm>>) target(%dma_start3A_576 : memref<1152xf32, #tpu.memory_space<vmem>>) target_semaphore(%arg8 : memref<!tpu.dma_semaphore, #tpu.memory_space<semaphore_mem>>)
    %dma_start3A_579 = arith.constant 3 : i32
    %dma_start3A_580 = arith.constant 3456 : i32
    %dma_start3A_581 = tpu.memref_slice %arg5[%dma_start3A_580] : memref<36864xf32, #tpu.memory_space<vmem>> -> memref<1152xf32, #tpu.memory_space<vmem>>
    %dma_start3A_582 = tpu.memref_slice %arg2[%dma_start3A_579, %add3A_551] : memref<32x1024000xf32, #tpu.memory_space<hbm>> -> memref<1x1152xf32, #tpu.memory_space<hbm>>
    %dma_start3A_583 = tpu.memref_squeeze %dma_start3A_582 : memref<1x1152xf32, #tpu.memory_space<hbm>> -> memref<1152xf32, #tpu.memory_space<hbm>>
    %dma_start3A_584 = arith.constant 3456 : i32
    %dma_start3A_585 = tpu.memref_slice %arg5[%dma_start3A_584] : memref<36864xf32, #tpu.memory_space<vmem>> -> memref<1152xf32, #tpu.memory_space<vmem>>
    %dma_start3A_586 = tpu.memref_slice %arg2[%dma_start3A_579, %add3A_551] : memref<32x1024000xf32, #tpu.memory_space<hbm>> -> memref<1x1152xf32, #tpu.memory_space<hbm>>
    %dma_start3A_587 = tpu.memref_squeeze %dma_start3A_586 : memref<1x1152xf32, #tpu.memory_space<hbm>> -> memref<1152xf32, #tpu.memory_space<hbm>>
    tpu.enqueue_dma source(%dma_start3A_587 : memref<1152xf32, #tpu.memory_space<hbm>>) target(%dma_start3A_585 : memref<1152xf32, #tpu.memory_space<vmem>>) target_semaphore(%arg8 : memref<!tpu.dma_semaphore, #tpu.memory_space<semaphore_mem>>)
    %dma_start3A_588 = arith.constant 4 : i32
    %dma_start3A_589 = arith.constant 4608 : i32
    %dma_start3A_590 = tpu.memref_slice %arg5[%dma_start3A_589] : memref<36864xf32, #tpu.memory_space<vmem>> -> memref<1152xf32, #tpu.memory_space<vmem>>
    %dma_start3A_591 = tpu.memref_slice %arg2[%dma_start3A_588, %add3A_551] : memref<32x1024000xf32, #tpu.memory_space<hbm>> -> memref<1x1152xf32, #tpu.memory_space<hbm>>
    %dma_start3A_592 = tpu.memref_squeeze %dma_start3A_591 : memref<1x1152xf32, #tpu.memory_space<hbm>> -> memref<1152xf32, #tpu.memory_space<hbm>>
    %dma_start3A_593 = arith.constant 4608 : i32
    %dma_start3A_594 = tpu.memref_slice %arg5[%dma_start3A_593] : memref<36864xf32, #tpu.memory_space<vmem>> -> memref<1152xf32, #tpu.memory_space<vmem>>
    %dma_start3A_595 = tpu.memref_slice %arg2[%dma_start3A_588, %add3A_551] : memref<32x1024000xf32, #tpu.memory_space<hbm>> -> memref<1x1152xf32, #tpu.memory_space<hbm>>
    %dma_start3A_596 = tpu.memref_squeeze %dma_start3A_595 : memref<1x1152xf32, #tpu.memory_space<hbm>> -> memref<1152xf32, #tpu.memory_space<hbm>>
    tpu.enqueue_dma source(%dma_start3A_596 : memref<1152xf32, #tpu.memory_space<hbm>>) target(%dma_start3A_594 : memref<1152xf32, #tpu.memory_space<vmem>>) target_semaphore(%arg8 : memref<!tpu.dma_semaphore, #tpu.memory_space<semaphore_mem>>)
    %dma_start3A_597 = arith.constant 5 : i32
    %dma_start3A_598 = arith.constant 5760 : i32
    %dma_start3A_599 = tpu.memref_slice %arg5[%dma_start3A_598] : memref<36864xf32, #tpu.memory_space<vmem>> -> memref<1152xf32, #tpu.memory_space<vmem>>
    %dma_start3A_600 = tpu.memref_slice %arg2[%dma_start3A_597, %add3A_551] : memref<32x1024000xf32, #tpu.memory_space<hbm>> -> memref<1x1152xf32, #tpu.memory_space<hbm>>
    %dma_start3A_601 = tpu.memref_squeeze %dma_start3A_600 : memref<1x1152xf32, #tpu.memory_space<hbm>> -> memref<1152xf32, #tpu.memory_space<hbm>>
    %dma_start3A_602 = arith.constant 5760 : i32
    %dma_start3A_603 = tpu.memref_slice %arg5[%dma_start3A_602] : memref<36864xf32, #tpu.memory_space<vmem>> -> memref<1152xf32, #tpu.memory_space<vmem>>
    %dma_start3A_604 = tpu.memref_slice %arg2[%dma_start3A_597, %add3A_551] : memref<32x1024000xf32, #tpu.memory_space<hbm>> -> memref<1x1152xf32, #tpu.memory_space<hbm>>
    %dma_start3A_605 = tpu.memref_squeeze %dma_start3A_604 : memref<1x1152xf32, #tpu.memory_space<hbm>> -> memref<1152xf32, #tpu.memory_space<hbm>>
    tpu.enqueue_dma source(%dma_start3A_605 : memref<1152xf32, #tpu.memory_space<hbm>>) target(%dma_start3A_603 : memref<1152xf32, #tpu.memory_space<vmem>>) target_semaphore(%arg8 : memref<!tpu.dma_semaphore, #tpu.memory_space<semaphore_mem>>)
    %dma_start3A_606 = arith.constant 6 : i32
    %dma_start3A_607 = arith.constant 6912 : i32
    %dma_start3A_608 = tpu.memref_slice %arg5[%dma_start3A_607] : memref<36864xf32, #tpu.memory_space<vmem>> -> memref<1152xf32, #tpu.memory_space<vmem>>
    %dma_start3A_609 = tpu.memref_slice %arg2[%dma_start3A_606, %add3A_551] : memref<32x1024000xf32, #tpu.memory_space<hbm>> -> memref<1x1152xf32, #tpu.memory_space<hbm>>
    %dma_start3A_610 = tpu.memref_squeeze %dma_start3A_609 : memref<1x1152xf32, #tpu.memory_space<hbm>> -> memref<1152xf32, #tpu.memory_space<hbm>>
    %dma_start3A_611 = arith.constant 6912 : i32
    %dma_start3A_612 = tpu.memref_slice %arg5[%dma_start3A_611] : memref<36864xf32, #tpu.memory_space<vmem>> -> memref<1152xf32, #tpu.memory_space<vmem>>
    %dma_start3A_613 = tpu.memref_slice %arg2[%dma_start3A_606, %add3A_551] : memref<32x1024000xf32, #tpu.memory_space<hbm>> -> memref<1x1152xf32, #tpu.memory_space<hbm>>
    %dma_start3A_614 = tpu.memref_squeeze %dma_start3A_613 : memref<1x1152xf32, #tpu.memory_space<hbm>> -> memref<1152xf32, #tpu.memory_space<hbm>>
    tpu.enqueue_dma source(%dma_start3A_614 : memref<1152xf32, #tpu.memory_space<hbm>>) target(%dma_start3A_612 : memref<1152xf32, #tpu.memory_space<vmem>>) target_semaphore(%arg8 : memref<!tpu.dma_semaphore, #tpu.memory_space<semaphore_mem>>)
    %dma_start3A_615 = arith.constant 7 : i32
    %dma_start3A_616 = arith.constant 8064 : i32
    %dma_start3A_617 = tpu.memref_slice %arg5[%dma_start3A_616] : memref<36864xf32, #tpu.memory_space<vmem>> -> memref<1152xf32, #tpu.memory_space<vmem>>
    %dma_start3A_618 = tpu.memref_slice %arg2[%dma_start3A_615, %add3A_551] : memref<32x1024000xf32, #tpu.memory_space<hbm>> -> memref<1x1152xf32, #tpu.memory_space<hbm>>
    %dma_start3A_619 = tpu.memref_squeeze %dma_start3A_618 : memref<1x1152xf32, #tpu.memory_space<hbm>> -> memref<1152xf32, #tpu.memory_space<hbm>>
    %dma_start3A_620 = arith.constant 8064 : i32
    %dma_start3A_621 = tpu.memref_slice %arg5[%dma_start3A_620] : memref<36864xf32, #tpu.memory_space<vmem>> -> memref<1152xf32, #tpu.memory_space<vmem>>
    %dma_start3A_622 = tpu.memref_slice %arg2[%dma_start3A_615, %add3A_551] : memref<32x1024000xf32, #tpu.memory_space<hbm>> -> memref<1x1152xf32, #tpu.memory_space<hbm>>
    %dma_start3A_623 = tpu.memref_squeeze %dma_start3A_622 : memref<1x1152xf32, #tpu.memory_space<hbm>> -> memref<1152xf32, #tpu.memory_space<hbm>>
    tpu.enqueue_dma source(%dma_start3A_623 : memref<1152xf32, #tpu.memory_space<hbm>>) target(%dma_start3A_621 : memref<1152xf32, #tpu.memory_space<vmem>>) target_semaphore(%arg8 : memref<!tpu.dma_semaphore, #tpu.memory_space<semaphore_mem>>)
    %dma_start3A_624 = arith.constant 8 : i32
    %dma_start3A_625 = arith.constant 9216 : i32
    %dma_start3A_626 = tpu.memref_slice %arg5[%dma_start3A_625] : memref<36864xf32, #tpu.memory_space<vmem>> -> memref<1152xf32, #tpu.memory_space<vmem>>
    %dma_start3A_627 = tpu.memref_slice %arg2[%dma_start3A_624, %add3A_551] : memref<32x1024000xf32, #tpu.memory_space<hbm>> -> memref<1x1152xf32, #tpu.memory_space<hbm>>
    %dma_start3A_628 = tpu.memref_squeeze %dma_start3A_627 : memref<1x1152xf32, #tpu.memory_space<hbm>> -> memref<1152xf32, #tpu.memory_space<hbm>>
    %dma_start3A_629 = arith.constant 9216 : i32
    %dma_start3A_630 = tpu.memref_slice %arg5[%dma_start3A_629] : memref<36864xf32, #tpu.memory_space<vmem>> -> memref<1152xf32, #tpu.memory_space<vmem>>
    %dma_start3A_631 = tpu.memref_slice %arg2[%dma_start3A_624, %add3A_551] : memref<32x1024000xf32, #tpu.memory_space<hbm>> -> memref<1x1152xf32, #tpu.memory_space<hbm>>
    %dma_start3A_632 = tpu.memref_squeeze %dma_start3A_631 : memref<1x1152xf32, #tpu.memory_space<hbm>> -> memref<1152xf32, #tpu.memory_space<hbm>>
    tpu.enqueue_dma source(%dma_start3A_632 : memref<1152xf32, #tpu.memory_space<hbm>>) target(%dma_start3A_630 : memref<1152xf32, #tpu.memory_space<vmem>>) target_semaphore(%arg8 : memref<!tpu.dma_semaphore, #tpu.memory_space<semaphore_mem>>)
    %dma_start3A_633 = arith.constant 9 : i32
    %dma_start3A_634 = arith.constant 10368 : i32
    %dma_start3A_635 = tpu.memref_slice %arg5[%dma_start3A_634] : memref<36864xf32, #tpu.memory_space<vmem>> -> memref<1152xf32, #tpu.memory_space<vmem>>
    %dma_start3A_636 = tpu.memref_slice %arg2[%dma_start3A_633, %add3A_551] : memref<32x1024000xf32, #tpu.memory_space<hbm>> -> memref<1x1152xf32, #tpu.memory_space<hbm>>
    %dma_start3A_637 = tpu.memref_squeeze %dma_start3A_636 : memref<1x1152xf32, #tpu.memory_space<hbm>> -> memref<1152xf32, #tpu.memory_space<hbm>>
    %dma_start3A_638 = arith.constant 10368 : i32
    %dma_start3A_639 = tpu.memref_slice %arg5[%dma_start3A_638] : memref<36864xf32, #tpu.memory_space<vmem>> -> memref<1152xf32, #tpu.memory_space<vmem>>
    %dma_start3A_640 = tpu.memref_slice %arg2[%dma_start3A_633, %add3A_551] : memref<32x1024000xf32, #tpu.memory_space<hbm>> -> memref<1x1152xf32, #tpu.memory_space<hbm>>
    %dma_start3A_641 = tpu.memref_squeeze %dma_start3A_640 : memref<1x1152xf32, #tpu.memory_space<hbm>> -> memref<1152xf32, #tpu.memory_space<hbm>>
    tpu.enqueue_dma source(%dma_start3A_641 : memref<1152xf32, #tpu.memory_space<hbm>>) target(%dma_start3A_639 : memref<1152xf32, #tpu.memory_space<vmem>>) target_semaphore(%arg8 : memref<!tpu.dma_semaphore, #tpu.memory_space<semaphore_mem>>)
    %dma_start3A_642 = arith.constant 10 : i32
    %dma_start3A_643 = arith.constant 11520 : i32
    %dma_start3A_644 = tpu.memref_slice %arg5[%dma_start3A_643] : memref<36864xf32, #tpu.memory_space<vmem>> -> memref<1152xf32, #tpu.memory_space<vmem>>
    %dma_start3A_645 = tpu.memref_slice %arg2[%dma_start3A_642, %add3A_551] : memref<32x1024000xf32, #tpu.memory_space<hbm>> -> memref<1x1152xf32, #tpu.memory_space<hbm>>
    %dma_start3A_646 = tpu.memref_squeeze %dma_start3A_645 : memref<1x1152xf32, #tpu.memory_space<hbm>> -> memref<1152xf32, #tpu.memory_space<hbm>>
    %dma_start3A_647 = arith.constant 11520 : i32
    %dma_start3A_648 = tpu.memref_slice %arg5[%dma_start3A_647] : memref<36864xf32, #tpu.memory_space<vmem>> -> memref<1152xf32, #tpu.memory_space<vmem>>
    %dma_start3A_649 = tpu.memref_slice %arg2[%dma_start3A_642, %add3A_551] : memref<32x1024000xf32, #tpu.memory_space<hbm>> -> memref<1x1152xf32, #tpu.memory_space<hbm>>
    %dma_start3A_650 = tpu.memref_squeeze %dma_start3A_649 : memref<1x1152xf32, #tpu.memory_space<hbm>> -> memref<1152xf32, #tpu.memory_space<hbm>>
    tpu.enqueue_dma source(%dma_start3A_650 : memref<1152xf32, #tpu.memory_space<hbm>>) target(%dma_start3A_648 : memref<1152xf32, #tpu.memory_space<vmem>>) target_semaphore(%arg8 : memref<!tpu.dma_semaphore, #tpu.memory_space<semaphore_mem>>)
    %dma_start3A_651 = arith.constant 11 : i32
    %dma_start3A_652 = arith.constant 12672 : i32
    %dma_start3A_653 = tpu.memref_slice %arg5[%dma_start3A_652] : memref<36864xf32, #tpu.memory_space<vmem>> -> memref<1152xf32, #tpu.memory_space<vmem>>
    %dma_start3A_654 = tpu.memref_slice %arg2[%dma_start3A_651, %add3A_551] : memref<32x1024000xf32, #tpu.memory_space<hbm>> -> memref<1x1152xf32, #tpu.memory_space<hbm>>
    %dma_start3A_655 = tpu.memref_squeeze %dma_start3A_654 : memref<1x1152xf32, #tpu.memory_space<hbm>> -> memref<1152xf32, #tpu.memory_space<hbm>>
    %dma_start3A_656 = arith.constant 12672 : i32
    %dma_start3A_657 = tpu.memref_slice %arg5[%dma_start3A_656] : memref<36864xf32, #tpu.memory_space<vmem>> -> memref<1152xf32, #tpu.memory_space<vmem>>
    %dma_start3A_658 = tpu.memref_slice %arg2[%dma_start3A_651, %add3A_551] : memref<32x1024000xf32, #tpu.memory_space<hbm>> -> memref<1x1152xf32, #tpu.memory_space<hbm>>
    %dma_start3A_659 = tpu.memref_squeeze %dma_start3A_658 : memref<1x1152xf32, #tpu.memory_space<hbm>> -> memref<1152xf32, #tpu.memory_space<hbm>>
    tpu.enqueue_dma source(%dma_start3A_659 : memref<1152xf32, #tpu.memory_space<hbm>>) target(%dma_start3A_657 : memref<1152xf32, #tpu.memory_space<vmem>>) target_semaphore(%arg8 : memref<!tpu.dma_semaphore, #tpu.memory_space<semaphore_mem>>)
    %dma_start3A_660 = arith.constant 12 : i32
    %dma_start3A_661 = arith.constant 13824 : i32
    %dma_start3A_662 = tpu.memref_slice %arg5[%dma_start3A_661] : memref<36864xf32, #tpu.memory_space<vmem>> -> memref<1152xf32, #tpu.memory_space<vmem>>
    %dma_start3A_663 = tpu.memref_slice %arg2[%dma_start3A_660, %add3A_551] : memref<32x1024000xf32, #tpu.memory_space<hbm>> -> memref<1x1152xf32, #tpu.memory_space<hbm>>
    %dma_start3A_664 = tpu.memref_squeeze %dma_start3A_663 : memref<1x1152xf32, #tpu.memory_space<hbm>> -> memref<1152xf32, #tpu.memory_space<hbm>>
    %dma_start3A_665 = arith.constant 13824 : i32
    %dma_start3A_666 = tpu.memref_slice %arg5[%dma_start3A_665] : memref<36864xf32, #tpu.memory_space<vmem>> -> memref<1152xf32, #tpu.memory_space<vmem>>
    %dma_start3A_667 = tpu.memref_slice %arg2[%dma_start3A_660, %add3A_551] : memref<32x1024000xf32, #tpu.memory_space<hbm>> -> memref<1x1152xf32, #tpu.memory_space<hbm>>
    %dma_start3A_668 = tpu.memref_squeeze %dma_start3A_667 : memref<1x1152xf32, #tpu.memory_space<hbm>> -> memref<1152xf32, #tpu.memory_space<hbm>>
    tpu.enqueue_dma source(%dma_start3A_668 : memref<1152xf32, #tpu.memory_space<hbm>>) target(%dma_start3A_666 : memref<1152xf32, #tpu.memory_space<vmem>>) target_semaphore(%arg8 : memref<!tpu.dma_semaphore, #tpu.memory_space<semaphore_mem>>)
    %dma_start3A_669 = arith.constant 13 : i32
    %dma_start3A_670 = arith.constant 14976 : i32
    %dma_start3A_671 = tpu.memref_slice %arg5[%dma_start3A_670] : memref<36864xf32, #tpu.memory_space<vmem>> -> memref<1152xf32, #tpu.memory_space<vmem>>
    %dma_start3A_672 = tpu.memref_slice %arg2[%dma_start3A_669, %add3A_551] : memref<32x1024000xf32, #tpu.memory_space<hbm>> -> memref<1x1152xf32, #tpu.memory_space<hbm>>
    %dma_start3A_673 = tpu.memref_squeeze %dma_start3A_672 : memref<1x1152xf32, #tpu.memory_space<hbm>> -> memref<1152xf32, #tpu.memory_space<hbm>>
    %dma_start3A_674 = arith.constant 14976 : i32
    %dma_start3A_675 = tpu.memref_slice %arg5[%dma_start3A_674] : memref<36864xf32, #tpu.memory_space<vmem>> -> memref<1152xf32, #tpu.memory_space<vmem>>
    %dma_start3A_676 = tpu.memref_slice %arg2[%dma_start3A_669, %add3A_551] : memref<32x1024000xf32, #tpu.memory_space<hbm>> -> memref<1x1152xf32, #tpu.memory_space<hbm>>
    %dma_start3A_677 = tpu.memref_squeeze %dma_start3A_676 : memref<1x1152xf32, #tpu.memory_space<hbm>> -> memref<1152xf32, #tpu.memory_space<hbm>>
    tpu.enqueue_dma source(%dma_start3A_677 : memref<1152xf32, #tpu.memory_space<hbm>>) target(%dma_start3A_675 : memref<1152xf32, #tpu.memory_space<vmem>>) target_semaphore(%arg8 : memref<!tpu.dma_semaphore, #tpu.memory_space<semaphore_mem>>)
    %dma_start3A_678 = arith.constant 14 : i32
    %dma_start3A_679 = arith.constant 16128 : i32
    %dma_start3A_680 = tpu.memref_slice %arg5[%dma_start3A_679] : memref<36864xf32, #tpu.memory_space<vmem>> -> memref<1152xf32, #tpu.memory_space<vmem>>
    %dma_start3A_681 = tpu.memref_slice %arg2[%dma_start3A_678, %add3A_551] : memref<32x1024000xf32, #tpu.memory_space<hbm>> -> memref<1x1152xf32, #tpu.memory_space<hbm>>
    %dma_start3A_682 = tpu.memref_squeeze %dma_start3A_681 : memref<1x1152xf32, #tpu.memory_space<hbm>> -> memref<1152xf32, #tpu.memory_space<hbm>>
    %dma_start3A_683 = arith.constant 16128 : i32
    %dma_start3A_684 = tpu.memref_slice %arg5[%dma_start3A_683] : memref<36864xf32, #tpu.memory_space<vmem>> -> memref<1152xf32, #tpu.memory_space<vmem>>
    %dma_start3A_685 = tpu.memref_slice %arg2[%dma_start3A_678, %add3A_551] : memref<32x1024000xf32, #tpu.memory_space<hbm>> -> memref<1x1152xf32, #tpu.memory_space<hbm>>
    %dma_start3A_686 = tpu.memref_squeeze %dma_start3A_685 : memref<1x1152xf32, #tpu.memory_space<hbm>> -> memref<1152xf32, #tpu.memory_space<hbm>>
    tpu.enqueue_dma source(%dma_start3A_686 : memref<1152xf32, #tpu.memory_space<hbm>>) target(%dma_start3A_684 : memref<1152xf32, #tpu.memory_space<vmem>>) target_semaphore(%arg8 : memref<!tpu.dma_semaphore, #tpu.memory_space<semaphore_mem>>)
    %dma_start3A_687 = arith.constant 15 : i32
    %dma_start3A_688 = arith.constant 17280 : i32
    %dma_start3A_689 = tpu.memref_slice %arg5[%dma_start3A_688] : memref<36864xf32, #tpu.memory_space<vmem>> -> memref<1152xf32, #tpu.memory_space<vmem>>
    %dma_start3A_690 = tpu.memref_slice %arg2[%dma_start3A_687, %add3A_551] : memref<32x1024000xf32, #tpu.memory_space<hbm>> -> memref<1x1152xf32, #tpu.memory_space<hbm>>
    %dma_start3A_691 = tpu.memref_squeeze %dma_start3A_690 : memref<1x1152xf32, #tpu.memory_space<hbm>> -> memref<1152xf32, #tpu.memory_space<hbm>>
    %dma_start3A_692 = arith.constant 17280 : i32
    %dma_start3A_693 = tpu.memref_slice %arg5[%dma_start3A_692] : memref<36864xf32, #tpu.memory_space<vmem>> -> memref<1152xf32, #tpu.memory_space<vmem>>
    %dma_start3A_694 = tpu.memref_slice %arg2[%dma_start3A_687, %add3A_551] : memref<32x1024000xf32, #tpu.memory_space<hbm>> -> memref<1x1152xf32, #tpu.memory_space<hbm>>
    %dma_start3A_695 = tpu.memref_squeeze %dma_start3A_694 : memref<1x1152xf32, #tpu.memory_space<hbm>> -> memref<1152xf32, #tpu.memory_space<hbm>>
    tpu.enqueue_dma source(%dma_start3A_695 : memref<1152xf32, #tpu.memory_space<hbm>>) target(%dma_start3A_693 : memref<1152xf32, #tpu.memory_space<vmem>>) target_semaphore(%arg8 : memref<!tpu.dma_semaphore, #tpu.memory_space<semaphore_mem>>)
    %dma_start3A_696 = arith.constant 16 : i32
    %dma_start3A_697 = arith.constant 18432 : i32
    %dma_start3A_698 = tpu.memref_slice %arg5[%dma_start3A_697] : memref<36864xf32, #tpu.memory_space<vmem>> -> memref<1152xf32, #tpu.memory_space<vmem>>
    %dma_start3A_699 = tpu.memref_slice %arg2[%dma_start3A_696, %add3A_551] : memref<32x1024000xf32, #tpu.memory_space<hbm>> -> memref<1x1152xf32, #tpu.memory_space<hbm>>
    %dma_start3A_700 = tpu.memref_squeeze %dma_start3A_699 : memref<1x1152xf32, #tpu.memory_space<hbm>> -> memref<1152xf32, #tpu.memory_space<hbm>>
    %dma_start3A_701 = arith.constant 18432 : i32
    %dma_start3A_702 = tpu.memref_slice %arg5[%dma_start3A_701] : memref<36864xf32, #tpu.memory_space<vmem>> -> memref<1152xf32, #tpu.memory_space<vmem>>
    %dma_start3A_703 = tpu.memref_slice %arg2[%dma_start3A_696, %add3A_551] : memref<32x1024000xf32, #tpu.memory_space<hbm>> -> memref<1x1152xf32, #tpu.memory_space<hbm>>
    %dma_start3A_704 = tpu.memref_squeeze %dma_start3A_703 : memref<1x1152xf32, #tpu.memory_space<hbm>> -> memref<1152xf32, #tpu.memory_space<hbm>>
    tpu.enqueue_dma source(%dma_start3A_704 : memref<1152xf32, #tpu.memory_space<hbm>>) target(%dma_start3A_702 : memref<1152xf32, #tpu.memory_space<vmem>>) target_semaphore(%arg8 : memref<!tpu.dma_semaphore, #tpu.memory_space<semaphore_mem>>)
    %dma_start3A_705 = arith.constant 17 : i32
    %dma_start3A_706 = arith.constant 19584 : i32
    %dma_start3A_707 = tpu.memref_slice %arg5[%dma_start3A_706] : memref<36864xf32, #tpu.memory_space<vmem>> -> memref<1152xf32, #tpu.memory_space<vmem>>
    %dma_start3A_708 = tpu.memref_slice %arg2[%dma_start3A_705, %add3A_551] : memref<32x1024000xf32, #tpu.memory_space<hbm>> -> memref<1x1152xf32, #tpu.memory_space<hbm>>
    %dma_start3A_709 = tpu.memref_squeeze %dma_start3A_708 : memref<1x1152xf32, #tpu.memory_space<hbm>> -> memref<1152xf32, #tpu.memory_space<hbm>>
    %dma_start3A_710 = arith.constant 19584 : i32
    %dma_start3A_711 = tpu.memref_slice %arg5[%dma_start3A_710] : memref<36864xf32, #tpu.memory_space<vmem>> -> memref<1152xf32, #tpu.memory_space<vmem>>
    %dma_start3A_712 = tpu.memref_slice %arg2[%dma_start3A_705, %add3A_551] : memref<32x1024000xf32, #tpu.memory_space<hbm>> -> memref<1x1152xf32, #tpu.memory_space<hbm>>
    %dma_start3A_713 = tpu.memref_squeeze %dma_start3A_712 : memref<1x1152xf32, #tpu.memory_space<hbm>> -> memref<1152xf32, #tpu.memory_space<hbm>>
    tpu.enqueue_dma source(%dma_start3A_713 : memref<1152xf32, #tpu.memory_space<hbm>>) target(%dma_start3A_711 : memref<1152xf32, #tpu.memory_space<vmem>>) target_semaphore(%arg8 : memref<!tpu.dma_semaphore, #tpu.memory_space<semaphore_mem>>)
    %dma_start3A_714 = arith.constant 18 : i32
    %dma_start3A_715 = arith.constant 20736 : i32
    %dma_start3A_716 = tpu.memref_slice %arg5[%dma_start3A_715] : memref<36864xf32, #tpu.memory_space<vmem>> -> memref<1152xf32, #tpu.memory_space<vmem>>
    %dma_start3A_717 = tpu.memref_slice %arg2[%dma_start3A_714, %add3A_551] : memref<32x1024000xf32, #tpu.memory_space<hbm>> -> memref<1x1152xf32, #tpu.memory_space<hbm>>
    %dma_start3A_718 = tpu.memref_squeeze %dma_start3A_717 : memref<1x1152xf32, #tpu.memory_space<hbm>> -> memref<1152xf32, #tpu.memory_space<hbm>>
    %dma_start3A_719 = arith.constant 20736 : i32
    %dma_start3A_720 = tpu.memref_slice %arg5[%dma_start3A_719] : memref<36864xf32, #tpu.memory_space<vmem>> -> memref<1152xf32, #tpu.memory_space<vmem>>
    %dma_start3A_721 = tpu.memref_slice %arg2[%dma_start3A_714, %add3A_551] : memref<32x1024000xf32, #tpu.memory_space<hbm>> -> memref<1x1152xf32, #tpu.memory_space<hbm>>
    %dma_start3A_722 = tpu.memref_squeeze %dma_start3A_721 : memref<1x1152xf32, #tpu.memory_space<hbm>> -> memref<1152xf32, #tpu.memory_space<hbm>>
    tpu.enqueue_dma source(%dma_start3A_722 : memref<1152xf32, #tpu.memory_space<hbm>>) target(%dma_start3A_720 : memref<1152xf32, #tpu.memory_space<vmem>>) target_semaphore(%arg8 : memref<!tpu.dma_semaphore, #tpu.memory_space<semaphore_mem>>)
    %dma_start3A_723 = arith.constant 19 : i32
    %dma_start3A_724 = arith.constant 21888 : i32
    %dma_start3A_725 = tpu.memref_slice %arg5[%dma_start3A_724] : memref<36864xf32, #tpu.memory_space<vmem>> -> memref<1152xf32, #tpu.memory_space<vmem>>
    %dma_start3A_726 = tpu.memref_slice %arg2[%dma_start3A_723, %add3A_551] : memref<32x1024000xf32, #tpu.memory_space<hbm>> -> memref<1x1152xf32, #tpu.memory_space<hbm>>
    %dma_start3A_727 = tpu.memref_squeeze %dma_start3A_726 : memref<1x1152xf32, #tpu.memory_space<hbm>> -> memref<1152xf32, #tpu.memory_space<hbm>>
    %dma_start3A_728 = arith.constant 21888 : i32
    %dma_start3A_729 = tpu.memref_slice %arg5[%dma_start3A_728] : memref<36864xf32, #tpu.memory_space<vmem>> -> memref<1152xf32, #tpu.memory_space<vmem>>
    %dma_start3A_730 = tpu.memref_slice %arg2[%dma_start3A_723, %add3A_551] : memref<32x1024000xf32, #tpu.memory_space<hbm>> -> memref<1x1152xf32, #tpu.memory_space<hbm>>
    %dma_start3A_731 = tpu.memref_squeeze %dma_start3A_730 : memref<1x1152xf32, #tpu.memory_space<hbm>> -> memref<1152xf32, #tpu.memory_space<hbm>>
    tpu.enqueue_dma source(%dma_start3A_731 : memref<1152xf32, #tpu.memory_space<hbm>>) target(%dma_start3A_729 : memref<1152xf32, #tpu.memory_space<vmem>>) target_semaphore(%arg8 : memref<!tpu.dma_semaphore, #tpu.memory_space<semaphore_mem>>)
    %dma_start3A_732 = arith.constant 20 : i32
    %dma_start3A_733 = arith.constant 23040 : i32
    %dma_start3A_734 = tpu.memref_slice %arg5[%dma_start3A_733] : memref<36864xf32, #tpu.memory_space<vmem>> -> memref<1152xf32, #tpu.memory_space<vmem>>
    %dma_start3A_735 = tpu.memref_slice %arg2[%dma_start3A_732, %add3A_551] : memref<32x1024000xf32, #tpu.memory_space<hbm>> -> memref<1x1152xf32, #tpu.memory_space<hbm>>
    %dma_start3A_736 = tpu.memref_squeeze %dma_start3A_735 : memref<1x1152xf32, #tpu.memory_space<hbm>> -> memref<1152xf32, #tpu.memory_space<hbm>>
    %dma_start3A_737 = arith.constant 23040 : i32
    %dma_start3A_738 = tpu.memref_slice %arg5[%dma_start3A_737] : memref<36864xf32, #tpu.memory_space<vmem>> -> memref<1152xf32, #tpu.memory_space<vmem>>
    %dma_start3A_739 = tpu.memref_slice %arg2[%dma_start3A_732, %add3A_551] : memref<32x1024000xf32, #tpu.memory_space<hbm>> -> memref<1x1152xf32, #tpu.memory_space<hbm>>
    %dma_start3A_740 = tpu.memref_squeeze %dma_start3A_739 : memref<1x1152xf32, #tpu.memory_space<hbm>> -> memref<1152xf32, #tpu.memory_space<hbm>>
    tpu.enqueue_dma source(%dma_start3A_740 : memref<1152xf32, #tpu.memory_space<hbm>>) target(%dma_start3A_738 : memref<1152xf32, #tpu.memory_space<vmem>>) target_semaphore(%arg8 : memref<!tpu.dma_semaphore, #tpu.memory_space<semaphore_mem>>)
    %dma_start3A_741 = arith.constant 21 : i32
    %dma_start3A_742 = arith.constant 24192 : i32
    %dma_start3A_743 = tpu.memref_slice %arg5[%dma_start3A_742] : memref<36864xf32, #tpu.memory_space<vmem>> -> memref<1152xf32, #tpu.memory_space<vmem>>
    %dma_start3A_744 = tpu.memref_slice %arg2[%dma_start3A_741, %add3A_551] : memref<32x1024000xf32, #tpu.memory_space<hbm>> -> memref<1x1152xf32, #tpu.memory_space<hbm>>
    %dma_start3A_745 = tpu.memref_squeeze %dma_start3A_744 : memref<1x1152xf32, #tpu.memory_space<hbm>> -> memref<1152xf32, #tpu.memory_space<hbm>>
    %dma_start3A_746 = arith.constant 24192 : i32
    %dma_start3A_747 = tpu.memref_slice %arg5[%dma_start3A_746] : memref<36864xf32, #tpu.memory_space<vmem>> -> memref<1152xf32, #tpu.memory_space<vmem>>
    %dma_start3A_748 = tpu.memref_slice %arg2[%dma_start3A_741, %add3A_551] : memref<32x1024000xf32, #tpu.memory_space<hbm>> -> memref<1x1152xf32, #tpu.memory_space<hbm>>
    %dma_start3A_749 = tpu.memref_squeeze %dma_start3A_748 : memref<1x1152xf32, #tpu.memory_space<hbm>> -> memref<1152xf32, #tpu.memory_space<hbm>>
    tpu.enqueue_dma source(%dma_start3A_749 : memref<1152xf32, #tpu.memory_space<hbm>>) target(%dma_start3A_747 : memref<1152xf32, #tpu.memory_space<vmem>>) target_semaphore(%arg8 : memref<!tpu.dma_semaphore, #tpu.memory_space<semaphore_mem>>)
    %dma_start3A_750 = arith.constant 22 : i32
    %dma_start3A_751 = arith.constant 25344 : i32
    %dma_start3A_752 = tpu.memref_slice %arg5[%dma_start3A_751] : memref<36864xf32, #tpu.memory_space<vmem>> -> memref<1152xf32, #tpu.memory_space<vmem>>
    %dma_start3A_753 = tpu.memref_slice %arg2[%dma_start3A_750, %add3A_551] : memref<32x1024000xf32, #tpu.memory_space<hbm>> -> memref<1x1152xf32, #tpu.memory_space<hbm>>
    %dma_start3A_754 = tpu.memref_squeeze %dma_start3A_753 : memref<1x1152xf32, #tpu.memory_space<hbm>> -> memref<1152xf32, #tpu.memory_space<hbm>>
    %dma_start3A_755 = arith.constant 25344 : i32
    %dma_start3A_756 = tpu.memref_slice %arg5[%dma_start3A_755] : memref<36864xf32, #tpu.memory_space<vmem>> -> memref<1152xf32, #tpu.memory_space<vmem>>
    %dma_start3A_757 = tpu.memref_slice %arg2[%dma_start3A_750, %add3A_551] : memref<32x1024000xf32, #tpu.memory_space<hbm>> -> memref<1x1152xf32, #tpu.memory_space<hbm>>
    %dma_start3A_758 = tpu.memref_squeeze %dma_start3A_757 : memref<1x1152xf32, #tpu.memory_space<hbm>> -> memref<1152xf32, #tpu.memory_space<hbm>>
    tpu.enqueue_dma source(%dma_start3A_758 : memref<1152xf32, #tpu.memory_space<hbm>>) target(%dma_start3A_756 : memref<1152xf32, #tpu.memory_space<vmem>>) target_semaphore(%arg8 : memref<!tpu.dma_semaphore, #tpu.memory_space<semaphore_mem>>)
    %dma_start3A_759 = arith.constant 23 : i32
    %dma_start3A_760 = arith.constant 26496 : i32
    %dma_start3A_761 = tpu.memref_slice %arg5[%dma_start3A_760] : memref<36864xf32, #tpu.memory_space<vmem>> -> memref<1152xf32, #tpu.memory_space<vmem>>
    %dma_start3A_762 = tpu.memref_slice %arg2[%dma_start3A_759, %add3A_551] : memref<32x1024000xf32, #tpu.memory_space<hbm>> -> memref<1x1152xf32, #tpu.memory_space<hbm>>
    %dma_start3A_763 = tpu.memref_squeeze %dma_start3A_762 : memref<1x1152xf32, #tpu.memory_space<hbm>> -> memref<1152xf32, #tpu.memory_space<hbm>>
    %dma_start3A_764 = arith.constant 26496 : i32
    %dma_start3A_765 = tpu.memref_slice %arg5[%dma_start3A_764] : memref<36864xf32, #tpu.memory_space<vmem>> -> memref<1152xf32, #tpu.memory_space<vmem>>
    %dma_start3A_766 = tpu.memref_slice %arg2[%dma_start3A_759, %add3A_551] : memref<32x1024000xf32, #tpu.memory_space<hbm>> -> memref<1x1152xf32, #tpu.memory_space<hbm>>
    %dma_start3A_767 = tpu.memref_squeeze %dma_start3A_766 : memref<1x1152xf32, #tpu.memory_space<hbm>> -> memref<1152xf32, #tpu.memory_space<hbm>>
    tpu.enqueue_dma source(%dma_start3A_767 : memref<1152xf32, #tpu.memory_space<hbm>>) target(%dma_start3A_765 : memref<1152xf32, #tpu.memory_space<vmem>>) target_semaphore(%arg8 : memref<!tpu.dma_semaphore, #tpu.memory_space<semaphore_mem>>)
    %dma_start3A_768 = arith.constant 24 : i32
    %dma_start3A_769 = arith.constant 27648 : i32
    %dma_start3A_770 = tpu.memref_slice %arg5[%dma_start3A_769] : memref<36864xf32, #tpu.memory_space<vmem>> -> memref<1152xf32, #tpu.memory_space<vmem>>
    %dma_start3A_771 = tpu.memref_slice %arg2[%dma_start3A_768, %add3A_551] : memref<32x1024000xf32, #tpu.memory_space<hbm>> -> memref<1x1152xf32, #tpu.memory_space<hbm>>
    %dma_start3A_772 = tpu.memref_squeeze %dma_start3A_771 : memref<1x1152xf32, #tpu.memory_space<hbm>> -> memref<1152xf32, #tpu.memory_space<hbm>>
    %dma_start3A_773 = arith.constant 27648 : i32
    %dma_start3A_774 = tpu.memref_slice %arg5[%dma_start3A_773] : memref<36864xf32, #tpu.memory_space<vmem>> -> memref<1152xf32, #tpu.memory_space<vmem>>
    %dma_start3A_775 = tpu.memref_slice %arg2[%dma_start3A_768, %add3A_551] : memref<32x1024000xf32, #tpu.memory_space<hbm>> -> memref<1x1152xf32, #tpu.memory_space<hbm>>
    %dma_start3A_776 = tpu.memref_squeeze %dma_start3A_775 : memref<1x1152xf32, #tpu.memory_space<hbm>> -> memref<1152xf32, #tpu.memory_space<hbm>>
    tpu.enqueue_dma source(%dma_start3A_776 : memref<1152xf32, #tpu.memory_space<hbm>>) target(%dma_start3A_774 : memref<1152xf32, #tpu.memory_space<vmem>>) target_semaphore(%arg8 : memref<!tpu.dma_semaphore, #tpu.memory_space<semaphore_mem>>)
    %dma_start3A_777 = arith.constant 25 : i32
    %dma_start3A_778 = arith.constant 28800 : i32
    %dma_start3A_779 = tpu.memref_slice %arg5[%dma_start3A_778] : memref<36864xf32, #tpu.memory_space<vmem>> -> memref<1152xf32, #tpu.memory_space<vmem>>
    %dma_start3A_780 = tpu.memref_slice %arg2[%dma_start3A_777, %add3A_551] : memref<32x1024000xf32, #tpu.memory_space<hbm>> -> memref<1x1152xf32, #tpu.memory_space<hbm>>
    %dma_start3A_781 = tpu.memref_squeeze %dma_start3A_780 : memref<1x1152xf32, #tpu.memory_space<hbm>> -> memref<1152xf32, #tpu.memory_space<hbm>>
    %dma_start3A_782 = arith.constant 28800 : i32
    %dma_start3A_783 = tpu.memref_slice %arg5[%dma_start3A_782] : memref<36864xf32, #tpu.memory_space<vmem>> -> memref<1152xf32, #tpu.memory_space<vmem>>
    %dma_start3A_784 = tpu.memref_slice %arg2[%dma_start3A_777, %add3A_551] : memref<32x1024000xf32, #tpu.memory_space<hbm>> -> memref<1x1152xf32, #tpu.memory_space<hbm>>
    %dma_start3A_785 = tpu.memref_squeeze %dma_start3A_784 : memref<1x1152xf32, #tpu.memory_space<hbm>> -> memref<1152xf32, #tpu.memory_space<hbm>>
    tpu.enqueue_dma source(%dma_start3A_785 : memref<1152xf32, #tpu.memory_space<hbm>>) target(%dma_start3A_783 : memref<1152xf32, #tpu.memory_space<vmem>>) target_semaphore(%arg8 : memref<!tpu.dma_semaphore, #tpu.memory_space<semaphore_mem>>)
    %dma_start3A_786 = arith.constant 26 : i32
    %dma_start3A_787 = arith.constant 29952 : i32
    %dma_start3A_788 = tpu.memref_slice %arg5[%dma_start3A_787] : memref<36864xf32, #tpu.memory_space<vmem>> -> memref<1152xf32, #tpu.memory_space<vmem>>
    %dma_start3A_789 = tpu.memref_slice %arg2[%dma_start3A_786, %add3A_551] : memref<32x1024000xf32, #tpu.memory_space<hbm>> -> memref<1x1152xf32, #tpu.memory_space<hbm>>
    %dma_start3A_790 = tpu.memref_squeeze %dma_start3A_789 : memref<1x1152xf32, #tpu.memory_space<hbm>> -> memref<1152xf32, #tpu.memory_space<hbm>>
    %dma_start3A_791 = arith.constant 29952 : i32
    %dma_start3A_792 = tpu.memref_slice %arg5[%dma_start3A_791] : memref<36864xf32, #tpu.memory_space<vmem>> -> memref<1152xf32, #tpu.memory_space<vmem>>
    %dma_start3A_793 = tpu.memref_slice %arg2[%dma_start3A_786, %add3A_551] : memref<32x1024000xf32, #tpu.memory_space<hbm>> -> memref<1x1152xf32, #tpu.memory_space<hbm>>
    %dma_start3A_794 = tpu.memref_squeeze %dma_start3A_793 : memref<1x1152xf32, #tpu.memory_space<hbm>> -> memref<1152xf32, #tpu.memory_space<hbm>>
    tpu.enqueue_dma source(%dma_start3A_794 : memref<1152xf32, #tpu.memory_space<hbm>>) target(%dma_start3A_792 : memref<1152xf32, #tpu.memory_space<vmem>>) target_semaphore(%arg8 : memref<!tpu.dma_semaphore, #tpu.memory_space<semaphore_mem>>)
    %dma_start3A_795 = arith.constant 27 : i32
    %dma_start3A_796 = arith.constant 31104 : i32
    %dma_start3A_797 = tpu.memref_slice %arg5[%dma_start3A_796] : memref<36864xf32, #tpu.memory_space<vmem>> -> memref<1152xf32, #tpu.memory_space<vmem>>
    %dma_start3A_798 = tpu.memref_slice %arg2[%dma_start3A_795, %add3A_551] : memref<32x1024000xf32, #tpu.memory_space<hbm>> -> memref<1x1152xf32, #tpu.memory_space<hbm>>
    %dma_start3A_799 = tpu.memref_squeeze %dma_start3A_798 : memref<1x1152xf32, #tpu.memory_space<hbm>> -> memref<1152xf32, #tpu.memory_space<hbm>>
    %dma_start3A_800 = arith.constant 31104 : i32
    %dma_start3A_801 = tpu.memref_slice %arg5[%dma_start3A_800] : memref<36864xf32, #tpu.memory_space<vmem>> -> memref<1152xf32, #tpu.memory_space<vmem>>
    %dma_start3A_802 = tpu.memref_slice %arg2[%dma_start3A_795, %add3A_551] : memref<32x1024000xf32, #tpu.memory_space<hbm>> -> memref<1x1152xf32, #tpu.memory_space<hbm>>
    %dma_start3A_803 = tpu.memref_squeeze %dma_start3A_802 : memref<1x1152xf32, #tpu.memory_space<hbm>> -> memref<1152xf32, #tpu.memory_space<hbm>>
    tpu.enqueue_dma source(%dma_start3A_803 : memref<1152xf32, #tpu.memory_space<hbm>>) target(%dma_start3A_801 : memref<1152xf32, #tpu.memory_space<vmem>>) target_semaphore(%arg8 : memref<!tpu.dma_semaphore, #tpu.memory_space<semaphore_mem>>)
    %dma_start3A_804 = arith.constant 28 : i32
    %dma_start3A_805 = arith.constant 32256 : i32
    %dma_start3A_806 = tpu.memref_slice %arg5[%dma_start3A_805] : memref<36864xf32, #tpu.memory_space<vmem>> -> memref<1152xf32, #tpu.memory_space<vmem>>
    %dma_start3A_807 = tpu.memref_slice %arg2[%dma_start3A_804, %add3A_551] : memref<32x1024000xf32, #tpu.memory_space<hbm>> -> memref<1x1152xf32, #tpu.memory_space<hbm>>
    %dma_start3A_808 = tpu.memref_squeeze %dma_start3A_807 : memref<1x1152xf32, #tpu.memory_space<hbm>> -> memref<1152xf32, #tpu.memory_space<hbm>>
    %dma_start3A_809 = arith.constant 32256 : i32
    %dma_start3A_810 = tpu.memref_slice %arg5[%dma_start3A_809] : memref<36864xf32, #tpu.memory_space<vmem>> -> memref<1152xf32, #tpu.memory_space<vmem>>
    %dma_start3A_811 = tpu.memref_slice %arg2[%dma_start3A_804, %add3A_551] : memref<32x1024000xf32, #tpu.memory_space<hbm>> -> memref<1x1152xf32, #tpu.memory_space<hbm>>
    %dma_start3A_812 = tpu.memref_squeeze %dma_start3A_811 : memref<1x1152xf32, #tpu.memory_space<hbm>> -> memref<1152xf32, #tpu.memory_space<hbm>>
    tpu.enqueue_dma source(%dma_start3A_812 : memref<1152xf32, #tpu.memory_space<hbm>>) target(%dma_start3A_810 : memref<1152xf32, #tpu.memory_space<vmem>>) target_semaphore(%arg8 : memref<!tpu.dma_semaphore, #tpu.memory_space<semaphore_mem>>)
    %dma_start3A_813 = arith.constant 29 : i32
    %dma_start3A_814 = arith.constant 33408 : i32
    %dma_start3A_815 = tpu.memref_slice %arg5[%dma_start3A_814] : memref<36864xf32, #tpu.memory_space<vmem>> -> memref<1152xf32, #tpu.memory_space<vmem>>
    %dma_start3A_816 = tpu.memref_slice %arg2[%dma_start3A_813, %add3A_551] : memref<32x1024000xf32, #tpu.memory_space<hbm>> -> memref<1x1152xf32, #tpu.memory_space<hbm>>
    %dma_start3A_817 = tpu.memref_squeeze %dma_start3A_816 : memref<1x1152xf32, #tpu.memory_space<hbm>> -> memref<1152xf32, #tpu.memory_space<hbm>>
    %dma_start3A_818 = arith.constant 33408 : i32
    %dma_start3A_819 = tpu.memref_slice %arg5[%dma_start3A_818] : memref<36864xf32, #tpu.memory_space<vmem>> -> memref<1152xf32, #tpu.memory_space<vmem>>
    %dma_start3A_820 = tpu.memref_slice %arg2[%dma_start3A_813, %add3A_551] : memref<32x1024000xf32, #tpu.memory_space<hbm>> -> memref<1x1152xf32, #tpu.memory_space<hbm>>
    %dma_start3A_821 = tpu.memref_squeeze %dma_start3A_820 : memref<1x1152xf32, #tpu.memory_space<hbm>> -> memref<1152xf32, #tpu.memory_space<hbm>>
    tpu.enqueue_dma source(%dma_start3A_821 : memref<1152xf32, #tpu.memory_space<hbm>>) target(%dma_start3A_819 : memref<1152xf32, #tpu.memory_space<vmem>>) target_semaphore(%arg8 : memref<!tpu.dma_semaphore, #tpu.memory_space<semaphore_mem>>)
    %dma_start3A_822 = arith.constant 30 : i32
    %dma_start3A_823 = arith.constant 34560 : i32
    %dma_start3A_824 = tpu.memref_slice %arg5[%dma_start3A_823] : memref<36864xf32, #tpu.memory_space<vmem>> -> memref<1152xf32, #tpu.memory_space<vmem>>
    %dma_start3A_825 = tpu.memref_slice %arg2[%dma_start3A_822, %add3A_551] : memref<32x1024000xf32, #tpu.memory_space<hbm>> -> memref<1x1152xf32, #tpu.memory_space<hbm>>
    %dma_start3A_826 = tpu.memref_squeeze %dma_start3A_825 : memref<1x1152xf32, #tpu.memory_space<hbm>> -> memref<1152xf32, #tpu.memory_space<hbm>>
    %dma_start3A_827 = arith.constant 34560 : i32
    %dma_start3A_828 = tpu.memref_slice %arg5[%dma_start3A_827] : memref<36864xf32, #tpu.memory_space<vmem>> -> memref<1152xf32, #tpu.memory_space<vmem>>
    %dma_start3A_829 = tpu.memref_slice %arg2[%dma_start3A_822, %add3A_551] : memref<32x1024000xf32, #tpu.memory_space<hbm>> -> memref<1x1152xf32, #tpu.memory_space<hbm>>
    %dma_start3A_830 = tpu.memref_squeeze %dma_start3A_829 : memref<1x1152xf32, #tpu.memory_space<hbm>> -> memref<1152xf32, #tpu.memory_space<hbm>>
    tpu.enqueue_dma source(%dma_start3A_830 : memref<1152xf32, #tpu.memory_space<hbm>>) target(%dma_start3A_828 : memref<1152xf32, #tpu.memory_space<vmem>>) target_semaphore(%arg8 : memref<!tpu.dma_semaphore, #tpu.memory_space<semaphore_mem>>)
    %dma_start3A_831 = arith.constant 31 : i32
    %dma_start3A_832 = arith.constant 35712 : i32
    %dma_start3A_833 = tpu.memref_slice %arg5[%dma_start3A_832] : memref<36864xf32, #tpu.memory_space<vmem>> -> memref<1152xf32, #tpu.memory_space<vmem>>
    %dma_start3A_834 = tpu.memref_slice %arg2[%dma_start3A_831, %add3A_551] : memref<32x1024000xf32, #tpu.memory_space<hbm>> -> memref<1x1152xf32, #tpu.memory_space<hbm>>
    %dma_start3A_835 = tpu.memref_squeeze %dma_start3A_834 : memref<1x1152xf32, #tpu.memory_space<hbm>> -> memref<1152xf32, #tpu.memory_space<hbm>>
    %dma_start3A_836 = arith.constant 35712 : i32
    %dma_start3A_837 = tpu.memref_slice %arg5[%dma_start3A_836] : memref<36864xf32, #tpu.memory_space<vmem>> -> memref<1152xf32, #tpu.memory_space<vmem>>
    %dma_start3A_838 = tpu.memref_slice %arg2[%dma_start3A_831, %add3A_551] : memref<32x1024000xf32, #tpu.memory_space<hbm>> -> memref<1x1152xf32, #tpu.memory_space<hbm>>
    %dma_start3A_839 = tpu.memref_squeeze %dma_start3A_838 : memref<1x1152xf32, #tpu.memory_space<hbm>> -> memref<1152xf32, #tpu.memory_space<hbm>>
    tpu.enqueue_dma source(%dma_start3A_839 : memref<1152xf32, #tpu.memory_space<hbm>>) target(%dma_start3A_837 : memref<1152xf32, #tpu.memory_space<vmem>>) target_semaphore(%arg8 : memref<!tpu.dma_semaphore, #tpu.memory_space<semaphore_mem>>)
    %scan3A = arith.constant 0 : i32
    %scan3A_840 = arith.constant 0 : i32
    %scan3A_841 = arith.constant 15 : i32
    %scan3A_842 = arith.addi %scan3A_840, %scan3A_841 : i32
    %scan3A_843 = arith.constant 1 : i32
    scf.for %scan3A_879 = %scan3A_840 to %scan3A_842 step %scan3A_843  : i32 {
      %mul3A_880 = arith.constant 2 : i32
      %mul3A_881 = arith.muli %mul3A_880, %scan3A_879 : i32
      %dma_wait3A_882 = arith.constant 0 : i32
      %dma_wait3A_883 = tpu.memref_slice %arg3[%dma_wait3A_882] : memref<98304xf32, #tpu.memory_space<hbm>> -> memref<36864xf32, #tpu.memory_space<hbm>>
      %dma_wait3A_884 = arith.constant 0 : i32
      %dma_wait3A_885 = tpu.memref_slice %arg3[%dma_wait3A_884] : memref<98304xf32, #tpu.memory_space<hbm>> -> memref<36864xf32, #tpu.memory_space<hbm>>
      tpu.wait_dma2 semaphore(%arg7 : memref<!tpu.dma_semaphore, #tpu.memory_space<semaphore_mem>>) src(%dma_wait3A_885 : memref<36864xf32, #tpu.memory_space<hbm>>) dst(%arg4 : memref<36864xf32, #tpu.memory_space<vmem>>)
      %mul3A_886 = arith.constant 1000 : i32
      %mul3A_887 = arith.muli %mul3A_881, %mul3A_886 : i32
      %mul3A_888 = arith.constant 1000 : i32
      %mul3A_889 = arith.muli %mul3A_881, %mul3A_888 : i32
      %jit3A_890 = arith.constant 128 : i32
      %div3A = arith.divsi %mul3A_889, %jit3A_890 : i32
      %sign3A = arith.constant 0 : i32
      %sign3A_891 = arith.cmpi sgt, %mul3A_889, %sign3A : i32
      %sign3A_892 = arith.extui %sign3A_891 : i1 to i32
      %sign3A_893 = arith.constant 0 : i32
      %sign3A_894 = arith.cmpi slt, %mul3A_889, %sign3A_893 : i32
      %sign3A_895 = arith.extui %sign3A_894 : i1 to i32
      %sign3A_896 = arith.subi %sign3A_892, %sign3A_895 : i32
      %sign3A_897 = arith.constant 0 : i32
      %sign3A_898 = arith.cmpi sgt, %jit3A_890, %sign3A_897 : i32
      %sign3A_899 = arith.extui %sign3A_898 : i1 to i32
      %sign3A_900 = arith.constant 0 : i32
      %sign3A_901 = arith.cmpi slt, %jit3A_890, %sign3A_900 : i32
      %sign3A_902 = arith.extui %sign3A_901 : i1 to i32
      %sign3A_903 = arith.subi %sign3A_899, %sign3A_902 : i32
      %ne3A_904 = arith.cmpi ne, %sign3A_896, %sign3A_903 : i32
      %rem3A_905 = arith.remsi %mul3A_889, %jit3A_890 : i32
      %ne3A_906 = arith.constant 0 : i32
      %ne3A_907 = arith.cmpi ne, %rem3A_905, %ne3A_906 : i32
      %and3A_908 = arith.andi %ne3A_904, %ne3A_907 : i1
      %sub3A_909 = arith.constant 1 : i32
      %sub3A_910 = arith.subi %div3A, %sub3A_909 : i32
      %select_n3A_911 = arith.select %and3A_908, %sub3A_910, %div3A : i32
      %min3A_912 = arith.constant 241 : i32
      %min3A_913 = arith.minsi %select_n3A_911, %min3A_912 : i32
      %mul3A_914 = arith.constant 128 : i32
      %mul3A_915 = arith.muli %min3A_913, %mul3A_914 : i32
      %sub3A_916 = arith.subi %mul3A_887, %mul3A_915 : i32
      %mul3A_917 = arith.constant 96 : i32
      %mul3A_918 = arith.muli %mul3A_881, %mul3A_917 : i32
      %scan3A_919 = arith.constant 0 : i32
      %scan3A_920 = arith.constant 0 : i32
      %scan3A_921 = arith.constant 32 : i32
      %scan3A_922 = arith.addi %scan3A_920, %scan3A_921 : i32
      %scan3A_923 = arith.constant 1 : i32
      scf.for %scan3A_1614 = %scan3A_920 to %scan3A_922 step %scan3A_923  : i32 {
        %mul3A_1615 = arith.constant 1152 : i32
        %mul3A_1616 = arith.muli %scan3A_1614, %mul3A_1615 : i32
        %add3A_1617 = arith.addi %mul3A_1616, %sub3A_916 : i32
        %parallel_loop3A = arith.constant 0 : i32
        %parallel_loop3A_1618 = arith.constant 960 : i32
        %parallel_loop3A_1619 = arith.constant 48 : i32
        %parallel_loop3A_1620:3 = scf.for %parallel_loop3A_1711 = %parallel_loop3A to %parallel_loop3A_1618 step %parallel_loop3A_1619 iter_args(%parallel_loop3A_1712 = %broadcast_in_dim3A_251, %parallel_loop3A_1713 = %broadcast_in_dim3A_251, %parallel_loop3A_1714 = %broadcast_in_dim3A_251) -> (vector<16xf32>, vector<16xf32>, vector<16xf32>)  : i32 {
          %parallel_loop3A_1715 = arith.addi %add3A_1617, %parallel_loop3A_1711 : i32
          %parallel_loop3A_1716 = arith.index_cast %parallel_loop3A_1715 : i32 to index
          %parallel_loop3A_1717 = tpu.vector_load %arg4[%parallel_loop3A_1716] {strides = array<i32>} : memref<36864xf32, #tpu.memory_space<vmem>>, vector<16xf32>,
          %parallel_loop3A_1718 = arith.addf %parallel_loop3A_1712, %parallel_loop3A_1717 : vector<16xf32>
          %parallel_loop3A_1719 = arith.constant 16 : i32
          %parallel_loop3A_1720 = arith.addi %parallel_loop3A_1715, %parallel_loop3A_1719 : i32
          %parallel_loop3A_1721 = arith.index_cast %parallel_loop3A_1720 : i32 to index
          %parallel_loop3A_1722 = tpu.vector_load %arg4[%parallel_loop3A_1721] {strides = array<i32>} : memref<36864xf32, #tpu.memory_space<vmem>>, vector<16xf32>,
          %parallel_loop3A_1723 = arith.addf %parallel_loop3A_1713, %parallel_loop3A_1722 : vector<16xf32>
          %parallel_loop3A_1724 = arith.constant 32 : i32
          %parallel_loop3A_1725 = arith.addi %parallel_loop3A_1715, %parallel_loop3A_1724 : i32
          %parallel_loop3A_1726 = arith.index_cast %parallel_loop3A_1725 : i32 to index
          %parallel_loop3A_1727 = tpu.vector_load %arg4[%parallel_loop3A_1726] {strides = array<i32>} : memref<36864xf32, #tpu.memory_space<vmem>>, vector<16xf32>,
          %parallel_loop3A_1728 = arith.addf %parallel_loop3A_1714, %parallel_loop3A_1727 : vector<16xf32>
          scf.yield %parallel_loop3A_1718, %parallel_loop3A_1723, %parallel_loop3A_1728 : vector<16xf32>, vector<16xf32>, vector<16xf32>
        } {sc.loop_unroll_factor = 4 : i64, sc.parallel_access}
        %add3A_1621 = arith.constant 960 : i32
        %add3A_1622 = arith.addi %add3A_1617, %add3A_1621 : i32
        %get3A = arith.index_cast %add3A_1622 : i32 to index
        %get3A_1623 = tpu.vector_load %arg4[%get3A] {strides = array<i32>} : memref<36864xf32, #tpu.memory_space<vmem>>, vector<16xf32>,
        %add3A_1624 = arith.addf %parallel_loop3A_1620#0, %get3A_1623 : vector<16xf32>
        %add3A_1625 = arith.constant 976 : i32
        %add3A_1626 = arith.addi %add3A_1617, %add3A_1625 : i32
        %get3A_1627 = arith.index_cast %add3A_1626 : i32 to index
        %get3A_1628 = tpu.vector_load %arg4[%get3A_1627] {strides = array<i32>} : memref<36864xf32, #tpu.memory_space<vmem>>, vector<16xf32>,
        %add3A_1629 = arith.addf %parallel_loop3A_1620#1, %get3A_1628 : vector<16xf32>
        %ge3A = arith.constant 8 : i32
        %ge3A_1630 = vector.broadcast %ge3A : i32 to vector<16xi32>
        %ge3A_1631 = arith.cmpi sge, %iota3A, %ge3A_1630 : vector<16xi32>
        %add3A_1632 = arith.constant 984 : i32
        %add3A_1633 = arith.addi %add3A_1617, %add3A_1632 : i32
        %get3A_1634 = arith.index_cast %add3A_1633 : i32 to index
        %get3A_1635 = tpu.vector_load %arg4[%get3A_1634] {strides = array<i32>} : memref<36864xf32, #tpu.memory_space<vmem>>, vector<16xf32>,
        %jit3A_1636 = arith.constant 0.000000e+00 : f32
        %broadcast_in_dim3A_1637 = vector.broadcast %jit3A_1636 : f32 to vector<16xf32>
        %select_n3A_1638 = arith.select %ge3A_1631, %get3A_1635, %broadcast_in_dim3A_1637 : vector<16xi1>, vector<16xf32>
        %add3A_1639 = arith.addf %add3A_1624, %select_n3A_1638 : vector<16xf32>
        %jit3A_1640 = arith.constant 0.000000e+00 : f32
        %broadcast_in_dim3A_1641 = vector.broadcast %jit3A_1640 : f32 to vector<16xf32>
        %select_n3A_1642 = arith.select %eq3A_23, %add3A_1639, %broadcast_in_dim3A_1641 : vector<16xi1>, vector<16xf32>
        %jit3A_1643 = arith.constant 0.000000e+00 : f32
        %broadcast_in_dim3A_1644 = vector.broadcast %jit3A_1643 : f32 to vector<16xf32>
        %select_n3A_1645 = arith.select %eq3A_107, %add3A_1629, %broadcast_in_dim3A_1644 : vector<16xi1>, vector<16xf32>
        %add3A_1646 = arith.addf %select_n3A_1642, %select_n3A_1645 : vector<16xf32>
        %jit3A_1647 = arith.constant 0.000000e+00 : f32
        %broadcast_in_dim3A_1648 = vector.broadcast %jit3A_1647 : f32 to vector<16xf32>
        %select_n3A_1649 = arith.select %eq3A_191, %parallel_loop3A_1620#2, %broadcast_in_dim3A_1648 : vector<16xi1>, vector<16xf32>
        %add3A_1650 = arith.addf %add3A_1646, %select_n3A_1649 : vector<16xf32>
        %reduce_sum3A = arith.constant true
        %reduce_sum3A_1651 = vector.broadcast %reduce_sum3A : i1 to vector<16xi1>
        %reduce_sum3A_1652 = tpu.scan <sum>, %add3A_1650 masked %reduce_sum3A_1651 : vector<16xf32>, vector<16xi1> -> vector<16xf32>
        %reduce_sum3A_1653 = vector.extract %reduce_sum3A_1652[15] : f32 from vector<16xf32>
        %mul3A_1654 = arith.constant 0.00299401209 : f32
        %mul3A_1655 = arith.mulf %reduce_sum3A_1653, %mul3A_1654 : f32
        %add3A_1656 = arith.constant 0 : i32
        %add3A_1657 = arith.addi %mul3A_918, %add3A_1656 : i32
        %add3A_1658 = arith.addi %add3A_1657, %scan3A_1614 : i32
        %add3A_1659 = vector.broadcast %add3A_1658 : i32 to vector<16xi32>
        %add3A_1660 = arith.addi %broadcast_in_dim3A_253, %add3A_1659 : vector<16xi32>
        %add3A_1661 = vector.broadcast %mul3A_1655 : f32 to vector<16xf32>
        %add3A_1662 = arith.addf %broadcast_in_dim3A_251, %add3A_1661 : vector<16xf32>
        tpu.vector_store_idx %arg6[%add3A_1660], %add3A_1662 masked %lt3A_250 : memref<3072xf32, #tpu.memory_space<vmem>>[vector<16xi32>], vector<16xf32>, vector<16xi1>
        %jit3A_1663 = arith.constant 0.000000e+00 : f32
        %broadcast_in_dim3A_1664 = vector.broadcast %jit3A_1663 : f32 to vector<16xf32>
        %select_n3A_1665 = arith.select %eq3A_51, %add3A_1639, %broadcast_in_dim3A_1664 : vector<16xi1>, vector<16xf32>
        %jit3A_1666 = arith.constant 0.000000e+00 : f32
        %broadcast_in_dim3A_1667 = vector.broadcast %jit3A_1666 : f32 to vector<16xf32>
        %select_n3A_1668 = arith.select %eq3A_135, %add3A_1629, %broadcast_in_dim3A_1667 : vector<16xi1>, vector<16xf32>
        %add3A_1669 = arith.addf %select_n3A_1665, %select_n3A_1668 : vector<16xf32>
        %jit3A_1670 = arith.constant 0.000000e+00 : f32
        %broadcast_in_dim3A_1671 = vector.broadcast %jit3A_1670 : f32 to vector<16xf32>
        %select_n3A_1672 = arith.select %eq3A_219, %parallel_loop3A_1620#2, %broadcast_in_dim3A_1671 : vector<16xi1>, vector<16xf32>
        %add3A_1673 = arith.addf %add3A_1669, %select_n3A_1672 : vector<16xf32>
        %reduce_sum3A_1674 = arith.constant true
        %reduce_sum3A_1675 = vector.broadcast %reduce_sum3A_1674 : i1 to vector<16xi1>
        %reduce_sum3A_1676 = tpu.scan <sum>, %add3A_1673 masked %reduce_sum3A_1675 : vector<16xf32>, vector<16xi1> -> vector<16xf32>
        %reduce_sum3A_1677 = vector.extract %reduce_sum3A_1676[15] : f32 from vector<16xf32>
        %mul3A_1678 = arith.constant 0.00300300308 : f32
        %mul3A_1679 = arith.mulf %reduce_sum3A_1677, %mul3A_1678 : f32
        %add3A_1680 = arith.constant 32 : i32
        %add3A_1681 = arith.addi %mul3A_918, %add3A_1680 : i32
        %add3A_1682 = arith.addi %add3A_1681, %scan3A_1614 : i32
        %add3A_1683 = vector.broadcast %add3A_1682 : i32 to vector<16xi32>
        %add3A_1684 = arith.addi %broadcast_in_dim3A_253, %add3A_1683 : vector<16xi32>
        %add3A_1685 = vector.broadcast %mul3A_1679 : f32 to vector<16xf32>
        %add3A_1686 = arith.addf %broadcast_in_dim3A_251, %add3A_1685 : vector<16xf32>
        tpu.vector_store_idx %arg6[%add3A_1684], %add3A_1686 masked %lt3A_250 : memref<3072xf32, #tpu.memory_space<vmem>>[vector<16xi32>], vector<16xf32>, vector<16xi1>
        %jit3A_1687 = arith.constant 0.000000e+00 : f32
        %broadcast_in_dim3A_1688 = vector.broadcast %jit3A_1687 : f32 to vector<16xf32>
        %select_n3A_1689 = arith.select %eq3A_79, %add3A_1639, %broadcast_in_dim3A_1688 : vector<16xi1>, vector<16xf32>
        %jit3A_1690 = arith.constant 0.000000e+00 : f32
        %broadcast_in_dim3A_1691 = vector.broadcast %jit3A_1690 : f32 to vector<16xf32>
        %select_n3A_1692 = arith.select %eq3A_163, %add3A_1629, %broadcast_in_dim3A_1691 : vector<16xi1>, vector<16xf32>
        %add3A_1693 = arith.addf %select_n3A_1689, %select_n3A_1692 : vector<16xf32>
        %jit3A_1694 = arith.constant 0.000000e+00 : f32
        %broadcast_in_dim3A_1695 = vector.broadcast %jit3A_1694 : f32 to vector<16xf32>
        %select_n3A_1696 = arith.select %eq3A_247, %parallel_loop3A_1620#2, %broadcast_in_dim3A_1695 : vector<16xi1>, vector<16xf32>
        %add3A_1697 = arith.addf %add3A_1693, %select_n3A_1696 : vector<16xf32>
        %reduce_sum3A_1698 = arith.constant true
        %reduce_sum3A_1699 = vector.broadcast %reduce_sum3A_1698 : i1 to vector<16xi1>
        %reduce_sum3A_1700 = tpu.scan <sum>, %add3A_1697 masked %reduce_sum3A_1699 : vector<16xf32>, vector<16xi1> -> vector<16xf32>
        %reduce_sum3A_1701 = vector.extract %reduce_sum3A_1700[15] : f32 from vector<16xf32>
        %mul3A_1702 = arith.constant 0.00300300308 : f32
        %mul3A_1703 = arith.mulf %reduce_sum3A_1701, %mul3A_1702 : f32
        %add3A_1704 = arith.constant 64 : i32
        %add3A_1705 = arith.addi %mul3A_918, %add3A_1704 : i32
        %add3A_1706 = arith.addi %add3A_1705, %scan3A_1614 : i32
        %add3A_1707 = vector.broadcast %add3A_1706 : i32 to vector<16xi32>
        %add3A_1708 = arith.addi %broadcast_in_dim3A_253, %add3A_1707 : vector<16xi32>
        %add3A_1709 = vector.broadcast %mul3A_1703 : f32 to vector<16xf32>
        %add3A_1710 = arith.addf %broadcast_in_dim3A_251, %add3A_1709 : vector<16xf32>
        tpu.vector_store_idx %arg6[%add3A_1708], %add3A_1710 masked %lt3A_250 : memref<3072xf32, #tpu.memory_space<vmem>>[vector<16xi32>], vector<16xf32>, vector<16xi1>
      }
      %scan3A_924 = arith.constant 32 : i32
      %add3A_925 = arith.constant 2 : i32
      %add3A_926 = arith.addi %mul3A_881, %add3A_925 : i32
      %mul3A_927 = arith.constant 1000 : i32
      %mul3A_928 = arith.muli %add3A_926, %mul3A_927 : i32
      %jit3A_929 = arith.constant 128 : i32
      %div3A_930 = arith.divsi %mul3A_928, %jit3A_929 : i32
      %sign3A_931 = arith.constant 0 : i32
      %sign3A_932 = arith.cmpi sgt, %mul3A_928, %sign3A_931 : i32
      %sign3A_933 = arith.extui %sign3A_932 : i1 to i32
      %sign3A_934 = arith.constant 0 : i32
      %sign3A_935 = arith.cmpi slt, %mul3A_928, %sign3A_934 : i32
      %sign3A_936 = arith.extui %sign3A_935 : i1 to i32
      %sign3A_937 = arith.subi %sign3A_933, %sign3A_936 : i32
      %sign3A_938 = arith.constant 0 : i32
      %sign3A_939 = arith.cmpi sgt, %jit3A_929, %sign3A_938 : i32
      %sign3A_940 = arith.extui %sign3A_939 : i1 to i32
      %sign3A_941 = arith.constant 0 : i32
      %sign3A_942 = arith.cmpi slt, %jit3A_929, %sign3A_941 : i32
      %sign3A_943 = arith.extui %sign3A_942 : i1 to i32
      %sign3A_944 = arith.subi %sign3A_940, %sign3A_943 : i32
      %ne3A_945 = arith.cmpi ne, %sign3A_937, %sign3A_944 : i32
      %rem3A_946 = arith.remsi %mul3A_928, %jit3A_929 : i32
      %ne3A_947 = arith.constant 0 : i32
      %ne3A_948 = arith.cmpi ne, %rem3A_946, %ne3A_947 : i32
      %and3A_949 = arith.andi %ne3A_945, %ne3A_948 : i1
      %sub3A_950 = arith.constant 1 : i32
      %sub3A_951 = arith.subi %div3A_930, %sub3A_950 : i32
      %select_n3A_952 = arith.select %and3A_949, %sub3A_951, %div3A_930 : i32
      %min3A_953 = arith.constant 241 : i32
      %min3A_954 = arith.minsi %select_n3A_952, %min3A_953 : i32
      %mul3A_955 = arith.constant 128 : i32
      %mul3A_956 = arith.muli %min3A_954, %mul3A_955 : i32
      %add3A_957 = arith.addi %mul3A_2, %mul3A_956 : i32
      %dma_start3A_958 = arith.constant 0 : i32
      %dma_start3A_959 = arith.constant 0 : i32
      %dma_start3A_960 = tpu.memref_slice %arg4[%dma_start3A_959] : memref<36864xf32, #tpu.memory_space<vmem>> -> memref<1152xf32, #tpu.memory_space<vmem>>
      %dma_start3A_961 = tpu.memref_slice %arg2[%dma_start3A_958, %add3A_957] : memref<32x1024000xf32, #tpu.memory_space<hbm>> -> memref<1x1152xf32, #tpu.memory_space<hbm>>
      %dma_start3A_962 = tpu.memref_squeeze %dma_start3A_961 : memref<1x1152xf32, #tpu.memory_space<hbm>> -> memref<1152xf32, #tpu.memory_space<hbm>>
      %dma_start3A_963 = arith.constant 0 : i32
      %dma_start3A_964 = tpu.memref_slice %arg4[%dma_start3A_963] : memref<36864xf32, #tpu.memory_space<vmem>> -> memref<1152xf32, #tpu.memory_space<vmem>>
      %dma_start3A_965 = tpu.memref_slice %arg2[%dma_start3A_958, %add3A_957] : memref<32x1024000xf32, #tpu.memory_space<hbm>> -> memref<1x1152xf32, #tpu.memory_space<hbm>>
      %dma_start3A_966 = tpu.memref_squeeze %dma_start3A_965 : memref<1x1152xf32, #tpu.memory_space<hbm>> -> memref<1152xf32, #tpu.memory_space<hbm>>
      tpu.enqueue_dma source(%dma_start3A_966 : memref<1152xf32, #tpu.memory_space<hbm>>) target(%dma_start3A_964 : memref<1152xf32, #tpu.memory_space<vmem>>) target_semaphore(%arg7 : memref<!tpu.dma_semaphore, #tpu.memory_space<semaphore_mem>>)
      %dma_start3A_967 = arith.constant 1 : i32
      %dma_start3A_968 = arith.constant 1152 : i32
      %dma_start3A_969 = tpu.memref_slice %arg4[%dma_start3A_968] : memref<36864xf32, #tpu.memory_space<vmem>> -> memref<1152xf32, #tpu.memory_space<vmem>>
      %dma_start3A_970 = tpu.memref_slice %arg2[%dma_start3A_967, %add3A_957] : memref<32x1024000xf32, #tpu.memory_space<hbm>> -> memref<1x1152xf32, #tpu.memory_space<hbm>>
      %dma_start3A_971 = tpu.memref_squeeze %dma_start3A_970 : memref<1x1152xf32, #tpu.memory_space<hbm>> -> memref<1152xf32, #tpu.memory_space<hbm>>
      %dma_start3A_972 = arith.constant 1152 : i32
      %dma_start3A_973 = tpu.memref_slice %arg4[%dma_start3A_972] : memref<36864xf32, #tpu.memory_space<vmem>> -> memref<1152xf32, #tpu.memory_space<vmem>>
      %dma_start3A_974 = tpu.memref_slice %arg2[%dma_start3A_967, %add3A_957] : memref<32x1024000xf32, #tpu.memory_space<hbm>> -> memref<1x1152xf32, #tpu.memory_space<hbm>>
      %dma_start3A_975 = tpu.memref_squeeze %dma_start3A_974 : memref<1x1152xf32, #tpu.memory_space<hbm>> -> memref<1152xf32, #tpu.memory_space<hbm>>
      tpu.enqueue_dma source(%dma_start3A_975 : memref<1152xf32, #tpu.memory_space<hbm>>) target(%dma_start3A_973 : memref<1152xf32, #tpu.memory_space<vmem>>) target_semaphore(%arg7 : memref<!tpu.dma_semaphore, #tpu.memory_space<semaphore_mem>>)
      %dma_start3A_976 = arith.constant 2 : i32
      %dma_start3A_977 = arith.constant 2304 : i32
      %dma_start3A_978 = tpu.memref_slice %arg4[%dma_start3A_977] : memref<36864xf32, #tpu.memory_space<vmem>> -> memref<1152xf32, #tpu.memory_space<vmem>>
      %dma_start3A_979 = tpu.memref_slice %arg2[%dma_start3A_976, %add3A_957] : memref<32x1024000xf32, #tpu.memory_space<hbm>> -> memref<1x1152xf32, #tpu.memory_space<hbm>>
      %dma_start3A_980 = tpu.memref_squeeze %dma_start3A_979 : memref<1x1152xf32, #tpu.memory_space<hbm>> -> memref<1152xf32, #tpu.memory_space<hbm>>
      %dma_start3A_981 = arith.constant 2304 : i32
      %dma_start3A_982 = tpu.memref_slice %arg4[%dma_start3A_981] : memref<36864xf32, #tpu.memory_space<vmem>> -> memref<1152xf32, #tpu.memory_space<vmem>>
      %dma_start3A_983 = tpu.memref_slice %arg2[%dma_start3A_976, %add3A_957] : memref<32x1024000xf32, #tpu.memory_space<hbm>> -> memref<1x1152xf32, #tpu.memory_space<hbm>>
      %dma_start3A_984 = tpu.memref_squeeze %dma_start3A_983 : memref<1x1152xf32, #tpu.memory_space<hbm>> -> memref<1152xf32, #tpu.memory_space<hbm>>
      tpu.enqueue_dma source(%dma_start3A_984 : memref<1152xf32, #tpu.memory_space<hbm>>) target(%dma_start3A_982 : memref<1152xf32, #tpu.memory_space<vmem>>) target_semaphore(%arg7 : memref<!tpu.dma_semaphore, #tpu.memory_space<semaphore_mem>>)
      %dma_start3A_985 = arith.constant 3 : i32
      %dma_start3A_986 = arith.constant 3456 : i32
      %dma_start3A_987 = tpu.memref_slice %arg4[%dma_start3A_986] : memref<36864xf32, #tpu.memory_space<vmem>> -> memref<1152xf32, #tpu.memory_space<vmem>>
      %dma_start3A_988 = tpu.memref_slice %arg2[%dma_start3A_985, %add3A_957] : memref<32x1024000xf32, #tpu.memory_space<hbm>> -> memref<1x1152xf32, #tpu.memory_space<hbm>>
      %dma_start3A_989 = tpu.memref_squeeze %dma_start3A_988 : memref<1x1152xf32, #tpu.memory_space<hbm>> -> memref<1152xf32, #tpu.memory_space<hbm>>
      %dma_start3A_990 = arith.constant 3456 : i32
      %dma_start3A_991 = tpu.memref_slice %arg4[%dma_start3A_990] : memref<36864xf32, #tpu.memory_space<vmem>> -> memref<1152xf32, #tpu.memory_space<vmem>>
      %dma_start3A_992 = tpu.memref_slice %arg2[%dma_start3A_985, %add3A_957] : memref<32x1024000xf32, #tpu.memory_space<hbm>> -> memref<1x1152xf32, #tpu.memory_space<hbm>>
      %dma_start3A_993 = tpu.memref_squeeze %dma_start3A_992 : memref<1x1152xf32, #tpu.memory_space<hbm>> -> memref<1152xf32, #tpu.memory_space<hbm>>
      tpu.enqueue_dma source(%dma_start3A_993 : memref<1152xf32, #tpu.memory_space<hbm>>) target(%dma_start3A_991 : memref<1152xf32, #tpu.memory_space<vmem>>) target_semaphore(%arg7 : memref<!tpu.dma_semaphore, #tpu.memory_space<semaphore_mem>>)
      %dma_start3A_994 = arith.constant 4 : i32
      %dma_start3A_995 = arith.constant 4608 : i32
      %dma_start3A_996 = tpu.memref_slice %arg4[%dma_start3A_995] : memref<36864xf32, #tpu.memory_space<vmem>> -> memref<1152xf32, #tpu.memory_space<vmem>>
      %dma_start3A_997 = tpu.memref_slice %arg2[%dma_start3A_994, %add3A_957] : memref<32x1024000xf32, #tpu.memory_space<hbm>> -> memref<1x1152xf32, #tpu.memory_space<hbm>>
      %dma_start3A_998 = tpu.memref_squeeze %dma_start3A_997 : memref<1x1152xf32, #tpu.memory_space<hbm>> -> memref<1152xf32, #tpu.memory_space<hbm>>
      %dma_start3A_999 = arith.constant 4608 : i32
      %dma_start3A_1000 = tpu.memref_slice %arg4[%dma_start3A_999] : memref<36864xf32, #tpu.memory_space<vmem>> -> memref<1152xf32, #tpu.memory_space<vmem>>
      %dma_start3A_1001 = tpu.memref_slice %arg2[%dma_start3A_994, %add3A_957] : memref<32x1024000xf32, #tpu.memory_space<hbm>> -> memref<1x1152xf32, #tpu.memory_space<hbm>>
      %dma_start3A_1002 = tpu.memref_squeeze %dma_start3A_1001 : memref<1x1152xf32, #tpu.memory_space<hbm>> -> memref<1152xf32, #tpu.memory_space<hbm>>
      tpu.enqueue_dma source(%dma_start3A_1002 : memref<1152xf32, #tpu.memory_space<hbm>>) target(%dma_start3A_1000 : memref<1152xf32, #tpu.memory_space<vmem>>) target_semaphore(%arg7 : memref<!tpu.dma_semaphore, #tpu.memory_space<semaphore_mem>>)
      %dma_start3A_1003 = arith.constant 5 : i32
      %dma_start3A_1004 = arith.constant 5760 : i32
      %dma_start3A_1005 = tpu.memref_slice %arg4[%dma_start3A_1004] : memref<36864xf32, #tpu.memory_space<vmem>> -> memref<1152xf32, #tpu.memory_space<vmem>>
      %dma_start3A_1006 = tpu.memref_slice %arg2[%dma_start3A_1003, %add3A_957] : memref<32x1024000xf32, #tpu.memory_space<hbm>> -> memref<1x1152xf32, #tpu.memory_space<hbm>>
      %dma_start3A_1007 = tpu.memref_squeeze %dma_start3A_1006 : memref<1x1152xf32, #tpu.memory_space<hbm>> -> memref<1152xf32, #tpu.memory_space<hbm>>
      %dma_start3A_1008 = arith.constant 5760 : i32
      %dma_start3A_1009 = tpu.memref_slice %arg4[%dma_start3A_1008] : memref<36864xf32, #tpu.memory_space<vmem>> -> memref<1152xf32, #tpu.memory_space<vmem>>
      %dma_start3A_1010 = tpu.memref_slice %arg2[%dma_start3A_1003, %add3A_957] : memref<32x1024000xf32, #tpu.memory_space<hbm>> -> memref<1x1152xf32, #tpu.memory_space<hbm>>
      %dma_start3A_1011 = tpu.memref_squeeze %dma_start3A_1010 : memref<1x1152xf32, #tpu.memory_space<hbm>> -> memref<1152xf32, #tpu.memory_space<hbm>>
      tpu.enqueue_dma source(%dma_start3A_1011 : memref<1152xf32, #tpu.memory_space<hbm>>) target(%dma_start3A_1009 : memref<1152xf32, #tpu.memory_space<vmem>>) target_semaphore(%arg7 : memref<!tpu.dma_semaphore, #tpu.memory_space<semaphore_mem>>)
      %dma_start3A_1012 = arith.constant 6 : i32
      %dma_start3A_1013 = arith.constant 6912 : i32
      %dma_start3A_1014 = tpu.memref_slice %arg4[%dma_start3A_1013] : memref<36864xf32, #tpu.memory_space<vmem>> -> memref<1152xf32, #tpu.memory_space<vmem>>
      %dma_start3A_1015 = tpu.memref_slice %arg2[%dma_start3A_1012, %add3A_957] : memref<32x1024000xf32, #tpu.memory_space<hbm>> -> memref<1x1152xf32, #tpu.memory_space<hbm>>
      %dma_start3A_1016 = tpu.memref_squeeze %dma_start3A_1015 : memref<1x1152xf32, #tpu.memory_space<hbm>> -> memref<1152xf32, #tpu.memory_space<hbm>>
      %dma_start3A_1017 = arith.constant 6912 : i32
      %dma_start3A_1018 = tpu.memref_slice %arg4[%dma_start3A_1017] : memref<36864xf32, #tpu.memory_space<vmem>> -> memref<1152xf32, #tpu.memory_space<vmem>>
      %dma_start3A_1019 = tpu.memref_slice %arg2[%dma_start3A_1012, %add3A_957] : memref<32x1024000xf32, #tpu.memory_space<hbm>> -> memref<1x1152xf32, #tpu.memory_space<hbm>>
      %dma_start3A_1020 = tpu.memref_squeeze %dma_start3A_1019 : memref<1x1152xf32, #tpu.memory_space<hbm>> -> memref<1152xf32, #tpu.memory_space<hbm>>
      tpu.enqueue_dma source(%dma_start3A_1020 : memref<1152xf32, #tpu.memory_space<hbm>>) target(%dma_start3A_1018 : memref<1152xf32, #tpu.memory_space<vmem>>) target_semaphore(%arg7 : memref<!tpu.dma_semaphore, #tpu.memory_space<semaphore_mem>>)
      %dma_start3A_1021 = arith.constant 7 : i32
      %dma_start3A_1022 = arith.constant 8064 : i32
      %dma_start3A_1023 = tpu.memref_slice %arg4[%dma_start3A_1022] : memref<36864xf32, #tpu.memory_space<vmem>> -> memref<1152xf32, #tpu.memory_space<vmem>>
      %dma_start3A_1024 = tpu.memref_slice %arg2[%dma_start3A_1021, %add3A_957] : memref<32x1024000xf32, #tpu.memory_space<hbm>> -> memref<1x1152xf32, #tpu.memory_space<hbm>>
      %dma_start3A_1025 = tpu.memref_squeeze %dma_start3A_1024 : memref<1x1152xf32, #tpu.memory_space<hbm>> -> memref<1152xf32, #tpu.memory_space<hbm>>
      %dma_start3A_1026 = arith.constant 8064 : i32
      %dma_start3A_1027 = tpu.memref_slice %arg4[%dma_start3A_1026] : memref<36864xf32, #tpu.memory_space<vmem>> -> memref<1152xf32, #tpu.memory_space<vmem>>
      %dma_start3A_1028 = tpu.memref_slice %arg2[%dma_start3A_1021, %add3A_957] : memref<32x1024000xf32, #tpu.memory_space<hbm>> -> memref<1x1152xf32, #tpu.memory_space<hbm>>
      %dma_start3A_1029 = tpu.memref_squeeze %dma_start3A_1028 : memref<1x1152xf32, #tpu.memory_space<hbm>> -> memref<1152xf32, #tpu.memory_space<hbm>>
      tpu.enqueue_dma source(%dma_start3A_1029 : memref<1152xf32, #tpu.memory_space<hbm>>) target(%dma_start3A_1027 : memref<1152xf32, #tpu.memory_space<vmem>>) target_semaphore(%arg7 : memref<!tpu.dma_semaphore, #tpu.memory_space<semaphore_mem>>)
      %dma_start3A_1030 = arith.constant 8 : i32
      %dma_start3A_1031 = arith.constant 9216 : i32
      %dma_start3A_1032 = tpu.memref_slice %arg4[%dma_start3A_1031] : memref<36864xf32, #tpu.memory_space<vmem>> -> memref<1152xf32, #tpu.memory_space<vmem>>
      %dma_start3A_1033 = tpu.memref_slice %arg2[%dma_start3A_1030, %add3A_957] : memref<32x1024000xf32, #tpu.memory_space<hbm>> -> memref<1x1152xf32, #tpu.memory_space<hbm>>
      %dma_start3A_1034 = tpu.memref_squeeze %dma_start3A_1033 : memref<1x1152xf32, #tpu.memory_space<hbm>> -> memref<1152xf32, #tpu.memory_space<hbm>>
      %dma_start3A_1035 = arith.constant 9216 : i32
      %dma_start3A_1036 = tpu.memref_slice %arg4[%dma_start3A_1035] : memref<36864xf32, #tpu.memory_space<vmem>> -> memref<1152xf32, #tpu.memory_space<vmem>>
      %dma_start3A_1037 = tpu.memref_slice %arg2[%dma_start3A_1030, %add3A_957] : memref<32x1024000xf32, #tpu.memory_space<hbm>> -> memref<1x1152xf32, #tpu.memory_space<hbm>>
      %dma_start3A_1038 = tpu.memref_squeeze %dma_start3A_1037 : memref<1x1152xf32, #tpu.memory_space<hbm>> -> memref<1152xf32, #tpu.memory_space<hbm>>
      tpu.enqueue_dma source(%dma_start3A_1038 : memref<1152xf32, #tpu.memory_space<hbm>>) target(%dma_start3A_1036 : memref<1152xf32, #tpu.memory_space<vmem>>) target_semaphore(%arg7 : memref<!tpu.dma_semaphore, #tpu.memory_space<semaphore_mem>>)
      %dma_start3A_1039 = arith.constant 9 : i32
      %dma_start3A_1040 = arith.constant 10368 : i32
      %dma_start3A_1041 = tpu.memref_slice %arg4[%dma_start3A_1040] : memref<36864xf32, #tpu.memory_space<vmem>> -> memref<1152xf32, #tpu.memory_space<vmem>>
      %dma_start3A_1042 = tpu.memref_slice %arg2[%dma_start3A_1039, %add3A_957] : memref<32x1024000xf32, #tpu.memory_space<hbm>> -> memref<1x1152xf32, #tpu.memory_space<hbm>>
      %dma_start3A_1043 = tpu.memref_squeeze %dma_start3A_1042 : memref<1x1152xf32, #tpu.memory_space<hbm>> -> memref<1152xf32, #tpu.memory_space<hbm>>
      %dma_start3A_1044 = arith.constant 10368 : i32
      %dma_start3A_1045 = tpu.memref_slice %arg4[%dma_start3A_1044] : memref<36864xf32, #tpu.memory_space<vmem>> -> memref<1152xf32, #tpu.memory_space<vmem>>
      %dma_start3A_1046 = tpu.memref_slice %arg2[%dma_start3A_1039, %add3A_957] : memref<32x1024000xf32, #tpu.memory_space<hbm>> -> memref<1x1152xf32, #tpu.memory_space<hbm>>
      %dma_start3A_1047 = tpu.memref_squeeze %dma_start3A_1046 : memref<1x1152xf32, #tpu.memory_space<hbm>> -> memref<1152xf32, #tpu.memory_space<hbm>>
      tpu.enqueue_dma source(%dma_start3A_1047 : memref<1152xf32, #tpu.memory_space<hbm>>) target(%dma_start3A_1045 : memref<1152xf32, #tpu.memory_space<vmem>>) target_semaphore(%arg7 : memref<!tpu.dma_semaphore, #tpu.memory_space<semaphore_mem>>)
      %dma_start3A_1048 = arith.constant 10 : i32
      %dma_start3A_1049 = arith.constant 11520 : i32
      %dma_start3A_1050 = tpu.memref_slice %arg4[%dma_start3A_1049] : memref<36864xf32, #tpu.memory_space<vmem>> -> memref<1152xf32, #tpu.memory_space<vmem>>
      %dma_start3A_1051 = tpu.memref_slice %arg2[%dma_start3A_1048, %add3A_957] : memref<32x1024000xf32, #tpu.memory_space<hbm>> -> memref<1x1152xf32, #tpu.memory_space<hbm>>
      %dma_start3A_1052 = tpu.memref_squeeze %dma_start3A_1051 : memref<1x1152xf32, #tpu.memory_space<hbm>> -> memref<1152xf32, #tpu.memory_space<hbm>>
      %dma_start3A_1053 = arith.constant 11520 : i32
      %dma_start3A_1054 = tpu.memref_slice %arg4[%dma_start3A_1053] : memref<36864xf32, #tpu.memory_space<vmem>> -> memref<1152xf32, #tpu.memory_space<vmem>>
      %dma_start3A_1055 = tpu.memref_slice %arg2[%dma_start3A_1048, %add3A_957] : memref<32x1024000xf32, #tpu.memory_space<hbm>> -> memref<1x1152xf32, #tpu.memory_space<hbm>>
      %dma_start3A_1056 = tpu.memref_squeeze %dma_start3A_1055 : memref<1x1152xf32, #tpu.memory_space<hbm>> -> memref<1152xf32, #tpu.memory_space<hbm>>
      tpu.enqueue_dma source(%dma_start3A_1056 : memref<1152xf32, #tpu.memory_space<hbm>>) target(%dma_start3A_1054 : memref<1152xf32, #tpu.memory_space<vmem>>) target_semaphore(%arg7 : memref<!tpu.dma_semaphore, #tpu.memory_space<semaphore_mem>>)
      %dma_start3A_1057 = arith.constant 11 : i32
      %dma_start3A_1058 = arith.constant 12672 : i32
      %dma_start3A_1059 = tpu.memref_slice %arg4[%dma_start3A_1058] : memref<36864xf32, #tpu.memory_space<vmem>> -> memref<1152xf32, #tpu.memory_space<vmem>>
      %dma_start3A_1060 = tpu.memref_slice %arg2[%dma_start3A_1057, %add3A_957] : memref<32x1024000xf32, #tpu.memory_space<hbm>> -> memref<1x1152xf32, #tpu.memory_space<hbm>>
      %dma_start3A_1061 = tpu.memref_squeeze %dma_start3A_1060 : memref<1x1152xf32, #tpu.memory_space<hbm>> -> memref<1152xf32, #tpu.memory_space<hbm>>
      %dma_start3A_1062 = arith.constant 12672 : i32
      %dma_start3A_1063 = tpu.memref_slice %arg4[%dma_start3A_1062] : memref<36864xf32, #tpu.memory_space<vmem>> -> memref<1152xf32, #tpu.memory_space<vmem>>
      %dma_start3A_1064 = tpu.memref_slice %arg2[%dma_start3A_1057, %add3A_957] : memref<32x1024000xf32, #tpu.memory_space<hbm>> -> memref<1x1152xf32, #tpu.memory_space<hbm>>
      %dma_start3A_1065 = tpu.memref_squeeze %dma_start3A_1064 : memref<1x1152xf32, #tpu.memory_space<hbm>> -> memref<1152xf32, #tpu.memory_space<hbm>>
      tpu.enqueue_dma source(%dma_start3A_1065 : memref<1152xf32, #tpu.memory_space<hbm>>) target(%dma_start3A_1063 : memref<1152xf32, #tpu.memory_space<vmem>>) target_semaphore(%arg7 : memref<!tpu.dma_semaphore, #tpu.memory_space<semaphore_mem>>)
      %dma_start3A_1066 = arith.constant 12 : i32
      %dma_start3A_1067 = arith.constant 13824 : i32
      %dma_start3A_1068 = tpu.memref_slice %arg4[%dma_start3A_1067] : memref<36864xf32, #tpu.memory_space<vmem>> -> memref<1152xf32, #tpu.memory_space<vmem>>
      %dma_start3A_1069 = tpu.memref_slice %arg2[%dma_start3A_1066, %add3A_957] : memref<32x1024000xf32, #tpu.memory_space<hbm>> -> memref<1x1152xf32, #tpu.memory_space<hbm>>
      %dma_start3A_1070 = tpu.memref_squeeze %dma_start3A_1069 : memref<1x1152xf32, #tpu.memory_space<hbm>> -> memref<1152xf32, #tpu.memory_space<hbm>>
      %dma_start3A_1071 = arith.constant 13824 : i32
      %dma_start3A_1072 = tpu.memref_slice %arg4[%dma_start3A_1071] : memref<36864xf32, #tpu.memory_space<vmem>> -> memref<1152xf32, #tpu.memory_space<vmem>>
      %dma_start3A_1073 = tpu.memref_slice %arg2[%dma_start3A_1066, %add3A_957] : memref<32x1024000xf32, #tpu.memory_space<hbm>> -> memref<1x1152xf32, #tpu.memory_space<hbm>>
      %dma_start3A_1074 = tpu.memref_squeeze %dma_start3A_1073 : memref<1x1152xf32, #tpu.memory_space<hbm>> -> memref<1152xf32, #tpu.memory_space<hbm>>
      tpu.enqueue_dma source(%dma_start3A_1074 : memref<1152xf32, #tpu.memory_space<hbm>>) target(%dma_start3A_1072 : memref<1152xf32, #tpu.memory_space<vmem>>) target_semaphore(%arg7 : memref<!tpu.dma_semaphore, #tpu.memory_space<semaphore_mem>>)
      %dma_start3A_1075 = arith.constant 13 : i32
      %dma_start3A_1076 = arith.constant 14976 : i32
      %dma_start3A_1077 = tpu.memref_slice %arg4[%dma_start3A_1076] : memref<36864xf32, #tpu.memory_space<vmem>> -> memref<1152xf32, #tpu.memory_space<vmem>>
      %dma_start3A_1078 = tpu.memref_slice %arg2[%dma_start3A_1075, %add3A_957] : memref<32x1024000xf32, #tpu.memory_space<hbm>> -> memref<1x1152xf32, #tpu.memory_space<hbm>>
      %dma_start3A_1079 = tpu.memref_squeeze %dma_start3A_1078 : memref<1x1152xf32, #tpu.memory_space<hbm>> -> memref<1152xf32, #tpu.memory_space<hbm>>
      %dma_start3A_1080 = arith.constant 14976 : i32
      %dma_start3A_1081 = tpu.memref_slice %arg4[%dma_start3A_1080] : memref<36864xf32, #tpu.memory_space<vmem>> -> memref<1152xf32, #tpu.memory_space<vmem>>
      %dma_start3A_1082 = tpu.memref_slice %arg2[%dma_start3A_1075, %add3A_957] : memref<32x1024000xf32, #tpu.memory_space<hbm>> -> memref<1x1152xf32, #tpu.memory_space<hbm>>
      %dma_start3A_1083 = tpu.memref_squeeze %dma_start3A_1082 : memref<1x1152xf32, #tpu.memory_space<hbm>> -> memref<1152xf32, #tpu.memory_space<hbm>>
      tpu.enqueue_dma source(%dma_start3A_1083 : memref<1152xf32, #tpu.memory_space<hbm>>) target(%dma_start3A_1081 : memref<1152xf32, #tpu.memory_space<vmem>>) target_semaphore(%arg7 : memref<!tpu.dma_semaphore, #tpu.memory_space<semaphore_mem>>)
      %dma_start3A_1084 = arith.constant 14 : i32
      %dma_start3A_1085 = arith.constant 16128 : i32
      %dma_start3A_1086 = tpu.memref_slice %arg4[%dma_start3A_1085] : memref<36864xf32, #tpu.memory_space<vmem>> -> memref<1152xf32, #tpu.memory_space<vmem>>
      %dma_start3A_1087 = tpu.memref_slice %arg2[%dma_start3A_1084, %add3A_957] : memref<32x1024000xf32, #tpu.memory_space<hbm>> -> memref<1x1152xf32, #tpu.memory_space<hbm>>
      %dma_start3A_1088 = tpu.memref_squeeze %dma_start3A_1087 : memref<1x1152xf32, #tpu.memory_space<hbm>> -> memref<1152xf32, #tpu.memory_space<hbm>>
      %dma_start3A_1089 = arith.constant 16128 : i32
      %dma_start3A_1090 = tpu.memref_slice %arg4[%dma_start3A_1089] : memref<36864xf32, #tpu.memory_space<vmem>> -> memref<1152xf32, #tpu.memory_space<vmem>>
      %dma_start3A_1091 = tpu.memref_slice %arg2[%dma_start3A_1084, %add3A_957] : memref<32x1024000xf32, #tpu.memory_space<hbm>> -> memref<1x1152xf32, #tpu.memory_space<hbm>>
      %dma_start3A_1092 = tpu.memref_squeeze %dma_start3A_1091 : memref<1x1152xf32, #tpu.memory_space<hbm>> -> memref<1152xf32, #tpu.memory_space<hbm>>
      tpu.enqueue_dma source(%dma_start3A_1092 : memref<1152xf32, #tpu.memory_space<hbm>>) target(%dma_start3A_1090 : memref<1152xf32, #tpu.memory_space<vmem>>) target_semaphore(%arg7 : memref<!tpu.dma_semaphore, #tpu.memory_space<semaphore_mem>>)
      %dma_start3A_1093 = arith.constant 15 : i32
      %dma_start3A_1094 = arith.constant 17280 : i32
      %dma_start3A_1095 = tpu.memref_slice %arg4[%dma_start3A_1094] : memref<36864xf32, #tpu.memory_space<vmem>> -> memref<1152xf32, #tpu.memory_space<vmem>>
      %dma_start3A_1096 = tpu.memref_slice %arg2[%dma_start3A_1093, %add3A_957] : memref<32x1024000xf32, #tpu.memory_space<hbm>> -> memref<1x1152xf32, #tpu.memory_space<hbm>>
      %dma_start3A_1097 = tpu.memref_squeeze %dma_start3A_1096 : memref<1x1152xf32, #tpu.memory_space<hbm>> -> memref<1152xf32, #tpu.memory_space<hbm>>
      %dma_start3A_1098 = arith.constant 17280 : i32
      %dma_start3A_1099 = tpu.memref_slice %arg4[%dma_start3A_1098] : memref<36864xf32, #tpu.memory_space<vmem>> -> memref<1152xf32, #tpu.memory_space<vmem>>
      %dma_start3A_1100 = tpu.memref_slice %arg2[%dma_start3A_1093, %add3A_957] : memref<32x1024000xf32, #tpu.memory_space<hbm>> -> memref<1x1152xf32, #tpu.memory_space<hbm>>
      %dma_start3A_1101 = tpu.memref_squeeze %dma_start3A_1100 : memref<1x1152xf32, #tpu.memory_space<hbm>> -> memref<1152xf32, #tpu.memory_space<hbm>>
      tpu.enqueue_dma source(%dma_start3A_1101 : memref<1152xf32, #tpu.memory_space<hbm>>) target(%dma_start3A_1099 : memref<1152xf32, #tpu.memory_space<vmem>>) target_semaphore(%arg7 : memref<!tpu.dma_semaphore, #tpu.memory_space<semaphore_mem>>)
      %dma_start3A_1102 = arith.constant 16 : i32
      %dma_start3A_1103 = arith.constant 18432 : i32
      %dma_start3A_1104 = tpu.memref_slice %arg4[%dma_start3A_1103] : memref<36864xf32, #tpu.memory_space<vmem>> -> memref<1152xf32, #tpu.memory_space<vmem>>
      %dma_start3A_1105 = tpu.memref_slice %arg2[%dma_start3A_1102, %add3A_957] : memref<32x1024000xf32, #tpu.memory_space<hbm>> -> memref<1x1152xf32, #tpu.memory_space<hbm>>
      %dma_start3A_1106 = tpu.memref_squeeze %dma_start3A_1105 : memref<1x1152xf32, #tpu.memory_space<hbm>> -> memref<1152xf32, #tpu.memory_space<hbm>>
      %dma_start3A_1107 = arith.constant 18432 : i32
      %dma_start3A_1108 = tpu.memref_slice %arg4[%dma_start3A_1107] : memref<36864xf32, #tpu.memory_space<vmem>> -> memref<1152xf32, #tpu.memory_space<vmem>>
      %dma_start3A_1109 = tpu.memref_slice %arg2[%dma_start3A_1102, %add3A_957] : memref<32x1024000xf32, #tpu.memory_space<hbm>> -> memref<1x1152xf32, #tpu.memory_space<hbm>>
      %dma_start3A_1110 = tpu.memref_squeeze %dma_start3A_1109 : memref<1x1152xf32, #tpu.memory_space<hbm>> -> memref<1152xf32, #tpu.memory_space<hbm>>
      tpu.enqueue_dma source(%dma_start3A_1110 : memref<1152xf32, #tpu.memory_space<hbm>>) target(%dma_start3A_1108 : memref<1152xf32, #tpu.memory_space<vmem>>) target_semaphore(%arg7 : memref<!tpu.dma_semaphore, #tpu.memory_space<semaphore_mem>>)
      %dma_start3A_1111 = arith.constant 17 : i32
      %dma_start3A_1112 = arith.constant 19584 : i32
      %dma_start3A_1113 = tpu.memref_slice %arg4[%dma_start3A_1112] : memref<36864xf32, #tpu.memory_space<vmem>> -> memref<1152xf32, #tpu.memory_space<vmem>>
      %dma_start3A_1114 = tpu.memref_slice %arg2[%dma_start3A_1111, %add3A_957] : memref<32x1024000xf32, #tpu.memory_space<hbm>> -> memref<1x1152xf32, #tpu.memory_space<hbm>>
      %dma_start3A_1115 = tpu.memref_squeeze %dma_start3A_1114 : memref<1x1152xf32, #tpu.memory_space<hbm>> -> memref<1152xf32, #tpu.memory_space<hbm>>
      %dma_start3A_1116 = arith.constant 19584 : i32
      %dma_start3A_1117 = tpu.memref_slice %arg4[%dma_start3A_1116] : memref<36864xf32, #tpu.memory_space<vmem>> -> memref<1152xf32, #tpu.memory_space<vmem>>
      %dma_start3A_1118 = tpu.memref_slice %arg2[%dma_start3A_1111, %add3A_957] : memref<32x1024000xf32, #tpu.memory_space<hbm>> -> memref<1x1152xf32, #tpu.memory_space<hbm>>
      %dma_start3A_1119 = tpu.memref_squeeze %dma_start3A_1118 : memref<1x1152xf32, #tpu.memory_space<hbm>> -> memref<1152xf32, #tpu.memory_space<hbm>>
      tpu.enqueue_dma source(%dma_start3A_1119 : memref<1152xf32, #tpu.memory_space<hbm>>) target(%dma_start3A_1117 : memref<1152xf32, #tpu.memory_space<vmem>>) target_semaphore(%arg7 : memref<!tpu.dma_semaphore, #tpu.memory_space<semaphore_mem>>)
      %dma_start3A_1120 = arith.constant 18 : i32
      %dma_start3A_1121 = arith.constant 20736 : i32
      %dma_start3A_1122 = tpu.memref_slice %arg4[%dma_start3A_1121] : memref<36864xf32, #tpu.memory_space<vmem>> -> memref<1152xf32, #tpu.memory_space<vmem>>
      %dma_start3A_1123 = tpu.memref_slice %arg2[%dma_start3A_1120, %add3A_957] : memref<32x1024000xf32, #tpu.memory_space<hbm>> -> memref<1x1152xf32, #tpu.memory_space<hbm>>
      %dma_start3A_1124 = tpu.memref_squeeze %dma_start3A_1123 : memref<1x1152xf32, #tpu.memory_space<hbm>> -> memref<1152xf32, #tpu.memory_space<hbm>>
      %dma_start3A_1125 = arith.constant 20736 : i32
      %dma_start3A_1126 = tpu.memref_slice %arg4[%dma_start3A_1125] : memref<36864xf32, #tpu.memory_space<vmem>> -> memref<1152xf32, #tpu.memory_space<vmem>>
      %dma_start3A_1127 = tpu.memref_slice %arg2[%dma_start3A_1120, %add3A_957] : memref<32x1024000xf32, #tpu.memory_space<hbm>> -> memref<1x1152xf32, #tpu.memory_space<hbm>>
      %dma_start3A_1128 = tpu.memref_squeeze %dma_start3A_1127 : memref<1x1152xf32, #tpu.memory_space<hbm>> -> memref<1152xf32, #tpu.memory_space<hbm>>
      tpu.enqueue_dma source(%dma_start3A_1128 : memref<1152xf32, #tpu.memory_space<hbm>>) target(%dma_start3A_1126 : memref<1152xf32, #tpu.memory_space<vmem>>) target_semaphore(%arg7 : memref<!tpu.dma_semaphore, #tpu.memory_space<semaphore_mem>>)
      %dma_start3A_1129 = arith.constant 19 : i32
      %dma_start3A_1130 = arith.constant 21888 : i32
      %dma_start3A_1131 = tpu.memref_slice %arg4[%dma_start3A_1130] : memref<36864xf32, #tpu.memory_space<vmem>> -> memref<1152xf32, #tpu.memory_space<vmem>>
      %dma_start3A_1132 = tpu.memref_slice %arg2[%dma_start3A_1129, %add3A_957] : memref<32x1024000xf32, #tpu.memory_space<hbm>> -> memref<1x1152xf32, #tpu.memory_space<hbm>>
      %dma_start3A_1133 = tpu.memref_squeeze %dma_start3A_1132 : memref<1x1152xf32, #tpu.memory_space<hbm>> -> memref<1152xf32, #tpu.memory_space<hbm>>
      %dma_start3A_1134 = arith.constant 21888 : i32
      %dma_start3A_1135 = tpu.memref_slice %arg4[%dma_start3A_1134] : memref<36864xf32, #tpu.memory_space<vmem>> -> memref<1152xf32, #tpu.memory_space<vmem>>
      %dma_start3A_1136 = tpu.memref_slice %arg2[%dma_start3A_1129, %add3A_957] : memref<32x1024000xf32, #tpu.memory_space<hbm>> -> memref<1x1152xf32, #tpu.memory_space<hbm>>
      %dma_start3A_1137 = tpu.memref_squeeze %dma_start3A_1136 : memref<1x1152xf32, #tpu.memory_space<hbm>> -> memref<1152xf32, #tpu.memory_space<hbm>>
      tpu.enqueue_dma source(%dma_start3A_1137 : memref<1152xf32, #tpu.memory_space<hbm>>) target(%dma_start3A_1135 : memref<1152xf32, #tpu.memory_space<vmem>>) target_semaphore(%arg7 : memref<!tpu.dma_semaphore, #tpu.memory_space<semaphore_mem>>)
      %dma_start3A_1138 = arith.constant 20 : i32
      %dma_start3A_1139 = arith.constant 23040 : i32
      %dma_start3A_1140 = tpu.memref_slice %arg4[%dma_start3A_1139] : memref<36864xf32, #tpu.memory_space<vmem>> -> memref<1152xf32, #tpu.memory_space<vmem>>
      %dma_start3A_1141 = tpu.memref_slice %arg2[%dma_start3A_1138, %add3A_957] : memref<32x1024000xf32, #tpu.memory_space<hbm>> -> memref<1x1152xf32, #tpu.memory_space<hbm>>
      %dma_start3A_1142 = tpu.memref_squeeze %dma_start3A_1141 : memref<1x1152xf32, #tpu.memory_space<hbm>> -> memref<1152xf32, #tpu.memory_space<hbm>>
      %dma_start3A_1143 = arith.constant 23040 : i32
      %dma_start3A_1144 = tpu.memref_slice %arg4[%dma_start3A_1143] : memref<36864xf32, #tpu.memory_space<vmem>> -> memref<1152xf32, #tpu.memory_space<vmem>>
      %dma_start3A_1145 = tpu.memref_slice %arg2[%dma_start3A_1138, %add3A_957] : memref<32x1024000xf32, #tpu.memory_space<hbm>> -> memref<1x1152xf32, #tpu.memory_space<hbm>>
      %dma_start3A_1146 = tpu.memref_squeeze %dma_start3A_1145 : memref<1x1152xf32, #tpu.memory_space<hbm>> -> memref<1152xf32, #tpu.memory_space<hbm>>
      tpu.enqueue_dma source(%dma_start3A_1146 : memref<1152xf32, #tpu.memory_space<hbm>>) target(%dma_start3A_1144 : memref<1152xf32, #tpu.memory_space<vmem>>) target_semaphore(%arg7 : memref<!tpu.dma_semaphore, #tpu.memory_space<semaphore_mem>>)
      %dma_start3A_1147 = arith.constant 21 : i32
      %dma_start3A_1148 = arith.constant 24192 : i32
      %dma_start3A_1149 = tpu.memref_slice %arg4[%dma_start3A_1148] : memref<36864xf32, #tpu.memory_space<vmem>> -> memref<1152xf32, #tpu.memory_space<vmem>>
      %dma_start3A_1150 = tpu.memref_slice %arg2[%dma_start3A_1147, %add3A_957] : memref<32x1024000xf32, #tpu.memory_space<hbm>> -> memref<1x1152xf32, #tpu.memory_space<hbm>>
      %dma_start3A_1151 = tpu.memref_squeeze %dma_start3A_1150 : memref<1x1152xf32, #tpu.memory_space<hbm>> -> memref<1152xf32, #tpu.memory_space<hbm>>
      %dma_start3A_1152 = arith.constant 24192 : i32
      %dma_start3A_1153 = tpu.memref_slice %arg4[%dma_start3A_1152] : memref<36864xf32, #tpu.memory_space<vmem>> -> memref<1152xf32, #tpu.memory_space<vmem>>
      %dma_start3A_1154 = tpu.memref_slice %arg2[%dma_start3A_1147, %add3A_957] : memref<32x1024000xf32, #tpu.memory_space<hbm>> -> memref<1x1152xf32, #tpu.memory_space<hbm>>
      %dma_start3A_1155 = tpu.memref_squeeze %dma_start3A_1154 : memref<1x1152xf32, #tpu.memory_space<hbm>> -> memref<1152xf32, #tpu.memory_space<hbm>>
      tpu.enqueue_dma source(%dma_start3A_1155 : memref<1152xf32, #tpu.memory_space<hbm>>) target(%dma_start3A_1153 : memref<1152xf32, #tpu.memory_space<vmem>>) target_semaphore(%arg7 : memref<!tpu.dma_semaphore, #tpu.memory_space<semaphore_mem>>)
      %dma_start3A_1156 = arith.constant 22 : i32
      %dma_start3A_1157 = arith.constant 25344 : i32
      %dma_start3A_1158 = tpu.memref_slice %arg4[%dma_start3A_1157] : memref<36864xf32, #tpu.memory_space<vmem>> -> memref<1152xf32, #tpu.memory_space<vmem>>
      %dma_start3A_1159 = tpu.memref_slice %arg2[%dma_start3A_1156, %add3A_957] : memref<32x1024000xf32, #tpu.memory_space<hbm>> -> memref<1x1152xf32, #tpu.memory_space<hbm>>
      %dma_start3A_1160 = tpu.memref_squeeze %dma_start3A_1159 : memref<1x1152xf32, #tpu.memory_space<hbm>> -> memref<1152xf32, #tpu.memory_space<hbm>>
      %dma_start3A_1161 = arith.constant 25344 : i32
      %dma_start3A_1162 = tpu.memref_slice %arg4[%dma_start3A_1161] : memref<36864xf32, #tpu.memory_space<vmem>> -> memref<1152xf32, #tpu.memory_space<vmem>>
      %dma_start3A_1163 = tpu.memref_slice %arg2[%dma_start3A_1156, %add3A_957] : memref<32x1024000xf32, #tpu.memory_space<hbm>> -> memref<1x1152xf32, #tpu.memory_space<hbm>>
      %dma_start3A_1164 = tpu.memref_squeeze %dma_start3A_1163 : memref<1x1152xf32, #tpu.memory_space<hbm>> -> memref<1152xf32, #tpu.memory_space<hbm>>
      tpu.enqueue_dma source(%dma_start3A_1164 : memref<1152xf32, #tpu.memory_space<hbm>>) target(%dma_start3A_1162 : memref<1152xf32, #tpu.memory_space<vmem>>) target_semaphore(%arg7 : memref<!tpu.dma_semaphore, #tpu.memory_space<semaphore_mem>>)
      %dma_start3A_1165 = arith.constant 23 : i32
      %dma_start3A_1166 = arith.constant 26496 : i32
      %dma_start3A_1167 = tpu.memref_slice %arg4[%dma_start3A_1166] : memref<36864xf32, #tpu.memory_space<vmem>> -> memref<1152xf32, #tpu.memory_space<vmem>>
      %dma_start3A_1168 = tpu.memref_slice %arg2[%dma_start3A_1165, %add3A_957] : memref<32x1024000xf32, #tpu.memory_space<hbm>> -> memref<1x1152xf32, #tpu.memory_space<hbm>>
      %dma_start3A_1169 = tpu.memref_squeeze %dma_start3A_1168 : memref<1x1152xf32, #tpu.memory_space<hbm>> -> memref<1152xf32, #tpu.memory_space<hbm>>
      %dma_start3A_1170 = arith.constant 26496 : i32
      %dma_start3A_1171 = tpu.memref_slice %arg4[%dma_start3A_1170] : memref<36864xf32, #tpu.memory_space<vmem>> -> memref<1152xf32, #tpu.memory_space<vmem>>
      %dma_start3A_1172 = tpu.memref_slice %arg2[%dma_start3A_1165, %add3A_957] : memref<32x1024000xf32, #tpu.memory_space<hbm>> -> memref<1x1152xf32, #tpu.memory_space<hbm>>
      %dma_start3A_1173 = tpu.memref_squeeze %dma_start3A_1172 : memref<1x1152xf32, #tpu.memory_space<hbm>> -> memref<1152xf32, #tpu.memory_space<hbm>>
      tpu.enqueue_dma source(%dma_start3A_1173 : memref<1152xf32, #tpu.memory_space<hbm>>) target(%dma_start3A_1171 : memref<1152xf32, #tpu.memory_space<vmem>>) target_semaphore(%arg7 : memref<!tpu.dma_semaphore, #tpu.memory_space<semaphore_mem>>)
      %dma_start3A_1174 = arith.constant 24 : i32
      %dma_start3A_1175 = arith.constant 27648 : i32
      %dma_start3A_1176 = tpu.memref_slice %arg4[%dma_start3A_1175] : memref<36864xf32, #tpu.memory_space<vmem>> -> memref<1152xf32, #tpu.memory_space<vmem>>
      %dma_start3A_1177 = tpu.memref_slice %arg2[%dma_start3A_1174, %add3A_957] : memref<32x1024000xf32, #tpu.memory_space<hbm>> -> memref<1x1152xf32, #tpu.memory_space<hbm>>
      %dma_start3A_1178 = tpu.memref_squeeze %dma_start3A_1177 : memref<1x1152xf32, #tpu.memory_space<hbm>> -> memref<1152xf32, #tpu.memory_space<hbm>>
      %dma_start3A_1179 = arith.constant 27648 : i32
      %dma_start3A_1180 = tpu.memref_slice %arg4[%dma_start3A_1179] : memref<36864xf32, #tpu.memory_space<vmem>> -> memref<1152xf32, #tpu.memory_space<vmem>>
      %dma_start3A_1181 = tpu.memref_slice %arg2[%dma_start3A_1174, %add3A_957] : memref<32x1024000xf32, #tpu.memory_space<hbm>> -> memref<1x1152xf32, #tpu.memory_space<hbm>>
      %dma_start3A_1182 = tpu.memref_squeeze %dma_start3A_1181 : memref<1x1152xf32, #tpu.memory_space<hbm>> -> memref<1152xf32, #tpu.memory_space<hbm>>
      tpu.enqueue_dma source(%dma_start3A_1182 : memref<1152xf32, #tpu.memory_space<hbm>>) target(%dma_start3A_1180 : memref<1152xf32, #tpu.memory_space<vmem>>) target_semaphore(%arg7 : memref<!tpu.dma_semaphore, #tpu.memory_space<semaphore_mem>>)
      %dma_start3A_1183 = arith.constant 25 : i32
      %dma_start3A_1184 = arith.constant 28800 : i32
      %dma_start3A_1185 = tpu.memref_slice %arg4[%dma_start3A_1184] : memref<36864xf32, #tpu.memory_space<vmem>> -> memref<1152xf32, #tpu.memory_space<vmem>>
      %dma_start3A_1186 = tpu.memref_slice %arg2[%dma_start3A_1183, %add3A_957] : memref<32x1024000xf32, #tpu.memory_space<hbm>> -> memref<1x1152xf32, #tpu.memory_space<hbm>>
      %dma_start3A_1187 = tpu.memref_squeeze %dma_start3A_1186 : memref<1x1152xf32, #tpu.memory_space<hbm>> -> memref<1152xf32, #tpu.memory_space<hbm>>
      %dma_start3A_1188 = arith.constant 28800 : i32
      %dma_start3A_1189 = tpu.memref_slice %arg4[%dma_start3A_1188] : memref<36864xf32, #tpu.memory_space<vmem>> -> memref<1152xf32, #tpu.memory_space<vmem>>
      %dma_start3A_1190 = tpu.memref_slice %arg2[%dma_start3A_1183, %add3A_957] : memref<32x1024000xf32, #tpu.memory_space<hbm>> -> memref<1x1152xf32, #tpu.memory_space<hbm>>
      %dma_start3A_1191 = tpu.memref_squeeze %dma_start3A_1190 : memref<1x1152xf32, #tpu.memory_space<hbm>> -> memref<1152xf32, #tpu.memory_space<hbm>>
      tpu.enqueue_dma source(%dma_start3A_1191 : memref<1152xf32, #tpu.memory_space<hbm>>) target(%dma_start3A_1189 : memref<1152xf32, #tpu.memory_space<vmem>>) target_semaphore(%arg7 : memref<!tpu.dma_semaphore, #tpu.memory_space<semaphore_mem>>)
      %dma_start3A_1192 = arith.constant 26 : i32
      %dma_start3A_1193 = arith.constant 29952 : i32
      %dma_start3A_1194 = tpu.memref_slice %arg4[%dma_start3A_1193] : memref<36864xf32, #tpu.memory_space<vmem>> -> memref<1152xf32, #tpu.memory_space<vmem>>
      %dma_start3A_1195 = tpu.memref_slice %arg2[%dma_start3A_1192, %add3A_957] : memref<32x1024000xf32, #tpu.memory_space<hbm>> -> memref<1x1152xf32, #tpu.memory_space<hbm>>
      %dma_start3A_1196 = tpu.memref_squeeze %dma_start3A_1195 : memref<1x1152xf32, #tpu.memory_space<hbm>> -> memref<1152xf32, #tpu.memory_space<hbm>>
      %dma_start3A_1197 = arith.constant 29952 : i32
      %dma_start3A_1198 = tpu.memref_slice %arg4[%dma_start3A_1197] : memref<36864xf32, #tpu.memory_space<vmem>> -> memref<1152xf32, #tpu.memory_space<vmem>>
      %dma_start3A_1199 = tpu.memref_slice %arg2[%dma_start3A_1192, %add3A_957] : memref<32x1024000xf32, #tpu.memory_space<hbm>> -> memref<1x1152xf32, #tpu.memory_space<hbm>>
      %dma_start3A_1200 = tpu.memref_squeeze %dma_start3A_1199 : memref<1x1152xf32, #tpu.memory_space<hbm>> -> memref<1152xf32, #tpu.memory_space<hbm>>
      tpu.enqueue_dma source(%dma_start3A_1200 : memref<1152xf32, #tpu.memory_space<hbm>>) target(%dma_start3A_1198 : memref<1152xf32, #tpu.memory_space<vmem>>) target_semaphore(%arg7 : memref<!tpu.dma_semaphore, #tpu.memory_space<semaphore_mem>>)
      %dma_start3A_1201 = arith.constant 27 : i32
      %dma_start3A_1202 = arith.constant 31104 : i32
      %dma_start3A_1203 = tpu.memref_slice %arg4[%dma_start3A_1202] : memref<36864xf32, #tpu.memory_space<vmem>> -> memref<1152xf32, #tpu.memory_space<vmem>>
      %dma_start3A_1204 = tpu.memref_slice %arg2[%dma_start3A_1201, %add3A_957] : memref<32x1024000xf32, #tpu.memory_space<hbm>> -> memref<1x1152xf32, #tpu.memory_space<hbm>>
      %dma_start3A_1205 = tpu.memref_squeeze %dma_start3A_1204 : memref<1x1152xf32, #tpu.memory_space<hbm>> -> memref<1152xf32, #tpu.memory_space<hbm>>
      %dma_start3A_1206 = arith.constant 31104 : i32
      %dma_start3A_1207 = tpu.memref_slice %arg4[%dma_start3A_1206] : memref<36864xf32, #tpu.memory_space<vmem>> -> memref<1152xf32, #tpu.memory_space<vmem>>
      %dma_start3A_1208 = tpu.memref_slice %arg2[%dma_start3A_1201, %add3A_957] : memref<32x1024000xf32, #tpu.memory_space<hbm>> -> memref<1x1152xf32, #tpu.memory_space<hbm>>
      %dma_start3A_1209 = tpu.memref_squeeze %dma_start3A_1208 : memref<1x1152xf32, #tpu.memory_space<hbm>> -> memref<1152xf32, #tpu.memory_space<hbm>>
      tpu.enqueue_dma source(%dma_start3A_1209 : memref<1152xf32, #tpu.memory_space<hbm>>) target(%dma_start3A_1207 : memref<1152xf32, #tpu.memory_space<vmem>>) target_semaphore(%arg7 : memref<!tpu.dma_semaphore, #tpu.memory_space<semaphore_mem>>)
      %dma_start3A_1210 = arith.constant 28 : i32
      %dma_start3A_1211 = arith.constant 32256 : i32
      %dma_start3A_1212 = tpu.memref_slice %arg4[%dma_start3A_1211] : memref<36864xf32, #tpu.memory_space<vmem>> -> memref<1152xf32, #tpu.memory_space<vmem>>
      %dma_start3A_1213 = tpu.memref_slice %arg2[%dma_start3A_1210, %add3A_957] : memref<32x1024000xf32, #tpu.memory_space<hbm>> -> memref<1x1152xf32, #tpu.memory_space<hbm>>
      %dma_start3A_1214 = tpu.memref_squeeze %dma_start3A_1213 : memref<1x1152xf32, #tpu.memory_space<hbm>> -> memref<1152xf32, #tpu.memory_space<hbm>>
      %dma_start3A_1215 = arith.constant 32256 : i32
      %dma_start3A_1216 = tpu.memref_slice %arg4[%dma_start3A_1215] : memref<36864xf32, #tpu.memory_space<vmem>> -> memref<1152xf32, #tpu.memory_space<vmem>>
      %dma_start3A_1217 = tpu.memref_slice %arg2[%dma_start3A_1210, %add3A_957] : memref<32x1024000xf32, #tpu.memory_space<hbm>> -> memref<1x1152xf32, #tpu.memory_space<hbm>>
      %dma_start3A_1218 = tpu.memref_squeeze %dma_start3A_1217 : memref<1x1152xf32, #tpu.memory_space<hbm>> -> memref<1152xf32, #tpu.memory_space<hbm>>
      tpu.enqueue_dma source(%dma_start3A_1218 : memref<1152xf32, #tpu.memory_space<hbm>>) target(%dma_start3A_1216 : memref<1152xf32, #tpu.memory_space<vmem>>) target_semaphore(%arg7 : memref<!tpu.dma_semaphore, #tpu.memory_space<semaphore_mem>>)
      %dma_start3A_1219 = arith.constant 29 : i32
      %dma_start3A_1220 = arith.constant 33408 : i32
      %dma_start3A_1221 = tpu.memref_slice %arg4[%dma_start3A_1220] : memref<36864xf32, #tpu.memory_space<vmem>> -> memref<1152xf32, #tpu.memory_space<vmem>>
      %dma_start3A_1222 = tpu.memref_slice %arg2[%dma_start3A_1219, %add3A_957] : memref<32x1024000xf32, #tpu.memory_space<hbm>> -> memref<1x1152xf32, #tpu.memory_space<hbm>>
      %dma_start3A_1223 = tpu.memref_squeeze %dma_start3A_1222 : memref<1x1152xf32, #tpu.memory_space<hbm>> -> memref<1152xf32, #tpu.memory_space<hbm>>
      %dma_start3A_1224 = arith.constant 33408 : i32
      %dma_start3A_1225 = tpu.memref_slice %arg4[%dma_start3A_1224] : memref<36864xf32, #tpu.memory_space<vmem>> -> memref<1152xf32, #tpu.memory_space<vmem>>
      %dma_start3A_1226 = tpu.memref_slice %arg2[%dma_start3A_1219, %add3A_957] : memref<32x1024000xf32, #tpu.memory_space<hbm>> -> memref<1x1152xf32, #tpu.memory_space<hbm>>
      %dma_start3A_1227 = tpu.memref_squeeze %dma_start3A_1226 : memref<1x1152xf32, #tpu.memory_space<hbm>> -> memref<1152xf32, #tpu.memory_space<hbm>>
      tpu.enqueue_dma source(%dma_start3A_1227 : memref<1152xf32, #tpu.memory_space<hbm>>) target(%dma_start3A_1225 : memref<1152xf32, #tpu.memory_space<vmem>>) target_semaphore(%arg7 : memref<!tpu.dma_semaphore, #tpu.memory_space<semaphore_mem>>)
      %dma_start3A_1228 = arith.constant 30 : i32
      %dma_start3A_1229 = arith.constant 34560 : i32
      %dma_start3A_1230 = tpu.memref_slice %arg4[%dma_start3A_1229] : memref<36864xf32, #tpu.memory_space<vmem>> -> memref<1152xf32, #tpu.memory_space<vmem>>
      %dma_start3A_1231 = tpu.memref_slice %arg2[%dma_start3A_1228, %add3A_957] : memref<32x1024000xf32, #tpu.memory_space<hbm>> -> memref<1x1152xf32, #tpu.memory_space<hbm>>
      %dma_start3A_1232 = tpu.memref_squeeze %dma_start3A_1231 : memref<1x1152xf32, #tpu.memory_space<hbm>> -> memref<1152xf32, #tpu.memory_space<hbm>>
      %dma_start3A_1233 = arith.constant 34560 : i32
      %dma_start3A_1234 = tpu.memref_slice %arg4[%dma_start3A_1233] : memref<36864xf32, #tpu.memory_space<vmem>> -> memref<1152xf32, #tpu.memory_space<vmem>>
      %dma_start3A_1235 = tpu.memref_slice %arg2[%dma_start3A_1228, %add3A_957] : memref<32x1024000xf32, #tpu.memory_space<hbm>> -> memref<1x1152xf32, #tpu.memory_space<hbm>>
      %dma_start3A_1236 = tpu.memref_squeeze %dma_start3A_1235 : memref<1x1152xf32, #tpu.memory_space<hbm>> -> memref<1152xf32, #tpu.memory_space<hbm>>
      tpu.enqueue_dma source(%dma_start3A_1236 : memref<1152xf32, #tpu.memory_space<hbm>>) target(%dma_start3A_1234 : memref<1152xf32, #tpu.memory_space<vmem>>) target_semaphore(%arg7 : memref<!tpu.dma_semaphore, #tpu.memory_space<semaphore_mem>>)
      %dma_start3A_1237 = arith.constant 31 : i32
      %dma_start3A_1238 = arith.constant 35712 : i32
      %dma_start3A_1239 = tpu.memref_slice %arg4[%dma_start3A_1238] : memref<36864xf32, #tpu.memory_space<vmem>> -> memref<1152xf32, #tpu.memory_space<vmem>>
      %dma_start3A_1240 = tpu.memref_slice %arg2[%dma_start3A_1237, %add3A_957] : memref<32x1024000xf32, #tpu.memory_space<hbm>> -> memref<1x1152xf32, #tpu.memory_space<hbm>>
      %dma_start3A_1241 = tpu.memref_squeeze %dma_start3A_1240 : memref<1x1152xf32, #tpu.memory_space<hbm>> -> memref<1152xf32, #tpu.memory_space<hbm>>
      %dma_start3A_1242 = arith.constant 35712 : i32
      %dma_start3A_1243 = tpu.memref_slice %arg4[%dma_start3A_1242] : memref<36864xf32, #tpu.memory_space<vmem>> -> memref<1152xf32, #tpu.memory_space<vmem>>
      %dma_start3A_1244 = tpu.memref_slice %arg2[%dma_start3A_1237, %add3A_957] : memref<32x1024000xf32, #tpu.memory_space<hbm>> -> memref<1x1152xf32, #tpu.memory_space<hbm>>
      %dma_start3A_1245 = tpu.memref_squeeze %dma_start3A_1244 : memref<1x1152xf32, #tpu.memory_space<hbm>> -> memref<1152xf32, #tpu.memory_space<hbm>>
      tpu.enqueue_dma source(%dma_start3A_1245 : memref<1152xf32, #tpu.memory_space<hbm>>) target(%dma_start3A_1243 : memref<1152xf32, #tpu.memory_space<vmem>>) target_semaphore(%arg7 : memref<!tpu.dma_semaphore, #tpu.memory_space<semaphore_mem>>)
      %dma_wait3A_1246 = arith.constant 0 : i32
      %dma_wait3A_1247 = tpu.memref_slice %arg3[%dma_wait3A_1246] : memref<98304xf32, #tpu.memory_space<hbm>> -> memref<36864xf32, #tpu.memory_space<hbm>>
      %dma_wait3A_1248 = arith.constant 0 : i32
      %dma_wait3A_1249 = tpu.memref_slice %arg3[%dma_wait3A_1248] : memref<98304xf32, #tpu.memory_space<hbm>> -> memref<36864xf32, #tpu.memory_space<hbm>>
      tpu.wait_dma2 semaphore(%arg8 : memref<!tpu.dma_semaphore, #tpu.memory_space<semaphore_mem>>) src(%dma_wait3A_1249 : memref<36864xf32, #tpu.memory_space<hbm>>) dst(%arg5 : memref<36864xf32, #tpu.memory_space<vmem>>)
      %add3A_1250 = arith.constant 1 : i32
      %add3A_1251 = arith.addi %mul3A_881, %add3A_1250 : i32
      %mul3A_1252 = arith.constant 1000 : i32
      %mul3A_1253 = arith.muli %add3A_1251, %mul3A_1252 : i32
      %mul3A_1254 = arith.constant 1000 : i32
      %mul3A_1255 = arith.muli %add3A_1251, %mul3A_1254 : i32
      %jit3A_1256 = arith.constant 128 : i32
      %div3A_1257 = arith.divsi %mul3A_1255, %jit3A_1256 : i32
      %sign3A_1258 = arith.constant 0 : i32
      %sign3A_1259 = arith.cmpi sgt, %mul3A_1255, %sign3A_1258 : i32
      %sign3A_1260 = arith.extui %sign3A_1259 : i1 to i32
      %sign3A_1261 = arith.constant 0 : i32
      %sign3A_1262 = arith.cmpi slt, %mul3A_1255, %sign3A_1261 : i32
      %sign3A_1263 = arith.extui %sign3A_1262 : i1 to i32
      %sign3A_1264 = arith.subi %sign3A_1260, %sign3A_1263 : i32
      %sign3A_1265 = arith.constant 0 : i32
      %sign3A_1266 = arith.cmpi sgt, %jit3A_1256, %sign3A_1265 : i32
      %sign3A_1267 = arith.extui %sign3A_1266 : i1 to i32
      %sign3A_1268 = arith.constant 0 : i32
      %sign3A_1269 = arith.cmpi slt, %jit3A_1256, %sign3A_1268 : i32
      %sign3A_1270 = arith.extui %sign3A_1269 : i1 to i32
      %sign3A_1271 = arith.subi %sign3A_1267, %sign3A_1270 : i32
      %ne3A_1272 = arith.cmpi ne, %sign3A_1264, %sign3A_1271 : i32
      %rem3A_1273 = arith.remsi %mul3A_1255, %jit3A_1256 : i32
      %ne3A_1274 = arith.constant 0 : i32
      %ne3A_1275 = arith.cmpi ne, %rem3A_1273, %ne3A_1274 : i32
      %and3A_1276 = arith.andi %ne3A_1272, %ne3A_1275 : i1
      %sub3A_1277 = arith.constant 1 : i32
      %sub3A_1278 = arith.subi %div3A_1257, %sub3A_1277 : i32
      %select_n3A_1279 = arith.select %and3A_1276, %sub3A_1278, %div3A_1257 : i32
      %min3A_1280 = arith.constant 241 : i32
      %min3A_1281 = arith.minsi %select_n3A_1279, %min3A_1280 : i32
      %mul3A_1282 = arith.constant 128 : i32
      %mul3A_1283 = arith.muli %min3A_1281, %mul3A_1282 : i32
      %sub3A_1284 = arith.subi %mul3A_1253, %mul3A_1283 : i32
      %mul3A_1285 = arith.constant 96 : i32
      %mul3A_1286 = arith.muli %add3A_1251, %mul3A_1285 : i32
      %scan3A_1287 = arith.constant 0 : i32
      %scan3A_1288 = arith.constant 0 : i32
      %scan3A_1289 = arith.constant 32 : i32
      %scan3A_1290 = arith.addi %scan3A_1288, %scan3A_1289 : i32
      %scan3A_1291 = arith.constant 1 : i32
      scf.for %scan3A_1614 = %scan3A_1288 to %scan3A_1290 step %scan3A_1291  : i32 {
        %mul3A_1615 = arith.constant 1152 : i32
        %mul3A_1616 = arith.muli %scan3A_1614, %mul3A_1615 : i32
        %add3A_1617 = arith.addi %mul3A_1616, %sub3A_1284 : i32
        %parallel_loop3A = arith.constant 0 : i32
        %parallel_loop3A_1618 = arith.constant 960 : i32
        %parallel_loop3A_1619 = arith.constant 48 : i32
        %parallel_loop3A_1620:3 = scf.for %parallel_loop3A_1711 = %parallel_loop3A to %parallel_loop3A_1618 step %parallel_loop3A_1619 iter_args(%parallel_loop3A_1712 = %broadcast_in_dim3A_251, %parallel_loop3A_1713 = %broadcast_in_dim3A_251, %parallel_loop3A_1714 = %broadcast_in_dim3A_251) -> (vector<16xf32>, vector<16xf32>, vector<16xf32>)  : i32 {
          %parallel_loop3A_1715 = arith.addi %add3A_1617, %parallel_loop3A_1711 : i32
          %parallel_loop3A_1716 = arith.index_cast %parallel_loop3A_1715 : i32 to index
          %parallel_loop3A_1717 = tpu.vector_load %arg5[%parallel_loop3A_1716] {strides = array<i32>} : memref<36864xf32, #tpu.memory_space<vmem>>, vector<16xf32>,
          %parallel_loop3A_1718 = arith.addf %parallel_loop3A_1712, %parallel_loop3A_1717 : vector<16xf32>
          %parallel_loop3A_1719 = arith.constant 16 : i32
          %parallel_loop3A_1720 = arith.addi %parallel_loop3A_1715, %parallel_loop3A_1719 : i32
          %parallel_loop3A_1721 = arith.index_cast %parallel_loop3A_1720 : i32 to index
          %parallel_loop3A_1722 = tpu.vector_load %arg5[%parallel_loop3A_1721] {strides = array<i32>} : memref<36864xf32, #tpu.memory_space<vmem>>, vector<16xf32>,
          %parallel_loop3A_1723 = arith.addf %parallel_loop3A_1713, %parallel_loop3A_1722 : vector<16xf32>
          %parallel_loop3A_1724 = arith.constant 32 : i32
          %parallel_loop3A_1725 = arith.addi %parallel_loop3A_1715, %parallel_loop3A_1724 : i32
          %parallel_loop3A_1726 = arith.index_cast %parallel_loop3A_1725 : i32 to index
          %parallel_loop3A_1727 = tpu.vector_load %arg5[%parallel_loop3A_1726] {strides = array<i32>} : memref<36864xf32, #tpu.memory_space<vmem>>, vector<16xf32>,
          %parallel_loop3A_1728 = arith.addf %parallel_loop3A_1714, %parallel_loop3A_1727 : vector<16xf32>
          scf.yield %parallel_loop3A_1718, %parallel_loop3A_1723, %parallel_loop3A_1728 : vector<16xf32>, vector<16xf32>, vector<16xf32>
        } {sc.loop_unroll_factor = 4 : i64, sc.parallel_access}
        %add3A_1621 = arith.constant 960 : i32
        %add3A_1622 = arith.addi %add3A_1617, %add3A_1621 : i32
        %get3A = arith.index_cast %add3A_1622 : i32 to index
        %get3A_1623 = tpu.vector_load %arg5[%get3A] {strides = array<i32>} : memref<36864xf32, #tpu.memory_space<vmem>>, vector<16xf32>,
        %add3A_1624 = arith.addf %parallel_loop3A_1620#0, %get3A_1623 : vector<16xf32>
        %add3A_1625 = arith.constant 976 : i32
        %add3A_1626 = arith.addi %add3A_1617, %add3A_1625 : i32
        %get3A_1627 = arith.index_cast %add3A_1626 : i32 to index
        %get3A_1628 = tpu.vector_load %arg5[%get3A_1627] {strides = array<i32>} : memref<36864xf32, #tpu.memory_space<vmem>>, vector<16xf32>,
        %add3A_1629 = arith.addf %parallel_loop3A_1620#1, %get3A_1628 : vector<16xf32>
        %ge3A = arith.constant 8 : i32
        %ge3A_1630 = vector.broadcast %ge3A : i32 to vector<16xi32>
        %ge3A_1631 = arith.cmpi sge, %iota3A, %ge3A_1630 : vector<16xi32>
        %add3A_1632 = arith.constant 984 : i32
        %add3A_1633 = arith.addi %add3A_1617, %add3A_1632 : i32
        %get3A_1634 = arith.index_cast %add3A_1633 : i32 to index
        %get3A_1635 = tpu.vector_load %arg5[%get3A_1634] {strides = array<i32>} : memref<36864xf32, #tpu.memory_space<vmem>>, vector<16xf32>,
        %jit3A_1636 = arith.constant 0.000000e+00 : f32
        %broadcast_in_dim3A_1637 = vector.broadcast %jit3A_1636 : f32 to vector<16xf32>
        %select_n3A_1638 = arith.select %ge3A_1631, %get3A_1635, %broadcast_in_dim3A_1637 : vector<16xi1>, vector<16xf32>
        %add3A_1639 = arith.addf %add3A_1624, %select_n3A_1638 : vector<16xf32>
        %jit3A_1640 = arith.constant 0.000000e+00 : f32
        %broadcast_in_dim3A_1641 = vector.broadcast %jit3A_1640 : f32 to vector<16xf32>
        %select_n3A_1642 = arith.select %eq3A_23, %add3A_1639, %broadcast_in_dim3A_1641 : vector<16xi1>, vector<16xf32>
        %jit3A_1643 = arith.constant 0.000000e+00 : f32
        %broadcast_in_dim3A_1644 = vector.broadcast %jit3A_1643 : f32 to vector<16xf32>
        %select_n3A_1645 = arith.select %eq3A_107, %add3A_1629, %broadcast_in_dim3A_1644 : vector<16xi1>, vector<16xf32>
        %add3A_1646 = arith.addf %select_n3A_1642, %select_n3A_1645 : vector<16xf32>
        %jit3A_1647 = arith.constant 0.000000e+00 : f32
        %broadcast_in_dim3A_1648 = vector.broadcast %jit3A_1647 : f32 to vector<16xf32>
        %select_n3A_1649 = arith.select %eq3A_191, %parallel_loop3A_1620#2, %broadcast_in_dim3A_1648 : vector<16xi1>, vector<16xf32>
        %add3A_1650 = arith.addf %add3A_1646, %select_n3A_1649 : vector<16xf32>
        %reduce_sum3A = arith.constant true
        %reduce_sum3A_1651 = vector.broadcast %reduce_sum3A : i1 to vector<16xi1>
        %reduce_sum3A_1652 = tpu.scan <sum>, %add3A_1650 masked %reduce_sum3A_1651 : vector<16xf32>, vector<16xi1> -> vector<16xf32>
        %reduce_sum3A_1653 = vector.extract %reduce_sum3A_1652[15] : f32 from vector<16xf32>
        %mul3A_1654 = arith.constant 0.00299401209 : f32
        %mul3A_1655 = arith.mulf %reduce_sum3A_1653, %mul3A_1654 : f32
        %add3A_1656 = arith.constant 0 : i32
        %add3A_1657 = arith.addi %mul3A_1286, %add3A_1656 : i32
        %add3A_1658 = arith.addi %add3A_1657, %scan3A_1614 : i32
        %add3A_1659 = vector.broadcast %add3A_1658 : i32 to vector<16xi32>
        %add3A_1660 = arith.addi %broadcast_in_dim3A_253, %add3A_1659 : vector<16xi32>
        %add3A_1661 = vector.broadcast %mul3A_1655 : f32 to vector<16xf32>
        %add3A_1662 = arith.addf %broadcast_in_dim3A_251, %add3A_1661 : vector<16xf32>
        tpu.vector_store_idx %arg6[%add3A_1660], %add3A_1662 masked %lt3A_250 : memref<3072xf32, #tpu.memory_space<vmem>>[vector<16xi32>], vector<16xf32>, vector<16xi1>
        %jit3A_1663 = arith.constant 0.000000e+00 : f32
        %broadcast_in_dim3A_1664 = vector.broadcast %jit3A_1663 : f32 to vector<16xf32>
        %select_n3A_1665 = arith.select %eq3A_51, %add3A_1639, %broadcast_in_dim3A_1664 : vector<16xi1>, vector<16xf32>
        %jit3A_1666 = arith.constant 0.000000e+00 : f32
        %broadcast_in_dim3A_1667 = vector.broadcast %jit3A_1666 : f32 to vector<16xf32>
        %select_n3A_1668 = arith.select %eq3A_135, %add3A_1629, %broadcast_in_dim3A_1667 : vector<16xi1>, vector<16xf32>
        %add3A_1669 = arith.addf %select_n3A_1665, %select_n3A_1668 : vector<16xf32>
        %jit3A_1670 = arith.constant 0.000000e+00 : f32
        %broadcast_in_dim3A_1671 = vector.broadcast %jit3A_1670 : f32 to vector<16xf32>
        %select_n3A_1672 = arith.select %eq3A_219, %parallel_loop3A_1620#2, %broadcast_in_dim3A_1671 : vector<16xi1>, vector<16xf32>
        %add3A_1673 = arith.addf %add3A_1669, %select_n3A_1672 : vector<16xf32>
        %reduce_sum3A_1674 = arith.constant true
        %reduce_sum3A_1675 = vector.broadcast %reduce_sum3A_1674 : i1 to vector<16xi1>
        %reduce_sum3A_1676 = tpu.scan <sum>, %add3A_1673 masked %reduce_sum3A_1675 : vector<16xf32>, vector<16xi1> -> vector<16xf32>
        %reduce_sum3A_1677 = vector.extract %reduce_sum3A_1676[15] : f32 from vector<16xf32>
        %mul3A_1678 = arith.constant 0.00300300308 : f32
        %mul3A_1679 = arith.mulf %reduce_sum3A_1677, %mul3A_1678 : f32
        %add3A_1680 = arith.constant 32 : i32
        %add3A_1681 = arith.addi %mul3A_1286, %add3A_1680 : i32
        %add3A_1682 = arith.addi %add3A_1681, %scan3A_1614 : i32
        %add3A_1683 = vector.broadcast %add3A_1682 : i32 to vector<16xi32>
        %add3A_1684 = arith.addi %broadcast_in_dim3A_253, %add3A_1683 : vector<16xi32>
        %add3A_1685 = vector.broadcast %mul3A_1679 : f32 to vector<16xf32>
        %add3A_1686 = arith.addf %broadcast_in_dim3A_251, %add3A_1685 : vector<16xf32>
        tpu.vector_store_idx %arg6[%add3A_1684], %add3A_1686 masked %lt3A_250 : memref<3072xf32, #tpu.memory_space<vmem>>[vector<16xi32>], vector<16xf32>, vector<16xi1>
        %jit3A_1687 = arith.constant 0.000000e+00 : f32
        %broadcast_in_dim3A_1688 = vector.broadcast %jit3A_1687 : f32 to vector<16xf32>
        %select_n3A_1689 = arith.select %eq3A_79, %add3A_1639, %broadcast_in_dim3A_1688 : vector<16xi1>, vector<16xf32>
        %jit3A_1690 = arith.constant 0.000000e+00 : f32
        %broadcast_in_dim3A_1691 = vector.broadcast %jit3A_1690 : f32 to vector<16xf32>
        %select_n3A_1692 = arith.select %eq3A_163, %add3A_1629, %broadcast_in_dim3A_1691 : vector<16xi1>, vector<16xf32>
        %add3A_1693 = arith.addf %select_n3A_1689, %select_n3A_1692 : vector<16xf32>
        %jit3A_1694 = arith.constant 0.000000e+00 : f32
        %broadcast_in_dim3A_1695 = vector.broadcast %jit3A_1694 : f32 to vector<16xf32>
        %select_n3A_1696 = arith.select %eq3A_247, %parallel_loop3A_1620#2, %broadcast_in_dim3A_1695 : vector<16xi1>, vector<16xf32>
        %add3A_1697 = arith.addf %add3A_1693, %select_n3A_1696 : vector<16xf32>
        %reduce_sum3A_1698 = arith.constant true
        %reduce_sum3A_1699 = vector.broadcast %reduce_sum3A_1698 : i1 to vector<16xi1>
        %reduce_sum3A_1700 = tpu.scan <sum>, %add3A_1697 masked %reduce_sum3A_1699 : vector<16xf32>, vector<16xi1> -> vector<16xf32>
        %reduce_sum3A_1701 = vector.extract %reduce_sum3A_1700[15] : f32 from vector<16xf32>
        %mul3A_1702 = arith.constant 0.00300300308 : f32
        %mul3A_1703 = arith.mulf %reduce_sum3A_1701, %mul3A_1702 : f32
        %add3A_1704 = arith.constant 64 : i32
        %add3A_1705 = arith.addi %mul3A_1286, %add3A_1704 : i32
        %add3A_1706 = arith.addi %add3A_1705, %scan3A_1614 : i32
        %add3A_1707 = vector.broadcast %add3A_1706 : i32 to vector<16xi32>
        %add3A_1708 = arith.addi %broadcast_in_dim3A_253, %add3A_1707 : vector<16xi32>
        %add3A_1709 = vector.broadcast %mul3A_1703 : f32 to vector<16xf32>
        %add3A_1710 = arith.addf %broadcast_in_dim3A_251, %add3A_1709 : vector<16xf32>
        tpu.vector_store_idx %arg6[%add3A_1708], %add3A_1710 masked %lt3A_250 : memref<3072xf32, #tpu.memory_space<vmem>>[vector<16xi32>], vector<16xf32>, vector<16xi1>
      }
      %scan3A_1292 = arith.constant 32 : i32
      %add3A_1293 = arith.constant 3 : i32
      %add3A_1294 = arith.addi %mul3A_881, %add3A_1293 : i32
      %mul3A_1295 = arith.constant 1000 : i32
      %mul3A_1296 = arith.muli %add3A_1294, %mul3A_1295 : i32
      %jit3A_1297 = arith.constant 128 : i32
      %div3A_1298 = arith.divsi %mul3A_1296, %jit3A_1297 : i32
      %sign3A_1299 = arith.constant 0 : i32
      %sign3A_1300 = arith.cmpi sgt, %mul3A_1296, %sign3A_1299 : i32
      %sign3A_1301 = arith.extui %sign3A_1300 : i1 to i32
      %sign3A_1302 = arith.constant 0 : i32
      %sign3A_1303 = arith.cmpi slt, %mul3A_1296, %sign3A_1302 : i32
      %sign3A_1304 = arith.extui %sign3A_1303 : i1 to i32
      %sign3A_1305 = arith.subi %sign3A_1301, %sign3A_1304 : i32
      %sign3A_1306 = arith.constant 0 : i32
      %sign3A_1307 = arith.cmpi sgt, %jit3A_1297, %sign3A_1306 : i32
      %sign3A_1308 = arith.extui %sign3A_1307 : i1 to i32
      %sign3A_1309 = arith.constant 0 : i32
      %sign3A_1310 = arith.cmpi slt, %jit3A_1297, %sign3A_1309 : i32
      %sign3A_1311 = arith.extui %sign3A_1310 : i1 to i32
      %sign3A_1312 = arith.subi %sign3A_1308, %sign3A_1311 : i32
      %ne3A_1313 = arith.cmpi ne, %sign3A_1305, %sign3A_1312 : i32
      %rem3A_1314 = arith.remsi %mul3A_1296, %jit3A_1297 : i32
      %ne3A_1315 = arith.constant 0 : i32
      %ne3A_1316 = arith.cmpi ne, %rem3A_1314, %ne3A_1315 : i32
      %and3A_1317 = arith.andi %ne3A_1313, %ne3A_1316 : i1
      %sub3A_1318 = arith.constant 1 : i32
      %sub3A_1319 = arith.subi %div3A_1298, %sub3A_1318 : i32
      %select_n3A_1320 = arith.select %and3A_1317, %sub3A_1319, %div3A_1298 : i32
      %min3A_1321 = arith.constant 241 : i32
      %min3A_1322 = arith.minsi %select_n3A_1320, %min3A_1321 : i32
      %mul3A_1323 = arith.constant 128 : i32
      %mul3A_1324 = arith.muli %min3A_1322, %mul3A_1323 : i32
      %add3A_1325 = arith.addi %mul3A_2, %mul3A_1324 : i32
      %dma_start3A_1326 = arith.constant 0 : i32
      %dma_start3A_1327 = arith.constant 0 : i32
      %dma_start3A_1328 = tpu.memref_slice %arg5[%dma_start3A_1327] : memref<36864xf32, #tpu.memory_space<vmem>> -> memref<1152xf32, #tpu.memory_space<vmem>>
      %dma_start3A_1329 = tpu.memref_slice %arg2[%dma_start3A_1326, %add3A_1325] : memref<32x1024000xf32, #tpu.memory_space<hbm>> -> memref<1x1152xf32, #tpu.memory_space<hbm>>
      %dma_start3A_1330 = tpu.memref_squeeze %dma_start3A_1329 : memref<1x1152xf32, #tpu.memory_space<hbm>> -> memref<1152xf32, #tpu.memory_space<hbm>>
      %dma_start3A_1331 = arith.constant 0 : i32
      %dma_start3A_1332 = tpu.memref_slice %arg5[%dma_start3A_1331] : memref<36864xf32, #tpu.memory_space<vmem>> -> memref<1152xf32, #tpu.memory_space<vmem>>
      %dma_start3A_1333 = tpu.memref_slice %arg2[%dma_start3A_1326, %add3A_1325] : memref<32x1024000xf32, #tpu.memory_space<hbm>> -> memref<1x1152xf32, #tpu.memory_space<hbm>>
      %dma_start3A_1334 = tpu.memref_squeeze %dma_start3A_1333 : memref<1x1152xf32, #tpu.memory_space<hbm>> -> memref<1152xf32, #tpu.memory_space<hbm>>
      tpu.enqueue_dma source(%dma_start3A_1334 : memref<1152xf32, #tpu.memory_space<hbm>>) target(%dma_start3A_1332 : memref<1152xf32, #tpu.memory_space<vmem>>) target_semaphore(%arg8 : memref<!tpu.dma_semaphore, #tpu.memory_space<semaphore_mem>>)
      %dma_start3A_1335 = arith.constant 1 : i32
      %dma_start3A_1336 = arith.constant 1152 : i32
      %dma_start3A_1337 = tpu.memref_slice %arg5[%dma_start3A_1336] : memref<36864xf32, #tpu.memory_space<vmem>> -> memref<1152xf32, #tpu.memory_space<vmem>>
      %dma_start3A_1338 = tpu.memref_slice %arg2[%dma_start3A_1335, %add3A_1325] : memref<32x1024000xf32, #tpu.memory_space<hbm>> -> memref<1x1152xf32, #tpu.memory_space<hbm>>
      %dma_start3A_1339 = tpu.memref_squeeze %dma_start3A_1338 : memref<1x1152xf32, #tpu.memory_space<hbm>> -> memref<1152xf32, #tpu.memory_space<hbm>>
      %dma_start3A_1340 = arith.constant 1152 : i32
      %dma_start3A_1341 = tpu.memref_slice %arg5[%dma_start3A_1340] : memref<36864xf32, #tpu.memory_space<vmem>> -> memref<1152xf32, #tpu.memory_space<vmem>>
      %dma_start3A_1342 = tpu.memref_slice %arg2[%dma_start3A_1335, %add3A_1325] : memref<32x1024000xf32, #tpu.memory_space<hbm>> -> memref<1x1152xf32, #tpu.memory_space<hbm>>
      %dma_start3A_1343 = tpu.memref_squeeze %dma_start3A_1342 : memref<1x1152xf32, #tpu.memory_space<hbm>> -> memref<1152xf32, #tpu.memory_space<hbm>>
      tpu.enqueue_dma source(%dma_start3A_1343 : memref<1152xf32, #tpu.memory_space<hbm>>) target(%dma_start3A_1341 : memref<1152xf32, #tpu.memory_space<vmem>>) target_semaphore(%arg8 : memref<!tpu.dma_semaphore, #tpu.memory_space<semaphore_mem>>)
      %dma_start3A_1344 = arith.constant 2 : i32
      %dma_start3A_1345 = arith.constant 2304 : i32
      %dma_start3A_1346 = tpu.memref_slice %arg5[%dma_start3A_1345] : memref<36864xf32, #tpu.memory_space<vmem>> -> memref<1152xf32, #tpu.memory_space<vmem>>
      %dma_start3A_1347 = tpu.memref_slice %arg2[%dma_start3A_1344, %add3A_1325] : memref<32x1024000xf32, #tpu.memory_space<hbm>> -> memref<1x1152xf32, #tpu.memory_space<hbm>>
      %dma_start3A_1348 = tpu.memref_squeeze %dma_start3A_1347 : memref<1x1152xf32, #tpu.memory_space<hbm>> -> memref<1152xf32, #tpu.memory_space<hbm>>
      %dma_start3A_1349 = arith.constant 2304 : i32
      %dma_start3A_1350 = tpu.memref_slice %arg5[%dma_start3A_1349] : memref<36864xf32, #tpu.memory_space<vmem>> -> memref<1152xf32, #tpu.memory_space<vmem>>
      %dma_start3A_1351 = tpu.memref_slice %arg2[%dma_start3A_1344, %add3A_1325] : memref<32x1024000xf32, #tpu.memory_space<hbm>> -> memref<1x1152xf32, #tpu.memory_space<hbm>>
      %dma_start3A_1352 = tpu.memref_squeeze %dma_start3A_1351 : memref<1x1152xf32, #tpu.memory_space<hbm>> -> memref<1152xf32, #tpu.memory_space<hbm>>
      tpu.enqueue_dma source(%dma_start3A_1352 : memref<1152xf32, #tpu.memory_space<hbm>>) target(%dma_start3A_1350 : memref<1152xf32, #tpu.memory_space<vmem>>) target_semaphore(%arg8 : memref<!tpu.dma_semaphore, #tpu.memory_space<semaphore_mem>>)
      %dma_start3A_1353 = arith.constant 3 : i32
      %dma_start3A_1354 = arith.constant 3456 : i32
      %dma_start3A_1355 = tpu.memref_slice %arg5[%dma_start3A_1354] : memref<36864xf32, #tpu.memory_space<vmem>> -> memref<1152xf32, #tpu.memory_space<vmem>>
      %dma_start3A_1356 = tpu.memref_slice %arg2[%dma_start3A_1353, %add3A_1325] : memref<32x1024000xf32, #tpu.memory_space<hbm>> -> memref<1x1152xf32, #tpu.memory_space<hbm>>
      %dma_start3A_1357 = tpu.memref_squeeze %dma_start3A_1356 : memref<1x1152xf32, #tpu.memory_space<hbm>> -> memref<1152xf32, #tpu.memory_space<hbm>>
      %dma_start3A_1358 = arith.constant 3456 : i32
      %dma_start3A_1359 = tpu.memref_slice %arg5[%dma_start3A_1358] : memref<36864xf32, #tpu.memory_space<vmem>> -> memref<1152xf32, #tpu.memory_space<vmem>>
      %dma_start3A_1360 = tpu.memref_slice %arg2[%dma_start3A_1353, %add3A_1325] : memref<32x1024000xf32, #tpu.memory_space<hbm>> -> memref<1x1152xf32, #tpu.memory_space<hbm>>
      %dma_start3A_1361 = tpu.memref_squeeze %dma_start3A_1360 : memref<1x1152xf32, #tpu.memory_space<hbm>> -> memref<1152xf32, #tpu.memory_space<hbm>>
      tpu.enqueue_dma source(%dma_start3A_1361 : memref<1152xf32, #tpu.memory_space<hbm>>) target(%dma_start3A_1359 : memref<1152xf32, #tpu.memory_space<vmem>>) target_semaphore(%arg8 : memref<!tpu.dma_semaphore, #tpu.memory_space<semaphore_mem>>)
      %dma_start3A_1362 = arith.constant 4 : i32
      %dma_start3A_1363 = arith.constant 4608 : i32
      %dma_start3A_1364 = tpu.memref_slice %arg5[%dma_start3A_1363] : memref<36864xf32, #tpu.memory_space<vmem>> -> memref<1152xf32, #tpu.memory_space<vmem>>
      %dma_start3A_1365 = tpu.memref_slice %arg2[%dma_start3A_1362, %add3A_1325] : memref<32x1024000xf32, #tpu.memory_space<hbm>> -> memref<1x1152xf32, #tpu.memory_space<hbm>>
      %dma_start3A_1366 = tpu.memref_squeeze %dma_start3A_1365 : memref<1x1152xf32, #tpu.memory_space<hbm>> -> memref<1152xf32, #tpu.memory_space<hbm>>
      %dma_start3A_1367 = arith.constant 4608 : i32
      %dma_start3A_1368 = tpu.memref_slice %arg5[%dma_start3A_1367] : memref<36864xf32, #tpu.memory_space<vmem>> -> memref<1152xf32, #tpu.memory_space<vmem>>
      %dma_start3A_1369 = tpu.memref_slice %arg2[%dma_start3A_1362, %add3A_1325] : memref<32x1024000xf32, #tpu.memory_space<hbm>> -> memref<1x1152xf32, #tpu.memory_space<hbm>>
      %dma_start3A_1370 = tpu.memref_squeeze %dma_start3A_1369 : memref<1x1152xf32, #tpu.memory_space<hbm>> -> memref<1152xf32, #tpu.memory_space<hbm>>
      tpu.enqueue_dma source(%dma_start3A_1370 : memref<1152xf32, #tpu.memory_space<hbm>>) target(%dma_start3A_1368 : memref<1152xf32, #tpu.memory_space<vmem>>) target_semaphore(%arg8 : memref<!tpu.dma_semaphore, #tpu.memory_space<semaphore_mem>>)
      %dma_start3A_1371 = arith.constant 5 : i32
      %dma_start3A_1372 = arith.constant 5760 : i32
      %dma_start3A_1373 = tpu.memref_slice %arg5[%dma_start3A_1372] : memref<36864xf32, #tpu.memory_space<vmem>> -> memref<1152xf32, #tpu.memory_space<vmem>>
      %dma_start3A_1374 = tpu.memref_slice %arg2[%dma_start3A_1371, %add3A_1325] : memref<32x1024000xf32, #tpu.memory_space<hbm>> -> memref<1x1152xf32, #tpu.memory_space<hbm>>
      %dma_start3A_1375 = tpu.memref_squeeze %dma_start3A_1374 : memref<1x1152xf32, #tpu.memory_space<hbm>> -> memref<1152xf32, #tpu.memory_space<hbm>>
      %dma_start3A_1376 = arith.constant 5760 : i32
      %dma_start3A_1377 = tpu.memref_slice %arg5[%dma_start3A_1376] : memref<36864xf32, #tpu.memory_space<vmem>> -> memref<1152xf32, #tpu.memory_space<vmem>>
      %dma_start3A_1378 = tpu.memref_slice %arg2[%dma_start3A_1371, %add3A_1325] : memref<32x1024000xf32, #tpu.memory_space<hbm>> -> memref<1x1152xf32, #tpu.memory_space<hbm>>
      %dma_start3A_1379 = tpu.memref_squeeze %dma_start3A_1378 : memref<1x1152xf32, #tpu.memory_space<hbm>> -> memref<1152xf32, #tpu.memory_space<hbm>>
      tpu.enqueue_dma source(%dma_start3A_1379 : memref<1152xf32, #tpu.memory_space<hbm>>) target(%dma_start3A_1377 : memref<1152xf32, #tpu.memory_space<vmem>>) target_semaphore(%arg8 : memref<!tpu.dma_semaphore, #tpu.memory_space<semaphore_mem>>)
      %dma_start3A_1380 = arith.constant 6 : i32
      %dma_start3A_1381 = arith.constant 6912 : i32
      %dma_start3A_1382 = tpu.memref_slice %arg5[%dma_start3A_1381] : memref<36864xf32, #tpu.memory_space<vmem>> -> memref<1152xf32, #tpu.memory_space<vmem>>
      %dma_start3A_1383 = tpu.memref_slice %arg2[%dma_start3A_1380, %add3A_1325] : memref<32x1024000xf32, #tpu.memory_space<hbm>> -> memref<1x1152xf32, #tpu.memory_space<hbm>>
      %dma_start3A_1384 = tpu.memref_squeeze %dma_start3A_1383 : memref<1x1152xf32, #tpu.memory_space<hbm>> -> memref<1152xf32, #tpu.memory_space<hbm>>
      %dma_start3A_1385 = arith.constant 6912 : i32
      %dma_start3A_1386 = tpu.memref_slice %arg5[%dma_start3A_1385] : memref<36864xf32, #tpu.memory_space<vmem>> -> memref<1152xf32, #tpu.memory_space<vmem>>
      %dma_start3A_1387 = tpu.memref_slice %arg2[%dma_start3A_1380, %add3A_1325] : memref<32x1024000xf32, #tpu.memory_space<hbm>> -> memref<1x1152xf32, #tpu.memory_space<hbm>>
      %dma_start3A_1388 = tpu.memref_squeeze %dma_start3A_1387 : memref<1x1152xf32, #tpu.memory_space<hbm>> -> memref<1152xf32, #tpu.memory_space<hbm>>
      tpu.enqueue_dma source(%dma_start3A_1388 : memref<1152xf32, #tpu.memory_space<hbm>>) target(%dma_start3A_1386 : memref<1152xf32, #tpu.memory_space<vmem>>) target_semaphore(%arg8 : memref<!tpu.dma_semaphore, #tpu.memory_space<semaphore_mem>>)
      %dma_start3A_1389 = arith.constant 7 : i32
      %dma_start3A_1390 = arith.constant 8064 : i32
      %dma_start3A_1391 = tpu.memref_slice %arg5[%dma_start3A_1390] : memref<36864xf32, #tpu.memory_space<vmem>> -> memref<1152xf32, #tpu.memory_space<vmem>>
      %dma_start3A_1392 = tpu.memref_slice %arg2[%dma_start3A_1389, %add3A_1325] : memref<32x1024000xf32, #tpu.memory_space<hbm>> -> memref<1x1152xf32, #tpu.memory_space<hbm>>
      %dma_start3A_1393 = tpu.memref_squeeze %dma_start3A_1392 : memref<1x1152xf32, #tpu.memory_space<hbm>> -> memref<1152xf32, #tpu.memory_space<hbm>>
      %dma_start3A_1394 = arith.constant 8064 : i32
      %dma_start3A_1395 = tpu.memref_slice %arg5[%dma_start3A_1394] : memref<36864xf32, #tpu.memory_space<vmem>> -> memref<1152xf32, #tpu.memory_space<vmem>>
      %dma_start3A_1396 = tpu.memref_slice %arg2[%dma_start3A_1389, %add3A_1325] : memref<32x1024000xf32, #tpu.memory_space<hbm>> -> memref<1x1152xf32, #tpu.memory_space<hbm>>
      %dma_start3A_1397 = tpu.memref_squeeze %dma_start3A_1396 : memref<1x1152xf32, #tpu.memory_space<hbm>> -> memref<1152xf32, #tpu.memory_space<hbm>>
      tpu.enqueue_dma source(%dma_start3A_1397 : memref<1152xf32, #tpu.memory_space<hbm>>) target(%dma_start3A_1395 : memref<1152xf32, #tpu.memory_space<vmem>>) target_semaphore(%arg8 : memref<!tpu.dma_semaphore, #tpu.memory_space<semaphore_mem>>)
      %dma_start3A_1398 = arith.constant 8 : i32
      %dma_start3A_1399 = arith.constant 9216 : i32
      %dma_start3A_1400 = tpu.memref_slice %arg5[%dma_start3A_1399] : memref<36864xf32, #tpu.memory_space<vmem>> -> memref<1152xf32, #tpu.memory_space<vmem>>
      %dma_start3A_1401 = tpu.memref_slice %arg2[%dma_start3A_1398, %add3A_1325] : memref<32x1024000xf32, #tpu.memory_space<hbm>> -> memref<1x1152xf32, #tpu.memory_space<hbm>>
      %dma_start3A_1402 = tpu.memref_squeeze %dma_start3A_1401 : memref<1x1152xf32, #tpu.memory_space<hbm>> -> memref<1152xf32, #tpu.memory_space<hbm>>
      %dma_start3A_1403 = arith.constant 9216 : i32
      %dma_start3A_1404 = tpu.memref_slice %arg5[%dma_start3A_1403] : memref<36864xf32, #tpu.memory_space<vmem>> -> memref<1152xf32, #tpu.memory_space<vmem>>
      %dma_start3A_1405 = tpu.memref_slice %arg2[%dma_start3A_1398, %add3A_1325] : memref<32x1024000xf32, #tpu.memory_space<hbm>> -> memref<1x1152xf32, #tpu.memory_space<hbm>>
      %dma_start3A_1406 = tpu.memref_squeeze %dma_start3A_1405 : memref<1x1152xf32, #tpu.memory_space<hbm>> -> memref<1152xf32, #tpu.memory_space<hbm>>
      tpu.enqueue_dma source(%dma_start3A_1406 : memref<1152xf32, #tpu.memory_space<hbm>>) target(%dma_start3A_1404 : memref<1152xf32, #tpu.memory_space<vmem>>) target_semaphore(%arg8 : memref<!tpu.dma_semaphore, #tpu.memory_space<semaphore_mem>>)
      %dma_start3A_1407 = arith.constant 9 : i32
      %dma_start3A_1408 = arith.constant 10368 : i32
      %dma_start3A_1409 = tpu.memref_slice %arg5[%dma_start3A_1408] : memref<36864xf32, #tpu.memory_space<vmem>> -> memref<1152xf32, #tpu.memory_space<vmem>>
      %dma_start3A_1410 = tpu.memref_slice %arg2[%dma_start3A_1407, %add3A_1325] : memref<32x1024000xf32, #tpu.memory_space<hbm>> -> memref<1x1152xf32, #tpu.memory_space<hbm>>
      %dma_start3A_1411 = tpu.memref_squeeze %dma_start3A_1410 : memref<1x1152xf32, #tpu.memory_space<hbm>> -> memref<1152xf32, #tpu.memory_space<hbm>>
      %dma_start3A_1412 = arith.constant 10368 : i32
      %dma_start3A_1413 = tpu.memref_slice %arg5[%dma_start3A_1412] : memref<36864xf32, #tpu.memory_space<vmem>> -> memref<1152xf32, #tpu.memory_space<vmem>>
      %dma_start3A_1414 = tpu.memref_slice %arg2[%dma_start3A_1407, %add3A_1325] : memref<32x1024000xf32, #tpu.memory_space<hbm>> -> memref<1x1152xf32, #tpu.memory_space<hbm>>
      %dma_start3A_1415 = tpu.memref_squeeze %dma_start3A_1414 : memref<1x1152xf32, #tpu.memory_space<hbm>> -> memref<1152xf32, #tpu.memory_space<hbm>>
      tpu.enqueue_dma source(%dma_start3A_1415 : memref<1152xf32, #tpu.memory_space<hbm>>) target(%dma_start3A_1413 : memref<1152xf32, #tpu.memory_space<vmem>>) target_semaphore(%arg8 : memref<!tpu.dma_semaphore, #tpu.memory_space<semaphore_mem>>)
      %dma_start3A_1416 = arith.constant 10 : i32
      %dma_start3A_1417 = arith.constant 11520 : i32
      %dma_start3A_1418 = tpu.memref_slice %arg5[%dma_start3A_1417] : memref<36864xf32, #tpu.memory_space<vmem>> -> memref<1152xf32, #tpu.memory_space<vmem>>
      %dma_start3A_1419 = tpu.memref_slice %arg2[%dma_start3A_1416, %add3A_1325] : memref<32x1024000xf32, #tpu.memory_space<hbm>> -> memref<1x1152xf32, #tpu.memory_space<hbm>>
      %dma_start3A_1420 = tpu.memref_squeeze %dma_start3A_1419 : memref<1x1152xf32, #tpu.memory_space<hbm>> -> memref<1152xf32, #tpu.memory_space<hbm>>
      %dma_start3A_1421 = arith.constant 11520 : i32
      %dma_start3A_1422 = tpu.memref_slice %arg5[%dma_start3A_1421] : memref<36864xf32, #tpu.memory_space<vmem>> -> memref<1152xf32, #tpu.memory_space<vmem>>
      %dma_start3A_1423 = tpu.memref_slice %arg2[%dma_start3A_1416, %add3A_1325] : memref<32x1024000xf32, #tpu.memory_space<hbm>> -> memref<1x1152xf32, #tpu.memory_space<hbm>>
      %dma_start3A_1424 = tpu.memref_squeeze %dma_start3A_1423 : memref<1x1152xf32, #tpu.memory_space<hbm>> -> memref<1152xf32, #tpu.memory_space<hbm>>
      tpu.enqueue_dma source(%dma_start3A_1424 : memref<1152xf32, #tpu.memory_space<hbm>>) target(%dma_start3A_1422 : memref<1152xf32, #tpu.memory_space<vmem>>) target_semaphore(%arg8 : memref<!tpu.dma_semaphore, #tpu.memory_space<semaphore_mem>>)
      %dma_start3A_1425 = arith.constant 11 : i32
      %dma_start3A_1426 = arith.constant 12672 : i32
      %dma_start3A_1427 = tpu.memref_slice %arg5[%dma_start3A_1426] : memref<36864xf32, #tpu.memory_space<vmem>> -> memref<1152xf32, #tpu.memory_space<vmem>>
      %dma_start3A_1428 = tpu.memref_slice %arg2[%dma_start3A_1425, %add3A_1325] : memref<32x1024000xf32, #tpu.memory_space<hbm>> -> memref<1x1152xf32, #tpu.memory_space<hbm>>
      %dma_start3A_1429 = tpu.memref_squeeze %dma_start3A_1428 : memref<1x1152xf32, #tpu.memory_space<hbm>> -> memref<1152xf32, #tpu.memory_space<hbm>>
      %dma_start3A_1430 = arith.constant 12672 : i32
      %dma_start3A_1431 = tpu.memref_slice %arg5[%dma_start3A_1430] : memref<36864xf32, #tpu.memory_space<vmem>> -> memref<1152xf32, #tpu.memory_space<vmem>>
      %dma_start3A_1432 = tpu.memref_slice %arg2[%dma_start3A_1425, %add3A_1325] : memref<32x1024000xf32, #tpu.memory_space<hbm>> -> memref<1x1152xf32, #tpu.memory_space<hbm>>
      %dma_start3A_1433 = tpu.memref_squeeze %dma_start3A_1432 : memref<1x1152xf32, #tpu.memory_space<hbm>> -> memref<1152xf32, #tpu.memory_space<hbm>>
      tpu.enqueue_dma source(%dma_start3A_1433 : memref<1152xf32, #tpu.memory_space<hbm>>) target(%dma_start3A_1431 : memref<1152xf32, #tpu.memory_space<vmem>>) target_semaphore(%arg8 : memref<!tpu.dma_semaphore, #tpu.memory_space<semaphore_mem>>)
      %dma_start3A_1434 = arith.constant 12 : i32
      %dma_start3A_1435 = arith.constant 13824 : i32
      %dma_start3A_1436 = tpu.memref_slice %arg5[%dma_start3A_1435] : memref<36864xf32, #tpu.memory_space<vmem>> -> memref<1152xf32, #tpu.memory_space<vmem>>
      %dma_start3A_1437 = tpu.memref_slice %arg2[%dma_start3A_1434, %add3A_1325] : memref<32x1024000xf32, #tpu.memory_space<hbm>> -> memref<1x1152xf32, #tpu.memory_space<hbm>>
      %dma_start3A_1438 = tpu.memref_squeeze %dma_start3A_1437 : memref<1x1152xf32, #tpu.memory_space<hbm>> -> memref<1152xf32, #tpu.memory_space<hbm>>
      %dma_start3A_1439 = arith.constant 13824 : i32
      %dma_start3A_1440 = tpu.memref_slice %arg5[%dma_start3A_1439] : memref<36864xf32, #tpu.memory_space<vmem>> -> memref<1152xf32, #tpu.memory_space<vmem>>
      %dma_start3A_1441 = tpu.memref_slice %arg2[%dma_start3A_1434, %add3A_1325] : memref<32x1024000xf32, #tpu.memory_space<hbm>> -> memref<1x1152xf32, #tpu.memory_space<hbm>>
      %dma_start3A_1442 = tpu.memref_squeeze %dma_start3A_1441 : memref<1x1152xf32, #tpu.memory_space<hbm>> -> memref<1152xf32, #tpu.memory_space<hbm>>
      tpu.enqueue_dma source(%dma_start3A_1442 : memref<1152xf32, #tpu.memory_space<hbm>>) target(%dma_start3A_1440 : memref<1152xf32, #tpu.memory_space<vmem>>) target_semaphore(%arg8 : memref<!tpu.dma_semaphore, #tpu.memory_space<semaphore_mem>>)
      %dma_start3A_1443 = arith.constant 13 : i32
      %dma_start3A_1444 = arith.constant 14976 : i32
      %dma_start3A_1445 = tpu.memref_slice %arg5[%dma_start3A_1444] : memref<36864xf32, #tpu.memory_space<vmem>> -> memref<1152xf32, #tpu.memory_space<vmem>>
      %dma_start3A_1446 = tpu.memref_slice %arg2[%dma_start3A_1443, %add3A_1325] : memref<32x1024000xf32, #tpu.memory_space<hbm>> -> memref<1x1152xf32, #tpu.memory_space<hbm>>
      %dma_start3A_1447 = tpu.memref_squeeze %dma_start3A_1446 : memref<1x1152xf32, #tpu.memory_space<hbm>> -> memref<1152xf32, #tpu.memory_space<hbm>>
      %dma_start3A_1448 = arith.constant 14976 : i32
      %dma_start3A_1449 = tpu.memref_slice %arg5[%dma_start3A_1448] : memref<36864xf32, #tpu.memory_space<vmem>> -> memref<1152xf32, #tpu.memory_space<vmem>>
      %dma_start3A_1450 = tpu.memref_slice %arg2[%dma_start3A_1443, %add3A_1325] : memref<32x1024000xf32, #tpu.memory_space<hbm>> -> memref<1x1152xf32, #tpu.memory_space<hbm>>
      %dma_start3A_1451 = tpu.memref_squeeze %dma_start3A_1450 : memref<1x1152xf32, #tpu.memory_space<hbm>> -> memref<1152xf32, #tpu.memory_space<hbm>>
      tpu.enqueue_dma source(%dma_start3A_1451 : memref<1152xf32, #tpu.memory_space<hbm>>) target(%dma_start3A_1449 : memref<1152xf32, #tpu.memory_space<vmem>>) target_semaphore(%arg8 : memref<!tpu.dma_semaphore, #tpu.memory_space<semaphore_mem>>)
      %dma_start3A_1452 = arith.constant 14 : i32
      %dma_start3A_1453 = arith.constant 16128 : i32
      %dma_start3A_1454 = tpu.memref_slice %arg5[%dma_start3A_1453] : memref<36864xf32, #tpu.memory_space<vmem>> -> memref<1152xf32, #tpu.memory_space<vmem>>
      %dma_start3A_1455 = tpu.memref_slice %arg2[%dma_start3A_1452, %add3A_1325] : memref<32x1024000xf32, #tpu.memory_space<hbm>> -> memref<1x1152xf32, #tpu.memory_space<hbm>>
      %dma_start3A_1456 = tpu.memref_squeeze %dma_start3A_1455 : memref<1x1152xf32, #tpu.memory_space<hbm>> -> memref<1152xf32, #tpu.memory_space<hbm>>
      %dma_start3A_1457 = arith.constant 16128 : i32
      %dma_start3A_1458 = tpu.memref_slice %arg5[%dma_start3A_1457] : memref<36864xf32, #tpu.memory_space<vmem>> -> memref<1152xf32, #tpu.memory_space<vmem>>
      %dma_start3A_1459 = tpu.memref_slice %arg2[%dma_start3A_1452, %add3A_1325] : memref<32x1024000xf32, #tpu.memory_space<hbm>> -> memref<1x1152xf32, #tpu.memory_space<hbm>>
      %dma_start3A_1460 = tpu.memref_squeeze %dma_start3A_1459 : memref<1x1152xf32, #tpu.memory_space<hbm>> -> memref<1152xf32, #tpu.memory_space<hbm>>
      tpu.enqueue_dma source(%dma_start3A_1460 : memref<1152xf32, #tpu.memory_space<hbm>>) target(%dma_start3A_1458 : memref<1152xf32, #tpu.memory_space<vmem>>) target_semaphore(%arg8 : memref<!tpu.dma_semaphore, #tpu.memory_space<semaphore_mem>>)
      %dma_start3A_1461 = arith.constant 15 : i32
      %dma_start3A_1462 = arith.constant 17280 : i32
      %dma_start3A_1463 = tpu.memref_slice %arg5[%dma_start3A_1462] : memref<36864xf32, #tpu.memory_space<vmem>> -> memref<1152xf32, #tpu.memory_space<vmem>>
      %dma_start3A_1464 = tpu.memref_slice %arg2[%dma_start3A_1461, %add3A_1325] : memref<32x1024000xf32, #tpu.memory_space<hbm>> -> memref<1x1152xf32, #tpu.memory_space<hbm>>
      %dma_start3A_1465 = tpu.memref_squeeze %dma_start3A_1464 : memref<1x1152xf32, #tpu.memory_space<hbm>> -> memref<1152xf32, #tpu.memory_space<hbm>>
      %dma_start3A_1466 = arith.constant 17280 : i32
      %dma_start3A_1467 = tpu.memref_slice %arg5[%dma_start3A_1466] : memref<36864xf32, #tpu.memory_space<vmem>> -> memref<1152xf32, #tpu.memory_space<vmem>>
      %dma_start3A_1468 = tpu.memref_slice %arg2[%dma_start3A_1461, %add3A_1325] : memref<32x1024000xf32, #tpu.memory_space<hbm>> -> memref<1x1152xf32, #tpu.memory_space<hbm>>
      %dma_start3A_1469 = tpu.memref_squeeze %dma_start3A_1468 : memref<1x1152xf32, #tpu.memory_space<hbm>> -> memref<1152xf32, #tpu.memory_space<hbm>>
      tpu.enqueue_dma source(%dma_start3A_1469 : memref<1152xf32, #tpu.memory_space<hbm>>) target(%dma_start3A_1467 : memref<1152xf32, #tpu.memory_space<vmem>>) target_semaphore(%arg8 : memref<!tpu.dma_semaphore, #tpu.memory_space<semaphore_mem>>)
      %dma_start3A_1470 = arith.constant 16 : i32
      %dma_start3A_1471 = arith.constant 18432 : i32
      %dma_start3A_1472 = tpu.memref_slice %arg5[%dma_start3A_1471] : memref<36864xf32, #tpu.memory_space<vmem>> -> memref<1152xf32, #tpu.memory_space<vmem>>
      %dma_start3A_1473 = tpu.memref_slice %arg2[%dma_start3A_1470, %add3A_1325] : memref<32x1024000xf32, #tpu.memory_space<hbm>> -> memref<1x1152xf32, #tpu.memory_space<hbm>>
      %dma_start3A_1474 = tpu.memref_squeeze %dma_start3A_1473 : memref<1x1152xf32, #tpu.memory_space<hbm>> -> memref<1152xf32, #tpu.memory_space<hbm>>
      %dma_start3A_1475 = arith.constant 18432 : i32
      %dma_start3A_1476 = tpu.memref_slice %arg5[%dma_start3A_1475] : memref<36864xf32, #tpu.memory_space<vmem>> -> memref<1152xf32, #tpu.memory_space<vmem>>
      %dma_start3A_1477 = tpu.memref_slice %arg2[%dma_start3A_1470, %add3A_1325] : memref<32x1024000xf32, #tpu.memory_space<hbm>> -> memref<1x1152xf32, #tpu.memory_space<hbm>>
      %dma_start3A_1478 = tpu.memref_squeeze %dma_start3A_1477 : memref<1x1152xf32, #tpu.memory_space<hbm>> -> memref<1152xf32, #tpu.memory_space<hbm>>
      tpu.enqueue_dma source(%dma_start3A_1478 : memref<1152xf32, #tpu.memory_space<hbm>>) target(%dma_start3A_1476 : memref<1152xf32, #tpu.memory_space<vmem>>) target_semaphore(%arg8 : memref<!tpu.dma_semaphore, #tpu.memory_space<semaphore_mem>>)
      %dma_start3A_1479 = arith.constant 17 : i32
      %dma_start3A_1480 = arith.constant 19584 : i32
      %dma_start3A_1481 = tpu.memref_slice %arg5[%dma_start3A_1480] : memref<36864xf32, #tpu.memory_space<vmem>> -> memref<1152xf32, #tpu.memory_space<vmem>>
      %dma_start3A_1482 = tpu.memref_slice %arg2[%dma_start3A_1479, %add3A_1325] : memref<32x1024000xf32, #tpu.memory_space<hbm>> -> memref<1x1152xf32, #tpu.memory_space<hbm>>
      %dma_start3A_1483 = tpu.memref_squeeze %dma_start3A_1482 : memref<1x1152xf32, #tpu.memory_space<hbm>> -> memref<1152xf32, #tpu.memory_space<hbm>>
      %dma_start3A_1484 = arith.constant 19584 : i32
      %dma_start3A_1485 = tpu.memref_slice %arg5[%dma_start3A_1484] : memref<36864xf32, #tpu.memory_space<vmem>> -> memref<1152xf32, #tpu.memory_space<vmem>>
      %dma_start3A_1486 = tpu.memref_slice %arg2[%dma_start3A_1479, %add3A_1325] : memref<32x1024000xf32, #tpu.memory_space<hbm>> -> memref<1x1152xf32, #tpu.memory_space<hbm>>
      %dma_start3A_1487 = tpu.memref_squeeze %dma_start3A_1486 : memref<1x1152xf32, #tpu.memory_space<hbm>> -> memref<1152xf32, #tpu.memory_space<hbm>>
      tpu.enqueue_dma source(%dma_start3A_1487 : memref<1152xf32, #tpu.memory_space<hbm>>) target(%dma_start3A_1485 : memref<1152xf32, #tpu.memory_space<vmem>>) target_semaphore(%arg8 : memref<!tpu.dma_semaphore, #tpu.memory_space<semaphore_mem>>)
      %dma_start3A_1488 = arith.constant 18 : i32
      %dma_start3A_1489 = arith.constant 20736 : i32
      %dma_start3A_1490 = tpu.memref_slice %arg5[%dma_start3A_1489] : memref<36864xf32, #tpu.memory_space<vmem>> -> memref<1152xf32, #tpu.memory_space<vmem>>
      %dma_start3A_1491 = tpu.memref_slice %arg2[%dma_start3A_1488, %add3A_1325] : memref<32x1024000xf32, #tpu.memory_space<hbm>> -> memref<1x1152xf32, #tpu.memory_space<hbm>>
      %dma_start3A_1492 = tpu.memref_squeeze %dma_start3A_1491 : memref<1x1152xf32, #tpu.memory_space<hbm>> -> memref<1152xf32, #tpu.memory_space<hbm>>
      %dma_start3A_1493 = arith.constant 20736 : i32
      %dma_start3A_1494 = tpu.memref_slice %arg5[%dma_start3A_1493] : memref<36864xf32, #tpu.memory_space<vmem>> -> memref<1152xf32, #tpu.memory_space<vmem>>
      %dma_start3A_1495 = tpu.memref_slice %arg2[%dma_start3A_1488, %add3A_1325] : memref<32x1024000xf32, #tpu.memory_space<hbm>> -> memref<1x1152xf32, #tpu.memory_space<hbm>>
      %dma_start3A_1496 = tpu.memref_squeeze %dma_start3A_1495 : memref<1x1152xf32, #tpu.memory_space<hbm>> -> memref<1152xf32, #tpu.memory_space<hbm>>
      tpu.enqueue_dma source(%dma_start3A_1496 : memref<1152xf32, #tpu.memory_space<hbm>>) target(%dma_start3A_1494 : memref<1152xf32, #tpu.memory_space<vmem>>) target_semaphore(%arg8 : memref<!tpu.dma_semaphore, #tpu.memory_space<semaphore_mem>>)
      %dma_start3A_1497 = arith.constant 19 : i32
      %dma_start3A_1498 = arith.constant 21888 : i32
      %dma_start3A_1499 = tpu.memref_slice %arg5[%dma_start3A_1498] : memref<36864xf32, #tpu.memory_space<vmem>> -> memref<1152xf32, #tpu.memory_space<vmem>>
      %dma_start3A_1500 = tpu.memref_slice %arg2[%dma_start3A_1497, %add3A_1325] : memref<32x1024000xf32, #tpu.memory_space<hbm>> -> memref<1x1152xf32, #tpu.memory_space<hbm>>
      %dma_start3A_1501 = tpu.memref_squeeze %dma_start3A_1500 : memref<1x1152xf32, #tpu.memory_space<hbm>> -> memref<1152xf32, #tpu.memory_space<hbm>>
      %dma_start3A_1502 = arith.constant 21888 : i32
      %dma_start3A_1503 = tpu.memref_slice %arg5[%dma_start3A_1502] : memref<36864xf32, #tpu.memory_space<vmem>> -> memref<1152xf32, #tpu.memory_space<vmem>>
      %dma_start3A_1504 = tpu.memref_slice %arg2[%dma_start3A_1497, %add3A_1325] : memref<32x1024000xf32, #tpu.memory_space<hbm>> -> memref<1x1152xf32, #tpu.memory_space<hbm>>
      %dma_start3A_1505 = tpu.memref_squeeze %dma_start3A_1504 : memref<1x1152xf32, #tpu.memory_space<hbm>> -> memref<1152xf32, #tpu.memory_space<hbm>>
      tpu.enqueue_dma source(%dma_start3A_1505 : memref<1152xf32, #tpu.memory_space<hbm>>) target(%dma_start3A_1503 : memref<1152xf32, #tpu.memory_space<vmem>>) target_semaphore(%arg8 : memref<!tpu.dma_semaphore, #tpu.memory_space<semaphore_mem>>)
      %dma_start3A_1506 = arith.constant 20 : i32
      %dma_start3A_1507 = arith.constant 23040 : i32
      %dma_start3A_1508 = tpu.memref_slice %arg5[%dma_start3A_1507] : memref<36864xf32, #tpu.memory_space<vmem>> -> memref<1152xf32, #tpu.memory_space<vmem>>
      %dma_start3A_1509 = tpu.memref_slice %arg2[%dma_start3A_1506, %add3A_1325] : memref<32x1024000xf32, #tpu.memory_space<hbm>> -> memref<1x1152xf32, #tpu.memory_space<hbm>>
      %dma_start3A_1510 = tpu.memref_squeeze %dma_start3A_1509 : memref<1x1152xf32, #tpu.memory_space<hbm>> -> memref<1152xf32, #tpu.memory_space<hbm>>
      %dma_start3A_1511 = arith.constant 23040 : i32
      %dma_start3A_1512 = tpu.memref_slice %arg5[%dma_start3A_1511] : memref<36864xf32, #tpu.memory_space<vmem>> -> memref<1152xf32, #tpu.memory_space<vmem>>
      %dma_start3A_1513 = tpu.memref_slice %arg2[%dma_start3A_1506, %add3A_1325] : memref<32x1024000xf32, #tpu.memory_space<hbm>> -> memref<1x1152xf32, #tpu.memory_space<hbm>>
      %dma_start3A_1514 = tpu.memref_squeeze %dma_start3A_1513 : memref<1x1152xf32, #tpu.memory_space<hbm>> -> memref<1152xf32, #tpu.memory_space<hbm>>
      tpu.enqueue_dma source(%dma_start3A_1514 : memref<1152xf32, #tpu.memory_space<hbm>>) target(%dma_start3A_1512 : memref<1152xf32, #tpu.memory_space<vmem>>) target_semaphore(%arg8 : memref<!tpu.dma_semaphore, #tpu.memory_space<semaphore_mem>>)
      %dma_start3A_1515 = arith.constant 21 : i32
      %dma_start3A_1516 = arith.constant 24192 : i32
      %dma_start3A_1517 = tpu.memref_slice %arg5[%dma_start3A_1516] : memref<36864xf32, #tpu.memory_space<vmem>> -> memref<1152xf32, #tpu.memory_space<vmem>>
      %dma_start3A_1518 = tpu.memref_slice %arg2[%dma_start3A_1515, %add3A_1325] : memref<32x1024000xf32, #tpu.memory_space<hbm>> -> memref<1x1152xf32, #tpu.memory_space<hbm>>
      %dma_start3A_1519 = tpu.memref_squeeze %dma_start3A_1518 : memref<1x1152xf32, #tpu.memory_space<hbm>> -> memref<1152xf32, #tpu.memory_space<hbm>>
      %dma_start3A_1520 = arith.constant 24192 : i32
      %dma_start3A_1521 = tpu.memref_slice %arg5[%dma_start3A_1520] : memref<36864xf32, #tpu.memory_space<vmem>> -> memref<1152xf32, #tpu.memory_space<vmem>>
      %dma_start3A_1522 = tpu.memref_slice %arg2[%dma_start3A_1515, %add3A_1325] : memref<32x1024000xf32, #tpu.memory_space<hbm>> -> memref<1x1152xf32, #tpu.memory_space<hbm>>
      %dma_start3A_1523 = tpu.memref_squeeze %dma_start3A_1522 : memref<1x1152xf32, #tpu.memory_space<hbm>> -> memref<1152xf32, #tpu.memory_space<hbm>>
      tpu.enqueue_dma source(%dma_start3A_1523 : memref<1152xf32, #tpu.memory_space<hbm>>) target(%dma_start3A_1521 : memref<1152xf32, #tpu.memory_space<vmem>>) target_semaphore(%arg8 : memref<!tpu.dma_semaphore, #tpu.memory_space<semaphore_mem>>)
      %dma_start3A_1524 = arith.constant 22 : i32
      %dma_start3A_1525 = arith.constant 25344 : i32
      %dma_start3A_1526 = tpu.memref_slice %arg5[%dma_start3A_1525] : memref<36864xf32, #tpu.memory_space<vmem>> -> memref<1152xf32, #tpu.memory_space<vmem>>
      %dma_start3A_1527 = tpu.memref_slice %arg2[%dma_start3A_1524, %add3A_1325] : memref<32x1024000xf32, #tpu.memory_space<hbm>> -> memref<1x1152xf32, #tpu.memory_space<hbm>>
      %dma_start3A_1528 = tpu.memref_squeeze %dma_start3A_1527 : memref<1x1152xf32, #tpu.memory_space<hbm>> -> memref<1152xf32, #tpu.memory_space<hbm>>
      %dma_start3A_1529 = arith.constant 25344 : i32
      %dma_start3A_1530 = tpu.memref_slice %arg5[%dma_start3A_1529] : memref<36864xf32, #tpu.memory_space<vmem>> -> memref<1152xf32, #tpu.memory_space<vmem>>
      %dma_start3A_1531 = tpu.memref_slice %arg2[%dma_start3A_1524, %add3A_1325] : memref<32x1024000xf32, #tpu.memory_space<hbm>> -> memref<1x1152xf32, #tpu.memory_space<hbm>>
      %dma_start3A_1532 = tpu.memref_squeeze %dma_start3A_1531 : memref<1x1152xf32, #tpu.memory_space<hbm>> -> memref<1152xf32, #tpu.memory_space<hbm>>
      tpu.enqueue_dma source(%dma_start3A_1532 : memref<1152xf32, #tpu.memory_space<hbm>>) target(%dma_start3A_1530 : memref<1152xf32, #tpu.memory_space<vmem>>) target_semaphore(%arg8 : memref<!tpu.dma_semaphore, #tpu.memory_space<semaphore_mem>>)
      %dma_start3A_1533 = arith.constant 23 : i32
      %dma_start3A_1534 = arith.constant 26496 : i32
      %dma_start3A_1535 = tpu.memref_slice %arg5[%dma_start3A_1534] : memref<36864xf32, #tpu.memory_space<vmem>> -> memref<1152xf32, #tpu.memory_space<vmem>>
      %dma_start3A_1536 = tpu.memref_slice %arg2[%dma_start3A_1533, %add3A_1325] : memref<32x1024000xf32, #tpu.memory_space<hbm>> -> memref<1x1152xf32, #tpu.memory_space<hbm>>
      %dma_start3A_1537 = tpu.memref_squeeze %dma_start3A_1536 : memref<1x1152xf32, #tpu.memory_space<hbm>> -> memref<1152xf32, #tpu.memory_space<hbm>>
      %dma_start3A_1538 = arith.constant 26496 : i32
      %dma_start3A_1539 = tpu.memref_slice %arg5[%dma_start3A_1538] : memref<36864xf32, #tpu.memory_space<vmem>> -> memref<1152xf32, #tpu.memory_space<vmem>>
      %dma_start3A_1540 = tpu.memref_slice %arg2[%dma_start3A_1533, %add3A_1325] : memref<32x1024000xf32, #tpu.memory_space<hbm>> -> memref<1x1152xf32, #tpu.memory_space<hbm>>
      %dma_start3A_1541 = tpu.memref_squeeze %dma_start3A_1540 : memref<1x1152xf32, #tpu.memory_space<hbm>> -> memref<1152xf32, #tpu.memory_space<hbm>>
      tpu.enqueue_dma source(%dma_start3A_1541 : memref<1152xf32, #tpu.memory_space<hbm>>) target(%dma_start3A_1539 : memref<1152xf32, #tpu.memory_space<vmem>>) target_semaphore(%arg8 : memref<!tpu.dma_semaphore, #tpu.memory_space<semaphore_mem>>)
      %dma_start3A_1542 = arith.constant 24 : i32
      %dma_start3A_1543 = arith.constant 27648 : i32
      %dma_start3A_1544 = tpu.memref_slice %arg5[%dma_start3A_1543] : memref<36864xf32, #tpu.memory_space<vmem>> -> memref<1152xf32, #tpu.memory_space<vmem>>
      %dma_start3A_1545 = tpu.memref_slice %arg2[%dma_start3A_1542, %add3A_1325] : memref<32x1024000xf32, #tpu.memory_space<hbm>> -> memref<1x1152xf32, #tpu.memory_space<hbm>>
      %dma_start3A_1546 = tpu.memref_squeeze %dma_start3A_1545 : memref<1x1152xf32, #tpu.memory_space<hbm>> -> memref<1152xf32, #tpu.memory_space<hbm>>
      %dma_start3A_1547 = arith.constant 27648 : i32
      %dma_start3A_1548 = tpu.memref_slice %arg5[%dma_start3A_1547] : memref<36864xf32, #tpu.memory_space<vmem>> -> memref<1152xf32, #tpu.memory_space<vmem>>
      %dma_start3A_1549 = tpu.memref_slice %arg2[%dma_start3A_1542, %add3A_1325] : memref<32x1024000xf32, #tpu.memory_space<hbm>> -> memref<1x1152xf32, #tpu.memory_space<hbm>>
      %dma_start3A_1550 = tpu.memref_squeeze %dma_start3A_1549 : memref<1x1152xf32, #tpu.memory_space<hbm>> -> memref<1152xf32, #tpu.memory_space<hbm>>
      tpu.enqueue_dma source(%dma_start3A_1550 : memref<1152xf32, #tpu.memory_space<hbm>>) target(%dma_start3A_1548 : memref<1152xf32, #tpu.memory_space<vmem>>) target_semaphore(%arg8 : memref<!tpu.dma_semaphore, #tpu.memory_space<semaphore_mem>>)
      %dma_start3A_1551 = arith.constant 25 : i32
      %dma_start3A_1552 = arith.constant 28800 : i32
      %dma_start3A_1553 = tpu.memref_slice %arg5[%dma_start3A_1552] : memref<36864xf32, #tpu.memory_space<vmem>> -> memref<1152xf32, #tpu.memory_space<vmem>>
      %dma_start3A_1554 = tpu.memref_slice %arg2[%dma_start3A_1551, %add3A_1325] : memref<32x1024000xf32, #tpu.memory_space<hbm>> -> memref<1x1152xf32, #tpu.memory_space<hbm>>
      %dma_start3A_1555 = tpu.memref_squeeze %dma_start3A_1554 : memref<1x1152xf32, #tpu.memory_space<hbm>> -> memref<1152xf32, #tpu.memory_space<hbm>>
      %dma_start3A_1556 = arith.constant 28800 : i32
      %dma_start3A_1557 = tpu.memref_slice %arg5[%dma_start3A_1556] : memref<36864xf32, #tpu.memory_space<vmem>> -> memref<1152xf32, #tpu.memory_space<vmem>>
      %dma_start3A_1558 = tpu.memref_slice %arg2[%dma_start3A_1551, %add3A_1325] : memref<32x1024000xf32, #tpu.memory_space<hbm>> -> memref<1x1152xf32, #tpu.memory_space<hbm>>
      %dma_start3A_1559 = tpu.memref_squeeze %dma_start3A_1558 : memref<1x1152xf32, #tpu.memory_space<hbm>> -> memref<1152xf32, #tpu.memory_space<hbm>>
      tpu.enqueue_dma source(%dma_start3A_1559 : memref<1152xf32, #tpu.memory_space<hbm>>) target(%dma_start3A_1557 : memref<1152xf32, #tpu.memory_space<vmem>>) target_semaphore(%arg8 : memref<!tpu.dma_semaphore, #tpu.memory_space<semaphore_mem>>)
      %dma_start3A_1560 = arith.constant 26 : i32
      %dma_start3A_1561 = arith.constant 29952 : i32
      %dma_start3A_1562 = tpu.memref_slice %arg5[%dma_start3A_1561] : memref<36864xf32, #tpu.memory_space<vmem>> -> memref<1152xf32, #tpu.memory_space<vmem>>
      %dma_start3A_1563 = tpu.memref_slice %arg2[%dma_start3A_1560, %add3A_1325] : memref<32x1024000xf32, #tpu.memory_space<hbm>> -> memref<1x1152xf32, #tpu.memory_space<hbm>>
      %dma_start3A_1564 = tpu.memref_squeeze %dma_start3A_1563 : memref<1x1152xf32, #tpu.memory_space<hbm>> -> memref<1152xf32, #tpu.memory_space<hbm>>
      %dma_start3A_1565 = arith.constant 29952 : i32
      %dma_start3A_1566 = tpu.memref_slice %arg5[%dma_start3A_1565] : memref<36864xf32, #tpu.memory_space<vmem>> -> memref<1152xf32, #tpu.memory_space<vmem>>
      %dma_start3A_1567 = tpu.memref_slice %arg2[%dma_start3A_1560, %add3A_1325] : memref<32x1024000xf32, #tpu.memory_space<hbm>> -> memref<1x1152xf32, #tpu.memory_space<hbm>>
      %dma_start3A_1568 = tpu.memref_squeeze %dma_start3A_1567 : memref<1x1152xf32, #tpu.memory_space<hbm>> -> memref<1152xf32, #tpu.memory_space<hbm>>
      tpu.enqueue_dma source(%dma_start3A_1568 : memref<1152xf32, #tpu.memory_space<hbm>>) target(%dma_start3A_1566 : memref<1152xf32, #tpu.memory_space<vmem>>) target_semaphore(%arg8 : memref<!tpu.dma_semaphore, #tpu.memory_space<semaphore_mem>>)
      %dma_start3A_1569 = arith.constant 27 : i32
      %dma_start3A_1570 = arith.constant 31104 : i32
      %dma_start3A_1571 = tpu.memref_slice %arg5[%dma_start3A_1570] : memref<36864xf32, #tpu.memory_space<vmem>> -> memref<1152xf32, #tpu.memory_space<vmem>>
      %dma_start3A_1572 = tpu.memref_slice %arg2[%dma_start3A_1569, %add3A_1325] : memref<32x1024000xf32, #tpu.memory_space<hbm>> -> memref<1x1152xf32, #tpu.memory_space<hbm>>
      %dma_start3A_1573 = tpu.memref_squeeze %dma_start3A_1572 : memref<1x1152xf32, #tpu.memory_space<hbm>> -> memref<1152xf32, #tpu.memory_space<hbm>>
      %dma_start3A_1574 = arith.constant 31104 : i32
      %dma_start3A_1575 = tpu.memref_slice %arg5[%dma_start3A_1574] : memref<36864xf32, #tpu.memory_space<vmem>> -> memref<1152xf32, #tpu.memory_space<vmem>>
      %dma_start3A_1576 = tpu.memref_slice %arg2[%dma_start3A_1569, %add3A_1325] : memref<32x1024000xf32, #tpu.memory_space<hbm>> -> memref<1x1152xf32, #tpu.memory_space<hbm>>
      %dma_start3A_1577 = tpu.memref_squeeze %dma_start3A_1576 : memref<1x1152xf32, #tpu.memory_space<hbm>> -> memref<1152xf32, #tpu.memory_space<hbm>>
      tpu.enqueue_dma source(%dma_start3A_1577 : memref<1152xf32, #tpu.memory_space<hbm>>) target(%dma_start3A_1575 : memref<1152xf32, #tpu.memory_space<vmem>>) target_semaphore(%arg8 : memref<!tpu.dma_semaphore, #tpu.memory_space<semaphore_mem>>)
      %dma_start3A_1578 = arith.constant 28 : i32
      %dma_start3A_1579 = arith.constant 32256 : i32
      %dma_start3A_1580 = tpu.memref_slice %arg5[%dma_start3A_1579] : memref<36864xf32, #tpu.memory_space<vmem>> -> memref<1152xf32, #tpu.memory_space<vmem>>
      %dma_start3A_1581 = tpu.memref_slice %arg2[%dma_start3A_1578, %add3A_1325] : memref<32x1024000xf32, #tpu.memory_space<hbm>> -> memref<1x1152xf32, #tpu.memory_space<hbm>>
      %dma_start3A_1582 = tpu.memref_squeeze %dma_start3A_1581 : memref<1x1152xf32, #tpu.memory_space<hbm>> -> memref<1152xf32, #tpu.memory_space<hbm>>
      %dma_start3A_1583 = arith.constant 32256 : i32
      %dma_start3A_1584 = tpu.memref_slice %arg5[%dma_start3A_1583] : memref<36864xf32, #tpu.memory_space<vmem>> -> memref<1152xf32, #tpu.memory_space<vmem>>
      %dma_start3A_1585 = tpu.memref_slice %arg2[%dma_start3A_1578, %add3A_1325] : memref<32x1024000xf32, #tpu.memory_space<hbm>> -> memref<1x1152xf32, #tpu.memory_space<hbm>>
      %dma_start3A_1586 = tpu.memref_squeeze %dma_start3A_1585 : memref<1x1152xf32, #tpu.memory_space<hbm>> -> memref<1152xf32, #tpu.memory_space<hbm>>
      tpu.enqueue_dma source(%dma_start3A_1586 : memref<1152xf32, #tpu.memory_space<hbm>>) target(%dma_start3A_1584 : memref<1152xf32, #tpu.memory_space<vmem>>) target_semaphore(%arg8 : memref<!tpu.dma_semaphore, #tpu.memory_space<semaphore_mem>>)
      %dma_start3A_1587 = arith.constant 29 : i32
      %dma_start3A_1588 = arith.constant 33408 : i32
      %dma_start3A_1589 = tpu.memref_slice %arg5[%dma_start3A_1588] : memref<36864xf32, #tpu.memory_space<vmem>> -> memref<1152xf32, #tpu.memory_space<vmem>>
      %dma_start3A_1590 = tpu.memref_slice %arg2[%dma_start3A_1587, %add3A_1325] : memref<32x1024000xf32, #tpu.memory_space<hbm>> -> memref<1x1152xf32, #tpu.memory_space<hbm>>
      %dma_start3A_1591 = tpu.memref_squeeze %dma_start3A_1590 : memref<1x1152xf32, #tpu.memory_space<hbm>> -> memref<1152xf32, #tpu.memory_space<hbm>>
      %dma_start3A_1592 = arith.constant 33408 : i32
      %dma_start3A_1593 = tpu.memref_slice %arg5[%dma_start3A_1592] : memref<36864xf32, #tpu.memory_space<vmem>> -> memref<1152xf32, #tpu.memory_space<vmem>>
      %dma_start3A_1594 = tpu.memref_slice %arg2[%dma_start3A_1587, %add3A_1325] : memref<32x1024000xf32, #tpu.memory_space<hbm>> -> memref<1x1152xf32, #tpu.memory_space<hbm>>
      %dma_start3A_1595 = tpu.memref_squeeze %dma_start3A_1594 : memref<1x1152xf32, #tpu.memory_space<hbm>> -> memref<1152xf32, #tpu.memory_space<hbm>>
      tpu.enqueue_dma source(%dma_start3A_1595 : memref<1152xf32, #tpu.memory_space<hbm>>) target(%dma_start3A_1593 : memref<1152xf32, #tpu.memory_space<vmem>>) target_semaphore(%arg8 : memref<!tpu.dma_semaphore, #tpu.memory_space<semaphore_mem>>)
      %dma_start3A_1596 = arith.constant 30 : i32
      %dma_start3A_1597 = arith.constant 34560 : i32
      %dma_start3A_1598 = tpu.memref_slice %arg5[%dma_start3A_1597] : memref<36864xf32, #tpu.memory_space<vmem>> -> memref<1152xf32, #tpu.memory_space<vmem>>
      %dma_start3A_1599 = tpu.memref_slice %arg2[%dma_start3A_1596, %add3A_1325] : memref<32x1024000xf32, #tpu.memory_space<hbm>> -> memref<1x1152xf32, #tpu.memory_space<hbm>>
      %dma_start3A_1600 = tpu.memref_squeeze %dma_start3A_1599 : memref<1x1152xf32, #tpu.memory_space<hbm>> -> memref<1152xf32, #tpu.memory_space<hbm>>
      %dma_start3A_1601 = arith.constant 34560 : i32
      %dma_start3A_1602 = tpu.memref_slice %arg5[%dma_start3A_1601] : memref<36864xf32, #tpu.memory_space<vmem>> -> memref<1152xf32, #tpu.memory_space<vmem>>
      %dma_start3A_1603 = tpu.memref_slice %arg2[%dma_start3A_1596, %add3A_1325] : memref<32x1024000xf32, #tpu.memory_space<hbm>> -> memref<1x1152xf32, #tpu.memory_space<hbm>>
      %dma_start3A_1604 = tpu.memref_squeeze %dma_start3A_1603 : memref<1x1152xf32, #tpu.memory_space<hbm>> -> memref<1152xf32, #tpu.memory_space<hbm>>
      tpu.enqueue_dma source(%dma_start3A_1604 : memref<1152xf32, #tpu.memory_space<hbm>>) target(%dma_start3A_1602 : memref<1152xf32, #tpu.memory_space<vmem>>) target_semaphore(%arg8 : memref<!tpu.dma_semaphore, #tpu.memory_space<semaphore_mem>>)
      %dma_start3A_1605 = arith.constant 31 : i32
      %dma_start3A_1606 = arith.constant 35712 : i32
      %dma_start3A_1607 = tpu.memref_slice %arg5[%dma_start3A_1606] : memref<36864xf32, #tpu.memory_space<vmem>> -> memref<1152xf32, #tpu.memory_space<vmem>>
      %dma_start3A_1608 = tpu.memref_slice %arg2[%dma_start3A_1605, %add3A_1325] : memref<32x1024000xf32, #tpu.memory_space<hbm>> -> memref<1x1152xf32, #tpu.memory_space<hbm>>
      %dma_start3A_1609 = tpu.memref_squeeze %dma_start3A_1608 : memref<1x1152xf32, #tpu.memory_space<hbm>> -> memref<1152xf32, #tpu.memory_space<hbm>>
      %dma_start3A_1610 = arith.constant 35712 : i32
      %dma_start3A_1611 = tpu.memref_slice %arg5[%dma_start3A_1610] : memref<36864xf32, #tpu.memory_space<vmem>> -> memref<1152xf32, #tpu.memory_space<vmem>>
      %dma_start3A_1612 = tpu.memref_slice %arg2[%dma_start3A_1605, %add3A_1325] : memref<32x1024000xf32, #tpu.memory_space<hbm>> -> memref<1x1152xf32, #tpu.memory_space<hbm>>
      %dma_start3A_1613 = tpu.memref_squeeze %dma_start3A_1612 : memref<1x1152xf32, #tpu.memory_space<hbm>> -> memref<1152xf32, #tpu.memory_space<hbm>>
      tpu.enqueue_dma source(%dma_start3A_1613 : memref<1152xf32, #tpu.memory_space<hbm>>) target(%dma_start3A_1611 : memref<1152xf32, #tpu.memory_space<vmem>>) target_semaphore(%arg8 : memref<!tpu.dma_semaphore, #tpu.memory_space<semaphore_mem>>)
    }
    %scan3A_844 = arith.constant 15 : i32
    %dma_wait3A = arith.constant 0 : i32
    %dma_wait3A_845 = tpu.memref_slice %arg3[%dma_wait3A] : memref<98304xf32, #tpu.memory_space<hbm>> -> memref<36864xf32, #tpu.memory_space<hbm>>
    %dma_wait3A_846 = arith.constant 0 : i32
    %dma_wait3A_847 = tpu.memref_slice %arg3[%dma_wait3A_846] : memref<98304xf32, #tpu.memory_space<hbm>> -> memref<36864xf32, #tpu.memory_space<hbm>>
    tpu.wait_dma2 semaphore(%arg7 : memref<!tpu.dma_semaphore, #tpu.memory_space<semaphore_mem>>) src(%dma_wait3A_847 : memref<36864xf32, #tpu.memory_space<hbm>>) dst(%arg4 : memref<36864xf32, #tpu.memory_space<vmem>>)
    %min3A_848 = arith.constant 234 : i32
    %min3A_849 = arith.constant 241 : i32
    %min3A_850 = arith.minsi %min3A_848, %min3A_849 : i32
    %mul3A_851 = arith.constant 128 : i32
    %mul3A_852 = arith.muli %min3A_850, %mul3A_851 : i32
    %sub3A = arith.constant 30000 : i32
    %sub3A_853 = arith.subi %sub3A, %mul3A_852 : i32
    %scan3A_854 = arith.constant 0 : i32
    %scan3A_855 = arith.constant 0 : i32
    %scan3A_856 = arith.constant 32 : i32
    %scan3A_857 = arith.addi %scan3A_855, %scan3A_856 : i32
    %scan3A_858 = arith.constant 1 : i32
    scf.for %scan3A_879 = %scan3A_855 to %scan3A_857 step %scan3A_858  : i32 {
      %mul3A_880 = arith.constant 1152 : i32
      %mul3A_881 = arith.muli %scan3A_879, %mul3A_880 : i32
      %add3A_882 = arith.addi %mul3A_881, %sub3A_853 : i32
      %parallel_loop3A = arith.constant 0 : i32
      %parallel_loop3A_883 = arith.constant 960 : i32
      %parallel_loop3A_884 = arith.constant 48 : i32
      %parallel_loop3A_885:3 = scf.for %parallel_loop3A_973 = %parallel_loop3A to %parallel_loop3A_883 step %parallel_loop3A_884 iter_args(%parallel_loop3A_974 = %broadcast_in_dim3A_251, %parallel_loop3A_975 = %broadcast_in_dim3A_251, %parallel_loop3A_976 = %broadcast_in_dim3A_251) -> (vector<16xf32>, vector<16xf32>, vector<16xf32>)  : i32 {
        %parallel_loop3A_977 = arith.addi %add3A_882, %parallel_loop3A_973 : i32
        %parallel_loop3A_978 = arith.index_cast %parallel_loop3A_977 : i32 to index
        %parallel_loop3A_979 = tpu.vector_load %arg4[%parallel_loop3A_978] {strides = array<i32>} : memref<36864xf32, #tpu.memory_space<vmem>>, vector<16xf32>,
        %parallel_loop3A_980 = arith.addf %parallel_loop3A_974, %parallel_loop3A_979 : vector<16xf32>
        %parallel_loop3A_981 = arith.constant 16 : i32
        %parallel_loop3A_982 = arith.addi %parallel_loop3A_977, %parallel_loop3A_981 : i32
        %parallel_loop3A_983 = arith.index_cast %parallel_loop3A_982 : i32 to index
        %parallel_loop3A_984 = tpu.vector_load %arg4[%parallel_loop3A_983] {strides = array<i32>} : memref<36864xf32, #tpu.memory_space<vmem>>, vector<16xf32>,
        %parallel_loop3A_985 = arith.addf %parallel_loop3A_975, %parallel_loop3A_984 : vector<16xf32>
        %parallel_loop3A_986 = arith.constant 32 : i32
        %parallel_loop3A_987 = arith.addi %parallel_loop3A_977, %parallel_loop3A_986 : i32
        %parallel_loop3A_988 = arith.index_cast %parallel_loop3A_987 : i32 to index
        %parallel_loop3A_989 = tpu.vector_load %arg4[%parallel_loop3A_988] {strides = array<i32>} : memref<36864xf32, #tpu.memory_space<vmem>>, vector<16xf32>,
        %parallel_loop3A_990 = arith.addf %parallel_loop3A_976, %parallel_loop3A_989 : vector<16xf32>
        scf.yield %parallel_loop3A_980, %parallel_loop3A_985, %parallel_loop3A_990 : vector<16xf32>, vector<16xf32>, vector<16xf32>
      } {sc.loop_unroll_factor = 4 : i64, sc.parallel_access}
      %add3A_886 = arith.constant 960 : i32
      %add3A_887 = arith.addi %add3A_882, %add3A_886 : i32
      %get3A = arith.index_cast %add3A_887 : i32 to index
      %get3A_888 = tpu.vector_load %arg4[%get3A] {strides = array<i32>} : memref<36864xf32, #tpu.memory_space<vmem>>, vector<16xf32>,
      %add3A_889 = arith.addf %parallel_loop3A_885#0, %get3A_888 : vector<16xf32>
      %add3A_890 = arith.constant 976 : i32
      %add3A_891 = arith.addi %add3A_882, %add3A_890 : i32
      %get3A_892 = arith.index_cast %add3A_891 : i32 to index
      %get3A_893 = tpu.vector_load %arg4[%get3A_892] {strides = array<i32>} : memref<36864xf32, #tpu.memory_space<vmem>>, vector<16xf32>,
      %add3A_894 = arith.addf %parallel_loop3A_885#1, %get3A_893 : vector<16xf32>
      %ge3A = arith.constant 8 : i32
      %ge3A_895 = vector.broadcast %ge3A : i32 to vector<16xi32>
      %ge3A_896 = arith.cmpi sge, %iota3A, %ge3A_895 : vector<16xi32>
      %add3A_897 = arith.constant 984 : i32
      %add3A_898 = arith.addi %add3A_882, %add3A_897 : i32
      %get3A_899 = arith.index_cast %add3A_898 : i32 to index
      %get3A_900 = tpu.vector_load %arg4[%get3A_899] {strides = array<i32>} : memref<36864xf32, #tpu.memory_space<vmem>>, vector<16xf32>,
      %jit3A_901 = arith.constant 0.000000e+00 : f32
      %broadcast_in_dim3A_902 = vector.broadcast %jit3A_901 : f32 to vector<16xf32>
      %select_n3A_903 = arith.select %ge3A_896, %get3A_900, %broadcast_in_dim3A_902 : vector<16xi1>, vector<16xf32>
      %add3A_904 = arith.addf %add3A_889, %select_n3A_903 : vector<16xf32>
      %jit3A_905 = arith.constant 0.000000e+00 : f32
      %broadcast_in_dim3A_906 = vector.broadcast %jit3A_905 : f32 to vector<16xf32>
      %select_n3A_907 = arith.select %eq3A_23, %add3A_904, %broadcast_in_dim3A_906 : vector<16xi1>, vector<16xf32>
      %jit3A_908 = arith.constant 0.000000e+00 : f32
      %broadcast_in_dim3A_909 = vector.broadcast %jit3A_908 : f32 to vector<16xf32>
      %select_n3A_910 = arith.select %eq3A_107, %add3A_894, %broadcast_in_dim3A_909 : vector<16xi1>, vector<16xf32>
      %add3A_911 = arith.addf %select_n3A_907, %select_n3A_910 : vector<16xf32>
      %jit3A_912 = arith.constant 0.000000e+00 : f32
      %broadcast_in_dim3A_913 = vector.broadcast %jit3A_912 : f32 to vector<16xf32>
      %select_n3A_914 = arith.select %eq3A_191, %parallel_loop3A_885#2, %broadcast_in_dim3A_913 : vector<16xi1>, vector<16xf32>
      %add3A_915 = arith.addf %add3A_911, %select_n3A_914 : vector<16xf32>
      %reduce_sum3A = arith.constant true
      %reduce_sum3A_916 = vector.broadcast %reduce_sum3A : i1 to vector<16xi1>
      %reduce_sum3A_917 = tpu.scan <sum>, %add3A_915 masked %reduce_sum3A_916 : vector<16xf32>, vector<16xi1> -> vector<16xf32>
      %reduce_sum3A_918 = vector.extract %reduce_sum3A_917[15] : f32 from vector<16xf32>
      %mul3A_919 = arith.constant 0.00299401209 : f32
      %mul3A_920 = arith.mulf %reduce_sum3A_918, %mul3A_919 : f32
      %add3A_921 = arith.constant 2880 : i32
      %add3A_922 = arith.addi %add3A_921, %scan3A_879 : i32
      %add3A_923 = vector.broadcast %add3A_922 : i32 to vector<16xi32>
      %add3A_924 = arith.addi %broadcast_in_dim3A_253, %add3A_923 : vector<16xi32>
      %add3A_925 = vector.broadcast %mul3A_920 : f32 to vector<16xf32>
      %add3A_926 = arith.addf %broadcast_in_dim3A_251, %add3A_925 : vector<16xf32>
      tpu.vector_store_idx %arg6[%add3A_924], %add3A_926 masked %lt3A_250 : memref<3072xf32, #tpu.memory_space<vmem>>[vector<16xi32>], vector<16xf32>, vector<16xi1>
      %jit3A_927 = arith.constant 0.000000e+00 : f32
      %broadcast_in_dim3A_928 = vector.broadcast %jit3A_927 : f32 to vector<16xf32>
      %select_n3A_929 = arith.select %eq3A_51, %add3A_904, %broadcast_in_dim3A_928 : vector<16xi1>, vector<16xf32>
      %jit3A_930 = arith.constant 0.000000e+00 : f32
      %broadcast_in_dim3A_931 = vector.broadcast %jit3A_930 : f32 to vector<16xf32>
      %select_n3A_932 = arith.select %eq3A_135, %add3A_894, %broadcast_in_dim3A_931 : vector<16xi1>, vector<16xf32>
      %add3A_933 = arith.addf %select_n3A_929, %select_n3A_932 : vector<16xf32>
      %jit3A_934 = arith.constant 0.000000e+00 : f32
      %broadcast_in_dim3A_935 = vector.broadcast %jit3A_934 : f32 to vector<16xf32>
      %select_n3A_936 = arith.select %eq3A_219, %parallel_loop3A_885#2, %broadcast_in_dim3A_935 : vector<16xi1>, vector<16xf32>
      %add3A_937 = arith.addf %add3A_933, %select_n3A_936 : vector<16xf32>
      %reduce_sum3A_938 = arith.constant true
      %reduce_sum3A_939 = vector.broadcast %reduce_sum3A_938 : i1 to vector<16xi1>
      %reduce_sum3A_940 = tpu.scan <sum>, %add3A_937 masked %reduce_sum3A_939 : vector<16xf32>, vector<16xi1> -> vector<16xf32>
      %reduce_sum3A_941 = vector.extract %reduce_sum3A_940[15] : f32 from vector<16xf32>
      %mul3A_942 = arith.constant 0.00300300308 : f32
      %mul3A_943 = arith.mulf %reduce_sum3A_941, %mul3A_942 : f32
      %add3A_944 = arith.constant 2912 : i32
      %add3A_945 = arith.addi %add3A_944, %scan3A_879 : i32
      %add3A_946 = vector.broadcast %add3A_945 : i32 to vector<16xi32>
      %add3A_947 = arith.addi %broadcast_in_dim3A_253, %add3A_946 : vector<16xi32>
      %add3A_948 = vector.broadcast %mul3A_943 : f32 to vector<16xf32>
      %add3A_949 = arith.addf %broadcast_in_dim3A_251, %add3A_948 : vector<16xf32>
      tpu.vector_store_idx %arg6[%add3A_947], %add3A_949 masked %lt3A_250 : memref<3072xf32, #tpu.memory_space<vmem>>[vector<16xi32>], vector<16xf32>, vector<16xi1>
      %jit3A_950 = arith.constant 0.000000e+00 : f32
      %broadcast_in_dim3A_951 = vector.broadcast %jit3A_950 : f32 to vector<16xf32>
      %select_n3A_952 = arith.select %eq3A_79, %add3A_904, %broadcast_in_dim3A_951 : vector<16xi1>, vector<16xf32>
      %jit3A_953 = arith.constant 0.000000e+00 : f32
      %broadcast_in_dim3A_954 = vector.broadcast %jit3A_953 : f32 to vector<16xf32>
      %select_n3A_955 = arith.select %eq3A_163, %add3A_894, %broadcast_in_dim3A_954 : vector<16xi1>, vector<16xf32>
      %add3A_956 = arith.addf %select_n3A_952, %select_n3A_955 : vector<16xf32>
      %jit3A_957 = arith.constant 0.000000e+00 : f32
      %broadcast_in_dim3A_958 = vector.broadcast %jit3A_957 : f32 to vector<16xf32>
      %select_n3A_959 = arith.select %eq3A_247, %parallel_loop3A_885#2, %broadcast_in_dim3A_958 : vector<16xi1>, vector<16xf32>
      %add3A_960 = arith.addf %add3A_956, %select_n3A_959 : vector<16xf32>
      %reduce_sum3A_961 = arith.constant true
      %reduce_sum3A_962 = vector.broadcast %reduce_sum3A_961 : i1 to vector<16xi1>
      %reduce_sum3A_963 = tpu.scan <sum>, %add3A_960 masked %reduce_sum3A_962 : vector<16xf32>, vector<16xi1> -> vector<16xf32>
      %reduce_sum3A_964 = vector.extract %reduce_sum3A_963[15] : f32 from vector<16xf32>
      %mul3A_965 = arith.constant 0.00300300308 : f32
      %mul3A_966 = arith.mulf %reduce_sum3A_964, %mul3A_965 : f32
      %add3A_967 = arith.constant 2944 : i32
      %add3A_968 = arith.addi %add3A_967, %scan3A_879 : i32
      %add3A_969 = vector.broadcast %add3A_968 : i32 to vector<16xi32>
      %add3A_970 = arith.addi %broadcast_in_dim3A_253, %add3A_969 : vector<16xi32>
      %add3A_971 = vector.broadcast %mul3A_966 : f32 to vector<16xf32>
      %add3A_972 = arith.addf %broadcast_in_dim3A_251, %add3A_971 : vector<16xf32>
      tpu.vector_store_idx %arg6[%add3A_970], %add3A_972 masked %lt3A_250 : memref<3072xf32, #tpu.memory_space<vmem>>[vector<16xi32>], vector<16xf32>, vector<16xi1>
    }
    %scan3A_859 = arith.constant 32 : i32
    %dma_wait3A_860 = arith.constant 0 : i32
    %dma_wait3A_861 = tpu.memref_slice %arg3[%dma_wait3A_860] : memref<98304xf32, #tpu.memory_space<hbm>> -> memref<36864xf32, #tpu.memory_space<hbm>>
    %dma_wait3A_862 = arith.constant 0 : i32
    %dma_wait3A_863 = tpu.memref_slice %arg3[%dma_wait3A_862] : memref<98304xf32, #tpu.memory_space<hbm>> -> memref<36864xf32, #tpu.memory_space<hbm>>
    tpu.wait_dma2 semaphore(%arg8 : memref<!tpu.dma_semaphore, #tpu.memory_space<semaphore_mem>>) src(%dma_wait3A_863 : memref<36864xf32, #tpu.memory_space<hbm>>) dst(%arg5 : memref<36864xf32, #tpu.memory_space<vmem>>)
    %min3A_864 = arith.constant 242 : i32
    %min3A_865 = arith.constant 241 : i32
    %min3A_866 = arith.minsi %min3A_864, %min3A_865 : i32
    %mul3A_867 = arith.constant 128 : i32
    %mul3A_868 = arith.muli %min3A_866, %mul3A_867 : i32
    %sub3A_869 = arith.constant 31000 : i32
    %sub3A_870 = arith.subi %sub3A_869, %mul3A_868 : i32
    %scan3A_871 = arith.constant 0 : i32
    %scan3A_872 = arith.constant 0 : i32
    %scan3A_873 = arith.constant 32 : i32
    %scan3A_874 = arith.addi %scan3A_872, %scan3A_873 : i32
    %scan3A_875 = arith.constant 1 : i32
    scf.for %scan3A_879 = %scan3A_872 to %scan3A_874 step %scan3A_875  : i32 {
      %mul3A_880 = arith.constant 1152 : i32
      %mul3A_881 = arith.muli %scan3A_879, %mul3A_880 : i32
      %add3A_882 = arith.addi %mul3A_881, %sub3A_870 : i32
      %parallel_loop3A = arith.constant 0 : i32
      %parallel_loop3A_883 = arith.constant 960 : i32
      %parallel_loop3A_884 = arith.constant 48 : i32
      %parallel_loop3A_885:3 = scf.for %parallel_loop3A_973 = %parallel_loop3A to %parallel_loop3A_883 step %parallel_loop3A_884 iter_args(%parallel_loop3A_974 = %broadcast_in_dim3A_251, %parallel_loop3A_975 = %broadcast_in_dim3A_251, %parallel_loop3A_976 = %broadcast_in_dim3A_251) -> (vector<16xf32>, vector<16xf32>, vector<16xf32>)  : i32 {
        %parallel_loop3A_977 = arith.addi %add3A_882, %parallel_loop3A_973 : i32
        %parallel_loop3A_978 = arith.index_cast %parallel_loop3A_977 : i32 to index
        %parallel_loop3A_979 = tpu.vector_load %arg5[%parallel_loop3A_978] {strides = array<i32>} : memref<36864xf32, #tpu.memory_space<vmem>>, vector<16xf32>,
        %parallel_loop3A_980 = arith.addf %parallel_loop3A_974, %parallel_loop3A_979 : vector<16xf32>
        %parallel_loop3A_981 = arith.constant 16 : i32
        %parallel_loop3A_982 = arith.addi %parallel_loop3A_977, %parallel_loop3A_981 : i32
        %parallel_loop3A_983 = arith.index_cast %parallel_loop3A_982 : i32 to index
        %parallel_loop3A_984 = tpu.vector_load %arg5[%parallel_loop3A_983] {strides = array<i32>} : memref<36864xf32, #tpu.memory_space<vmem>>, vector<16xf32>,
        %parallel_loop3A_985 = arith.addf %parallel_loop3A_975, %parallel_loop3A_984 : vector<16xf32>
        %parallel_loop3A_986 = arith.constant 32 : i32
        %parallel_loop3A_987 = arith.addi %parallel_loop3A_977, %parallel_loop3A_986 : i32
        %parallel_loop3A_988 = arith.index_cast %parallel_loop3A_987 : i32 to index
        %parallel_loop3A_989 = tpu.vector_load %arg5[%parallel_loop3A_988] {strides = array<i32>} : memref<36864xf32, #tpu.memory_space<vmem>>, vector<16xf32>,
        %parallel_loop3A_990 = arith.addf %parallel_loop3A_976, %parallel_loop3A_989 : vector<16xf32>
        scf.yield %parallel_loop3A_980, %parallel_loop3A_985, %parallel_loop3A_990 : vector<16xf32>, vector<16xf32>, vector<16xf32>
      } {sc.loop_unroll_factor = 4 : i64, sc.parallel_access}
      %add3A_886 = arith.constant 960 : i32
      %add3A_887 = arith.addi %add3A_882, %add3A_886 : i32
      %get3A = arith.index_cast %add3A_887 : i32 to index
      %get3A_888 = tpu.vector_load %arg5[%get3A] {strides = array<i32>} : memref<36864xf32, #tpu.memory_space<vmem>>, vector<16xf32>,
      %add3A_889 = arith.addf %parallel_loop3A_885#0, %get3A_888 : vector<16xf32>
      %add3A_890 = arith.constant 976 : i32
      %add3A_891 = arith.addi %add3A_882, %add3A_890 : i32
      %get3A_892 = arith.index_cast %add3A_891 : i32 to index
      %get3A_893 = tpu.vector_load %arg5[%get3A_892] {strides = array<i32>} : memref<36864xf32, #tpu.memory_space<vmem>>, vector<16xf32>,
      %add3A_894 = arith.addf %parallel_loop3A_885#1, %get3A_893 : vector<16xf32>
      %ge3A = arith.constant 8 : i32
      %ge3A_895 = vector.broadcast %ge3A : i32 to vector<16xi32>
      %ge3A_896 = arith.cmpi sge, %iota3A, %ge3A_895 : vector<16xi32>
      %add3A_897 = arith.constant 984 : i32
      %add3A_898 = arith.addi %add3A_882, %add3A_897 : i32
      %get3A_899 = arith.index_cast %add3A_898 : i32 to index
      %get3A_900 = tpu.vector_load %arg5[%get3A_899] {strides = array<i32>} : memref<36864xf32, #tpu.memory_space<vmem>>, vector<16xf32>,
      %jit3A_901 = arith.constant 0.000000e+00 : f32
      %broadcast_in_dim3A_902 = vector.broadcast %jit3A_901 : f32 to vector<16xf32>
      %select_n3A_903 = arith.select %ge3A_896, %get3A_900, %broadcast_in_dim3A_902 : vector<16xi1>, vector<16xf32>
      %add3A_904 = arith.addf %add3A_889, %select_n3A_903 : vector<16xf32>
      %jit3A_905 = arith.constant 0.000000e+00 : f32
      %broadcast_in_dim3A_906 = vector.broadcast %jit3A_905 : f32 to vector<16xf32>
      %select_n3A_907 = arith.select %eq3A_23, %add3A_904, %broadcast_in_dim3A_906 : vector<16xi1>, vector<16xf32>
      %jit3A_908 = arith.constant 0.000000e+00 : f32
      %broadcast_in_dim3A_909 = vector.broadcast %jit3A_908 : f32 to vector<16xf32>
      %select_n3A_910 = arith.select %eq3A_107, %add3A_894, %broadcast_in_dim3A_909 : vector<16xi1>, vector<16xf32>
      %add3A_911 = arith.addf %select_n3A_907, %select_n3A_910 : vector<16xf32>
      %jit3A_912 = arith.constant 0.000000e+00 : f32
      %broadcast_in_dim3A_913 = vector.broadcast %jit3A_912 : f32 to vector<16xf32>
      %select_n3A_914 = arith.select %eq3A_191, %parallel_loop3A_885#2, %broadcast_in_dim3A_913 : vector<16xi1>, vector<16xf32>
      %add3A_915 = arith.addf %add3A_911, %select_n3A_914 : vector<16xf32>
      %reduce_sum3A = arith.constant true
      %reduce_sum3A_916 = vector.broadcast %reduce_sum3A : i1 to vector<16xi1>
      %reduce_sum3A_917 = tpu.scan <sum>, %add3A_915 masked %reduce_sum3A_916 : vector<16xf32>, vector<16xi1> -> vector<16xf32>
      %reduce_sum3A_918 = vector.extract %reduce_sum3A_917[15] : f32 from vector<16xf32>
      %mul3A_919 = arith.constant 0.00299401209 : f32
      %mul3A_920 = arith.mulf %reduce_sum3A_918, %mul3A_919 : f32
      %add3A_921 = arith.constant 2976 : i32
      %add3A_922 = arith.addi %add3A_921, %scan3A_879 : i32
      %add3A_923 = vector.broadcast %add3A_922 : i32 to vector<16xi32>
      %add3A_924 = arith.addi %broadcast_in_dim3A_253, %add3A_923 : vector<16xi32>
      %add3A_925 = vector.broadcast %mul3A_920 : f32 to vector<16xf32>
      %add3A_926 = arith.addf %broadcast_in_dim3A_251, %add3A_925 : vector<16xf32>
      tpu.vector_store_idx %arg6[%add3A_924], %add3A_926 masked %lt3A_250 : memref<3072xf32, #tpu.memory_space<vmem>>[vector<16xi32>], vector<16xf32>, vector<16xi1>
      %jit3A_927 = arith.constant 0.000000e+00 : f32
      %broadcast_in_dim3A_928 = vector.broadcast %jit3A_927 : f32 to vector<16xf32>
      %select_n3A_929 = arith.select %eq3A_51, %add3A_904, %broadcast_in_dim3A_928 : vector<16xi1>, vector<16xf32>
      %jit3A_930 = arith.constant 0.000000e+00 : f32
      %broadcast_in_dim3A_931 = vector.broadcast %jit3A_930 : f32 to vector<16xf32>
      %select_n3A_932 = arith.select %eq3A_135, %add3A_894, %broadcast_in_dim3A_931 : vector<16xi1>, vector<16xf32>
      %add3A_933 = arith.addf %select_n3A_929, %select_n3A_932 : vector<16xf32>
      %jit3A_934 = arith.constant 0.000000e+00 : f32
      %broadcast_in_dim3A_935 = vector.broadcast %jit3A_934 : f32 to vector<16xf32>
      %select_n3A_936 = arith.select %eq3A_219, %parallel_loop3A_885#2, %broadcast_in_dim3A_935 : vector<16xi1>, vector<16xf32>
      %add3A_937 = arith.addf %add3A_933, %select_n3A_936 : vector<16xf32>
      %reduce_sum3A_938 = arith.constant true
      %reduce_sum3A_939 = vector.broadcast %reduce_sum3A_938 : i1 to vector<16xi1>
      %reduce_sum3A_940 = tpu.scan <sum>, %add3A_937 masked %reduce_sum3A_939 : vector<16xf32>, vector<16xi1> -> vector<16xf32>
      %reduce_sum3A_941 = vector.extract %reduce_sum3A_940[15] : f32 from vector<16xf32>
      %mul3A_942 = arith.constant 0.00300300308 : f32
      %mul3A_943 = arith.mulf %reduce_sum3A_941, %mul3A_942 : f32
      %add3A_944 = arith.constant 3008 : i32
      %add3A_945 = arith.addi %add3A_944, %scan3A_879 : i32
      %add3A_946 = vector.broadcast %add3A_945 : i32 to vector<16xi32>
      %add3A_947 = arith.addi %broadcast_in_dim3A_253, %add3A_946 : vector<16xi32>
      %add3A_948 = vector.broadcast %mul3A_943 : f32 to vector<16xf32>
      %add3A_949 = arith.addf %broadcast_in_dim3A_251, %add3A_948 : vector<16xf32>
      tpu.vector_store_idx %arg6[%add3A_947], %add3A_949 masked %lt3A_250 : memref<3072xf32, #tpu.memory_space<vmem>>[vector<16xi32>], vector<16xf32>, vector<16xi1>
      %jit3A_950 = arith.constant 0.000000e+00 : f32
      %broadcast_in_dim3A_951 = vector.broadcast %jit3A_950 : f32 to vector<16xf32>
      %select_n3A_952 = arith.select %eq3A_79, %add3A_904, %broadcast_in_dim3A_951 : vector<16xi1>, vector<16xf32>
      %jit3A_953 = arith.constant 0.000000e+00 : f32
      %broadcast_in_dim3A_954 = vector.broadcast %jit3A_953 : f32 to vector<16xf32>
      %select_n3A_955 = arith.select %eq3A_163, %add3A_894, %broadcast_in_dim3A_954 : vector<16xi1>, vector<16xf32>
      %add3A_956 = arith.addf %select_n3A_952, %select_n3A_955 : vector<16xf32>
      %jit3A_957 = arith.constant 0.000000e+00 : f32
      %broadcast_in_dim3A_958 = vector.broadcast %jit3A_957 : f32 to vector<16xf32>
      %select_n3A_959 = arith.select %eq3A_247, %parallel_loop3A_885#2, %broadcast_in_dim3A_958 : vector<16xi1>, vector<16xf32>
      %add3A_960 = arith.addf %add3A_956, %select_n3A_959 : vector<16xf32>
      %reduce_sum3A_961 = arith.constant true
      %reduce_sum3A_962 = vector.broadcast %reduce_sum3A_961 : i1 to vector<16xi1>
      %reduce_sum3A_963 = tpu.scan <sum>, %add3A_960 masked %reduce_sum3A_962 : vector<16xf32>, vector<16xi1> -> vector<16xf32>
      %reduce_sum3A_964 = vector.extract %reduce_sum3A_963[15] : f32 from vector<16xf32>
      %mul3A_965 = arith.constant 0.00300300308 : f32
      %mul3A_966 = arith.mulf %reduce_sum3A_964, %mul3A_965 : f32
      %add3A_967 = arith.constant 3040 : i32
      %add3A_968 = arith.addi %add3A_967, %scan3A_879 : i32
      %add3A_969 = vector.broadcast %add3A_968 : i32 to vector<16xi32>
      %add3A_970 = arith.addi %broadcast_in_dim3A_253, %add3A_969 : vector<16xi32>
      %add3A_971 = vector.broadcast %mul3A_966 : f32 to vector<16xf32>
      %add3A_972 = arith.addf %broadcast_in_dim3A_251, %add3A_971 : vector<16xf32>
      tpu.vector_store_idx %arg6[%add3A_970], %add3A_972 masked %lt3A_250 : memref<3072xf32, #tpu.memory_space<vmem>>[vector<16xi32>], vector<16xf32>, vector<16xi1>
    }
    %scan3A_876 = arith.constant 32 : i32
    %mul3A_877 = arith.constant 3072 : i32
    %mul3A_878 = arith.muli %add3A, %mul3A_877 : i32
    "tpu.region"() ({
      %run_scoped3A = tpu.sem_alloc : memref<!tpu.dma_semaphore, #tpu.memory_space<semaphore_mem>>
      %dma_start3A_879 = tpu.memref_slice %arg3[%mul3A_878] : memref<98304xf32, #tpu.memory_space<hbm>> -> memref<3072xf32, #tpu.memory_space<hbm>>
      %dma_start3A_880 = tpu.memref_slice %arg3[%mul3A_878] : memref<98304xf32, #tpu.memory_space<hbm>> -> memref<3072xf32, #tpu.memory_space<hbm>>
      tpu.enqueue_dma source(%arg6 : memref<3072xf32, #tpu.memory_space<vmem>>) target(%dma_start3A_880 : memref<3072xf32, #tpu.memory_space<hbm>>) target_semaphore(%run_scoped3A : memref<!tpu.dma_semaphore, #tpu.memory_space<semaphore_mem>>)
      %dma_wait3A_881 = tpu.memref_slice %arg3[%mul3A_878] : memref<98304xf32, #tpu.memory_space<hbm>> -> memref<3072xf32, #tpu.memory_space<hbm>>
      %dma_wait3A_882 = tpu.memref_slice %arg3[%mul3A_878] : memref<98304xf32, #tpu.memory_space<hbm>> -> memref<3072xf32, #tpu.memory_space<hbm>>
      tpu.wait_dma2 semaphore(%run_scoped3A : memref<!tpu.dma_semaphore, #tpu.memory_space<semaphore_mem>>) src(%arg6 : memref<3072xf32, #tpu.memory_space<vmem>>) dst(%dma_wait3A_882 : memref<3072xf32, #tpu.memory_space<hbm>>)
      tpu.yield
    }) : () -> ()
    return
  }
}

</mosaic_0001>

<sc_bundles>
// kernel: _fll.3.cloned.1.call-start
scs
__scs_entry_jumppad:
0x0: {  	(pc) =	sbr.rel $0x88, $3  }
0x1: {  	(tag) =	ssettag $0x0;
	lr =	simm.s32 $0x1  }
0x2: {  	[smem:$0x3FA0] =	sst lr;
	_ =	strace $0xD0000000  }
0x3: {  	_ = 	snop  }
0x4: {  	_ = 	snop  }
0x5: {  	_ = 	snop  }
0x6: {  	_ = 	snop  }
0x7: {  	_ = 	snop  }
__scs_overlays_trampoline_lowered:
0x8: {  	[smem:$0x3FAF] =	sst s0  }
0x9: {  	[smem:$0x3FB0] =	sst s1  }
0xa: {  	[smem:$0x3FB1] =	sst s2  }
0xb: {  	[smem:$0x3FB2] =	sst s3  }
0xc: {  	[smem:$0x3FB3] =	sst s4  }
0xd: {  	[smem:$0x3FB4] =	sst s5  }
0xe: {  	[smem:$0x3FB5] =	sst s6  }
0xf: {  	[smem:$0x3FB6] =	sst s7  }
0x10: {  	[smem:$0x3FB7] =	sst s8  }
0x11: {  	[smem:$0x3FB8] =	sst s9;
	s0 =	simm.s32 @!p0 $0x0  }
0x12: {  	s1 =	sld [smem:$0x3F9E];
	s0 =	simm.s32 @p0 $0x1  }
0x13: {  	[smem:$0x3FB9] =	sst s0;
	s0 =	simm.s32 @!p1 $0x0  }
0x14: {  	s2 =	sld [smem:$0x3F9D];
	s0 =	simm.s32 @p1 $0x1  }
0x15: {  	[smem:$0x3FBA] =	sst s0;
	s0 =	simm.s32 @!p2 $0x0  }
0x16: {  	s3 =	sld [smem:$0x3FDB];
	s0 =	simm.s32 @p2 $0x1  }
0x17: {  	s4 =	simm.s32 $0x1BF5;
	[smem:$0x3FBC] =	sst s0  }
0x18: {  	s0 =	sld [smem:$0x3F9F];
	_ =	swait.ge [sflag:s4], $0x0  }
0x19: {  	s7 =	sld [smem:$0x3FA0]  }
0x1a: {  	s8 =	sadd.s32 $0xFFFFE003, lr  }
0x1b: {  	s9 =	sadd.s32 $0xFFFFFEF7, lr;
	s5 =	simm.s32 $0xFFFFFFFF;
	p2 =	slt.u32 s8, $0xFFFFF086  }
0x1c: {  	p1 =	slt.u32 s9, $0xF7A;
	s5 =	simm.s32 @!p2 $0x0  }
0x1d: {  	s5 =	simm.s32 @p1 $0x1;
	p0 =	seq.s32 s7, s2  }
0x1e: {  	s7 =	smul.u32 @!p0 $0xF7A, s2;
	p2 =	seq.s32 @!p0 s5, $0x0  }
0x1f: {  	s9 =	smul.u32 $0xF7A, s1;
	s8 =	simm.s32 @!p0 $0x1BF5;
	p2 =	por !p2, p0  }
0x20: {  	[sflag:s8] =	ssyncset.s32 @!p0 $0xFFFFF086;
	s6 =	sadd.s32 @!p0 s3, s7;
	s7 =	simm.s32 @!p0 $0x108  }
0x21: {  	s3 =	sadd.s32 s3, s9;
	s6 =	sadd.s32 @!p0 $0x88, s6;
	s7 =	simm.s32 @p2 $0x1082  }
0x22: {  	[simem:s7], [sflag:s8] =	dma.local @!p0 [hbm:s6], $0xF7A  }
0x23: {  	s9 =	sor.u32 $0xD0000000, s2;
	s6 =	simm.s32 $0x108;
	_ =	swait.ge @!p0 [sflag:s8], $0x0  }
0x24: {  	s3 =	sadd.s32 $0x88, s3;
	s6 =	simm.s32 @!p1 $0x1082;
	[sflag:s4] =	ssyncset.s32 $0xFFFFF086  }
0x25: {  	[simem:s6], [sflag:s4] =	dma.local [hbm:s3], $0xF7A  }
0x26: {  	[smem:$0x3FA0] =	sst s1;
	(tag) =	ssettag s2;
	_ =	strace s9  }
0x27: {  	s1 =	sld [smem:$0x3FB0]  }
0x28: {  	s2 =	sld [smem:$0x3FB1]  }
0x29: {  	s4 =	sld [smem:$0x3FB3]  }
0x2a: {  	p0 =	seq.s32 s5, $0x0;
	s5 =	sld [smem:$0x3FB4]  }
0x2b: {  	s6 =	sld [smem:$0x3FB5]  }
0x2c: {  	s7 =	sld [smem:$0x3FB6]  }
0x2d: {  	s3 =	simm.s32 $0x108;
	s8 =	sld [smem:$0x3FB7]  }
0x2e: {  	s3 =	simm.s32 @!p0 $0x1082;
	s9 =	sld [smem:$0x3FB8]  }
0x2f: {  	lr =	sadd.s32 s0, s3;
	s0 =	sld [smem:$0x3FAF]  }
0x30: {  	s3 =	sld [smem:$0x3FB2]  }
0x31: {  	[smem:$0x3FBB] =	sst s10  }
0x32: {  	s10 =	sld [smem:$0x3FB9];
	_ =	sdelay $0x3  }
0x33: {  	p0 =	seq.s32 s10, $0x1;
	s10 =	sld [smem:$0x3FBB];
	_ =	sdelay $0x3  }
0x34: {  	[smem:$0x3FBB] =	sst s10  }
0x35: {  	s10 =	sld [smem:$0x3FBA];
	_ =	sdelay $0x3  }
0x36: {  	p1 =	seq.s32 s10, $0x1;
	s10 =	sld [smem:$0x3FBB];
	_ =	sdelay $0x3  }
0x37: {  	[smem:$0x3FBB] =	sst s10  }
0x38: {  	s10 =	sld [smem:$0x3FBC]  }
0x39: {  	_ = 	snop;
	(pc) =	sbr.ind lr, $3  }
0x3a: {  	_ = 	snop  }
0x3b: {  	_ = 	snop  }
0x3c: {  	p2 =	seq.s32 s10, $0x1;
	s10 =	sld [smem:$0x3FBB]  }
0x3d: {  	_ =	shalt  }
0x3e: {  	_ =	shalt  }
0x3f: {  	_ =	shalt  }
0x40: {  	_ =	shalt  }
0x41: {  	_ =	shalt  }
0x42: {  	_ =	shalt  }
0x43: {  	_ =	shalt  }
0x44: {  	_ =	shalt  }
0x45: {  	_ =	shalt  }
0x46: {  	_ =	shalt  }
0x47: {  	_ =	shalt  }
0x48: {  	_ =	shalt  }
0x49: {  	_ =	shalt  }
0x4a: {  	_ =	shalt  }
0x4b: {  	_ =	shalt  }
0x4c: {  	_ =	shalt  }
0x4d: {  	_ =	shalt  }
0x4e: {  	_ =	shalt  }
0x4f: {  	_ =	shalt  }
0x50: {  	_ =	shalt  }
0x51: {  	_ =	shalt  }
0x52: {  	_ =	shalt  }
0x53: {  	_ =	shalt  }
0x54: {  	_ =	shalt  }
0x55: {  	_ =	shalt  }
0x56: {  	_ =	shalt  }
0x57: {  	_ =	shalt  }
0x58: {  	_ =	shalt  }
0x59: {  	_ =	shalt  }
0x5a: {  	_ =	shalt  }
0x5b: {  	_ =	shalt  }
0x5c: {  	_ =	shalt  }
0x5d: {  	_ =	shalt  }
0x5e: {  	_ =	shalt  }
0x5f: {  	_ =	shalt  }
0x60: {  	_ =	shalt  }
0x61: {  	_ =	shalt  }
0x62: {  	_ =	shalt  }
0x63: {  	_ =	shalt  }
0x64: {  	_ =	shalt  }
0x65: {  	_ =	shalt  }
0x66: {  	_ =	shalt  }
0x67: {  	_ =	shalt  }
0x68: {  	_ =	shalt  }
0x69: {  	_ =	shalt  }
0x6a: {  	_ =	shalt  }
0x6b: {  	_ =	shalt  }
0x6c: {  	_ =	shalt  }
0x6d: {  	_ =	shalt  }
0x6e: {  	_ =	shalt  }
0x6f: {  	_ =	shalt  }
0x70: {  	_ =	shalt  }
0x71: {  	_ =	shalt  }
0x72: {  	_ =	shalt  }
0x73: {  	_ =	shalt  }
0x74: {  	_ =	shalt  }
0x75: {  	_ =	shalt  }
0x76: {  	_ =	shalt  }
0x77: {  	_ =	shalt  }
0x78: {  	_ =	shalt  }
0x79: {  	_ =	shalt  }
0x7a: {  	_ =	shalt  }
0x7b: {  	_ =	shalt  }
0x7c: {  	_ =	shalt  }
0x7d: {  	_ =	shalt  }
0x7e: {  	_ =	shalt  }
0x7f: {  	_ =	shalt  }
0x80: {  	_ =	shalt  }
0x81: {  	_ =	shalt  }
0x82: {  	_ =	shalt  }
0x83: {  	_ =	shalt  }
0x84: {  	_ =	shalt  }
0x85: {  	_ =	shalt  }
0x86: {  	_ =	shalt  }
0x87: {  	_ =	shalt  }
.Lfunc_end0:
.L_simem_size_0:
called_computation_lowered:
.L_overlay_start_0:
0x88: {  	s2 =	sld [smem:$0x3FD9]  }
0x89: {  	s3 =	sld [smem:$0x3FFE];
	_ =	sdelay $0x1  }
0x8a: {  	s1 =	srdreg.scid  }
0x8b: {  	s0 =	sand.u32 $0x1, s1  }
0x8c: {  	s18 =	sshll.u32 s0, $0xA;
	s2 =	sadd.s32 s3, s2  }
0x8d: {  	s2 =	sadd.s32 s2, s18  }
0x8e: {  	[smem:$0x3FC7] =	sst s2  }
0x8f: {  	_ = 	snop  }
0x90: {  	s2 =	sld [smem:$0x3FC9]  }
0x91: {  	s19 =	sld [smem:$0x3FD0];
	(tm) =	ssettm $0x1  }
0x92: {  	s4 =	sld [smem:$0x3FFB];
	_ =	sdelay $0x3  }
0x93: {  	_ =	strace s4  }
0x94: {  	s4 =	sld [smem:$0x3FFC];
	_ =	sdelay $0x3  }
0x95: {  	_ =	strace s4  }
0x96: {  	s4 =	sld [smem:$0x3FFD];
	_ =	sdelay $0x3  }
0x97: {  	_ =	strace s4  }
0x98: {  	_ =	strace $0x8FFFFFFF  }
0x99: {  	s20 =	sld [smem:$0x3FDB];
	_ =	sdelay $0x1  }
0x9a: {  	s5 =	simm.s32 $_scs_section_size  }
0x9b: {  	s6 =	simm.s32 $_size__tile_overlayer_lowered;
	s7 =	simm.s32 $_tile_overlayer_lowered  }
0x9c: {  	s23 =	simm.s32 $0x1BFF;
	s22 =	sshll.u32 s7, $0x1;
	s4 =	sadd.s32 s5, s20  }
0x9d: {  	s8 =	simm.s32 $0x0;
	s21 =	sshll.u32 s6, $0x1;
	s6 =	sadd.s32 s22, s4  }
0x9e: {  	[timem:s8], [sflag:s23] =	dma.local [hbm:s6], s21  }
0x9f: {  	_ =	swait.ge [sflag:s23], s21  }
0xa0: {  	s5 =	ssub.s32 $0x0, s21;
	[sflag:s23] =	ssyncset.done $0x0  }
0xa1: {  	[sflag:s23] =	ssyncadd.s32 s5;
	_ =	sdelay $0x1  }
0xa2: {  	s24 =	simm.s32 $0x1B8B  }
0xa3: {  	_ =	swait.ge [sflag:s24], $0x1  }
0xa4: {  	[sflag:s24] =	ssyncset.done $0x0  }
0xa5: {  	s25 =	simm.s32 $0x1B8E;
	[sflag:s24] =	ssyncadd.s32 $0xFFFFFFFF  }
0xa6: {  	s26 =	simm.s32 $execute0_lowered;
	[smem:$0x3FD2] =	sst s25  }
0xa7: {  	s5 =	sshll.u32 s26, $0x1;
	_ =	strace $0x80000046;
	[dreg:$0x1] =	wrdreg $0xFFFFFFFF  }
0xa8: {  	s28 =	simm.s32 $_size_execute0_lowered;
	s4 =	sadd.s32 s4, s5;
	[dreg:$0x0] =	wrdreg $0x0  }
0xa9: {  	s5 =	sshll.u32 s28, $0x1;
	[dreg:$0x2] =	wrdreg s4  }
0xaa: {  	[dreg:$0x3] =	wrdreg s5  }
0xab: {  	[dreg:$0x4] =	wrdreg $0xC0  }
0xac: {  	_ =	task [dreg:s8], $0x5FFFF  }
0xad: {  	[dreg:$0x1] =	wrdreg $0xFFFFFFFF  }
0xae: {  	[dreg:$0x0] =	wrdreg $0x60  }
0xaf: {  	[dreg:$0x2] =	wrdreg s2  }
0xb0: {  	[dreg:$0x3] =	wrdreg s19  }
0xb1: {  	[dreg:$0x4] =	wrdreg $0x9  }
0xb2: {  	_ =	task.clear_ibuf [dreg:s8], $0x5FFFF;
	_ =	strace $0x90000046  }
0xb3: {  	s29 =	simm.s32 $0x9;
	_ =	strace $0x80000048  }
0xb4: {  	_ =	swait.ge [sflag:s29], $0x1  }
0xb5: {  	[sflag:s29] =	ssyncadd.s32 $0xFFFFFFFF  }
0xb6: {  	_ =	strace $0x90000048  }
0xb7: {  	_ =	sfence  }
0xb8: {  	s30 =	sld [smem:$0x0];
	_ =	sdelay $0x2  }
0xb9: {  	s31 =	sshll.u32 s1, $0xD;
	s1 =	sshrl.u32 s1, $0x2  }
0xba: {  	s3 =	sand.u32 $0x4000, s31;
	s1 =	sadd.s32 s1, s30  }
0xbb: {  	s0 =	sor.u32 s3, s0;
	s1 =	sshll.u32 s1, $0x11  }
0xbc: {  	s0 =	sor.u32 s1, s0  }
0xbd: {  	s0 =	sadd.s32 $0x8F2B, s0  }
0xbe: {  	[sflag:s0] =	ssyncadd.remote.s32 $0x1  }
0xbf: {  	_ =	sfence.sel $0xFFFF  }
0xc0: {  	[dreg:$0x0] =	wrdreg $0xFFFFFFFF;
	(pc) =	sbr.abs _section_cstart, $3  }
0xc1: {  	[dreg:$0x1] =	wrdreg $0xFFFFFFFF  }
0xc2: {  	_ =	task.clear_ibuf [dreg:s8], $0x2FFFF;
	_ =	strace $0x9FFFFFFF  }
0xc3: {  	(tm) =	ssettm $0x7FFFFFFF  }
tec
execute0_lowered:
.L_overlay_start_1:
0x0: {  	(tag) =	ssettag $0x1  }
0x1: {  	s0 =	srdreg.scid;
	s1 =	stileid.u32  }
0x2: {  	s0 =	sand.u32 $0x1, s0;
	s1 =	sshll.u32 s1, $0x1  }
0x3: {  	s2 =	rddreg [dreg:$0x0];
	s1 =	sor.u32 s0, s1  }
0x4: {  	s8 =	rddreg [dreg:$0x1];
	s3 =	smul.u32 $0x3E800, s1  }
0x5: {  	s9 =	simm.s32 $0x0;
	s0 =	ssub.s32 $0x2, s0;
	s12 =	smul.u32 $0x180, s1  }
0x6: {  	[smem:$0x7FF] =	sst s9;
	s5 =	sshrl.u32 s0, $0x1  }
0x7: {  	s4 =	sshrl.u32 s3, $0x3;
	s3 =	ssub.s32 s0, s5;
	s0 =	sadd.s32 s8, s12  }
0x8: {  	_ =	strace $0x80000047;
	[dreg:$0x11] =	wrdreg s0;
	s3 =	smax.u32 s3, $0x1  }
0x9: {  	s10 =	sadd.s32 s2, s4;
	[smem:$0x7F9] =	sst s3  }
0xa: {  	s24 =	sadd.s32 $0xFA000, s10;
	[dreg:$0x3] =	wrdreg s10  }
0xb: {  	s25 =	sadd.s32 $0xFA010, s10;
	[dreg:$0x4] =	wrdreg s24  }
0xc: {  	s26 =	sadd.s32 $0xFA020, s10;
	[dreg:$0x5] =	wrdreg s25  }
0xd: {  	s28 =	sadd.s32 $0xFA030, s10;
	[dreg:$0x6] =	wrdreg s26  }
0xe: {  	s29 =	sadd.s32 $0xFA040, s10;
	[dreg:$0x7] =	wrdreg s28  }
0xf: {  	s30 =	sadd.s32 $0xFA050, s10;
	[dreg:$0x8] =	wrdreg s29  }
0x10: {  	s31 =	sadd.s32 $0xFA060, s10;
	[dreg:$0x9] =	wrdreg s30  }
0x11: {  	s11 =	sadd.s32 $0xFA070, s10;
	[dreg:$0xa] =	wrdreg s31  }
0x12: {  	s13 =	sadd.s32 $0x1F4010, s10;
	[dreg:$0xb] =	wrdreg s11  }
0x13: {  	s14 =	sadd.s32 $0x1F4020, s10;
	[dreg:$0xd] =	wrdreg s13  }
0x14: {  	s15 =	sadd.s32 $0x1F4030, s10;
	[dreg:$0xe] =	wrdreg s14  }
0x15: {  	s16 =	sadd.s32 $0x1F4040, s10;
	[dreg:$0xf] =	wrdreg s15  }
0x16: {  	s17 =	sadd.s32 $0x1F4000, s10;
	[dreg:$0x10] =	wrdreg s16  }
0x17: {  	s18 =	sadd.s32 $0x1F4050, s10;
	[dreg:$0x12] =	wrdreg s17  }
0x18: {  	s19 =	sadd.s32 $0x1F4060, s10;
	[dreg:$0x13] =	wrdreg s18  }
0x19: {  	s20 =	sadd.s32 $0x1F4070, s10;
	[dreg:$0x14] =	wrdreg s19  }
0x1a: {  	s22 =	sadd.s32 $0x2EE010, s10;
	[dreg:$0x15] =	wrdreg s20  }
0x1b: {  	s8 =	sadd.s32 $0x2EE000, s10;
	[dreg:$0x17] =	wrdreg s22  }
0x1c: {  	s5 =	sadd.s32 $0x10, s2;
	s12 =	sadd.s32 $0x380, s10;
	[dreg:$0x1e] =	wrdreg s8  }
0x1d: {  	s11 =	sadd.s32 s4, s5;
	[smem:$0x7D9] =	sst s12  }
0x1e: {  	s24 =	sadd.s32 $0x2EE020, s10;
	[dreg:$0xc] =	wrdreg s11  }
0x1f: {  	s23 =	smul.u32 $0xFA, s1;
	s26 =	sadd.s32 $0x2EE030, s10;
	[dreg:$0x18] =	wrdreg s24  }
0x20: {  	s1 =	sadd.s32 $0x30, s2;
	s28 =	sadd.s32 $0x2EE040, s10;
	[dreg:$0x19] =	wrdreg s26  }
0x21: {  	s29 =	sadd.s32 s4, s1;
	[dreg:$0x1a] =	wrdreg s28  }
0x22: {  	s30 =	sadd.s32 $0x2EE050, s10;
	[dreg:$0x1b] =	wrdreg s29  }
0x23: {  	s31 =	sadd.s32 $0x2EE060, s10;
	[dreg:$0x1c] =	wrdreg s30  }
0x24: {  	s13 =	sadd.s32 $0x390, s10;
	[dreg:$0x1d] =	wrdreg s31  }
0x25: {  	s14 =	sadd.s32 $0x3A0, s10;
	[smem:$0x7DA] =	sst s13  }
0x26: {  	s15 =	sadd.s32 $0x3B0, s10;
	[smem:$0x7DB] =	sst s14  }
0x27: {  	s16 =	sadd.s32 $0x3C0, s10;
	[smem:$0x7DC] =	sst s15  }
0x28: {  	s17 =	sadd.s32 $0x3D0, s10;
	[smem:$0x7DD] =	sst s16  }
0x29: {  	s18 =	sadd.s32 $0x3E0, s10;
	[smem:$0x7DE] =	sst s17  }
0x2a: {  	s19 =	sadd.s32 $0x3F0, s10;
	[smem:$0x7DF] =	sst s18  }
0x2b: {  	s20 =	sadd.s32 $0xFA380, s10;
	[smem:$0x7E0] =	sst s19  }
0x2c: {  	s0 =	sadd.s32 $0x40, s2;
	s22 =	sadd.s32 $0xFA3A0, s10;
	[smem:$0x7E1] =	sst s20  }
0x2d: {  	s25 =	sadd.s32 $0x20, s2;
	s12 =	sadd.s32 s4, s0;
	[smem:$0x7E3] =	sst s22  }
0x2e: {  	s21 =	sadd.s32 s4, s25;
	[smem:$0x7EB] =	sst s12  }
0x2f: {  	s11 =	sadd.s32 $0x2EE070, s10;
	[dreg:$0x16] =	wrdreg s21  }
0x30: {  	s24 =	sadd.s32 $0xFA3B0, s10;
	[dreg:$0x1f] =	wrdreg s11  }
0x31: {  	s26 =	sadd.s32 $0xFA3C0, s10;
	[smem:$0x7E4] =	sst s24  }
0x32: {  	s28 =	sadd.s32 $0xFA3D0, s10;
	[smem:$0x7E5] =	sst s26  }
0x33: {  	s29 =	sadd.s32 $0xFA3E0, s10;
	[smem:$0x7E6] =	sst s28  }
0x34: {  	s30 =	sadd.s32 $0xFA3F0, s10;
	[smem:$0x7E7] =	sst s29  }
0x35: {  	s31 =	sadd.s32 $0x1F4380, s10;
	[smem:$0x7E8] =	sst s30  }
0x36: {  	s13 =	sadd.s32 $0x1F43A0, s10;
	[smem:$0x7E9] =	sst s31  }
0x37: {  	s6 =	sadd.s32 $0x50, s2;
	s14 =	sadd.s32 $0x1F43B0, s10;
	[smem:$0x7EC] =	sst s13  }
0x38: {  	s15 =	sadd.s32 s4, s6;
	[smem:$0x7ED] =	sst s14  }
0x39: {  	s16 =	sadd.s32 $0x1F43C0, s10;
	[smem:$0x7EE] =	sst s15  }
0x3a: {  	s17 =	sadd.s32 $0x1F43D0, s10;
	[smem:$0x7EF] =	sst s16  }
0x3b: {  	s18 =	sadd.s32 $0x1F43E0, s10;
	[smem:$0x7F0] =	sst s17  }
0x3c: {  	s19 =	sadd.s32 $0x1F43F0, s10;
	[smem:$0x7F1] =	sst s18  }
0x3d: {  	s22 =	sadd.s32 $0x2EE390, s10;
	[smem:$0x7F2] =	sst s19  }
0x3e: {  	s21 =	sadd.s32 $0xFA390, s10;
	[smem:$0x7F5] =	sst s22  }
0x3f: {  	s11 =	sadd.s32 $0x1F4390, s10;
	[smem:$0x7E2] =	sst s21  }
0x40: {  	vm0 =	vcmask $0xF0C;
	vm1 =	vcmask $0x33C;
	s24 =	sadd.s32 $0x2EE3A0, s10;
	[smem:$0x7EA] =	sst s11  }
0x41: {  	s7 =	sadd.s32 $0x70, s2;
	vm0 =	vmor vm1, vm0;
	vm1 =	vcmask $0x1B18;
	s26 =	sadd.s32 $0x2EE3B0, s10;
	[smem:$0x7F7] =	sst s24  }
0x42: {  	vm2 =	vcmask $0x130C;
	vm0 =	vmor vm0, vm1;
	vm1 =	vcmask $0x2724;
	s3 =	simm.s32 $0x80;
	s28 =	sadd.s32 $0x2EE3C0, s10;
	[smem:$0x7F8] =	sst s26  }
0x43: {  	vm3 =	vcmask $0x73C;
	vm0 =	vmor vm0, vm1;
	vm1 =	vcmask $0x3330;
	s8 =	simm.s32 $0x400;
	s29 =	sadd.s32 $0x2EE3D0, s10;
	[smem:$0x7FA] =	sst s28  }
0x44: {  	vm0 =	vmor vm0, vm1;
	vm1 =	vmor vm3, vm2;
	vm2 =	vcmask $0x1F18;
	s12 =	simm.s32 $0x1;
	s30 =	sadd.s32 $0x2EE3E0, s10;
	[smem:$0x7FB] =	sst s29  }
0x45: {  	vm3 =	vcmask $0x338;
	vm1 =	vmor vm1, vm2;
	vm2 =	vcmask $0xF08;
	s15 =	sadd.s32 $0x60, s2;
	s31 =	sadd.s32 $0x2EE3F0, s10;
	[smem:$0x7FC] =	sst s30  }
0x46: {  	vm4 =	vcmask $0x2B24;
	vm2 =	vmor vm3, vm2;
	vm3 =	vcmask $0x1B14;
	s13 =	simm.s32 $0x12000;
	s20 =	sadd.s32 s4, s15;
	[smem:$0x7FD] =	sst s31  }
0x47: {  	vm5 =	vcmask $0x332C;
	vm2 =	vmor vm2, vm3;
	vm3 =	vcmask $0x2720;
	s14 =	simm.s32 $0x2;
	s21 =	sadd.s32 $0x2EE380, s10;
	[smem:$0x7F3] =	sst s20  }
0x48: {  	vm1 =	vmor vm1, vm4;
	vm4 =	vcmask $0x3730;
	vm3 =	vmor vm2, vm3;
	s17 =	simm.s32 $0x0;
	s4 =	sadd.s32 s4, s7;
	[smem:$0x7F4] =	sst s21  }
0x49: {  	vm1 =	vmor vm1, vm4;
	vm2 =	vmmov $0xff;
	vm3 =	vmor vm3, vm5;
	s10 =	simm.s32 $0x11700;
	s11 =	simm.s32 $0x11B80;
	[smem:$0x7F6] =	sst s4  }
.LBB2_1:
0x4a: {  	[smem:$0x7D8] =	sst s17  }
0x4b: {  	s4 =	rddreg [dreg:$0x3]  }
0x4c: {  	s17 =	rddreg [dreg:$0xc]  }
0x4d: {  	[tilespmem:s9], [sflag:$0x1] =	stream.strided.gather [hbm4b:s4+s3], $0x480, s8, s3, $0x38;
	[tilespmem:$0x12C00] =	vst v63  }
0x4e: {  	s18 =	simm.s32 $0x480;
	s19 =	rddreg [dreg:$0x16]  }
0x4f: {  	[tilespmem:s18], [sflag:$0x1] =	stream.strided.gather [hbm4b:s17+s3], $0x480, s8, s3, $0x38;
	[tilespmem:$0x12C00] =	vst v63  }
0x50: {  	s20 =	simm.s32 $0x900;
	s21 =	rddreg [dreg:$0x1b]  }
0x51: {  	[tilespmem:s20], [sflag:$0x1] =	stream.strided.gather [hbm4b:s19+s3], $0x480, s8, s3, $0x38;
	[tilespmem:$0x12C00] =	vst v63  }
0x52: {  	s22 =	simm.s32 $0xD80;
	s24 =	sld [smem:$0x7EB]  }
0x53: {  	[tilespmem:s22], [sflag:$0x1] =	stream.strided.gather [hbm4b:s21+s3], $0x480, s8, s3, $0x38;
	[tilespmem:$0x12C00] =	vst v63  }
0x54: {  	s26 =	simm.s32 $0x1200;
	s28 =	sld [smem:$0x7EE]  }
0x55: {  	[tilespmem:s26], [sflag:$0x1] =	stream.strided.gather [hbm4b:s24+s3], $0x480, s8, s3, $0x38;
	[tilespmem:$0x12C00] =	vst v63  }
0x56: {  	s29 =	simm.s32 $0x1680;
	s30 =	sld [smem:$0x7F3]  }
0x57: {  	[tilespmem:s29], [sflag:$0x1] =	stream.strided.gather [hbm4b:s28+s3], $0x480, s8, s3, $0x38;
	[tilespmem:$0x12C00] =	vst v63  }
0x58: {  	s31 =	simm.s32 $0x1B00;
	s9 =	sld [smem:$0x7F6]  }
0x59: {  	[tilespmem:s31], [sflag:$0x1] =	stream.strided.gather [hbm4b:s30+s3], $0x480, s8, s3, $0x38;
	[tilespmem:$0x12C00] =	vst v63  }
0x5a: {  	s16 =	simm.s32 $0x1F80;
	s17 =	rddreg [dreg:$0x4]  }
0x5b: {  	[tilespmem:s16], [sflag:$0x1] =	stream.strided.gather [hbm4b:s9+s3], $0x480, s8, s3, $0x38;
	[tilespmem:$0x12C00] =	vst v63  }
0x5c: {  	s18 =	simm.s32 $0x2400;
	s19 =	rddreg [dreg:$0x5]  }
0x5d: {  	[tilespmem:s18], [sflag:$0x1] =	stream.strided.gather [hbm4b:s17+s3], $0x480, s8, s3, $0x38;
	[tilespmem:$0x12C00] =	vst v63  }
0x5e: {  	s20 =	simm.s32 $0x2880;
	s21 =	rddreg [dreg:$0x6]  }
0x5f: {  	[tilespmem:s20], [sflag:$0x1] =	stream.strided.gather [hbm4b:s19+s3], $0x480, s8, s3, $0x38;
	[tilespmem:$0x12C00] =	vst v63  }
0x60: {  	s22 =	simm.s32 $0x2D00;
	s24 =	rddreg [dreg:$0x7]  }
0x61: {  	[tilespmem:s22], [sflag:$0x1] =	stream.strided.gather [hbm4b:s21+s3], $0x480, s8, s3, $0x38;
	[tilespmem:$0x12C00] =	vst v63  }
0x62: {  	s26 =	simm.s32 $0x3180;
	s28 =	rddreg [dreg:$0x8]  }
0x63: {  	[tilespmem:s26], [sflag:$0x1] =	stream.strided.gather [hbm4b:s24+s3], $0x480, s8, s3, $0x38;
	[tilespmem:$0x12C00] =	vst v63  }
0x64: {  	s29 =	simm.s32 $0x3600;
	s30 =	rddreg [dreg:$0x9]  }
0x65: {  	[tilespmem:s29], [sflag:$0x1] =	stream.strided.gather [hbm4b:s28+s3], $0x480, s8, s3, $0x38;
	[tilespmem:$0x12C00] =	vst v63  }
0x66: {  	s31 =	simm.s32 $0x3A80;
	s9 =	rddreg [dreg:$0xa]  }
0x67: {  	[tilespmem:s31], [sflag:$0x1] =	stream.strided.gather [hbm4b:s30+s3], $0x480, s8, s3, $0x38;
	[tilespmem:$0x12C00] =	vst v63  }
0x68: {  	s16 =	simm.s32 $0x3F00;
	s17 =	rddreg [dreg:$0xb]  }
0x69: {  	[tilespmem:s16], [sflag:$0x1] =	stream.strided.gather [hbm4b:s9+s3], $0x480, s8, s3, $0x38;
	[tilespmem:$0x12C00] =	vst v63  }
0x6a: {  	s18 =	simm.s32 $0x4380;
	s19 =	rddreg [dreg:$0x12]  }
0x6b: {  	[tilespmem:s18], [sflag:$0x1] =	stream.strided.gather [hbm4b:s17+s3], $0x480, s8, s3, $0x38;
	[tilespmem:$0x12C00] =	vst v63  }
0x6c: {  	s20 =	simm.s32 $0x4800;
	s21 =	rddreg [dreg:$0xd]  }
0x6d: {  	[tilespmem:s20], [sflag:$0x1] =	stream.strided.gather [hbm4b:s19+s3], $0x480, s8, s3, $0x38;
	[tilespmem:$0x12C00] =	vst v63  }
0x6e: {  	s22 =	simm.s32 $0x4C80;
	s24 =	rddreg [dreg:$0xe]  }
0x6f: {  	[tilespmem:s22], [sflag:$0x1] =	stream.strided.gather [hbm4b:s21+s3], $0x480, s8, s3, $0x38;
	[tilespmem:$0x12C00] =	vst v63  }
0x70: {  	s26 =	simm.s32 $0x5100;
	s28 =	rddreg [dreg:$0xf]  }
0x71: {  	[tilespmem:s26], [sflag:$0x1] =	stream.strided.gather [hbm4b:s24+s3], $0x480, s8, s3, $0x38;
	[tilespmem:$0x12C00] =	vst v63  }
0x72: {  	s29 =	simm.s32 $0x5580;
	s30 =	rddreg [dreg:$0x10]  }
0x73: {  	[tilespmem:s29], [sflag:$0x1] =	stream.strided.gather [hbm4b:s28+s3], $0x480, s8, s3, $0x38;
	[tilespmem:$0x12C00] =	vst v63  }
0x74: {  	s31 =	simm.s32 $0x5A00;
	s9 =	rddreg [dreg:$0x13]  }
0x75: {  	[tilespmem:s31], [sflag:$0x1] =	stream.strided.gather [hbm4b:s30+s3], $0x480, s8, s3, $0x38;
	[tilespmem:$0x12C00] =	vst v63  }
0x76: {  	s16 =	simm.s32 $0x5E80;
	s17 =	rddreg [dreg:$0x14]  }
0x77: {  	[tilespmem:s16], [sflag:$0x1] =	stream.strided.gather [hbm4b:s9+s3], $0x480, s8, s3, $0x38;
	[tilespmem:$0x12C00] =	vst v63  }
0x78: {  	s18 =	simm.s32 $0x6300;
	s19 =	rddreg [dreg:$0x15]  }
0x79: {  	[tilespmem:s18], [sflag:$0x1] =	stream.strided.gather [hbm4b:s17+s3], $0x480, s8, s3, $0x38;
	[tilespmem:$0x12C00] =	vst v63  }
0x7a: {  	s20 =	simm.s32 $0x6780;
	s21 =	rddreg [dreg:$0x1e]  }
0x7b: {  	[tilespmem:s20], [sflag:$0x1] =	stream.strided.gather [hbm4b:s19+s3], $0x480, s8, s3, $0x38;
	[tilespmem:$0x12C00] =	vst v63  }
0x7c: {  	s22 =	simm.s32 $0x6C00;
	s24 =	rddreg [dreg:$0x17]  }
0x7d: {  	[tilespmem:s22], [sflag:$0x1] =	stream.strided.gather [hbm4b:s21+s3], $0x480, s8, s3, $0x38;
	[tilespmem:$0x12C00] =	vst v63  }
0x7e: {  	s26 =	simm.s32 $0x7080;
	s28 =	rddreg [dreg:$0x18]  }
0x7f: {  	[tilespmem:s26], [sflag:$0x1] =	stream.strided.gather [hbm4b:s24+s3], $0x480, s8, s3, $0x38;
	[tilespmem:$0x12C00] =	vst v63  }
0x80: {  	s29 =	simm.s32 $0x7500;
	s30 =	rddreg [dreg:$0x19]  }
0x81: {  	[tilespmem:s29], [sflag:$0x1] =	stream.strided.gather [hbm4b:s28+s3], $0x480, s8, s3, $0x38;
	[tilespmem:$0x12C00] =	vst v63  }
0x82: {  	s31 =	simm.s32 $0x7980;
	s9 =	rddreg [dreg:$0x1a]  }
0x83: {  	[tilespmem:s31], [sflag:$0x1] =	stream.strided.gather [hbm4b:s30+s3], $0x480, s8, s3, $0x38;
	[tilespmem:$0x12C00] =	vst v63  }
0x84: {  	s16 =	simm.s32 $0x7E00;
	s17 =	rddreg [dreg:$0x1c]  }
0x85: {  	[tilespmem:s16], [sflag:$0x1] =	stream.strided.gather [hbm4b:s9+s3], $0x480, s8, s3, $0x38;
	[tilespmem:$0x12C00] =	vst v63  }
0x86: {  	s18 =	simm.s32 $0x8280;
	s19 =	rddreg [dreg:$0x1d]  }
0x87: {  	[tilespmem:s18], [sflag:$0x1] =	stream.strided.gather [hbm4b:s17+s3], $0x480, s8, s3, $0x38;
	[tilespmem:$0x12C00] =	vst v63  }
0x88: {  	s20 =	simm.s32 $0x8700;
	s21 =	rddreg [dreg:$0x1f]  }
0x89: {  	[tilespmem:s20], [sflag:$0x1] =	stream.strided.gather [hbm4b:s19+s3], $0x480, s8, s3, $0x38;
	[tilespmem:$0x12C00] =	vst v63  }
0x8a: {  	s22 =	simm.s32 $0x8B80;
	s24 =	sld [smem:$0x7D9]  }
0x8b: {  	[tilespmem:s22], [sflag:$0x1] =	stream.strided.gather [hbm4b:s21+s3], $0x480, s8, s3, $0x38;
	[tilespmem:$0x12C00] =	vst v63  }
0x8c: {  	s26 =	simm.s32 $0x9000;
	s28 =	sld [smem:$0x7DA]  }
0x8d: {  	[tilespmem:s26], [sflag:$0x2] =	stream.strided.gather [hbm4b:s24+s3], $0x480, s8, s3, $0x38;
	[tilespmem:$0x12C00] =	vst v63  }
0x8e: {  	s29 =	simm.s32 $0x9480;
	s30 =	sld [smem:$0x7DB]  }
0x8f: {  	[tilespmem:s29], [sflag:$0x2] =	stream.strided.gather [hbm4b:s28+s3], $0x480, s8, s3, $0x38;
	[tilespmem:$0x12C00] =	vst v63  }
0x90: {  	s31 =	simm.s32 $0x9900;
	s9 =	sld [smem:$0x7DC]  }
0x91: {  	[tilespmem:s31], [sflag:$0x2] =	stream.strided.gather [hbm4b:s30+s3], $0x480, s8, s3, $0x38;
	[tilespmem:$0x12C00] =	vst v63  }
0x92: {  	s16 =	simm.s32 $0x9D80;
	s17 =	sld [smem:$0x7DD]  }
0x93: {  	[tilespmem:s16], [sflag:$0x2] =	stream.strided.gather [hbm4b:s9+s3], $0x480, s8, s3, $0x38;
	[tilespmem:$0x12C00] =	vst v63  }
0x94: {  	s18 =	simm.s32 $0xA200;
	s19 =	sld [smem:$0x7DE]  }
0x95: {  	[tilespmem:s18], [sflag:$0x2] =	stream.strided.gather [hbm4b:s17+s3], $0x480, s8, s3, $0x38;
	[tilespmem:$0x12C00] =	vst v63  }
0x96: {  	s20 =	simm.s32 $0xA680;
	s21 =	sld [smem:$0x7DF]  }
0x97: {  	[tilespmem:s20], [sflag:$0x2] =	stream.strided.gather [hbm4b:s19+s3], $0x480, s8, s3, $0x38;
	[tilespmem:$0x12C00] =	vst v63  }
0x98: {  	s22 =	simm.s32 $0xAB00;
	s24 =	sld [smem:$0x7E0]  }
0x99: {  	[tilespmem:s22], [sflag:$0x2] =	stream.strided.gather [hbm4b:s21+s3], $0x480, s8, s3, $0x38;
	[tilespmem:$0x12C00] =	vst v63  }
0x9a: {  	s26 =	simm.s32 $0xAF80;
	s28 =	sld [smem:$0x7E1]  }
0x9b: {  	[tilespmem:s26], [sflag:$0x2] =	stream.strided.gather [hbm4b:s24+s3], $0x480, s8, s3, $0x38;
	[tilespmem:$0x12C00] =	vst v63  }
0x9c: {  	s29 =	simm.s32 $0xB400;
	s30 =	sld [smem:$0x7E2]  }
0x9d: {  	[tilespmem:s29], [sflag:$0x2] =	stream.strided.gather [hbm4b:s28+s3], $0x480, s8, s3, $0x38;
	[tilespmem:$0x12C00] =	vst v63  }
0x9e: {  	s31 =	simm.s32 $0xB880;
	s9 =	sld [smem:$0x7E3]  }
0x9f: {  	[tilespmem:s31], [sflag:$0x2] =	stream.strided.gather [hbm4b:s30+s3], $0x480, s8, s3, $0x38;
	[tilespmem:$0x12C00] =	vst v63  }
0xa0: {  	s16 =	simm.s32 $0xBD00;
	s17 =	sld [smem:$0x7E4]  }
0xa1: {  	[tilespmem:s16], [sflag:$0x2] =	stream.strided.gather [hbm4b:s9+s3], $0x480, s8, s3, $0x38;
	[tilespmem:$0x12C00] =	vst v63  }
0xa2: {  	s18 =	simm.s32 $0xC180;
	s19 =	sld [smem:$0x7E5]  }
0xa3: {  	[tilespmem:s18], [sflag:$0x2] =	stream.strided.gather [hbm4b:s17+s3], $0x480, s8, s3, $0x38;
	[tilespmem:$0x12C00] =	vst v63  }
0xa4: {  	s20 =	simm.s32 $0xC600;
	s21 =	sld [smem:$0x7E6]  }
0xa5: {  	[tilespmem:s20], [sflag:$0x2] =	stream.strided.gather [hbm4b:s19+s3], $0x480, s8, s3, $0x38;
	[tilespmem:$0x12C00] =	vst v63  }
0xa6: {  	s22 =	simm.s32 $0xCA80;
	s24 =	sld [smem:$0x7E7]  }
0xa7: {  	[tilespmem:s22], [sflag:$0x2] =	stream.strided.gather [hbm4b:s21+s3], $0x480, s8, s3, $0x38;
	[tilespmem:$0x12C00] =	vst v63  }
0xa8: {  	s26 =	simm.s32 $0xCF00;
	s28 =	sld [smem:$0x7E8]  }
0xa9: {  	[tilespmem:s26], [sflag:$0x2] =	stream.strided.gather [hbm4b:s24+s3], $0x480, s8, s3, $0x38;
	[tilespmem:$0x12C00] =	vst v63  }
0xaa: {  	s29 =	simm.s32 $0xD380;
	s30 =	sld [smem:$0x7E9]  }
0xab: {  	[tilespmem:s29], [sflag:$0x2] =	stream.strided.gather [hbm4b:s28+s3], $0x480, s8, s3, $0x38;
	[tilespmem:$0x12C00] =	vst v63  }
0xac: {  	s31 =	simm.s32 $0xD800;
	s9 =	sld [smem:$0x7EA]  }
0xad: {  	[tilespmem:s31], [sflag:$0x2] =	stream.strided.gather [hbm4b:s30+s3], $0x480, s8, s3, $0x38;
	[tilespmem:$0x12C00] =	vst v63  }
0xae: {  	s16 =	simm.s32 $0xDC80;
	s17 =	sld [smem:$0x7EC]  }
0xaf: {  	[tilespmem:s16], [sflag:$0x2] =	stream.strided.gather [hbm4b:s9+s3], $0x480, s8, s3, $0x38;
	[tilespmem:$0x12C00] =	vst v63  }
0xb0: {  	s18 =	simm.s32 $0xE100;
	s19 =	sld [smem:$0x7ED]  }
0xb1: {  	[tilespmem:s18], [sflag:$0x2] =	stream.strided.gather [hbm4b:s17+s3], $0x480, s8, s3, $0x38;
	[tilespmem:$0x12C00] =	vst v63  }
0xb2: {  	s20 =	simm.s32 $0xE580;
	s21 =	sld [smem:$0x7EF]  }
0xb3: {  	[tilespmem:s20], [sflag:$0x2] =	stream.strided.gather [hbm4b:s19+s3], $0x480, s8, s3, $0x38;
	[tilespmem:$0x12C00] =	vst v63  }
0xb4: {  	s22 =	simm.s32 $0xEA00;
	s24 =	sld [smem:$0x7F0]  }
0xb5: {  	[tilespmem:s22], [sflag:$0x2] =	stream.strided.gather [hbm4b:s21+s3], $0x480, s8, s3, $0x38;
	[tilespmem:$0x12C00] =	vst v63  }
0xb6: {  	s26 =	simm.s32 $0xEE80;
	s28 =	sld [smem:$0x7F1]  }
0xb7: {  	[tilespmem:s26], [sflag:$0x2] =	stream.strided.gather [hbm4b:s24+s3], $0x480, s8, s3, $0x38;
	[tilespmem:$0x12C00] =	vst v63  }
0xb8: {  	s29 =	simm.s32 $0xF300;
	s30 =	sld [smem:$0x7F2]  }
0xb9: {  	[tilespmem:s29], [sflag:$0x2] =	stream.strided.gather [hbm4b:s28+s3], $0x480, s8, s3, $0x38;
	[tilespmem:$0x12C00] =	vst v63  }
0xba: {  	s31 =	simm.s32 $0xF780;
	s9 =	sld [smem:$0x7F4]  }
0xbb: {  	[tilespmem:s31], [sflag:$0x2] =	stream.strided.gather [hbm4b:s30+s3], $0x480, s8, s3, $0x38;
	[tilespmem:$0x12C00] =	vst v63  }
0xbc: {  	s16 =	simm.s32 $0xFC00;
	s17 =	sld [smem:$0x7F5]  }
0xbd: {  	[tilespmem:s16], [sflag:$0x2] =	stream.strided.gather [hbm4b:s9+s3], $0x480, s8, s3, $0x38;
	[tilespmem:$0x12C00] =	vst v63  }
0xbe: {  	s18 =	simm.s32 $0x10080;
	s19 =	sld [smem:$0x7F7]  }
0xbf: {  	[tilespmem:s18], [sflag:$0x2] =	stream.strided.gather [hbm4b:s17+s3], $0x480, s8, s3, $0x38;
	[tilespmem:$0x12C00] =	vst v63  }
0xc0: {  	s20 =	simm.s32 $0x10500;
	s21 =	sld [smem:$0x7F8]  }
0xc1: {  	[tilespmem:s20], [sflag:$0x2] =	stream.strided.gather [hbm4b:s19+s3], $0x480, s8, s3, $0x38;
	[tilespmem:$0x12C00] =	vst v63  }
0xc2: {  	s22 =	simm.s32 $0x10980;
	s24 =	sld [smem:$0x7FA]  }
0xc3: {  	[tilespmem:s22], [sflag:$0x2] =	stream.strided.gather [hbm4b:s21+s3], $0x480, s8, s3, $0x38;
	[tilespmem:$0x12C00] =	vst v63  }
0xc4: {  	s26 =	simm.s32 $0x10E00;
	s28 =	sld [smem:$0x7FB]  }
0xc5: {  	[tilespmem:s26], [sflag:$0x2] =	stream.strided.gather [hbm4b:s24+s3], $0x480, s8, s3, $0x38;
	[tilespmem:$0x12C00] =	vst v63  }
0xc6: {  	s29 =	simm.s32 $0x11280;
	s30 =	sld [smem:$0x7FC]  }
0xc7: {  	[tilespmem:s29], [sflag:$0x2] =	stream.strided.gather [hbm4b:s28+s3], $0x480, s8, s3, $0x38;
	[tilespmem:$0x12C00] =	vst v63  }
0xc8: {  	s31 =	sld [smem:$0x7FD];
	s16 =	simm.s32 $0x9498  }
0xc9: {  	[tilespmem:s10], [sflag:$0x2] =	stream.strided.gather [hbm4b:s30+s3], $0x480, s8, s3, $0x38;
	[tilespmem:$0x12C00] =	vst v63  }
0xca: {  	s17 =	simm.s32 $0x3E8;
	s18 =	simm.s32 $0x0;
	s19 =	simm.s32 $0x0  }
0xcb: {  	[tilespmem:s11], [sflag:$0x2] =	stream.strided.gather [hbm4b:s31+s3], $0x480, s8, s3, $0x38;
	[tilespmem:$0x12C00] =	vst v63  }
.LBB2_2:
0xcc: {  	s4 =	sshll.u32 s17, $0x2  }
0xcd: {  	s21 =	sand.u32 $0x7, s18;
	_ =	swait.ge [sflag:s12], $0x9000;
	s20 =	smul.u32 $0x7D0, s19  }
0xce: {  	s22 =	smul.u32 $0xC0, s19;
	s29 =	simm.s32 $0x0;
	s4 =	sand.u32 $0xFFFFFE00, s4  }
0xcf: {  	s24 =	sshll.u32 s21, $0x4;
	[sflag:s12] =	ssyncset.done $0x0;
	s4 =	ssub.s32 $0x0, s4  }
0xd0: {  	s24 =	sadd.s32 $0x60, s24;
	[sflag:s12] =	ssyncadd.s32 $0xFFFF7000;
	s4 =	sshra.s32 s4, $0x2  }
0xd1: {  	s26 =	sand.u32 $0x70, s20;
	s28 =	sadd.s32 $0x40, s22;
	s21 =	sadd.s32 s4, s16  }
.LBB2_3:
0xd2: {  	v1 =	vld [tilespmem:s24+$0x30]  }
0xd3: {  	v0 =	vld [tilespmem:s24+$0x0]  }
0xd4: {  	v7 =	vld [tilespmem:s24+$0xFFFFFFD0]  }
0xd5: {  	v3 =	vld [tilespmem:s24+$0xFFFFFFA0]  }
0xd6: {  	v6 =	vld [tilespmem:s24+$0xFFFFFFB0]  }
0xd7: {  	v8 =	vld [tilespmem:s24+$0xFFFFFFC0]  }
0xd8: {  	v5 =	vld [tilespmem:s24+$0xFFFFFFE0]  }
0xd9: {  	v2 =	vld [tilespmem:s24+$0xFFFFFFF0]  }
0xda: {  	s4 =	smul.u32 $0x1200, s29;
	v10 =	vimm.f32 $0.0e+00;
	v4 =	vld [tilespmem:s24+$0x10]  }
0xdb: {  	v11 =	vadd.f32 v3, v10;
	v3 =	vld [tilespmem:s24+$0x20]  }
0xdc: {  	s4 =	sshra.s32 s4, $0x2;
	v9 =	vadd.f32 v6, v10;
	v6 =	vld [tilespmem:s24+$0x40];
	v8 =	vadd.f32 v8, v10  }
0xdd: {  	s31 =	simm.s32 $0x0;
	s30 =	sor.u32 s4, s26;
	s4 =	sadd.s32 $0xC0, s24;
	v10 =	vadd.f32 v7, v11;
	v7 =	vld [tilespmem:s24+$0x50]  }
.LBB2_4:
0xde: {  	v11 =	vld [tilespmem:s4+$0x30];
	v5 =	vadd.f32 v5, v9;
	v2 =	vadd.f32 v2, v8  }
0xdf: {  	v8 =	vadd.f32 v0, v10;
	v0 =	vld [tilespmem:s4+$0x0]  }
0xe0: {  	v10 =	vld [tilespmem:s4+$0xFFFFFFD0];
	v4 =	vadd.f32 v4, v5;
	v2 =	vadd.f32 v3, v2  }
0xe1: {  	v3 =	vld [tilespmem:s4+$0xFFFFFFA0];
	v8 =	vadd.f32 v1, v8  }
0xe2: {  	v9 =	vld [tilespmem:s4+$0xFFFFFFB0];
	v6 =	vadd.f32 v6, v4;
	v7 =	vadd.f32 v7, v2  }
0xe3: {  	s31 =	sadd.s32 $0xC0, s31;
	v12 =	vld [tilespmem:s4+$0xFFFFFFC0];
	v1 =	vmov v11  }
0xe4: {  	p0 =	slt.u32 s31, $0x300;
	v5 =	vld [tilespmem:s4+$0xFFFFFFE0]  }
.Ltmp0:
0xe5: {  	v2 =	vld [tilespmem:s4+$0xFFFFFFF0];
	(pc) =	sbr.rel @p0 .LBB2_4-.Ltmp0, $4  }
0xe6: {  	v4 =	vld [tilespmem:s4+$0x10]  }
0xe7: {  	v11 =	vadd.f32 v3, v8;
	v3 =	vld [tilespmem:s4+$0x20]  }
0xe8: {  	v9 =	vadd.f32 v9, v6;
	v8 =	vadd.f32 v12, v7;
	v6 =	vld [tilespmem:s4+$0x40]  }
0xe9: {  	v10 =	vadd.f32 v10, v11;
	v7 =	vld [tilespmem:s4+$0x50];
	s4 =	sadd.s32 $0xC0, s4  }
0xea: {  	v11 =	vld [tilespmem:s30+$0x3C0]  }
0xeb: {  	v5 =	vadd.f32 v5, v9;
	v43 =	vld [tilespmem:s30+$0x3D8];
	v0 =	vadd.f32 v0, v10  }
0xec: {  	v44 =	vld [tilespmem:s30+$0x3D0];
	v45 =	vadd.f32 v2, v8  }
0xed: {  	v4 =	vadd.f32 v4, v5;
	v0 =	vadd.f32 v1, v0  }
0xee: {  	v1 =	vadd.f32 v3, v45  }
0xef: {  	v46 =	vadd.f32 v6, v4;
	v0 =	vadd.f32 v11, v0  }
0xf0: {  	v47 =	vsel vm2, $0x0, v43;
	v1 =	vadd.f32 v7, v1  }
0xf1: {  	v2 =	vadd.f32 v44, v46;
	v0 =	vadd.f32 v47, v0;
	_ =	sdelay $0x1  }
0xf2: {  	v49 =	vsel vm3, $0x0, v1;
	v48 =	vsel vm1, $0x0, v2;
	v3 =	vnsel vm0, $0x0, v0  }
0xf3: {  	v51 =	vnsel vm0, $0x0, v2;
	v50 =	vsel vm3, $0x0, v0;
	v3 =	vadd.f32 v3, v48  }
0xf4: {  	v2 =	vsel vm3, $0x0, v2;
	v0 =	vsel vm1, $0x0, v0;
	v5 =	vadd.f32 v50, v51  }
0xf5: {  	v52 =	vsel vm1, $0x0, v1;
	v0 =	vadd.f32 v0, v2;
	v3 =	vadd.f32 v3, v49  }
0xf6: {  	v1 =	vnsel vm0, $0x0, v1;
	v53 =	vadd.f32 v5, v52  }
0xf7: {  	v0 =	vadd.f32 v0, v1;
	(xrf2) =	vadd.scan.msk.f32 $0xffff, v3  }
0xf8: {  	(xrf2) =	vadd.scan.msk.f32 $0xffff, v53  }
0xf9: {  	(xrf2) =	vadd.scan.msk.f32 $0xffff, v0;
	_ =	sdelay $0x7  }
0xfa: {  	v54, _, _ =	vpop (xrf2)  }
0xfb: {  	v55, _, _ =	vpop (xrf2);
	(v2sf) =	vpush v54, $0xF  }
0xfc: {  	(v2sf) =	vpush v55, $0xF;
	v56, _, _ =	vpop (xrf2)  }
0xfd: {  	(v2sf) =	vpush v56, $0xF;
	_ =	sdelay $0xc  }
0xfe: {  	s4 =	spop (v2sf)  }
0xff: {  	s9 =	spop (v2sf);
	s4 =	smul.f32 $2.994012090e-03, s4  }
0x100: {  	s31 =	sor.u32 s22, s29;
	s30 =	smul.f32 $3.003003080e-03, s9;
	s9 =	spop (v2sf)  }
0x101: {  	v58 =	vmov s31;
	s31 =	sor.u32 $0x20, s31;
	v57 =	vmov s4;
	s9 =	smul.f32 $3.003003080e-03, s9  }
0x102: {  	v59 =	vmov s31;
	s31 =	sadd.s32 s28, s29;
	s29 =	sadd.s32 $0x1, s29;
	v0 =	vadd.f32 $0.0e+00, v57;
	v60 =	vmov s30  }
0x103: {  	v61 =	vmov s31;
	p0 =	sne.s32 s29, $0x20;
	v3 =	vadd.f32 $0.0e+00, v60;
	v62 =	vmov s9  }
.Ltmp1:
0x104: {  	v0 =	vbroadcast v0, $0x0;
	v5 =	vadd.f32 $0.0e+00, v62;
	(pc) =	sbr.rel @p0 .LBB2_3-.Ltmp1, $4  }
0x105: {  	v3 =	vbroadcast v3, $0x0  }
0x106: {  	[tilespmem:v58+s13+$0x0] =	vst.idx.msk $0x1, v0;
	v63 =	vbroadcast v5, $0x0  }
0x107: {  	[tilespmem:v59+s13+$0x0] =	vst.idx.msk $0x1, v3  }
0x108: {  	s24 =	sadd.s32 $0x480, s24;
	[tilespmem:v61+s13+$0x0] =	vst.idx.msk $0x1, v63  }
0x109: {  	s4 =	sadd.s32 $0x7D0, s20  }
0x10a: {  	s4 =	sshrl.u32 s4, $0x7  }
0x10b: {  	s4 =	smin.u32 s4, $0xF1  }
0x10c: {  	s4 =	sadd.s32 s23, s4  }
0x10d: {  	s4 =	sshll.u32 s4, $0x7  }
0x10e: {  	s22 =	simm.s32 $0x0;
	s24 =	sadd.s32 s2, s4  }
0x10f: {  	[tilespmem:s22], [sflag:$0x1] =	stream.strided.gather [hbm4b:s24+s3], $0x480, s8, s3, $0x38;
	[tilespmem:$0x12C00] =	vst v63  }
0x110: {  	s26 =	simm.s32 $0x480;
	s9 =	sadd.s32 s4, s5  }
0x111: {  	[tilespmem:s26], [sflag:$0x1] =	stream.strided.gather [hbm4b:s9+s3], $0x480, s8, s3, $0x38;
	[tilespmem:$0x12C00] =	vst v63  }
0x112: {  	s31 =	simm.s32 $0x900;
	s30 =	sadd.s32 s4, s25  }
0x113: {  	[tilespmem:s31], [sflag:$0x1] =	stream.strided.gather [hbm4b:s30+s3], $0x480, s8, s3, $0x38;
	[tilespmem:$0x12C00] =	vst v63  }
0x114: {  	s30 =	sadd.s32 s4, s1;
	s31 =	simm.s32 $0xD80  }
0x115: {  	[tilespmem:s31], [sflag:$0x1] =	stream.strided.gather [hbm4b:s30+s3], $0x480, s8, s3, $0x38;
	[tilespmem:$0x12C00] =	vst v63  }
0x116: {  	s30 =	sadd.s32 s4, s0;
	s31 =	simm.s32 $0x1200  }
0x117: {  	[tilespmem:s31], [sflag:$0x1] =	stream.strided.gather [hbm4b:s30+s3], $0x480, s8, s3, $0x38;
	[tilespmem:$0x12C00] =	vst v63  }
0x118: {  	s30 =	sadd.s32 s4, s6;
	s31 =	simm.s32 $0x1680  }
0x119: {  	[tilespmem:s31], [sflag:$0x1] =	stream.strided.gather [hbm4b:s30+s3], $0x480, s8, s3, $0x38;
	[tilespmem:$0x12C00] =	vst v63  }
0x11a: {  	s26 =	sadd.s32 s4, s15;
	s30 =	simm.s32 $0x1B00  }
0x11b: {  	[tilespmem:s30], [sflag:$0x1] =	stream.strided.gather [hbm4b:s26+s3], $0x480, s8, s3, $0x38;
	[tilespmem:$0x12C00] =	vst v63  }
0x11c: {  	s4 =	sadd.s32 s4, s7;
	s31 =	simm.s32 $0x1F80  }
0x11d: {  	[tilespmem:s31], [sflag:$0x1] =	stream.strided.gather [hbm4b:s4+s3], $0x480, s8, s3, $0x38;
	[tilespmem:$0x12C00] =	vst v63  }
0x11e: {  	s9 =	sadd.s32 $0xFA000, s24;
	s26 =	simm.s32 $0x2400  }
0x11f: {  	[tilespmem:s26], [sflag:$0x1] =	stream.strided.gather [hbm4b:s9+s3], $0x480, s8, s3, $0x38;
	[tilespmem:$0x12C00] =	vst v63  }
0x120: {  	s30 =	sadd.s32 $0xFA010, s24;
	s31 =	simm.s32 $0x2880  }
0x121: {  	[tilespmem:s31], [sflag:$0x1] =	stream.strided.gather [hbm4b:s30+s3], $0x480, s8, s3, $0x38;
	[tilespmem:$0x12C00] =	vst v63  }
0x122: {  	s9 =	sadd.s32 $0xFA020, s24;
	s26 =	simm.s32 $0x2D00  }
0x123: {  	[tilespmem:s26], [sflag:$0x1] =	stream.strided.gather [hbm4b:s9+s3], $0x480, s8, s3, $0x38;
	[tilespmem:$0x12C00] =	vst v63  }
0x124: {  	s30 =	sadd.s32 $0xFA030, s24;
	s31 =	simm.s32 $0x3180  }
0x125: {  	[tilespmem:s31], [sflag:$0x1] =	stream.strided.gather [hbm4b:s30+s3], $0x480, s8, s3, $0x38;
	[tilespmem:$0x12C00] =	vst v63  }
0x126: {  	s9 =	sadd.s32 $0xFA040, s24;
	s26 =	simm.s32 $0x3600  }
0x127: {  	[tilespmem:s26], [sflag:$0x1] =	stream.strided.gather [hbm4b:s9+s3], $0x480, s8, s3, $0x38;
	[tilespmem:$0x12C00] =	vst v63  }
0x128: {  	s30 =	sadd.s32 $0xFA050, s24;
	s31 =	simm.s32 $0x3A80  }
0x129: {  	[tilespmem:s31], [sflag:$0x1] =	stream.strided.gather [hbm4b:s30+s3], $0x480, s8, s3, $0x38;
	[tilespmem:$0x12C00] =	vst v63  }
0x12a: {  	s9 =	sadd.s32 $0xFA060, s24;
	s26 =	simm.s32 $0x3F00  }
0x12b: {  	[tilespmem:s26], [sflag:$0x1] =	stream.strided.gather [hbm4b:s9+s3], $0x480, s8, s3, $0x38;
	[tilespmem:$0x12C00] =	vst v63  }
0x12c: {  	s30 =	sadd.s32 $0xFA070, s24;
	s31 =	simm.s32 $0x4380  }
0x12d: {  	[tilespmem:s31], [sflag:$0x1] =	stream.strided.gather [hbm4b:s30+s3], $0x480, s8, s3, $0x38;
	[tilespmem:$0x12C00] =	vst v63  }
0x12e: {  	s9 =	sadd.s32 $0x1F4000, s24;
	s26 =	simm.s32 $0x4800  }
0x12f: {  	[tilespmem:s26], [sflag:$0x1] =	stream.strided.gather [hbm4b:s9+s3], $0x480, s8, s3, $0x38;
	[tilespmem:$0x12C00] =	vst v63  }
0x130: {  	s30 =	sadd.s32 $0x1F4010, s24;
	s31 =	simm.s32 $0x4C80  }
0x131: {  	[tilespmem:s31], [sflag:$0x1] =	stream.strided.gather [hbm4b:s30+s3], $0x480, s8, s3, $0x38;
	[tilespmem:$0x12C00] =	vst v63  }
0x132: {  	s9 =	sadd.s32 $0x1F4020, s24;
	s26 =	simm.s32 $0x5100  }
0x133: {  	[tilespmem:s26], [sflag:$0x1] =	stream.strided.gather [hbm4b:s9+s3], $0x480, s8, s3, $0x38;
	[tilespmem:$0x12C00] =	vst v63  }
0x134: {  	s30 =	sadd.s32 $0x1F4030, s24;
	s31 =	simm.s32 $0x5580  }
0x135: {  	[tilespmem:s31], [sflag:$0x1] =	stream.strided.gather [hbm4b:s30+s3], $0x480, s8, s3, $0x38;
	[tilespmem:$0x12C00] =	vst v63  }
0x136: {  	s9 =	sadd.s32 $0x1F4040, s24;
	s26 =	simm.s32 $0x5A00  }
0x137: {  	[tilespmem:s26], [sflag:$0x1] =	stream.strided.gather [hbm4b:s9+s3], $0x480, s8, s3, $0x38;
	[tilespmem:$0x12C00] =	vst v63  }
0x138: {  	s30 =	sadd.s32 $0x1F4050, s24;
	s31 =	simm.s32 $0x5E80  }
0x139: {  	[tilespmem:s31], [sflag:$0x1] =	stream.strided.gather [hbm4b:s30+s3], $0x480, s8, s3, $0x38;
	[tilespmem:$0x12C00] =	vst v63  }
0x13a: {  	s9 =	sadd.s32 $0x1F4060, s24;
	s26 =	simm.s32 $0x6300  }
0x13b: {  	[tilespmem:s26], [sflag:$0x1] =	stream.strided.gather [hbm4b:s9+s3], $0x480, s8, s3, $0x38;
	[tilespmem:$0x12C00] =	vst v63  }
0x13c: {  	s30 =	sadd.s32 $0x1F4070, s24;
	s31 =	simm.s32 $0x6780  }
0x13d: {  	[tilespmem:s31], [sflag:$0x1] =	stream.strided.gather [hbm4b:s30+s3], $0x480, s8, s3, $0x38;
	[tilespmem:$0x12C00] =	vst v63  }
0x13e: {  	s9 =	sadd.s32 $0x2EE000, s24;
	s26 =	simm.s32 $0x6C00  }
0x13f: {  	[tilespmem:s26], [sflag:$0x1] =	stream.strided.gather [hbm4b:s9+s3], $0x480, s8, s3, $0x38;
	[tilespmem:$0x12C00] =	vst v63  }
0x140: {  	s30 =	sadd.s32 $0x2EE010, s24;
	s31 =	simm.s32 $0x7080  }
0x141: {  	[tilespmem:s31], [sflag:$0x1] =	stream.strided.gather [hbm4b:s30+s3], $0x480, s8, s3, $0x38;
	[tilespmem:$0x12C00] =	vst v63  }
0x142: {  	s9 =	sadd.s32 $0x2EE020, s24;
	s26 =	simm.s32 $0x7500  }
0x143: {  	[tilespmem:s26], [sflag:$0x1] =	stream.strided.gather [hbm4b:s9+s3], $0x480, s8, s3, $0x38;
	[tilespmem:$0x12C00] =	vst v63  }
0x144: {  	s30 =	sadd.s32 $0x2EE030, s24;
	s31 =	simm.s32 $0x7980  }
0x145: {  	[tilespmem:s31], [sflag:$0x1] =	stream.strided.gather [hbm4b:s30+s3], $0x480, s8, s3, $0x38;
	[tilespmem:$0x12C00] =	vst v63  }
0x146: {  	s9 =	sadd.s32 $0x2EE040, s24;
	s26 =	simm.s32 $0x7E00  }
0x147: {  	[tilespmem:s26], [sflag:$0x1] =	stream.strided.gather [hbm4b:s9+s3], $0x480, s8, s3, $0x38;
	[tilespmem:$0x12C00] =	vst v63  }
0x148: {  	s30 =	sadd.s32 $0x2EE050, s24;
	s31 =	simm.s32 $0x8280  }
0x149: {  	[tilespmem:s31], [sflag:$0x1] =	stream.strided.gather [hbm4b:s30+s3], $0x480, s8, s3, $0x38;
	[tilespmem:$0x12C00] =	vst v63  }
0x14a: {  	s4 =	sshllo.u32 s19, $0x1;
	s9 =	sadd.s32 $0x2EE060, s24;
	s26 =	simm.s32 $0x8700  }
0x14b: {  	[tilespmem:s26], [sflag:$0x1] =	stream.strided.gather [hbm4b:s9+s3], $0x480, s8, s3, $0x38;
	[tilespmem:$0x12C00] =	vst v63  }
0x14c: {  	s30 =	sadd.s32 $0x2EE070, s24;
	s31 =	simm.s32 $0x8B80;
	s26 =	smul.u32 $0x3E8, s4  }
0x14d: {  	[tilespmem:s31], [sflag:$0x1] =	stream.strided.gather [hbm4b:s30+s3], $0x480, s8, s3, $0x38;
	[tilespmem:$0x12C00] =	vst v63  }
0x14e: {  	s30 =	sshrl.u32 s26, $0x7  }
0x14f: {  	s24 =	smul.u32 $0x60, s4;
	s9 =	smin.u32 s30, $0xF1  }
0x150: {  	_ =	swait.ge [sflag:s14], $0x9000;
	s9 =	sshll.u32 s9, $0x7  }
0x151: {  	s28 =	sadd.s32 $0x40, s24;
	[sflag:s14] =	ssyncset.done $0x0;
	s31 =	ssub.s32 s26, s9  }
0x152: {  	[sflag:s14] =	ssyncadd.s32 $0xFFFF7000;
	s26 =	sadd.s32 $0x20, s24;
	s29 =	sadd.s32 $0x9000, s31  }
.LBB2_7:
0x153: {  	v1 =	vld [tilespmem:s21+$0xFFFFFFE0]  }
0x154: {  	v0 =	vld [tilespmem:s21+$0xFFFFFFB0]  }
0x155: {  	v7 =	vld [tilespmem:s21+$0xFFFFFF80]  }
0x156: {  	v3 =	vld [tilespmem:s21+$0xFFFFFF50]  }
0x157: {  	v6 =	vld [tilespmem:s21+$0xFFFFFF60]  }
0x158: {  	v8 =	vld [tilespmem:s21+$0xFFFFFF70]  }
0x159: {  	v5 =	vld [tilespmem:s21+$0xFFFFFF90]  }
0x15a: {  	v2 =	vld [tilespmem:s21+$0xFFFFFFA0]  }
0x15b: {  	s4 =	smul.u32 $0x1200, s22;
	v10 =	vimm.f32 $0.0e+00;
	v4 =	vld [tilespmem:s21+$0xFFFFFFC0]  }
0x15c: {  	v11 =	vadd.f32 v3, v10;
	v3 =	vld [tilespmem:s21+$0xFFFFFFD0]  }
0x15d: {  	s4 =	sshra.s32 s4, $0x2;
	v9 =	vadd.f32 v6, v10;
	v6 =	vld [tilespmem:s21+$0xFFFFFFF0];
	v8 =	vadd.f32 v8, v10  }
0x15e: {  	s31 =	simm.s32 $0x0;
	s30 =	sadd.s32 s4, s29;
	s4 =	sadd.s32 $0xC0, s21;
	v10 =	vadd.f32 v7, v11;
	v7 =	vld [tilespmem:s21+$0x0]  }
.LBB2_8:
0x15f: {  	v11 =	vld [tilespmem:s4+$0xFFFFFFE0];
	v5 =	vadd.f32 v5, v9;
	v2 =	vadd.f32 v2, v8  }
0x160: {  	v8 =	vadd.f32 v0, v10;
	v0 =	vld [tilespmem:s4+$0xFFFFFFB0]  }
0x161: {  	v10 =	vld [tilespmem:s4+$0xFFFFFF80];
	v4 =	vadd.f32 v4, v5;
	v2 =	vadd.f32 v3, v2  }
0x162: {  	v3 =	vld [tilespmem:s4+$0xFFFFFF50];
	v8 =	vadd.f32 v1, v8  }
0x163: {  	v9 =	vld [tilespmem:s4+$0xFFFFFF60];
	v6 =	vadd.f32 v6, v4;
	v7 =	vadd.f32 v7, v2  }
0x164: {  	s31 =	sadd.s32 $0xC0, s31;
	v12 =	vld [tilespmem:s4+$0xFFFFFF70];
	v1 =	vmov v11  }
0x165: {  	p0 =	slt.u32 s31, $0x300;
	v5 =	vld [tilespmem:s4+$0xFFFFFF90]  }
.Ltmp2:
0x166: {  	v2 =	vld [tilespmem:s4+$0xFFFFFFA0];
	(pc) =	sbr.rel @p0 .LBB2_8-.Ltmp2, $4  }
0x167: {  	v4 =	vld [tilespmem:s4+$0xFFFFFFC0]  }
0x168: {  	v11 =	vadd.f32 v3, v8;
	v3 =	vld [tilespmem:s4+$0xFFFFFFD0]  }
0x169: {  	v9 =	vadd.f32 v9, v6;
	v8 =	vadd.f32 v12, v7;
	v6 =	vld [tilespmem:s4+$0xFFFFFFF0]  }
0x16a: {  	v10 =	vadd.f32 v10, v11;
	v7 =	vld [tilespmem:s4+$0x0];
	s4 =	sadd.s32 $0xC0, s4  }
0x16b: {  	v11 =	vld [tilespmem:s30+$0x3C0]  }
0x16c: {  	v5 =	vadd.f32 v5, v9;
	v43 =	vld [tilespmem:s30+$0x3D8];
	v0 =	vadd.f32 v0, v10  }
0x16d: {  	v44 =	vld [tilespmem:s30+$0x3D0];
	v45 =	vadd.f32 v2, v8  }
0x16e: {  	v4 =	vadd.f32 v4, v5;
	v0 =	vadd.f32 v1, v0  }
0x16f: {  	v1 =	vadd.f32 v3, v45  }
0x170: {  	v46 =	vadd.f32 v6, v4;
	v0 =	vadd.f32 v11, v0  }
0x171: {  	v47 =	vsel vm2, $0x0, v43;
	v1 =	vadd.f32 v7, v1  }
0x172: {  	v2 =	vadd.f32 v44, v46;
	v0 =	vadd.f32 v47, v0;
	_ =	sdelay $0x1  }
0x173: {  	v49 =	vsel vm3, $0x0, v1;
	v48 =	vsel vm1, $0x0, v2;
	v3 =	vnsel vm0, $0x0, v0  }
0x174: {  	v51 =	vnsel vm0, $0x0, v2;
	v50 =	vsel vm3, $0x0, v0;
	v3 =	vadd.f32 v3, v48  }
0x175: {  	v2 =	vsel vm3, $0x0, v2;
	v0 =	vsel vm1, $0x0, v0;
	v5 =	vadd.f32 v50, v51  }
0x176: {  	v52 =	vsel vm1, $0x0, v1;
	v0 =	vadd.f32 v0, v2;
	v3 =	vadd.f32 v3, v49  }
0x177: {  	v1 =	vnsel vm0, $0x0, v1;
	v53 =	vadd.f32 v5, v52  }
0x178: {  	v0 =	vadd.f32 v0, v1;
	(xrf2) =	vadd.scan.msk.f32 $0xffff, v3  }
0x179: {  	(xrf2) =	vadd.scan.msk.f32 $0xffff, v53  }
0x17a: {  	(xrf2) =	vadd.scan.msk.f32 $0xffff, v0;
	_ =	sdelay $0x7  }
0x17b: {  	v54, _, _ =	vpop (xrf2)  }
0x17c: {  	v55, _, _ =	vpop (xrf2);
	(v2sf) =	vpush v54, $0xF  }
0x17d: {  	(v2sf) =	vpush v55, $0xF;
	v56, _, _ =	vpop (xrf2)  }
0x17e: {  	(v2sf) =	vpush v56, $0xF;
	_ =	sdelay $0xc  }
0x17f: {  	s4 =	spop (v2sf)  }
0x180: {  	s9 =	spop (v2sf);
	s4 =	smul.f32 $2.994012090e-03, s4  }
0x181: {  	s30 =	sor.u32 s24, s22;
	s9 =	smul.f32 $3.003003080e-03, s9;
	s31 =	spop (v2sf)  }
0x182: {  	v57 =	vmov s30;
	v58 =	vmov s4;
	s4 =	sadd.s32 s26, s22;
	s30 =	smul.f32 $3.003003080e-03, s31  }
0x183: {  	s31 =	sadd.s32 s28, s22;
	s22 =	sadd.s32 $0x1, s22;
	v59 =	vmov s4;
	v1 =	vadd.f32 $0.0e+00, v58;
	v60 =	vmov s9  }
0x184: {  	v61 =	vmov s31;
	p0 =	sne.s32 s22, $0x20;
	v3 =	vadd.f32 $0.0e+00, v60;
	v62 =	vmov s30  }
.Ltmp3:
0x185: {  	v1 =	vbroadcast v1, $0x0;
	v5 =	vadd.f32 $0.0e+00, v62;
	(pc) =	sbr.rel @p0 .LBB2_7-.Ltmp3, $4  }
0x186: {  	v3 =	vbroadcast v3, $0x0  }
0x187: {  	[tilespmem:v57+s13+$0x0] =	vst.idx.msk $0x1, v1;
	v63 =	vbroadcast v5, $0x0  }
0x188: {  	[tilespmem:v59+s13+$0x0] =	vst.idx.msk $0x1, v3  }
0x189: {  	s21 =	sadd.s32 $0x480, s21;
	[tilespmem:v61+s13+$0x0] =	vst.idx.msk $0x1, v63  }
0x18a: {  	s4 =	sadd.s32 $0xBB0, s20  }
0x18b: {  	s4 =	sshrl.u32 s4, $0x7  }
0x18c: {  	s4 =	smin.u32 s4, $0xF1  }
0x18d: {  	s4 =	sadd.s32 s23, s4  }
0x18e: {  	s4 =	sshll.u32 s4, $0x7  }
0x18f: {  	s28 =	simm.s32 $0x9000;
	s9 =	sadd.s32 s2, s4  }
0x190: {  	[tilespmem:s28], [sflag:$0x2] =	stream.strided.gather [hbm4b:s9+s3], $0x480, s8, s3, $0x38;
	[tilespmem:$0x12C00] =	vst v63  }
0x191: {  	s21 =	simm.s32 $0x9480;
	s29 =	sadd.s32 s4, s5  }
0x192: {  	[tilespmem:s21], [sflag:$0x2] =	stream.strided.gather [hbm4b:s29+s3], $0x480, s8, s3, $0x38;
	[tilespmem:$0x12C00] =	vst v63  }
0x193: {  	s31 =	simm.s32 $0x9900;
	s30 =	sadd.s32 s4, s25  }
0x194: {  	[tilespmem:s31], [sflag:$0x2] =	stream.strided.gather [hbm4b:s30+s3], $0x480, s8, s3, $0x38;
	[tilespmem:$0x12C00] =	vst v63  }
0x195: {  	s22 =	simm.s32 $0x9D80;
	s21 =	sadd.s32 s4, s1  }
0x196: {  	[tilespmem:s22], [sflag:$0x2] =	stream.strided.gather [hbm4b:s21+s3], $0x480, s8, s3, $0x38;
	[tilespmem:$0x12C00] =	vst v63  }
0x197: {  	s26 =	simm.s32 $0xA200;
	s24 =	sadd.s32 s4, s0  }
0x198: {  	[tilespmem:s26], [sflag:$0x2] =	stream.strided.gather [hbm4b:s24+s3], $0x480, s8, s3, $0x38;
	[tilespmem:$0x12C00] =	vst v63  }
0x199: {  	s28 =	sadd.s32 s4, s6;
	s29 =	simm.s32 $0xA680  }
0x19a: {  	[tilespmem:s29], [sflag:$0x2] =	stream.strided.gather [hbm4b:s28+s3], $0x480, s8, s3, $0x38;
	[tilespmem:$0x12C00] =	vst v63  }
0x19b: {  	s30 =	sadd.s32 s4, s15;
	s31 =	simm.s32 $0xAB00  }
0x19c: {  	[tilespmem:s31], [sflag:$0x2] =	stream.strided.gather [hbm4b:s30+s3], $0x480, s8, s3, $0x38;
	[tilespmem:$0x12C00] =	vst v63  }
0x19d: {  	s4 =	sadd.s32 s4, s7;
	s22 =	simm.s32 $0xAF80  }
0x19e: {  	[tilespmem:s22], [sflag:$0x2] =	stream.strided.gather [hbm4b:s4+s3], $0x480, s8, s3, $0x38;
	[tilespmem:$0x12C00] =	vst v63  }
0x19f: {  	s24 =	sadd.s32 $0xFA000, s9;
	s26 =	simm.s32 $0xB400  }
0x1a0: {  	[tilespmem:s26], [sflag:$0x2] =	stream.strided.gather [hbm4b:s24+s3], $0x480, s8, s3, $0x38;
	[tilespmem:$0x12C00] =	vst v63  }
0x1a1: {  	s28 =	sadd.s32 $0xFA010, s9;
	s29 =	simm.s32 $0xB880  }
0x1a2: {  	[tilespmem:s29], [sflag:$0x2] =	stream.strided.gather [hbm4b:s28+s3], $0x480, s8, s3, $0x38;
	[tilespmem:$0x12C00] =	vst v63  }
0x1a3: {  	s30 =	sadd.s32 $0xFA020, s9;
	s31 =	simm.s32 $0xBD00  }
0x1a4: {  	[tilespmem:s31], [sflag:$0x2] =	stream.strided.gather [hbm4b:s30+s3], $0x480, s8, s3, $0x38;
	[tilespmem:$0x12C00] =	vst v63  }
0x1a5: {  	s21 =	sadd.s32 $0xFA030, s9;
	s22 =	simm.s32 $0xC180  }
0x1a6: {  	[tilespmem:s22], [sflag:$0x2] =	stream.strided.gather [hbm4b:s21+s3], $0x480, s8, s3, $0x38;
	[tilespmem:$0x12C00] =	vst v63  }
0x1a7: {  	s24 =	sadd.s32 $0xFA040, s9;
	s26 =	simm.s32 $0xC600  }
0x1a8: {  	[tilespmem:s26], [sflag:$0x2] =	stream.strided.gather [hbm4b:s24+s3], $0x480, s8, s3, $0x38;
	[tilespmem:$0x12C00] =	vst v63  }
0x1a9: {  	s28 =	sadd.s32 $0xFA050, s9;
	s29 =	simm.s32 $0xCA80  }
0x1aa: {  	[tilespmem:s29], [sflag:$0x2] =	stream.strided.gather [hbm4b:s28+s3], $0x480, s8, s3, $0x38;
	[tilespmem:$0x12C00] =	vst v63  }
0x1ab: {  	s30 =	sadd.s32 $0xFA060, s9;
	s31 =	simm.s32 $0xCF00  }
0x1ac: {  	[tilespmem:s31], [sflag:$0x2] =	stream.strided.gather [hbm4b:s30+s3], $0x480, s8, s3, $0x38;
	[tilespmem:$0x12C00] =	vst v63  }
0x1ad: {  	s21 =	sadd.s32 $0xFA070, s9;
	s22 =	simm.s32 $0xD380  }
0x1ae: {  	[tilespmem:s22], [sflag:$0x2] =	stream.strided.gather [hbm4b:s21+s3], $0x480, s8, s3, $0x38;
	[tilespmem:$0x12C00] =	vst v63  }
0x1af: {  	s24 =	sadd.s32 $0x1F4000, s9;
	s26 =	simm.s32 $0xD800  }
0x1b0: {  	[tilespmem:s26], [sflag:$0x2] =	stream.strided.gather [hbm4b:s24+s3], $0x480, s8, s3, $0x38;
	[tilespmem:$0x12C00] =	vst v63  }
0x1b1: {  	s28 =	sadd.s32 $0x1F4010, s9;
	s29 =	simm.s32 $0xDC80  }
0x1b2: {  	[tilespmem:s29], [sflag:$0x2] =	stream.strided.gather [hbm4b:s28+s3], $0x480, s8, s3, $0x38;
	[tilespmem:$0x12C00] =	vst v63  }
0x1b3: {  	s30 =	sadd.s32 $0x1F4020, s9;
	s31 =	simm.s32 $0xE100  }
0x1b4: {  	[tilespmem:s31], [sflag:$0x2] =	stream.strided.gather [hbm4b:s30+s3], $0x480, s8, s3, $0x38;
	[tilespmem:$0x12C00] =	vst v63  }
0x1b5: {  	s21 =	sadd.s32 $0x1F4030, s9;
	s22 =	simm.s32 $0xE580  }
0x1b6: {  	[tilespmem:s22], [sflag:$0x2] =	stream.strided.gather [hbm4b:s21+s3], $0x480, s8, s3, $0x38;
	[tilespmem:$0x12C00] =	vst v63  }
0x1b7: {  	s24 =	sadd.s32 $0x1F4040, s9;
	s26 =	simm.s32 $0xEA00  }
0x1b8: {  	[tilespmem:s26], [sflag:$0x2] =	stream.strided.gather [hbm4b:s24+s3], $0x480, s8, s3, $0x38;
	[tilespmem:$0x12C00] =	vst v63  }
0x1b9: {  	s28 =	sadd.s32 $0x1F4050, s9;
	s29 =	simm.s32 $0xEE80  }
0x1ba: {  	[tilespmem:s29], [sflag:$0x2] =	stream.strided.gather [hbm4b:s28+s3], $0x480, s8, s3, $0x38;
	[tilespmem:$0x12C00] =	vst v63  }
0x1bb: {  	s30 =	sadd.s32 $0x1F4060, s9;
	s31 =	simm.s32 $0xF300  }
0x1bc: {  	[tilespmem:s31], [sflag:$0x2] =	stream.strided.gather [hbm4b:s30+s3], $0x480, s8, s3, $0x38;
	[tilespmem:$0x12C00] =	vst v63  }
0x1bd: {  	s21 =	sadd.s32 $0x1F4070, s9;
	s22 =	simm.s32 $0xF780  }
0x1be: {  	[tilespmem:s22], [sflag:$0x2] =	stream.strided.gather [hbm4b:s21+s3], $0x480, s8, s3, $0x38;
	[tilespmem:$0x12C00] =	vst v63  }
0x1bf: {  	s24 =	sadd.s32 $0x2EE000, s9;
	s26 =	simm.s32 $0xFC00  }
0x1c0: {  	[tilespmem:s26], [sflag:$0x2] =	stream.strided.gather [hbm4b:s24+s3], $0x480, s8, s3, $0x38;
	[tilespmem:$0x12C00] =	vst v63  }
0x1c1: {  	s28 =	sadd.s32 $0x2EE010, s9;
	s29 =	simm.s32 $0x10080  }
0x1c2: {  	[tilespmem:s29], [sflag:$0x2] =	stream.strided.gather [hbm4b:s28+s3], $0x480, s8, s3, $0x38;
	[tilespmem:$0x12C00] =	vst v63  }
0x1c3: {  	s30 =	sadd.s32 $0x2EE020, s9;
	s31 =	simm.s32 $0x10500  }
0x1c4: {  	[tilespmem:s31], [sflag:$0x2] =	stream.strided.gather [hbm4b:s30+s3], $0x480, s8, s3, $0x38;
	[tilespmem:$0x12C00] =	vst v63  }
0x1c5: {  	s21 =	sadd.s32 $0x2EE030, s9;
	s22 =	simm.s32 $0x10980  }
0x1c6: {  	[tilespmem:s22], [sflag:$0x2] =	stream.strided.gather [hbm4b:s21+s3], $0x480, s8, s3, $0x38;
	[tilespmem:$0x12C00] =	vst v63  }
0x1c7: {  	s19 =	sadd.s32 $0x1, s19;
	s24 =	sadd.s32 $0x2EE040, s9;
	s26 =	simm.s32 $0x10E00  }
0x1c8: {  	[tilespmem:s26], [sflag:$0x2] =	stream.strided.gather [hbm4b:s24+s3], $0x480, s8, s3, $0x38;
	[tilespmem:$0x12C00] =	vst v63  }
0x1c9: {  	p0 =	sne.s32 s19, $0xF;
	s28 =	sadd.s32 $0x2EE050, s9;
	s29 =	simm.s32 $0x11280  }
0x1ca: {  	[tilespmem:s29], [sflag:$0x2] =	stream.strided.gather [hbm4b:s28+s3], $0x480, s8, s3, $0x38;
	[tilespmem:$0x12C00] =	vst v63  }
.Ltmp4:
0x1cb: {  	_ = 	snop;
	(pc) =	sbr.rel @p0 .LBB2_2-.Ltmp4, $4  }
0x1cc: {  	s18 =	sadd.s32 $0x5, s18;
	s30 =	sadd.s32 $0x2EE060, s9  }
0x1cd: {  	[tilespmem:s10], [sflag:$0x2] =	stream.strided.gather [hbm4b:s30+s3], $0x480, s8, s3, $0x38;
	[tilespmem:$0x12C00] =	vst v63  }
0x1ce: {  	s16 =	sadd.s32 $0x7D0, s16;
	s17 =	sadd.s32 $0x7D0, s17;
	s31 =	sadd.s32 $0x2EE070, s9  }
0x1cf: {  	[tilespmem:s11], [sflag:$0x2] =	stream.strided.gather [hbm4b:s31+s3], $0x480, s8, s3, $0x38;
	[tilespmem:$0x12C00] =	vst v63  }
0x1d0: {  	_ =	swait.ge [sflag:s12], $0x9000  }
0x1d1: {  	[sflag:s12] =	ssyncset.done $0x0  }
0x1d2: {  	s16 =	simm.s32 $0x0;
	s17 =	simm.s32 $0x70;
	[sflag:s12] =	ssyncadd.s32 $0xFFFF7000  }
.LBB2_12:
0x1d3: {  	v1 =	vld [tilespmem:s17+$0x50]  }
0x1d4: {  	v0 =	vld [tilespmem:s17+$0x20]  }
0x1d5: {  	v7 =	vld [tilespmem:s17+$0xFFFFFFF0]  }
0x1d6: {  	v4 =	vld [tilespmem:s17+$0xFFFFFFC0]  }
0x1d7: {  	v5 =	vld [tilespmem:s17+$0xFFFFFFD0]  }
0x1d8: {  	v8 =	vld [tilespmem:s17+$0xFFFFFFE0]  }
0x1d9: {  	v6 =	vld [tilespmem:s17+$0x0]  }
0x1da: {  	v2 =	vld [tilespmem:s17+$0x10]  }
0x1db: {  	v10 =	vimm.f32 $0.0e+00;
	v3 =	vld [tilespmem:s17+$0x30]  }
0x1dc: {  	s4 =	smul.u32 $0x1200, s16;
	v11 =	vadd.f32 v4, v10;
	v4 =	vld [tilespmem:s17+$0x40]  }
0x1dd: {  	v9 =	vadd.f32 v5, v10;
	v5 =	vld [tilespmem:s17+$0x60];
	v8 =	vadd.f32 v8, v10  }
0x1de: {  	s19 =	simm.s32 $0x0;
	s18 =	sshra.s32 s4, $0x2;
	s4 =	sadd.s32 $0xC0, s17;
	v10 =	vadd.f32 v7, v11;
	v7 =	vld [tilespmem:s17+$0x70]  }
.LBB2_13:
0x1df: {  	v11 =	vld [tilespmem:s4+$0x50];
	v6 =	vadd.f32 v6, v9;
	v2 =	vadd.f32 v2, v8  }
0x1e0: {  	v8 =	vadd.f32 v0, v10;
	v0 =	vld [tilespmem:s4+$0x20]  }
0x1e1: {  	v10 =	vld [tilespmem:s4+$0xFFFFFFF0];
	v3 =	vadd.f32 v3, v6;
	v2 =	vadd.f32 v4, v2  }
0x1e2: {  	v4 =	vld [tilespmem:s4+$0xFFFFFFC0];
	v8 =	vadd.f32 v1, v8  }
0x1e3: {  	v9 =	vld [tilespmem:s4+$0xFFFFFFD0];
	v5 =	vadd.f32 v5, v3;
	v7 =	vadd.f32 v7, v2  }
0x1e4: {  	s19 =	sadd.s32 $0xC0, s19;
	v12 =	vld [tilespmem:s4+$0xFFFFFFE0];
	v1 =	vmov v11  }
0x1e5: {  	p0 =	slt.u32 s19, $0x300;
	v6 =	vld [tilespmem:s4+$0x0]  }
.Ltmp5:
0x1e6: {  	v2 =	vld [tilespmem:s4+$0x10];
	(pc) =	sbr.rel @p0 .LBB2_13-.Ltmp5, $4  }
0x1e7: {  	v3 =	vld [tilespmem:s4+$0x30]  }
0x1e8: {  	v11 =	vadd.f32 v4, v8;
	v4 =	vld [tilespmem:s4+$0x40]  }
0x1e9: {  	v9 =	vadd.f32 v9, v5;
	v8 =	vadd.f32 v12, v7;
	v5 =	vld [tilespmem:s4+$0x60]  }
0x1ea: {  	v10 =	vadd.f32 v10, v11;
	v7 =	vld [tilespmem:s4+$0x70];
	s4 =	sadd.s32 $0xC0, s4  }
0x1eb: {  	v11 =	vld [tilespmem:s18+$0x3F0]  }
0x1ec: {  	v6 =	vadd.f32 v6, v9;
	v43 =	vld [tilespmem:s18+$0x408];
	v0 =	vadd.f32 v0, v10  }
0x1ed: {  	v44 =	vld [tilespmem:s18+$0x400];
	v45 =	vadd.f32 v2, v8  }
0x1ee: {  	v3 =	vadd.f32 v3, v6;
	v0 =	vadd.f32 v1, v0  }
0x1ef: {  	v1 =	vadd.f32 v4, v45  }
0x1f0: {  	v46 =	vadd.f32 v5, v3;
	v0 =	vadd.f32 v11, v0  }
0x1f1: {  	v47 =	vsel vm2, $0x0, v43;
	v1 =	vadd.f32 v7, v1  }
0x1f2: {  	v2 =	vadd.f32 v44, v46;
	v0 =	vadd.f32 v47, v0;
	_ =	sdelay $0x1  }
0x1f3: {  	v49 =	vsel vm3, $0x0, v1;
	v48 =	vsel vm1, $0x0, v2;
	v3 =	vnsel vm0, $0x0, v0  }
0x1f4: {  	v51 =	vnsel vm0, $0x0, v2;
	v50 =	vsel vm3, $0x0, v0;
	v3 =	vadd.f32 v3, v48  }
0x1f5: {  	v2 =	vsel vm3, $0x0, v2;
	v0 =	vsel vm1, $0x0, v0;
	v5 =	vadd.f32 v50, v51  }
0x1f6: {  	v52 =	vsel vm1, $0x0, v1;
	v0 =	vadd.f32 v0, v2;
	v3 =	vadd.f32 v3, v49  }
0x1f7: {  	v1 =	vnsel vm0, $0x0, v1;
	v53 =	vadd.f32 v5, v52  }
0x1f8: {  	v0 =	vadd.f32 v0, v1;
	(xrf2) =	vadd.scan.msk.f32 $0xffff, v3  }
0x1f9: {  	(xrf2) =	vadd.scan.msk.f32 $0xffff, v53  }
0x1fa: {  	(xrf2) =	vadd.scan.msk.f32 $0xffff, v0;
	_ =	sdelay $0x7  }
0x1fb: {  	v54, _, _ =	vpop (xrf2)  }
0x1fc: {  	v55, _, _ =	vpop (xrf2);
	(v2sf) =	vpush v54, $0xF  }
0x1fd: {  	(v2sf) =	vpush v55, $0xF;
	v56, _, _ =	vpop (xrf2)  }
0x1fe: {  	(v2sf) =	vpush v56, $0xF;
	_ =	sdelay $0xc  }
0x1ff: {  	s4 =	spop (v2sf)  }
0x200: {  	s9 =	spop (v2sf);
	s4 =	smul.f32 $2.994012090e-03, s4  }
0x201: {  	s28 =	sor.u32 $0xB40, s16;
	s9 =	smul.f32 $3.003003080e-03, s9;
	s19 =	spop (v2sf)  }
0x202: {  	s29 =	sor.u32 $0xB60, s16;
	v57 =	vmov s28;
	v58 =	vmov s4;
	s30 =	smul.f32 $3.003003080e-03, s19  }
0x203: {  	s31 =	sor.u32 $0xB80, s16;
	s16 =	sadd.s32 $0x1, s16;
	v59 =	vmov s29;
	v1 =	vadd.f32 $0.0e+00, v58;
	v60 =	vmov s9  }
0x204: {  	v61 =	vmov s31;
	p0 =	sne.s32 s16, $0x20;
	v3 =	vadd.f32 $0.0e+00, v60;
	v62 =	vmov s30  }
.Ltmp6:
0x205: {  	v1 =	vbroadcast v1, $0x0;
	v5 =	vadd.f32 $0.0e+00, v62;
	(pc) =	sbr.rel @p0 .LBB2_12-.Ltmp6, $4  }
0x206: {  	v3 =	vbroadcast v3, $0x0  }
0x207: {  	[tilespmem:v57+s13+$0x0] =	vst.idx.msk $0x1, v1;
	v63 =	vbroadcast v5, $0x0  }
0x208: {  	[tilespmem:v59+s13+$0x0] =	vst.idx.msk $0x1, v3  }
0x209: {  	s17 =	sadd.s32 $0x480, s17;
	[tilespmem:v61+s13+$0x0] =	vst.idx.msk $0x1, v63  }
0x20a: {  	_ =	swait.ge [sflag:s14], $0x9000  }
0x20b: {  	[sflag:s14] =	ssyncset.done $0x0  }
0x20c: {  	s16 =	simm.s32 $0x0;
	s17 =	simm.s32 $0x9148;
	[sflag:s14] =	ssyncadd.s32 $0xFFFF7000  }
.LBB2_16:
0x20d: {  	v1 =	vld [tilespmem:s17+$0xFFFFFFE0]  }
0x20e: {  	v0 =	vld [tilespmem:s17+$0xFFFFFFB0]  }
0x20f: {  	v7 =	vld [tilespmem:s17+$0xFFFFFF80]  }
0x210: {  	v4 =	vld [tilespmem:s17+$0xFFFFFF50]  }
0x211: {  	v5 =	vld [tilespmem:s17+$0xFFFFFF60]  }
0x212: {  	v8 =	vld [tilespmem:s17+$0xFFFFFF70]  }
0x213: {  	v6 =	vld [tilespmem:s17+$0xFFFFFF90]  }
0x214: {  	v2 =	vld [tilespmem:s17+$0xFFFFFFA0]  }
0x215: {  	v10 =	vimm.f32 $0.0e+00;
	v3 =	vld [tilespmem:s17+$0xFFFFFFC0]  }
0x216: {  	s4 =	smul.u32 $0x1200, s16;
	v11 =	vadd.f32 v4, v10;
	v4 =	vld [tilespmem:s17+$0xFFFFFFD0]  }
0x217: {  	v9 =	vadd.f32 v5, v10;
	v5 =	vld [tilespmem:s17+$0xFFFFFFF0];
	v8 =	vadd.f32 v8, v10  }
0x218: {  	s19 =	simm.s32 $0x0;
	s18 =	sshra.s32 s4, $0x2;
	s4 =	sadd.s32 $0xC0, s17;
	v10 =	vadd.f32 v7, v11;
	v7 =	vld [tilespmem:s17+$0x0]  }
.LBB2_17:
0x219: {  	v11 =	vld [tilespmem:s4+$0xFFFFFFE0];
	v6 =	vadd.f32 v6, v9;
	v2 =	vadd.f32 v2, v8  }
0x21a: {  	v8 =	vadd.f32 v0, v10;
	v0 =	vld [tilespmem:s4+$0xFFFFFFB0]  }
0x21b: {  	v10 =	vld [tilespmem:s4+$0xFFFFFF80];
	v3 =	vadd.f32 v3, v6;
	v2 =	vadd.f32 v4, v2  }
0x21c: {  	v4 =	vld [tilespmem:s4+$0xFFFFFF50];
	v8 =	vadd.f32 v1, v8  }
0x21d: {  	v9 =	vld [tilespmem:s4+$0xFFFFFF60];
	v5 =	vadd.f32 v5, v3;
	v7 =	vadd.f32 v7, v2  }
0x21e: {  	s19 =	sadd.s32 $0xC0, s19;
	v12 =	vld [tilespmem:s4+$0xFFFFFF70];
	v1 =	vmov v11  }
0x21f: {  	p0 =	slt.u32 s19, $0x300;
	v6 =	vld [tilespmem:s4+$0xFFFFFF90]  }
.Ltmp7:
0x220: {  	v2 =	vld [tilespmem:s4+$0xFFFFFFA0];
	(pc) =	sbr.rel @p0 .LBB2_17-.Ltmp7, $4  }
0x221: {  	v3 =	vld [tilespmem:s4+$0xFFFFFFC0]  }
0x222: {  	v11 =	vadd.f32 v4, v8;
	v4 =	vld [tilespmem:s4+$0xFFFFFFD0]  }
0x223: {  	v9 =	vadd.f32 v9, v5;
	v8 =	vadd.f32 v12, v7;
	v5 =	vld [tilespmem:s4+$0xFFFFFFF0]  }
0x224: {  	v10 =	vadd.f32 v10, v11;
	v7 =	vld [tilespmem:s4+$0x0];
	s4 =	sadd.s32 $0xC0, s4  }
0x225: {  	v11 =	vld [tilespmem:s18+$0x9458]  }
0x226: {  	v6 =	vadd.f32 v6, v9;
	v43 =	vld [tilespmem:s18+$0x9470];
	v0 =	vadd.f32 v0, v10  }
0x227: {  	v44 =	vld [tilespmem:s18+$0x9468];
	v45 =	vadd.f32 v2, v8  }
0x228: {  	v3 =	vadd.f32 v3, v6;
	v0 =	vadd.f32 v1, v0  }
0x229: {  	v1 =	vadd.f32 v4, v45  }
0x22a: {  	v46 =	vadd.f32 v5, v3;
	v0 =	vadd.f32 v11, v0  }
0x22b: {  	v47 =	vsel vm2, $0x0, v43;
	v1 =	vadd.f32 v7, v1  }
0x22c: {  	v2 =	vadd.f32 v44, v46;
	v0 =	vadd.f32 v47, v0;
	_ =	sdelay $0x1  }
0x22d: {  	v49 =	vsel vm3, $0x0, v1;
	v48 =	vsel vm1, $0x0, v2;
	v3 =	vnsel vm0, $0x0, v0  }
0x22e: {  	v51 =	vnsel vm0, $0x0, v2;
	v50 =	vsel vm3, $0x0, v0;
	v3 =	vadd.f32 v3, v48  }
0x22f: {  	v2 =	vsel vm3, $0x0, v2;
	v0 =	vsel vm1, $0x0, v0;
	v5 =	vadd.f32 v50, v51  }
0x230: {  	v52 =	vsel vm1, $0x0, v1;
	v0 =	vadd.f32 v0, v2;
	v3 =	vadd.f32 v3, v49  }
0x231: {  	v1 =	vnsel vm0, $0x0, v1;
	v53 =	vadd.f32 v5, v52  }
0x232: {  	v0 =	vadd.f32 v0, v1;
	(xrf2) =	vadd.scan.msk.f32 $0xffff, v3  }
0x233: {  	(xrf2) =	vadd.scan.msk.f32 $0xffff, v53  }
0x234: {  	(xrf2) =	vadd.scan.msk.f32 $0xffff, v0;
	_ =	sdelay $0x7  }
0x235: {  	v54, _, _ =	vpop (xrf2)  }
0x236: {  	v55, _, _ =	vpop (xrf2);
	(v2sf) =	vpush v54, $0xF  }
0x237: {  	(v2sf) =	vpush v55, $0xF;
	v56, _, _ =	vpop (xrf2)  }
0x238: {  	(v2sf) =	vpush v56, $0xF;
	_ =	sdelay $0xc  }
0x239: {  	s4 =	spop (v2sf)  }
0x23a: {  	s9 =	spop (v2sf);
	s4 =	smul.f32 $2.994012090e-03, s4  }
0x23b: {  	s28 =	sor.u32 $0xBA0, s16;
	s9 =	smul.f32 $3.003003080e-03, s9;
	s19 =	spop (v2sf)  }
0x23c: {  	s29 =	sor.u32 $0xBC0, s16;
	v57 =	vmov s28;
	v58 =	vmov s4;
	s30 =	smul.f32 $3.003003080e-03, s19  }
0x23d: {  	s31 =	sor.u32 $0xBE0, s16;
	s16 =	sadd.s32 $0x1, s16;
	v59 =	vmov s29;
	v1 =	vadd.f32 $0.0e+00, v58;
	v60 =	vmov s9  }
0x23e: {  	v61 =	vmov s31;
	p0 =	sne.s32 s16, $0x20;
	v3 =	vadd.f32 $0.0e+00, v60;
	v62 =	vmov s30  }
.Ltmp8:
0x23f: {  	v1 =	vbroadcast v1, $0x0;
	v5 =	vadd.f32 $0.0e+00, v62;
	(pc) =	sbr.rel @p0 .LBB2_16-.Ltmp8, $4  }
0x240: {  	v3 =	vbroadcast v3, $0x0  }
0x241: {  	[tilespmem:v57+s13+$0x0] =	vst.idx.msk $0x1, v1;
	v63 =	vbroadcast v5, $0x0  }
0x242: {  	[tilespmem:v59+s13+$0x0] =	vst.idx.msk $0x1, v3  }
0x243: {  	s17 =	sadd.s32 $0x480, s17;
	[tilespmem:v61+s13+$0x0] =	vst.idx.msk $0x1, v63  }
0x244: {  	s9 =	simm.s32 $0x0;
	s4 =	rddreg [dreg:$0x11];
	s16 =	simm.s32 $0x3  }
0x245: {  	[hbm4b:s4+s9] =	stream.linear.scatter [tilespmem:s13], [sflag:$0x3], $0xC00, $0x38;
	[tilespmem:$0x12C00] =	vst v63  }
0x246: {  	_ =	swait.ge [sflag:s16], $0xC00  }
0x247: {  	s17 =	sld [smem:$0x7D8]  }
0x248: {  	s31 =	sld [smem:$0x7F9];
	_ =	sdelay $0x1  }
0x249: {  	s17 =	sadd.s32 $0x1, s17  }
0x24a: {  	p0 =	sne.s32 s17, s31  }
.Ltmp9:
0x24b: {  	_ = 	snop;
	(pc) =	sbr.rel @p0 .LBB2_1-.Ltmp9, $3  }
0x24c: {  	_ =	sdelay $0x1  }
0x24d: {  	[sflag:s16] =	ssyncset.done $0x0  }
0x24e: {  	[sflag:s16] =	ssyncadd.s32 $0xFFFFF400  }
0x24f: {  	_ =	sfence.sel $0x180000  }
0x250: {  	[bflag:$0x0] =	sbarrier.arrive $0xFFFF  }
0x251: {  	_ =	strace $0x90000047  }
0x252: {  	s0 =	stileid.u32;
	[bflag:$0x2] =	sbarrier.arrive $0xFFFF  }
0x253: {  	p0 =	sne.s32 s0, $0x0;
	s0 =	rddreg [dreg:$0x2]  }
0x254: {  	s0 =	sadd.s32 @!p0 $0x100000, s0  }
0x255: {  	[sflag:s0] =	ssyncadd.tile.s32 @!p0 $0x1;
	_ =	shalt  }
.Lfunc_end2:
_tile_overlayer_lowered:
.L_overlay_start_2:
0x256: {  	(tag) =	ssettag $0x2  }
0x257: {  	s0 =	rddreg [dreg:$0x0];
	s2 =	stileid.u32  }
0x258: {  	s1 =	rddreg [dreg:$0x1];
	p0 =	sne.s32 s2, $0x0  }
0x259: {  	s3 =	rddreg [dreg:$0x2];
	[bflag:$0x3] =	sbarrier.arrive $0xFFFF;
	s2 =	simm.s32 @!p0 $0x1C03  }
0x25a: {  	[timem:s3], [sflag:s2] =	dma.local @!p0 [hbm:s0], s1  }
0x25b: {  	s0 =	simm.s32 @!p0 $0x3  }
0x25c: {  	_ =	swait.ge @!p0 [sflag:s0], s1  }
0x25d: {  	s1 =	ssub.s32 @!p0 $0x0, s1;
	[sflag:s0] =	ssyncset.done @!p0 $0x0  }
0x25e: {  	[sflag:s0] =	ssyncadd.s32 @!p0 s1  }
0x25f: {  	[bflag:$0x3] =	sbarrier.arrive $0xFFFF  }
0x260: {  	_ =	shalt  }

</sc_bundles>
